<compile_context>
chip_gen: v7x
topology: tpu7x:2x2x1
jax: 0.10.2.dev20260603
libtpu: 0.0.44.dev20260713+nightly
codegen_flags: <defaults>
</compile_context>

<pallas_src>
import functools

import jax
import jax.numpy as jnp
from jax import lax
from jax.experimental import pallas as pl
from jax.experimental.pallas import tpu as pltpu
from jax.experimental.pallas import tpu_sc as plsc

VOCAB = 1000000
D = 64
B = 4096
S = 200

NC = 2
NS = 16
NW = NC * NS

BPW = B // NW
DI = D // 8
NBUF = 4


def _emb_kernel(x_hbm, emb_hbm, pos_hbm, out_hbm,
                idx_v, tok_v, stage_v, pos_v, isems, gsems, osems):
    wid = lax.axis_index("s") * NC + lax.axis_index("c")

    pltpu.sync_copy(pos_hbm.at[pl.ds(0, S)], pos_v)

    lane = lax.iota(jnp.int32, 16)

    def idx_copy(s, b):
        base = pl.multiple_of(s * B + wid * BPW, BPW)
        return pltpu.make_async_copy(
            x_hbm.at[pl.ds(base, BPW)], idx_v.at[b], isems[b])

    GS = 4
    GR = BPW // GS

    def gathers(b):
        return [pltpu.make_async_copy(
            emb_hbm.at[idx_v.at[b].at[pl.ds(j * GR, GR)]],
            tok_v.at[b, pl.ds(j * GR, GR), :],
            gsems[b]) for j in range(GS)]

    def out_copy(s, b):
        return pltpu.make_async_copy(
            stage_v.at[b, :, :, pl.ds(0, 128)], out_hbm.at[s, :, wid],
            osems[b])

    UNROLL = 8
    lane_hi = lax.shift_right_logical(lane, 3)
    lane_row = lane & 7
    scat_di = [lane_hi + 2 * k for k in range(D // 16)]

    def transpose_add(s, b, sb):
        pos4 = [pos_v[s, pl.ds(k * 16, 16)] for k in range(D // 16)]

        def tok_body(tq, tvec):
            vs = []
            for u in range(UNROLL):
                t = tq * UNROLL + u
                for k in range(D // 16):
                    vs.append(tok_v[b, t, pl.ds(k * 16, 16)] + pos4[k])
            i = 0
            for u in range(UNROLL):
                for k in range(D // 16):
                    plsc.store_scatter(
                        stage_v.at[sb], [scat_di[k], lane_row, tvec + u],
                        vs[i])
                    i += 1
            return tvec + UNROLL
        lax.fori_loop(0, BPW // UNROLL, tok_body, lane * 0)

    idx_copy(0, 0).start()
    idx_copy(1, 1).start()
    idx_copy(0, 0).wait()
    for cp in gathers(0):
        cp.start()
    idx_copy(1, 1).wait()
    for cp in gathers(1):
        cp.start()
    idx_copy(2, 2).start()
    idx_copy(3, 3).start()

    def quad_body(step, carry):
        for b in range(NBUF):
            s = step * NBUF + b
            sb = b % 2
            nsb = 1 - sb
            for cp in gathers(b):
                cp.wait()

            @pl.when(s + NBUF < S)
            def _():
                idx_copy(s + NBUF, b).start()

            @pl.when(s >= 1)
            def _():
                out_copy(s - 1, nsb).wait()

            @pl.when(s + 2 < S)
            def _():
                b2 = (b + 2) % NBUF
                idx_copy(s + 2, b2).wait()
                for cp in gathers(b2):
                    cp.start()

            transpose_add(s, b, sb)
            out_copy(s, sb).start()
        return carry

    lax.fori_loop(0, S // NBUF, quad_body, 0)

    out_copy(S - 1, 1).wait()


@jax.jit
def kernel(x, emb_table, pos_table):
    x_flat = x.T.reshape(-1).astype(jnp.int32)
    mesh = plsc.VectorSubcoreMesh(core_axis_name="c", subcore_axis_name="s")
    out1d = pl.kernel(
        _emb_kernel,
        mesh=mesh,
        out_type=jax.ShapeDtypeStruct((S, DI, B // 128, 8, 128), jnp.float32),
        scratch_types=[
            pltpu.VMEM((NBUF, BPW), jnp.int32),
            pltpu.VMEM((NBUF, BPW, D), jnp.float32),
            pltpu.VMEM((2, DI, 8, 129), jnp.float32),
            pltpu.VMEM((S, D), jnp.float32),
            [pltpu.SemaphoreType.DMA] * NBUF,
            [pltpu.SemaphoreType.DMA] * NBUF,
            [pltpu.SemaphoreType.DMA, pltpu.SemaphoreType.DMA],
        ],
        compiler_params=pltpu.CompilerParams(
            use_tc_tiling_on_sc=False, needs_layout_passes=False),
    )(x_flat, emb_table, pos_table)
    return out1d.transpose(2, 4, 0, 1, 3).reshape(B, S, D)

# --- scband reference (transcript-rebuilt; emitter-appended) ---
"""Pipeline reference for scband-embedding-with-position-20418274525432 (READ-ONLY COPY).

The authoritative reference and input builder live on the scoring server;
editing this copy changes nothing except your own understanding.
"""

import jax, jax.numpy as jnp
import numpy as np

VOCAB_SIZE = 1000000
EMB_SIZE = 64
POS_SIZE = 5000
BATCH = 4096
SEQ_LEN = 200


def setup_inputs(seed: int = 0) -> dict:
    key = jax.random.key(seed)
    k_x, k_emb, k_pos = jax.random.split(key, 3)
    x = jax.random.randint(k_x, (BATCH, SEQ_LEN), 0, VOCAB_SIZE, dtype=jnp.int64 if jax.config.jax_enable_x64 else jnp.int32)
    emb_table = jax.random.normal(k_emb, (VOCAB_SIZE, EMB_SIZE), dtype=jnp.float32)
    pos_table = jax.random.normal(k_pos, (POS_SIZE, EMB_SIZE), dtype=jnp.float32)
    return {"x": x, "emb_table": emb_table, "pos_table": pos_table}


def reference(x, emb_table, pos_table):
    # Faithful translation of EmbeddingWithPosition.forward
    seq_len = x.shape[1]
    position = jnp.arange(seq_len)  # [S]
    position = jnp.broadcast_to(position[None, :], (x.shape[0], seq_len))  # [B, S]
    tok = jnp.take(emb_table, x, axis=0)        # gather -> [B, S, D]
    pos = jnp.take(pos_table, position, axis=0)  # gather -> [B, S, D]
    return tok + pos

if __name__ == "__main__":
    import jax
    _d = setup_inputs()
    print(jax.jit(kernel)(*tuple(_d.values())))

</pallas_src>

<mosaic_0001>
#map = affine_map<(d0, d1) -> (0)>
#map1 = affine_map<(d0, d1) -> (0, 0)>
#map2 = affine_map<(d0, d1) -> (0, 0, 0, 0, 0)>
module attributes {stable_mosaic.version = 14 : i64} {
  func.func @_emb_kernel(%arg0: i32, %arg1: i32, %arg2: memref<819200xi32, #tpu.memory_space<hbm>>, %arg3: memref<1000000x64xf32, #tpu.memory_space<hbm>>, %arg4: memref<5000x64xf32, #tpu.memory_space<hbm>>, %arg5: memref<200x8x32x8x128xf32, #tpu.memory_space<hbm>>, %arg6: memref<4x128xi32, #tpu.memory_space<vmem>>, %arg7: memref<4x128x64xf32, #tpu.memory_space<vmem>>, %arg8: memref<2x8x8x129xf32, #tpu.memory_space<vmem>>, %arg9: memref<200x64xf32, #tpu.memory_space<vmem>>, %arg10: memref<!tpu.dma_semaphore, #tpu.memory_space<semaphore_mem>>, %arg11: memref<!tpu.dma_semaphore, #tpu.memory_space<semaphore_mem>>, %arg12: memref<!tpu.dma_semaphore, #tpu.memory_space<semaphore_mem>>, %arg13: memref<!tpu.dma_semaphore, #tpu.memory_space<semaphore_mem>>, %arg14: memref<!tpu.dma_semaphore, #tpu.memory_space<semaphore_mem>>, %arg15: memref<!tpu.dma_semaphore, #tpu.memory_space<semaphore_mem>>, %arg16: memref<!tpu.dma_semaphore, #tpu.memory_space<semaphore_mem>>, %arg17: memref<!tpu.dma_semaphore, #tpu.memory_space<semaphore_mem>>, %arg18: memref<!tpu.dma_semaphore, #tpu.memory_space<semaphore_mem>>, %arg19: memref<!tpu.dma_semaphore, #tpu.memory_space<semaphore_mem>>) attributes {dimension_semantics = [#tpu.dimension_semantics<core_parallel>, #tpu.dimension_semantics<subcore_parallel>], iteration_bounds = array<i64: 2, 16>, scalar_prefetch = 0 : i64, scratch_operands = 14 : i64, tpu.core_type = #tpu.core_type<sc_vector_subcore>, window_params = [{transform_indices = #map}, {transform_indices = #map1}, {transform_indices = #map1}, {transform_indices = #map2}]} {
    %mul3A = arith.constant 2 : i32
    %mul3A_0 = arith.muli %arg1, %mul3A : i32
    %add3A = arith.addi %mul3A_0, %arg0 : i32
    "tpu.region"() ({
      %run_scoped3A = tpu.sem_alloc : memref<!tpu.dma_semaphore, #tpu.memory_space<semaphore_mem>>
      %dma_start3A_237 = arith.constant 0 : i32
      %dma_start3A_238 = arith.constant 0 : i32
      %dma_start3A_239 = tpu.memref_slice %arg4[%dma_start3A_237, %dma_start3A_238] : memref<5000x64xf32, #tpu.memory_space<hbm>> -> memref<200x64xf32, #tpu.memory_space<hbm>>
      %dma_start3A_240 = arith.constant 0 : i32
      %dma_start3A_241 = arith.constant 0 : i32
      %dma_start3A_242 = tpu.memref_slice %arg4[%dma_start3A_240, %dma_start3A_241] : memref<5000x64xf32, #tpu.memory_space<hbm>> -> memref<200x64xf32, #tpu.memory_space<hbm>>
      tpu.enqueue_dma source(%dma_start3A_242 : memref<200x64xf32, #tpu.memory_space<hbm>>) target(%arg9 : memref<200x64xf32, #tpu.memory_space<vmem>>) target_semaphore(%run_scoped3A : memref<!tpu.dma_semaphore, #tpu.memory_space<semaphore_mem>>)
      %dma_wait3A_243 = arith.constant 0 : i32
      %dma_wait3A_244 = arith.constant 0 : i32
      %dma_wait3A_245 = tpu.memref_slice %arg4[%dma_wait3A_243, %dma_wait3A_244] : memref<5000x64xf32, #tpu.memory_space<hbm>> -> memref<200x64xf32, #tpu.memory_space<hbm>>
      %dma_wait3A_246 = arith.constant 0 : i32
      %dma_wait3A_247 = arith.constant 0 : i32
      %dma_wait3A_248 = tpu.memref_slice %arg4[%dma_wait3A_246, %dma_wait3A_247] : memref<5000x64xf32, #tpu.memory_space<hbm>> -> memref<200x64xf32, #tpu.memory_space<hbm>>
      tpu.wait_dma2 semaphore(%run_scoped3A : memref<!tpu.dma_semaphore, #tpu.memory_space<semaphore_mem>>) src(%dma_wait3A_248 : memref<200x64xf32, #tpu.memory_space<hbm>>) dst(%arg9 : memref<200x64xf32, #tpu.memory_space<vmem>>)
      tpu.yield
    }) : () -> ()
    %iota3A = tpu.iota {dimensions = array<i32: 0>} : vector<16xi32>
    %shift_right_logical3A = arith.constant 3 : i32
    %shift_right_logical3A_1 = vector.broadcast %shift_right_logical3A : i32 to vector<16xi32>
    %shift_right_logical3A_2 = arith.shrui %iota3A, %shift_right_logical3A_1 : vector<16xi32>
    %and3A = arith.constant 7 : i32
    %and3A_3 = vector.broadcast %and3A : i32 to vector<16xi32>
    %and3A_4 = arith.andi %iota3A, %and3A_3 : vector<16xi32>
    %add3A_5 = arith.constant 0 : i32
    %add3A_6 = vector.broadcast %add3A_5 : i32 to vector<16xi32>
    %add3A_7 = arith.addi %shift_right_logical3A_2, %add3A_6 : vector<16xi32>
    %add3A_8 = arith.constant 2 : i32
    %add3A_9 = vector.broadcast %add3A_8 : i32 to vector<16xi32>
    %add3A_10 = arith.addi %shift_right_logical3A_2, %add3A_9 : vector<16xi32>
    %add3A_11 = arith.constant 4 : i32
    %add3A_12 = vector.broadcast %add3A_11 : i32 to vector<16xi32>
    %add3A_13 = arith.addi %shift_right_logical3A_2, %add3A_12 : vector<16xi32>
    %add3A_14 = arith.constant 6 : i32
    %add3A_15 = vector.broadcast %add3A_14 : i32 to vector<16xi32>
    %add3A_16 = arith.addi %shift_right_logical3A_2, %add3A_15 : vector<16xi32>
    %mul3A_17 = arith.constant 128 : i32
    %mul3A_18 = arith.muli %add3A, %mul3A_17 : i32
    %add3A_19 = arith.constant 0 : i32
    %add3A_20 = arith.addi %add3A_19, %mul3A_18 : i32
    %multiple_of3A = tpu.assume_multiple %add3A_20, 128 : i32
    %dma_start3A = arith.constant 0 : i32
    %dma_start3A_21 = arith.constant 0 : i32
    %dma_start3A_22 = tpu.memref_slice %arg6[%dma_start3A, %dma_start3A_21] : memref<4x128xi32, #tpu.memory_space<vmem>> -> memref<1x128xi32, #tpu.memory_space<vmem>>
    %dma_start3A_23 = tpu.memref_squeeze %dma_start3A_22 : memref<1x128xi32, #tpu.memory_space<vmem>> -> memref<128xi32, #tpu.memory_space<vmem>>
    %dma_start3A_24 = tpu.memref_slice %arg2[%multiple_of3A] : memref<819200xi32, #tpu.memory_space<hbm>> -> memref<128xi32, #tpu.memory_space<hbm>>
    %dma_start3A_25 = arith.constant 0 : i32
    %dma_start3A_26 = tpu.memref_slice %arg6[%dma_start3A, %dma_start3A_25] : memref<4x128xi32, #tpu.memory_space<vmem>> -> memref<1x128xi32, #tpu.memory_space<vmem>>
    %dma_start3A_27 = tpu.memref_squeeze %dma_start3A_26 : memref<1x128xi32, #tpu.memory_space<vmem>> -> memref<128xi32, #tpu.memory_space<vmem>>
    %dma_start3A_28 = tpu.memref_slice %arg2[%multiple_of3A] : memref<819200xi32, #tpu.memory_space<hbm>> -> memref<128xi32, #tpu.memory_space<hbm>>
    tpu.enqueue_dma source(%dma_start3A_28 : memref<128xi32, #tpu.memory_space<hbm>>) target(%dma_start3A_27 : memref<128xi32, #tpu.memory_space<vmem>>) target_semaphore(%arg10 : memref<!tpu.dma_semaphore, #tpu.memory_space<semaphore_mem>>)
    %mul3A_29 = arith.constant 128 : i32
    %mul3A_30 = arith.muli %add3A, %mul3A_29 : i32
    %add3A_31 = arith.constant 4096 : i32
    %add3A_32 = arith.addi %add3A_31, %mul3A_30 : i32
    %multiple_of3A_33 = tpu.assume_multiple %add3A_32, 128 : i32
    %dma_start3A_34 = arith.constant 1 : i32
    %dma_start3A_35 = arith.constant 0 : i32
    %dma_start3A_36 = tpu.memref_slice %arg6[%dma_start3A_34, %dma_start3A_35] : memref<4x128xi32, #tpu.memory_space<vmem>> -> memref<1x128xi32, #tpu.memory_space<vmem>>
    %dma_start3A_37 = tpu.memref_squeeze %dma_start3A_36 : memref<1x128xi32, #tpu.memory_space<vmem>> -> memref<128xi32, #tpu.memory_space<vmem>>
    %dma_start3A_38 = tpu.memref_slice %arg2[%multiple_of3A_33] : memref<819200xi32, #tpu.memory_space<hbm>> -> memref<128xi32, #tpu.memory_space<hbm>>
    %dma_start3A_39 = arith.constant 0 : i32
    %dma_start3A_40 = tpu.memref_slice %arg6[%dma_start3A_34, %dma_start3A_39] : memref<4x128xi32, #tpu.memory_space<vmem>> -> memref<1x128xi32, #tpu.memory_space<vmem>>
    %dma_start3A_41 = tpu.memref_squeeze %dma_start3A_40 : memref<1x128xi32, #tpu.memory_space<vmem>> -> memref<128xi32, #tpu.memory_space<vmem>>
    %dma_start3A_42 = tpu.memref_slice %arg2[%multiple_of3A_33] : memref<819200xi32, #tpu.memory_space<hbm>> -> memref<128xi32, #tpu.memory_space<hbm>>
    tpu.enqueue_dma source(%dma_start3A_42 : memref<128xi32, #tpu.memory_space<hbm>>) target(%dma_start3A_41 : memref<128xi32, #tpu.memory_space<vmem>>) target_semaphore(%arg11 : memref<!tpu.dma_semaphore, #tpu.memory_space<semaphore_mem>>)
    %mul3A_43 = arith.constant 128 : i32
    %mul3A_44 = arith.muli %add3A, %mul3A_43 : i32
    %add3A_45 = arith.constant 0 : i32
    %add3A_46 = arith.addi %add3A_45, %mul3A_44 : i32
    %multiple_of3A_47 = tpu.assume_multiple %add3A_46, 128 : i32
    %dma_wait3A = arith.constant 0 : i32
    %dma_wait3A_48 = arith.constant 0 : i32
    %dma_wait3A_49 = tpu.memref_slice %arg6[%dma_wait3A, %dma_wait3A_48] : memref<4x128xi32, #tpu.memory_space<vmem>> -> memref<1x128xi32, #tpu.memory_space<vmem>>
    %dma_wait3A_50 = tpu.memref_squeeze %dma_wait3A_49 : memref<1x128xi32, #tpu.memory_space<vmem>> -> memref<128xi32, #tpu.memory_space<vmem>>
    %dma_wait3A_51 = tpu.memref_slice %arg2[%multiple_of3A_47] : memref<819200xi32, #tpu.memory_space<hbm>> -> memref<128xi32, #tpu.memory_space<hbm>>
    %dma_wait3A_52 = arith.constant 0 : i32
    %dma_wait3A_53 = tpu.memref_slice %arg6[%dma_wait3A, %dma_wait3A_52] : memref<4x128xi32, #tpu.memory_space<vmem>> -> memref<1x128xi32, #tpu.memory_space<vmem>>
    %dma_wait3A_54 = tpu.memref_squeeze %dma_wait3A_53 : memref<1x128xi32, #tpu.memory_space<vmem>> -> memref<128xi32, #tpu.memory_space<vmem>>
    %dma_wait3A_55 = tpu.memref_slice %arg2[%multiple_of3A_47] : memref<819200xi32, #tpu.memory_space<hbm>> -> memref<128xi32, #tpu.memory_space<hbm>>
    tpu.wait_dma2 semaphore(%arg10 : memref<!tpu.dma_semaphore, #tpu.memory_space<semaphore_mem>>) src(%dma_wait3A_55 : memref<128xi32, #tpu.memory_space<hbm>>) dst(%dma_wait3A_54 : memref<128xi32, #tpu.memory_space<vmem>>)
    %dma_start3A_56 = arith.constant 0 : i32
    %dma_start3A_57 = arith.constant 0 : i32
    %dma_start3A_58 = arith.constant 0 : i32
    %dma_start3A_59 = arith.constant 0 : i32
    %dma_start3A_60 = tpu.memref_slice %arg7[%dma_start3A_57, %dma_start3A_58, %dma_start3A_59] : memref<4x128x64xf32, #tpu.memory_space<vmem>> -> memref<1x32x64xf32, #tpu.memory_space<vmem>>
    %dma_start3A_61 = tpu.memref_squeeze %dma_start3A_60 : memref<1x32x64xf32, #tpu.memory_space<vmem>> -> memref<32x64xf32, #tpu.memory_space<vmem>>
    %dma_start3A_62 = arith.constant 0 : i32
    %dma_start3A_63 = tpu.memref_slice %arg6[%dma_start3A_56, %dma_start3A_62] : memref<4x128xi32, #tpu.memory_space<vmem>> -> memref<1x128xi32, #tpu.memory_space<vmem>>
    %dma_start3A_64 = tpu.memref_squeeze %dma_start3A_63 : memref<1x128xi32, #tpu.memory_space<vmem>> -> memref<128xi32, #tpu.memory_space<vmem>>
    %dma_start3A_65 = arith.constant 0 : i32
    %dma_start3A_66 = tpu.memref_slice %dma_start3A_64[%dma_start3A_65] : memref<128xi32, #tpu.memory_space<vmem>> -> memref<32xi32, #tpu.memory_space<vmem>>
    %dma_start3A_67 = arith.constant 0 : i32
    %dma_start3A_68 = arith.constant 0 : i32
    %dma_start3A_69 = tpu.memref_slice %arg3[%dma_start3A_67, %dma_start3A_68] : memref<1000000x64xf32, #tpu.memory_space<hbm>> -> memref<1000000x64xf32, #tpu.memory_space<hbm>>
    tpu.enqueue_indirect_dma source(%dma_start3A_69 : memref<1000000x64xf32, #tpu.memory_space<hbm>>) target(%dma_start3A_61 : memref<32x64xf32, #tpu.memory_space<vmem>>) offsets(%dma_start3A_66 : memref<32xi32, #tpu.memory_space<vmem>>) semaphore(%arg14 : memref<!tpu.dma_semaphore, #tpu.memory_space<semaphore_mem>>)
    %dma_start3A_70 = arith.constant 0 : i32
    %dma_start3A_71 = arith.constant 0 : i32
    %dma_start3A_72 = arith.constant 32 : i32
    %dma_start3A_73 = arith.constant 0 : i32
    %dma_start3A_74 = tpu.memref_slice %arg7[%dma_start3A_71, %dma_start3A_72, %dma_start3A_73] : memref<4x128x64xf32, #tpu.memory_space<vmem>> -> memref<1x32x64xf32, #tpu.memory_space<vmem>>
    %dma_start3A_75 = tpu.memref_squeeze %dma_start3A_74 : memref<1x32x64xf32, #tpu.memory_space<vmem>> -> memref<32x64xf32, #tpu.memory_space<vmem>>
    %dma_start3A_76 = arith.constant 0 : i32
    %dma_start3A_77 = tpu.memref_slice %arg6[%dma_start3A_70, %dma_start3A_76] : memref<4x128xi32, #tpu.memory_space<vmem>> -> memref<1x128xi32, #tpu.memory_space<vmem>>
    %dma_start3A_78 = tpu.memref_squeeze %dma_start3A_77 : memref<1x128xi32, #tpu.memory_space<vmem>> -> memref<128xi32, #tpu.memory_space<vmem>>
    %dma_start3A_79 = arith.constant 32 : i32
    %dma_start3A_80 = tpu.memref_slice %dma_start3A_78[%dma_start3A_79] : memref<128xi32, #tpu.memory_space<vmem>> -> memref<32xi32, #tpu.memory_space<vmem>>
    %dma_start3A_81 = arith.constant 0 : i32
    %dma_start3A_82 = arith.constant 0 : i32
    %dma_start3A_83 = tpu.memref_slice %arg3[%dma_start3A_81, %dma_start3A_82] : memref<1000000x64xf32, #tpu.memory_space<hbm>> -> memref<1000000x64xf32, #tpu.memory_space<hbm>>
    tpu.enqueue_indirect_dma source(%dma_start3A_83 : memref<1000000x64xf32, #tpu.memory_space<hbm>>) target(%dma_start3A_75 : memref<32x64xf32, #tpu.memory_space<vmem>>) offsets(%dma_start3A_80 : memref<32xi32, #tpu.memory_space<vmem>>) semaphore(%arg14 : memref<!tpu.dma_semaphore, #tpu.memory_space<semaphore_mem>>)
    %dma_start3A_84 = arith.constant 0 : i32
    %dma_start3A_85 = arith.constant 0 : i32
    %dma_start3A_86 = arith.constant 64 : i32
    %dma_start3A_87 = arith.constant 0 : i32
    %dma_start3A_88 = tpu.memref_slice %arg7[%dma_start3A_85, %dma_start3A_86, %dma_start3A_87] : memref<4x128x64xf32, #tpu.memory_space<vmem>> -> memref<1x32x64xf32, #tpu.memory_space<vmem>>
    %dma_start3A_89 = tpu.memref_squeeze %dma_start3A_88 : memref<1x32x64xf32, #tpu.memory_space<vmem>> -> memref<32x64xf32, #tpu.memory_space<vmem>>
    %dma_start3A_90 = arith.constant 0 : i32
    %dma_start3A_91 = tpu.memref_slice %arg6[%dma_start3A_84, %dma_start3A_90] : memref<4x128xi32, #tpu.memory_space<vmem>> -> memref<1x128xi32, #tpu.memory_space<vmem>>
    %dma_start3A_92 = tpu.memref_squeeze %dma_start3A_91 : memref<1x128xi32, #tpu.memory_space<vmem>> -> memref<128xi32, #tpu.memory_space<vmem>>
    %dma_start3A_93 = arith.constant 64 : i32
    %dma_start3A_94 = tpu.memref_slice %dma_start3A_92[%dma_start3A_93] : memref<128xi32, #tpu.memory_space<vmem>> -> memref<32xi32, #tpu.memory_space<vmem>>
    %dma_start3A_95 = arith.constant 0 : i32
    %dma_start3A_96 = arith.constant 0 : i32
    %dma_start3A_97 = tpu.memref_slice %arg3[%dma_start3A_95, %dma_start3A_96] : memref<1000000x64xf32, #tpu.memory_space<hbm>> -> memref<1000000x64xf32, #tpu.memory_space<hbm>>
    tpu.enqueue_indirect_dma source(%dma_start3A_97 : memref<1000000x64xf32, #tpu.memory_space<hbm>>) target(%dma_start3A_89 : memref<32x64xf32, #tpu.memory_space<vmem>>) offsets(%dma_start3A_94 : memref<32xi32, #tpu.memory_space<vmem>>) semaphore(%arg14 : memref<!tpu.dma_semaphore, #tpu.memory_space<semaphore_mem>>)
    %dma_start3A_98 = arith.constant 0 : i32
    %dma_start3A_99 = arith.constant 0 : i32
    %dma_start3A_100 = arith.constant 96 : i32
    %dma_start3A_101 = arith.constant 0 : i32
    %dma_start3A_102 = tpu.memref_slice %arg7[%dma_start3A_99, %dma_start3A_100, %dma_start3A_101] : memref<4x128x64xf32, #tpu.memory_space<vmem>> -> memref<1x32x64xf32, #tpu.memory_space<vmem>>
    %dma_start3A_103 = tpu.memref_squeeze %dma_start3A_102 : memref<1x32x64xf32, #tpu.memory_space<vmem>> -> memref<32x64xf32, #tpu.memory_space<vmem>>
    %dma_start3A_104 = arith.constant 0 : i32
    %dma_start3A_105 = tpu.memref_slice %arg6[%dma_start3A_98, %dma_start3A_104] : memref<4x128xi32, #tpu.memory_space<vmem>> -> memref<1x128xi32, #tpu.memory_space<vmem>>
    %dma_start3A_106 = tpu.memref_squeeze %dma_start3A_105 : memref<1x128xi32, #tpu.memory_space<vmem>> -> memref<128xi32, #tpu.memory_space<vmem>>
    %dma_start3A_107 = arith.constant 96 : i32
    %dma_start3A_108 = tpu.memref_slice %dma_start3A_106[%dma_start3A_107] : memref<128xi32, #tpu.memory_space<vmem>> -> memref<32xi32, #tpu.memory_space<vmem>>
    %dma_start3A_109 = arith.constant 0 : i32
    %dma_start3A_110 = arith.constant 0 : i32
    %dma_start3A_111 = tpu.memref_slice %arg3[%dma_start3A_109, %dma_start3A_110] : memref<1000000x64xf32, #tpu.memory_space<hbm>> -> memref<1000000x64xf32, #tpu.memory_space<hbm>>
    tpu.enqueue_indirect_dma source(%dma_start3A_111 : memref<1000000x64xf32, #tpu.memory_space<hbm>>) target(%dma_start3A_103 : memref<32x64xf32, #tpu.memory_space<vmem>>) offsets(%dma_start3A_108 : memref<32xi32, #tpu.memory_space<vmem>>) semaphore(%arg14 : memref<!tpu.dma_semaphore, #tpu.memory_space<semaphore_mem>>)
    %mul3A_112 = arith.constant 128 : i32
    %mul3A_113 = arith.muli %add3A, %mul3A_112 : i32
    %add3A_114 = arith.constant 4096 : i32
    %add3A_115 = arith.addi %add3A_114, %mul3A_113 : i32
    %multiple_of3A_116 = tpu.assume_multiple %add3A_115, 128 : i32
    %dma_wait3A_117 = arith.constant 1 : i32
    %dma_wait3A_118 = arith.constant 0 : i32
    %dma_wait3A_119 = tpu.memref_slice %arg6[%dma_wait3A_117, %dma_wait3A_118] : memref<4x128xi32, #tpu.memory_space<vmem>> -> memref<1x128xi32, #tpu.memory_space<vmem>>
    %dma_wait3A_120 = tpu.memref_squeeze %dma_wait3A_119 : memref<1x128xi32, #tpu.memory_space<vmem>> -> memref<128xi32, #tpu.memory_space<vmem>>
    %dma_wait3A_121 = tpu.memref_slice %arg2[%multiple_of3A_116] : memref<819200xi32, #tpu.memory_space<hbm>> -> memref<128xi32, #tpu.memory_space<hbm>>
    %dma_wait3A_122 = arith.constant 0 : i32
    %dma_wait3A_123 = tpu.memref_slice %arg6[%dma_wait3A_117, %dma_wait3A_122] : memref<4x128xi32, #tpu.memory_space<vmem>> -> memref<1x128xi32, #tpu.memory_space<vmem>>
    %dma_wait3A_124 = tpu.memref_squeeze %dma_wait3A_123 : memref<1x128xi32, #tpu.memory_space<vmem>> -> memref<128xi32, #tpu.memory_space<vmem>>
    %dma_wait3A_125 = tpu.memref_slice %arg2[%multiple_of3A_116] : memref<819200xi32, #tpu.memory_space<hbm>> -> memref<128xi32, #tpu.memory_space<hbm>>
    tpu.wait_dma2 semaphore(%arg11 : memref<!tpu.dma_semaphore, #tpu.memory_space<semaphore_mem>>) src(%dma_wait3A_125 : memref<128xi32, #tpu.memory_space<hbm>>) dst(%dma_wait3A_124 : memref<128xi32, #tpu.memory_space<vmem>>)
    %dma_start3A_126 = arith.constant 1 : i32
    %dma_start3A_127 = arith.constant 1 : i32
    %dma_start3A_128 = arith.constant 0 : i32
    %dma_start3A_129 = arith.constant 0 : i32
    %dma_start3A_130 = tpu.memref_slice %arg7[%dma_start3A_127, %dma_start3A_128, %dma_start3A_129] : memref<4x128x64xf32, #tpu.memory_space<vmem>> -> memref<1x32x64xf32, #tpu.memory_space<vmem>>
    %dma_start3A_131 = tpu.memref_squeeze %dma_start3A_130 : memref<1x32x64xf32, #tpu.memory_space<vmem>> -> memref<32x64xf32, #tpu.memory_space<vmem>>
    %dma_start3A_132 = arith.constant 0 : i32
    %dma_start3A_133 = tpu.memref_slice %arg6[%dma_start3A_126, %dma_start3A_132] : memref<4x128xi32, #tpu.memory_space<vmem>> -> memref<1x128xi32, #tpu.memory_space<vmem>>
    %dma_start3A_134 = tpu.memref_squeeze %dma_start3A_133 : memref<1x128xi32, #tpu.memory_space<vmem>> -> memref<128xi32, #tpu.memory_space<vmem>>
    %dma_start3A_135 = arith.constant 0 : i32
    %dma_start3A_136 = tpu.memref_slice %dma_start3A_134[%dma_start3A_135] : memref<128xi32, #tpu.memory_space<vmem>> -> memref<32xi32, #tpu.memory_space<vmem>>
    %dma_start3A_137 = arith.constant 0 : i32
    %dma_start3A_138 = arith.constant 0 : i32
    %dma_start3A_139 = tpu.memref_slice %arg3[%dma_start3A_137, %dma_start3A_138] : memref<1000000x64xf32, #tpu.memory_space<hbm>> -> memref<1000000x64xf32, #tpu.memory_space<hbm>>
    tpu.enqueue_indirect_dma source(%dma_start3A_139 : memref<1000000x64xf32, #tpu.memory_space<hbm>>) target(%dma_start3A_131 : memref<32x64xf32, #tpu.memory_space<vmem>>) offsets(%dma_start3A_136 : memref<32xi32, #tpu.memory_space<vmem>>) semaphore(%arg15 : memref<!tpu.dma_semaphore, #tpu.memory_space<semaphore_mem>>)
    %dma_start3A_140 = arith.constant 1 : i32
    %dma_start3A_141 = arith.constant 1 : i32
    %dma_start3A_142 = arith.constant 32 : i32
    %dma_start3A_143 = arith.constant 0 : i32
    %dma_start3A_144 = tpu.memref_slice %arg7[%dma_start3A_141, %dma_start3A_142, %dma_start3A_143] : memref<4x128x64xf32, #tpu.memory_space<vmem>> -> memref<1x32x64xf32, #tpu.memory_space<vmem>>
    %dma_start3A_145 = tpu.memref_squeeze %dma_start3A_144 : memref<1x32x64xf32, #tpu.memory_space<vmem>> -> memref<32x64xf32, #tpu.memory_space<vmem>>
    %dma_start3A_146 = arith.constant 0 : i32
    %dma_start3A_147 = tpu.memref_slice %arg6[%dma_start3A_140, %dma_start3A_146] : memref<4x128xi32, #tpu.memory_space<vmem>> -> memref<1x128xi32, #tpu.memory_space<vmem>>
    %dma_start3A_148 = tpu.memref_squeeze %dma_start3A_147 : memref<1x128xi32, #tpu.memory_space<vmem>> -> memref<128xi32, #tpu.memory_space<vmem>>
    %dma_start3A_149 = arith.constant 32 : i32
    %dma_start3A_150 = tpu.memref_slice %dma_start3A_148[%dma_start3A_149] : memref<128xi32, #tpu.memory_space<vmem>> -> memref<32xi32, #tpu.memory_space<vmem>>
    %dma_start3A_151 = arith.constant 0 : i32
    %dma_start3A_152 = arith.constant 0 : i32
    %dma_start3A_153 = tpu.memref_slice %arg3[%dma_start3A_151, %dma_start3A_152] : memref<1000000x64xf32, #tpu.memory_space<hbm>> -> memref<1000000x64xf32, #tpu.memory_space<hbm>>
    tpu.enqueue_indirect_dma source(%dma_start3A_153 : memref<1000000x64xf32, #tpu.memory_space<hbm>>) target(%dma_start3A_145 : memref<32x64xf32, #tpu.memory_space<vmem>>) offsets(%dma_start3A_150 : memref<32xi32, #tpu.memory_space<vmem>>) semaphore(%arg15 : memref<!tpu.dma_semaphore, #tpu.memory_space<semaphore_mem>>)
    %dma_start3A_154 = arith.constant 1 : i32
    %dma_start3A_155 = arith.constant 1 : i32
    %dma_start3A_156 = arith.constant 64 : i32
    %dma_start3A_157 = arith.constant 0 : i32
    %dma_start3A_158 = tpu.memref_slice %arg7[%dma_start3A_155, %dma_start3A_156, %dma_start3A_157] : memref<4x128x64xf32, #tpu.memory_space<vmem>> -> memref<1x32x64xf32, #tpu.memory_space<vmem>>
    %dma_start3A_159 = tpu.memref_squeeze %dma_start3A_158 : memref<1x32x64xf32, #tpu.memory_space<vmem>> -> memref<32x64xf32, #tpu.memory_space<vmem>>
    %dma_start3A_160 = arith.constant 0 : i32
    %dma_start3A_161 = tpu.memref_slice %arg6[%dma_start3A_154, %dma_start3A_160] : memref<4x128xi32, #tpu.memory_space<vmem>> -> memref<1x128xi32, #tpu.memory_space<vmem>>
    %dma_start3A_162 = tpu.memref_squeeze %dma_start3A_161 : memref<1x128xi32, #tpu.memory_space<vmem>> -> memref<128xi32, #tpu.memory_space<vmem>>
    %dma_start3A_163 = arith.constant 64 : i32
    %dma_start3A_164 = tpu.memref_slice %dma_start3A_162[%dma_start3A_163] : memref<128xi32, #tpu.memory_space<vmem>> -> memref<32xi32, #tpu.memory_space<vmem>>
    %dma_start3A_165 = arith.constant 0 : i32
    %dma_start3A_166 = arith.constant 0 : i32
    %dma_start3A_167 = tpu.memref_slice %arg3[%dma_start3A_165, %dma_start3A_166] : memref<1000000x64xf32, #tpu.memory_space<hbm>> -> memref<1000000x64xf32, #tpu.memory_space<hbm>>
    tpu.enqueue_indirect_dma source(%dma_start3A_167 : memref<1000000x64xf32, #tpu.memory_space<hbm>>) target(%dma_start3A_159 : memref<32x64xf32, #tpu.memory_space<vmem>>) offsets(%dma_start3A_164 : memref<32xi32, #tpu.memory_space<vmem>>) semaphore(%arg15 : memref<!tpu.dma_semaphore, #tpu.memory_space<semaphore_mem>>)
    %dma_start3A_168 = arith.constant 1 : i32
    %dma_start3A_169 = arith.constant 1 : i32
    %dma_start3A_170 = arith.constant 96 : i32
    %dma_start3A_171 = arith.constant 0 : i32
    %dma_start3A_172 = tpu.memref_slice %arg7[%dma_start3A_169, %dma_start3A_170, %dma_start3A_171] : memref<4x128x64xf32, #tpu.memory_space<vmem>> -> memref<1x32x64xf32, #tpu.memory_space<vmem>>
    %dma_start3A_173 = tpu.memref_squeeze %dma_start3A_172 : memref<1x32x64xf32, #tpu.memory_space<vmem>> -> memref<32x64xf32, #tpu.memory_space<vmem>>
    %dma_start3A_174 = arith.constant 0 : i32
    %dma_start3A_175 = tpu.memref_slice %arg6[%dma_start3A_168, %dma_start3A_174] : memref<4x128xi32, #tpu.memory_space<vmem>> -> memref<1x128xi32, #tpu.memory_space<vmem>>
    %dma_start3A_176 = tpu.memref_squeeze %dma_start3A_175 : memref<1x128xi32, #tpu.memory_space<vmem>> -> memref<128xi32, #tpu.memory_space<vmem>>
    %dma_start3A_177 = arith.constant 96 : i32
    %dma_start3A_178 = tpu.memref_slice %dma_start3A_176[%dma_start3A_177] : memref<128xi32, #tpu.memory_space<vmem>> -> memref<32xi32, #tpu.memory_space<vmem>>
    %dma_start3A_179 = arith.constant 0 : i32
    %dma_start3A_180 = arith.constant 0 : i32
    %dma_start3A_181 = tpu.memref_slice %arg3[%dma_start3A_179, %dma_start3A_180] : memref<1000000x64xf32, #tpu.memory_space<hbm>> -> memref<1000000x64xf32, #tpu.memory_space<hbm>>
    tpu.enqueue_indirect_dma source(%dma_start3A_181 : memref<1000000x64xf32, #tpu.memory_space<hbm>>) target(%dma_start3A_173 : memref<32x64xf32, #tpu.memory_space<vmem>>) offsets(%dma_start3A_178 : memref<32xi32, #tpu.memory_space<vmem>>) semaphore(%arg15 : memref<!tpu.dma_semaphore, #tpu.memory_space<semaphore_mem>>)
    %mul3A_182 = arith.constant 128 : i32
    %mul3A_183 = arith.muli %add3A, %mul3A_182 : i32
    %add3A_184 = arith.constant 8192 : i32
    %add3A_185 = arith.addi %add3A_184, %mul3A_183 : i32
    %multiple_of3A_186 = tpu.assume_multiple %add3A_185, 128 : i32
    %dma_start3A_187 = arith.constant 2 : i32
    %dma_start3A_188 = arith.constant 0 : i32
    %dma_start3A_189 = tpu.memref_slice %arg6[%dma_start3A_187, %dma_start3A_188] : memref<4x128xi32, #tpu.memory_space<vmem>> -> memref<1x128xi32, #tpu.memory_space<vmem>>
    %dma_start3A_190 = tpu.memref_squeeze %dma_start3A_189 : memref<1x128xi32, #tpu.memory_space<vmem>> -> memref<128xi32, #tpu.memory_space<vmem>>
    %dma_start3A_191 = tpu.memref_slice %arg2[%multiple_of3A_186] : memref<819200xi32, #tpu.memory_space<hbm>> -> memref<128xi32, #tpu.memory_space<hbm>>
    %dma_start3A_192 = arith.constant 0 : i32
    %dma_start3A_193 = tpu.memref_slice %arg6[%dma_start3A_187, %dma_start3A_192] : memref<4x128xi32, #tpu.memory_space<vmem>> -> memref<1x128xi32, #tpu.memory_space<vmem>>
    %dma_start3A_194 = tpu.memref_squeeze %dma_start3A_193 : memref<1x128xi32, #tpu.memory_space<vmem>> -> memref<128xi32, #tpu.memory_space<vmem>>
    %dma_start3A_195 = tpu.memref_slice %arg2[%multiple_of3A_186] : memref<819200xi32, #tpu.memory_space<hbm>> -> memref<128xi32, #tpu.memory_space<hbm>>
    tpu.enqueue_dma source(%dma_start3A_195 : memref<128xi32, #tpu.memory_space<hbm>>) target(%dma_start3A_194 : memref<128xi32, #tpu.memory_space<vmem>>) target_semaphore(%arg12 : memref<!tpu.dma_semaphore, #tpu.memory_space<semaphore_mem>>)
    %mul3A_196 = arith.constant 128 : i32
    %mul3A_197 = arith.muli %add3A, %mul3A_196 : i32
    %add3A_198 = arith.constant 12288 : i32
    %add3A_199 = arith.addi %add3A_198, %mul3A_197 : i32
    %multiple_of3A_200 = tpu.assume_multiple %add3A_199, 128 : i32
    %dma_start3A_201 = arith.constant 3 : i32
    %dma_start3A_202 = arith.constant 0 : i32
    %dma_start3A_203 = tpu.memref_slice %arg6[%dma_start3A_201, %dma_start3A_202] : memref<4x128xi32, #tpu.memory_space<vmem>> -> memref<1x128xi32, #tpu.memory_space<vmem>>
    %dma_start3A_204 = tpu.memref_squeeze %dma_start3A_203 : memref<1x128xi32, #tpu.memory_space<vmem>> -> memref<128xi32, #tpu.memory_space<vmem>>
    %dma_start3A_205 = tpu.memref_slice %arg2[%multiple_of3A_200] : memref<819200xi32, #tpu.memory_space<hbm>> -> memref<128xi32, #tpu.memory_space<hbm>>
    %dma_start3A_206 = arith.constant 0 : i32
    %dma_start3A_207 = tpu.memref_slice %arg6[%dma_start3A_201, %dma_start3A_206] : memref<4x128xi32, #tpu.memory_space<vmem>> -> memref<1x128xi32, #tpu.memory_space<vmem>>
    %dma_start3A_208 = tpu.memref_squeeze %dma_start3A_207 : memref<1x128xi32, #tpu.memory_space<vmem>> -> memref<128xi32, #tpu.memory_space<vmem>>
    %dma_start3A_209 = tpu.memref_slice %arg2[%multiple_of3A_200] : memref<819200xi32, #tpu.memory_space<hbm>> -> memref<128xi32, #tpu.memory_space<hbm>>
    tpu.enqueue_dma source(%dma_start3A_209 : memref<128xi32, #tpu.memory_space<hbm>>) target(%dma_start3A_208 : memref<128xi32, #tpu.memory_space<vmem>>) target_semaphore(%arg13 : memref<!tpu.dma_semaphore, #tpu.memory_space<semaphore_mem>>)
    %scan3A = arith.constant 0 : i32
    %scan3A_210 = arith.constant 0 : i32
    %scan3A_211 = arith.constant 50 : i32
    %scan3A_212 = arith.addi %scan3A_210, %scan3A_211 : i32
    %scan3A_213 = arith.constant 1 : i32
    scf.for %scan3A_237 = %scan3A_210 to %scan3A_212 step %scan3A_213  : i32 {
      %mul3A_238 = arith.constant 4 : i32
      %mul3A_239 = arith.muli %scan3A_237, %mul3A_238 : i32
      %add3A_240 = arith.constant 0 : i32
      %add3A_241 = arith.addi %mul3A_239, %add3A_240 : i32
      %dma_wait3A_242 = arith.constant 0 : i32
      %dma_wait3A_243 = arith.constant 0 : i32
      %dma_wait3A_244 = arith.constant 0 : i32
      %dma_wait3A_245 = arith.constant 0 : i32
      %dma_wait3A_246 = tpu.memref_slice %arg7[%dma_wait3A_243, %dma_wait3A_244, %dma_wait3A_245] : memref<4x128x64xf32, #tpu.memory_space<vmem>> -> memref<1x32x64xf32, #tpu.memory_space<vmem>>
      %dma_wait3A_247 = tpu.memref_squeeze %dma_wait3A_246 : memref<1x32x64xf32, #tpu.memory_space<vmem>> -> memref<32x64xf32, #tpu.memory_space<vmem>>
      %dma_wait3A_248 = arith.constant 0 : i32
      %dma_wait3A_249 = tpu.memref_slice %arg6[%dma_wait3A_242, %dma_wait3A_248] : memref<4x128xi32, #tpu.memory_space<vmem>> -> memref<1x128xi32, #tpu.memory_space<vmem>>
      %dma_wait3A_250 = tpu.memref_squeeze %dma_wait3A_249 : memref<1x128xi32, #tpu.memory_space<vmem>> -> memref<128xi32, #tpu.memory_space<vmem>>
      %dma_wait3A_251 = arith.constant 0 : i32
      %dma_wait3A_252 = tpu.memref_slice %dma_wait3A_250[%dma_wait3A_251] : memref<128xi32, #tpu.memory_space<vmem>> -> memref<32xi32, #tpu.memory_space<vmem>>
      %dma_wait3A_253 = arith.constant 0 : i32
      %dma_wait3A_254 = arith.constant 0 : i32
      %dma_wait3A_255 = tpu.memref_slice %arg3[%dma_wait3A_253, %dma_wait3A_254] : memref<1000000x64xf32, #tpu.memory_space<hbm>> -> memref<1000000x64xf32, #tpu.memory_space<hbm>>
      tpu.wait_indirect_dma semaphore(%arg14 : memref<!tpu.dma_semaphore, #tpu.memory_space<semaphore_mem>>) src(%dma_wait3A_255 : memref<1000000x64xf32, #tpu.memory_space<hbm>>) dst(%dma_wait3A_247 : memref<32x64xf32, #tpu.memory_space<vmem>>)
      %dma_wait3A_256 = arith.constant 0 : i32
      %dma_wait3A_257 = arith.constant 0 : i32
      %dma_wait3A_258 = arith.constant 32 : i32
      %dma_wait3A_259 = arith.constant 0 : i32
      %dma_wait3A_260 = tpu.memref_slice %arg7[%dma_wait3A_257, %dma_wait3A_258, %dma_wait3A_259] : memref<4x128x64xf32, #tpu.memory_space<vmem>> -> memref<1x32x64xf32, #tpu.memory_space<vmem>>
      %dma_wait3A_261 = tpu.memref_squeeze %dma_wait3A_260 : memref<1x32x64xf32, #tpu.memory_space<vmem>> -> memref<32x64xf32, #tpu.memory_space<vmem>>
      %dma_wait3A_262 = arith.constant 0 : i32
      %dma_wait3A_263 = tpu.memref_slice %arg6[%dma_wait3A_256, %dma_wait3A_262] : memref<4x128xi32, #tpu.memory_space<vmem>> -> memref<1x128xi32, #tpu.memory_space<vmem>>
      %dma_wait3A_264 = tpu.memref_squeeze %dma_wait3A_263 : memref<1x128xi32, #tpu.memory_space<vmem>> -> memref<128xi32, #tpu.memory_space<vmem>>
      %dma_wait3A_265 = arith.constant 32 : i32
      %dma_wait3A_266 = tpu.memref_slice %dma_wait3A_264[%dma_wait3A_265] : memref<128xi32, #tpu.memory_space<vmem>> -> memref<32xi32, #tpu.memory_space<vmem>>
      %dma_wait3A_267 = arith.constant 0 : i32
      %dma_wait3A_268 = arith.constant 0 : i32
      %dma_wait3A_269 = tpu.memref_slice %arg3[%dma_wait3A_267, %dma_wait3A_268] : memref<1000000x64xf32, #tpu.memory_space<hbm>> -> memref<1000000x64xf32, #tpu.memory_space<hbm>>
      tpu.wait_indirect_dma semaphore(%arg14 : memref<!tpu.dma_semaphore, #tpu.memory_space<semaphore_mem>>) src(%dma_wait3A_269 : memref<1000000x64xf32, #tpu.memory_space<hbm>>) dst(%dma_wait3A_261 : memref<32x64xf32, #tpu.memory_space<vmem>>)
      %dma_wait3A_270 = arith.constant 0 : i32
      %dma_wait3A_271 = arith.constant 0 : i32
      %dma_wait3A_272 = arith.constant 64 : i32
      %dma_wait3A_273 = arith.constant 0 : i32
      %dma_wait3A_274 = tpu.memref_slice %arg7[%dma_wait3A_271, %dma_wait3A_272, %dma_wait3A_273] : memref<4x128x64xf32, #tpu.memory_space<vmem>> -> memref<1x32x64xf32, #tpu.memory_space<vmem>>
      %dma_wait3A_275 = tpu.memref_squeeze %dma_wait3A_274 : memref<1x32x64xf32, #tpu.memory_space<vmem>> -> memref<32x64xf32, #tpu.memory_space<vmem>>
      %dma_wait3A_276 = arith.constant 0 : i32
      %dma_wait3A_277 = tpu.memref_slice %arg6[%dma_wait3A_270, %dma_wait3A_276] : memref<4x128xi32, #tpu.memory_space<vmem>> -> memref<1x128xi32, #tpu.memory_space<vmem>>
      %dma_wait3A_278 = tpu.memref_squeeze %dma_wait3A_277 : memref<1x128xi32, #tpu.memory_space<vmem>> -> memref<128xi32, #tpu.memory_space<vmem>>
      %dma_wait3A_279 = arith.constant 64 : i32
      %dma_wait3A_280 = tpu.memref_slice %dma_wait3A_278[%dma_wait3A_279] : memref<128xi32, #tpu.memory_space<vmem>> -> memref<32xi32, #tpu.memory_space<vmem>>
      %dma_wait3A_281 = arith.constant 0 : i32
      %dma_wait3A_282 = arith.constant 0 : i32
      %dma_wait3A_283 = tpu.memref_slice %arg3[%dma_wait3A_281, %dma_wait3A_282] : memref<1000000x64xf32, #tpu.memory_space<hbm>> -> memref<1000000x64xf32, #tpu.memory_space<hbm>>
      tpu.wait_indirect_dma semaphore(%arg14 : memref<!tpu.dma_semaphore, #tpu.memory_space<semaphore_mem>>) src(%dma_wait3A_283 : memref<1000000x64xf32, #tpu.memory_space<hbm>>) dst(%dma_wait3A_275 : memref<32x64xf32, #tpu.memory_space<vmem>>)
      %dma_wait3A_284 = arith.constant 0 : i32
      %dma_wait3A_285 = arith.constant 0 : i32
      %dma_wait3A_286 = arith.constant 96 : i32
      %dma_wait3A_287 = arith.constant 0 : i32
      %dma_wait3A_288 = tpu.memref_slice %arg7[%dma_wait3A_285, %dma_wait3A_286, %dma_wait3A_287] : memref<4x128x64xf32, #tpu.memory_space<vmem>> -> memref<1x32x64xf32, #tpu.memory_space<vmem>>
      %dma_wait3A_289 = tpu.memref_squeeze %dma_wait3A_288 : memref<1x32x64xf32, #tpu.memory_space<vmem>> -> memref<32x64xf32, #tpu.memory_space<vmem>>
      %dma_wait3A_290 = arith.constant 0 : i32
      %dma_wait3A_291 = tpu.memref_slice %arg6[%dma_wait3A_284, %dma_wait3A_290] : memref<4x128xi32, #tpu.memory_space<vmem>> -> memref<1x128xi32, #tpu.memory_space<vmem>>
      %dma_wait3A_292 = tpu.memref_squeeze %dma_wait3A_291 : memref<1x128xi32, #tpu.memory_space<vmem>> -> memref<128xi32, #tpu.memory_space<vmem>>
      %dma_wait3A_293 = arith.constant 96 : i32
      %dma_wait3A_294 = tpu.memref_slice %dma_wait3A_292[%dma_wait3A_293] : memref<128xi32, #tpu.memory_space<vmem>> -> memref<32xi32, #tpu.memory_space<vmem>>
      %dma_wait3A_295 = arith.constant 0 : i32
      %dma_wait3A_296 = arith.constant 0 : i32
      %dma_wait3A_297 = tpu.memref_slice %arg3[%dma_wait3A_295, %dma_wait3A_296] : memref<1000000x64xf32, #tpu.memory_space<hbm>> -> memref<1000000x64xf32, #tpu.memory_space<hbm>>
      tpu.wait_indirect_dma semaphore(%arg14 : memref<!tpu.dma_semaphore, #tpu.memory_space<semaphore_mem>>) src(%dma_wait3A_297 : memref<1000000x64xf32, #tpu.memory_space<hbm>>) dst(%dma_wait3A_289 : memref<32x64xf32, #tpu.memory_space<vmem>>)
      %add3A_298 = arith.constant 4 : i32
      %add3A_299 = arith.addi %add3A_241, %add3A_298 : i32
      %lt3A = arith.constant 200 : i32
      %lt3A_300 = arith.cmpi slt, %add3A_299, %lt3A : i32
      %convert_element_type3A = arith.extui %lt3A_300 : i1 to i32
      %cond3A = arith.constant 0 : i32
      %cond3A_301 = arith.cmpi ne, %convert_element_type3A, %cond3A : i32
      scf.if %cond3A_301 {
        %add3A_717 = arith.constant 4 : i32
        %add3A_718 = arith.addi %add3A_241, %add3A_717 : i32
        %mul3A_719 = arith.constant 4096 : i32
        %mul3A_720 = arith.muli %add3A_718, %mul3A_719 : i32
        %mul3A_721 = arith.constant 128 : i32
        %mul3A_722 = arith.muli %add3A, %mul3A_721 : i32
        %add3A_723 = arith.addi %mul3A_720, %mul3A_722 : i32
        %multiple_of3A_724 = tpu.assume_multiple %add3A_723, 128 : i32
        %dma_start3A_725 = arith.constant 0 : i32
        %dma_start3A_726 = arith.constant 0 : i32
        %dma_start3A_727 = tpu.memref_slice %arg6[%dma_start3A_725, %dma_start3A_726] : memref<4x128xi32, #tpu.memory_space<vmem>> -> memref<1x128xi32, #tpu.memory_space<vmem>>
        %dma_start3A_728 = tpu.memref_squeeze %dma_start3A_727 : memref<1x128xi32, #tpu.memory_space<vmem>> -> memref<128xi32, #tpu.memory_space<vmem>>
        %dma_start3A_729 = tpu.memref_slice %arg2[%multiple_of3A_724] : memref<819200xi32, #tpu.memory_space<hbm>> -> memref<128xi32, #tpu.memory_space<hbm>>
        %dma_start3A_730 = arith.constant 0 : i32
        %dma_start3A_731 = tpu.memref_slice %arg6[%dma_start3A_725, %dma_start3A_730] : memref<4x128xi32, #tpu.memory_space<vmem>> -> memref<1x128xi32, #tpu.memory_space<vmem>>
        %dma_start3A_732 = tpu.memref_squeeze %dma_start3A_731 : memref<1x128xi32, #tpu.memory_space<vmem>> -> memref<128xi32, #tpu.memory_space<vmem>>
        %dma_start3A_733 = tpu.memref_slice %arg2[%multiple_of3A_724] : memref<819200xi32, #tpu.memory_space<hbm>> -> memref<128xi32, #tpu.memory_space<hbm>>
        tpu.enqueue_dma source(%dma_start3A_733 : memref<128xi32, #tpu.memory_space<hbm>>) target(%dma_start3A_732 : memref<128xi32, #tpu.memory_space<vmem>>) target_semaphore(%arg10 : memref<!tpu.dma_semaphore, #tpu.memory_space<semaphore_mem>>)
      } else {
      }
      %ge3A = arith.constant 1 : i32
      %ge3A_302 = arith.cmpi sge, %add3A_241, %ge3A : i32
      %convert_element_type3A_303 = arith.extui %ge3A_302 : i1 to i32
      %cond3A_304 = arith.constant 0 : i32
      %cond3A_305 = arith.cmpi ne, %convert_element_type3A_303, %cond3A_304 : i32
      scf.if %cond3A_305 {
        %sub3A = arith.constant 1 : i32
        %sub3A_717 = arith.subi %add3A_241, %sub3A : i32
        %dma_wait3A_718 = arith.constant 1 : i32
        %dma_wait3A_719 = arith.constant 0 : i32
        %dma_wait3A_720 = arith.constant 0 : i32
        %dma_wait3A_721 = arith.constant 0 : i32
        %dma_wait3A_722 = tpu.memref_slice %arg8[%dma_wait3A_718, %dma_wait3A_719, %dma_wait3A_720, %dma_wait3A_721] : memref<2x8x8x129xf32, #tpu.memory_space<vmem>> -> memref<1x8x8x128xf32, #tpu.memory_space<vmem>>
        %dma_wait3A_723 = tpu.memref_squeeze %dma_wait3A_722 : memref<1x8x8x128xf32, #tpu.memory_space<vmem>> -> memref<8x8x128xf32, #tpu.memory_space<vmem>>
        %dma_wait3A_724 = arith.constant 0 : i32
        %dma_wait3A_725 = arith.constant 0 : i32
        %dma_wait3A_726 = arith.constant 0 : i32
        %dma_wait3A_727 = tpu.memref_slice %arg5[%sub3A_717, %dma_wait3A_724, %add3A, %dma_wait3A_725, %dma_wait3A_726] : memref<200x8x32x8x128xf32, #tpu.memory_space<hbm>> -> memref<1x8x1x8x128xf32, #tpu.memory_space<hbm>>
        %dma_wait3A_728 = tpu.memref_squeeze %dma_wait3A_727 : memref<1x8x1x8x128xf32, #tpu.memory_space<hbm>> -> memref<8x8x128xf32, #tpu.memory_space<hbm>>
        %dma_wait3A_729 = arith.constant 0 : i32
        %dma_wait3A_730 = arith.constant 0 : i32
        %dma_wait3A_731 = arith.constant 0 : i32
        %dma_wait3A_732 = tpu.memref_slice %arg5[%sub3A_717, %dma_wait3A_729, %add3A, %dma_wait3A_730, %dma_wait3A_731] : memref<200x8x32x8x128xf32, #tpu.memory_space<hbm>> -> memref<1x8x1x8x128xf32, #tpu.memory_space<hbm>>
        %dma_wait3A_733 = tpu.memref_squeeze %dma_wait3A_732 : memref<1x8x1x8x128xf32, #tpu.memory_space<hbm>> -> memref<8x8x128xf32, #tpu.memory_space<hbm>>
        %dma_wait3A_734 = arith.constant 0 : i32
        %dma_wait3A_735 = arith.constant 0 : i32
        %dma_wait3A_736 = arith.constant 0 : i32
        %dma_wait3A_737 = tpu.memref_slice %arg8[%dma_wait3A_718, %dma_wait3A_734, %dma_wait3A_735, %dma_wait3A_736] : memref<2x8x8x129xf32, #tpu.memory_space<vmem>> -> memref<1x8x8x128xf32, #tpu.memory_space<vmem>>
        %dma_wait3A_738 = tpu.memref_squeeze %dma_wait3A_737 : memref<1x8x8x128xf32, #tpu.memory_space<vmem>> -> memref<8x8x128xf32, #tpu.memory_space<vmem>>
        tpu.wait_dma2 semaphore(%arg19 : memref<!tpu.dma_semaphore, #tpu.memory_space<semaphore_mem>>) src(%dma_wait3A_738 : memref<8x8x128xf32, #tpu.memory_space<vmem>>) dst(%dma_wait3A_733 : memref<8x8x128xf32, #tpu.memory_space<hbm>>)
      } else {
      }
      %add3A_306 = arith.constant 2 : i32
      %add3A_307 = arith.addi %add3A_241, %add3A_306 : i32
      %lt3A_308 = arith.constant 200 : i32
      %lt3A_309 = arith.cmpi slt, %add3A_307, %lt3A_308 : i32
      %convert_element_type3A_310 = arith.extui %lt3A_309 : i1 to i32
      %cond3A_311 = arith.constant 0 : i32
      %cond3A_312 = arith.cmpi ne, %convert_element_type3A_310, %cond3A_311 : i32
      scf.if %cond3A_312 {
        %add3A_717 = arith.constant 2 : i32
        %add3A_718 = arith.addi %add3A_241, %add3A_717 : i32
        %mul3A_719 = arith.constant 4096 : i32
        %mul3A_720 = arith.muli %add3A_718, %mul3A_719 : i32
        %mul3A_721 = arith.constant 128 : i32
        %mul3A_722 = arith.muli %add3A, %mul3A_721 : i32
        %add3A_723 = arith.addi %mul3A_720, %mul3A_722 : i32
        %multiple_of3A_724 = tpu.assume_multiple %add3A_723, 128 : i32
        %dma_wait3A_725 = arith.constant 2 : i32
        %dma_wait3A_726 = arith.constant 0 : i32
        %dma_wait3A_727 = tpu.memref_slice %arg6[%dma_wait3A_725, %dma_wait3A_726] : memref<4x128xi32, #tpu.memory_space<vmem>> -> memref<1x128xi32, #tpu.memory_space<vmem>>
        %dma_wait3A_728 = tpu.memref_squeeze %dma_wait3A_727 : memref<1x128xi32, #tpu.memory_space<vmem>> -> memref<128xi32, #tpu.memory_space<vmem>>
        %dma_wait3A_729 = tpu.memref_slice %arg2[%multiple_of3A_724] : memref<819200xi32, #tpu.memory_space<hbm>> -> memref<128xi32, #tpu.memory_space<hbm>>
        %dma_wait3A_730 = arith.constant 0 : i32
        %dma_wait3A_731 = tpu.memref_slice %arg6[%dma_wait3A_725, %dma_wait3A_730] : memref<4x128xi32, #tpu.memory_space<vmem>> -> memref<1x128xi32, #tpu.memory_space<vmem>>
        %dma_wait3A_732 = tpu.memref_squeeze %dma_wait3A_731 : memref<1x128xi32, #tpu.memory_space<vmem>> -> memref<128xi32, #tpu.memory_space<vmem>>
        %dma_wait3A_733 = tpu.memref_slice %arg2[%multiple_of3A_724] : memref<819200xi32, #tpu.memory_space<hbm>> -> memref<128xi32, #tpu.memory_space<hbm>>
        tpu.wait_dma2 semaphore(%arg12 : memref<!tpu.dma_semaphore, #tpu.memory_space<semaphore_mem>>) src(%dma_wait3A_733 : memref<128xi32, #tpu.memory_space<hbm>>) dst(%dma_wait3A_732 : memref<128xi32, #tpu.memory_space<vmem>>)
        %dma_start3A_734 = arith.constant 2 : i32
        %dma_start3A_735 = arith.constant 2 : i32
        %dma_start3A_736 = arith.constant 0 : i32
        %dma_start3A_737 = arith.constant 0 : i32
        %dma_start3A_738 = tpu.memref_slice %arg7[%dma_start3A_735, %dma_start3A_736, %dma_start3A_737] : memref<4x128x64xf32, #tpu.memory_space<vmem>> -> memref<1x32x64xf32, #tpu.memory_space<vmem>>
        %dma_start3A_739 = tpu.memref_squeeze %dma_start3A_738 : memref<1x32x64xf32, #tpu.memory_space<vmem>> -> memref<32x64xf32, #tpu.memory_space<vmem>>
        %dma_start3A_740 = arith.constant 0 : i32
        %dma_start3A_741 = tpu.memref_slice %arg6[%dma_start3A_734, %dma_start3A_740] : memref<4x128xi32, #tpu.memory_space<vmem>> -> memref<1x128xi32, #tpu.memory_space<vmem>>
        %dma_start3A_742 = tpu.memref_squeeze %dma_start3A_741 : memref<1x128xi32, #tpu.memory_space<vmem>> -> memref<128xi32, #tpu.memory_space<vmem>>
        %dma_start3A_743 = arith.constant 0 : i32
        %dma_start3A_744 = tpu.memref_slice %dma_start3A_742[%dma_start3A_743] : memref<128xi32, #tpu.memory_space<vmem>> -> memref<32xi32, #tpu.memory_space<vmem>>
        %dma_start3A_745 = arith.constant 0 : i32
        %dma_start3A_746 = arith.constant 0 : i32
        %dma_start3A_747 = tpu.memref_slice %arg3[%dma_start3A_745, %dma_start3A_746] : memref<1000000x64xf32, #tpu.memory_space<hbm>> -> memref<1000000x64xf32, #tpu.memory_space<hbm>>
        tpu.enqueue_indirect_dma source(%dma_start3A_747 : memref<1000000x64xf32, #tpu.memory_space<hbm>>) target(%dma_start3A_739 : memref<32x64xf32, #tpu.memory_space<vmem>>) offsets(%dma_start3A_744 : memref<32xi32, #tpu.memory_space<vmem>>) semaphore(%arg16 : memref<!tpu.dma_semaphore, #tpu.memory_space<semaphore_mem>>)
        %dma_start3A_748 = arith.constant 2 : i32
        %dma_start3A_749 = arith.constant 2 : i32
        %dma_start3A_750 = arith.constant 32 : i32
        %dma_start3A_751 = arith.constant 0 : i32
        %dma_start3A_752 = tpu.memref_slice %arg7[%dma_start3A_749, %dma_start3A_750, %dma_start3A_751] : memref<4x128x64xf32, #tpu.memory_space<vmem>> -> memref<1x32x64xf32, #tpu.memory_space<vmem>>
        %dma_start3A_753 = tpu.memref_squeeze %dma_start3A_752 : memref<1x32x64xf32, #tpu.memory_space<vmem>> -> memref<32x64xf32, #tpu.memory_space<vmem>>
        %dma_start3A_754 = arith.constant 0 : i32
        %dma_start3A_755 = tpu.memref_slice %arg6[%dma_start3A_748, %dma_start3A_754] : memref<4x128xi32, #tpu.memory_space<vmem>> -> memref<1x128xi32, #tpu.memory_space<vmem>>
        %dma_start3A_756 = tpu.memref_squeeze %dma_start3A_755 : memref<1x128xi32, #tpu.memory_space<vmem>> -> memref<128xi32, #tpu.memory_space<vmem>>
        %dma_start3A_757 = arith.constant 32 : i32
        %dma_start3A_758 = tpu.memref_slice %dma_start3A_756[%dma_start3A_757] : memref<128xi32, #tpu.memory_space<vmem>> -> memref<32xi32, #tpu.memory_space<vmem>>
        %dma_start3A_759 = arith.constant 0 : i32
        %dma_start3A_760 = arith.constant 0 : i32
        %dma_start3A_761 = tpu.memref_slice %arg3[%dma_start3A_759, %dma_start3A_760] : memref<1000000x64xf32, #tpu.memory_space<hbm>> -> memref<1000000x64xf32, #tpu.memory_space<hbm>>
        tpu.enqueue_indirect_dma source(%dma_start3A_761 : memref<1000000x64xf32, #tpu.memory_space<hbm>>) target(%dma_start3A_753 : memref<32x64xf32, #tpu.memory_space<vmem>>) offsets(%dma_start3A_758 : memref<32xi32, #tpu.memory_space<vmem>>) semaphore(%arg16 : memref<!tpu.dma_semaphore, #tpu.memory_space<semaphore_mem>>)
        %dma_start3A_762 = arith.constant 2 : i32
        %dma_start3A_763 = arith.constant 2 : i32
        %dma_start3A_764 = arith.constant 64 : i32
        %dma_start3A_765 = arith.constant 0 : i32
        %dma_start3A_766 = tpu.memref_slice %arg7[%dma_start3A_763, %dma_start3A_764, %dma_start3A_765] : memref<4x128x64xf32, #tpu.memory_space<vmem>> -> memref<1x32x64xf32, #tpu.memory_space<vmem>>
        %dma_start3A_767 = tpu.memref_squeeze %dma_start3A_766 : memref<1x32x64xf32, #tpu.memory_space<vmem>> -> memref<32x64xf32, #tpu.memory_space<vmem>>
        %dma_start3A_768 = arith.constant 0 : i32
        %dma_start3A_769 = tpu.memref_slice %arg6[%dma_start3A_762, %dma_start3A_768] : memref<4x128xi32, #tpu.memory_space<vmem>> -> memref<1x128xi32, #tpu.memory_space<vmem>>
        %dma_start3A_770 = tpu.memref_squeeze %dma_start3A_769 : memref<1x128xi32, #tpu.memory_space<vmem>> -> memref<128xi32, #tpu.memory_space<vmem>>
        %dma_start3A_771 = arith.constant 64 : i32
        %dma_start3A_772 = tpu.memref_slice %dma_start3A_770[%dma_start3A_771] : memref<128xi32, #tpu.memory_space<vmem>> -> memref<32xi32, #tpu.memory_space<vmem>>
        %dma_start3A_773 = arith.constant 0 : i32
        %dma_start3A_774 = arith.constant 0 : i32
        %dma_start3A_775 = tpu.memref_slice %arg3[%dma_start3A_773, %dma_start3A_774] : memref<1000000x64xf32, #tpu.memory_space<hbm>> -> memref<1000000x64xf32, #tpu.memory_space<hbm>>
        tpu.enqueue_indirect_dma source(%dma_start3A_775 : memref<1000000x64xf32, #tpu.memory_space<hbm>>) target(%dma_start3A_767 : memref<32x64xf32, #tpu.memory_space<vmem>>) offsets(%dma_start3A_772 : memref<32xi32, #tpu.memory_space<vmem>>) semaphore(%arg16 : memref<!tpu.dma_semaphore, #tpu.memory_space<semaphore_mem>>)
        %dma_start3A_776 = arith.constant 2 : i32
        %dma_start3A_777 = arith.constant 2 : i32
        %dma_start3A_778 = arith.constant 96 : i32
        %dma_start3A_779 = arith.constant 0 : i32
        %dma_start3A_780 = tpu.memref_slice %arg7[%dma_start3A_777, %dma_start3A_778, %dma_start3A_779] : memref<4x128x64xf32, #tpu.memory_space<vmem>> -> memref<1x32x64xf32, #tpu.memory_space<vmem>>
        %dma_start3A_781 = tpu.memref_squeeze %dma_start3A_780 : memref<1x32x64xf32, #tpu.memory_space<vmem>> -> memref<32x64xf32, #tpu.memory_space<vmem>>
        %dma_start3A_782 = arith.constant 0 : i32
        %dma_start3A_783 = tpu.memref_slice %arg6[%dma_start3A_776, %dma_start3A_782] : memref<4x128xi32, #tpu.memory_space<vmem>> -> memref<1x128xi32, #tpu.memory_space<vmem>>
        %dma_start3A_784 = tpu.memref_squeeze %dma_start3A_783 : memref<1x128xi32, #tpu.memory_space<vmem>> -> memref<128xi32, #tpu.memory_space<vmem>>
        %dma_start3A_785 = arith.constant 96 : i32
        %dma_start3A_786 = tpu.memref_slice %dma_start3A_784[%dma_start3A_785] : memref<128xi32, #tpu.memory_space<vmem>> -> memref<32xi32, #tpu.memory_space<vmem>>
        %dma_start3A_787 = arith.constant 0 : i32
        %dma_start3A_788 = arith.constant 0 : i32
        %dma_start3A_789 = tpu.memref_slice %arg3[%dma_start3A_787, %dma_start3A_788] : memref<1000000x64xf32, #tpu.memory_space<hbm>> -> memref<1000000x64xf32, #tpu.memory_space<hbm>>
        tpu.enqueue_indirect_dma source(%dma_start3A_789 : memref<1000000x64xf32, #tpu.memory_space<hbm>>) target(%dma_start3A_781 : memref<32x64xf32, #tpu.memory_space<vmem>>) offsets(%dma_start3A_786 : memref<32xi32, #tpu.memory_space<vmem>>) semaphore(%arg16 : memref<!tpu.dma_semaphore, #tpu.memory_space<semaphore_mem>>)
      } else {
      }
      %get3A = arith.index_cast %add3A_241 : i32 to index
      %get3A_313 = arith.constant 0 : index
      %get3A_314 = tpu.vector_load %arg9[%get3A, %get3A_313] {strides = array<i32>} : memref<200x64xf32, #tpu.memory_space<vmem>>, vector<16xf32>,
      %get3A_315 = arith.index_cast %add3A_241 : i32 to index
      %get3A_316 = arith.constant 16 : index
      %get3A_317 = tpu.vector_load %arg9[%get3A_315, %get3A_316] {strides = array<i32>} : memref<200x64xf32, #tpu.memory_space<vmem>>, vector<16xf32>,
      %get3A_318 = arith.index_cast %add3A_241 : i32 to index
      %get3A_319 = arith.constant 32 : index
      %get3A_320 = tpu.vector_load %arg9[%get3A_318, %get3A_319] {strides = array<i32>} : memref<200x64xf32, #tpu.memory_space<vmem>>, vector<16xf32>,
      %get3A_321 = arith.index_cast %add3A_241 : i32 to index
      %get3A_322 = arith.constant 48 : index
      %get3A_323 = tpu.vector_load %arg9[%get3A_321, %get3A_322] {strides = array<i32>} : memref<200x64xf32, #tpu.memory_space<vmem>>, vector<16xf32>,
      %mul3A_324 = arith.constant 0 : i32
      %mul3A_325 = vector.broadcast %mul3A_324 : i32 to vector<16xi32>
      %mul3A_326 = arith.muli %iota3A, %mul3A_325 : vector<16xi32>
      %scan3A_327 = arith.constant 0 : i32
      %scan3A_328 = arith.constant 16 : i32
      %scan3A_329 = arith.addi %scan3A_327, %scan3A_328 : i32
      %scan3A_330 = arith.constant 1 : i32
      %scan3A_331 = scf.for %scan3A_717 = %scan3A_327 to %scan3A_329 step %scan3A_330 iter_args(%scan3A_718 = %mul3A_326) -> (vector<16xi32>)  : i32 {
        %mul3A_719 = arith.constant 8 : i32
        %mul3A_720 = arith.muli %scan3A_717, %mul3A_719 : i32
        %add3A_721 = arith.constant 0 : i32
        %add3A_722 = arith.addi %mul3A_720, %add3A_721 : i32
        %get3A_723 = arith.constant 0 : i32
        %get3A_724 = arith.index_cast %get3A_723 : i32 to index
        %get3A_725 = arith.index_cast %add3A_722 : i32 to index
        %get3A_726 = arith.constant 0 : index
        %get3A_727 = tpu.vector_load %arg7[%get3A_724, %get3A_725, %get3A_726] {strides = array<i32>} : memref<4x128x64xf32, #tpu.memory_space<vmem>>, vector<16xf32>,
        %add3A_728 = arith.addf %get3A_727, %get3A_314 : vector<16xf32>
        %get3A_729 = arith.constant 0 : i32
        %get3A_730 = arith.index_cast %get3A_729 : i32 to index
        %get3A_731 = arith.index_cast %add3A_722 : i32 to index
        %get3A_732 = arith.constant 16 : index
        %get3A_733 = tpu.vector_load %arg7[%get3A_730, %get3A_731, %get3A_732] {strides = array<i32>} : memref<4x128x64xf32, #tpu.memory_space<vmem>>, vector<16xf32>,
        %add3A_734 = arith.addf %get3A_733, %get3A_317 : vector<16xf32>
        %get3A_735 = arith.constant 0 : i32
        %get3A_736 = arith.index_cast %get3A_735 : i32 to index
        %get3A_737 = arith.index_cast %add3A_722 : i32 to index
        %get3A_738 = arith.constant 32 : index
        %get3A_739 = tpu.vector_load %arg7[%get3A_736, %get3A_737, %get3A_738] {strides = array<i32>} : memref<4x128x64xf32, #tpu.memory_space<vmem>>, vector<16xf32>,
        %add3A_740 = arith.addf %get3A_739, %get3A_320 : vector<16xf32>
        %get3A_741 = arith.constant 0 : i32
        %get3A_742 = arith.index_cast %get3A_741 : i32 to index
        %get3A_743 = arith.index_cast %add3A_722 : i32 to index
        %get3A_744 = arith.constant 48 : index
        %get3A_745 = tpu.vector_load %arg7[%get3A_742, %get3A_743, %get3A_744] {strides = array<i32>} : memref<4x128x64xf32, #tpu.memory_space<vmem>>, vector<16xf32>,
        %add3A_746 = arith.addf %get3A_745, %get3A_323 : vector<16xf32>
        %mul3A_747 = arith.constant 8 : i32
        %mul3A_748 = arith.muli %scan3A_717, %mul3A_747 : i32
        %add3A_749 = arith.constant 1 : i32
        %add3A_750 = arith.addi %mul3A_748, %add3A_749 : i32
        %get3A_751 = arith.constant 0 : i32
        %get3A_752 = arith.index_cast %get3A_751 : i32 to index
        %get3A_753 = arith.index_cast %add3A_750 : i32 to index
        %get3A_754 = arith.constant 0 : index
        %get3A_755 = tpu.vector_load %arg7[%get3A_752, %get3A_753, %get3A_754] {strides = array<i32>} : memref<4x128x64xf32, #tpu.memory_space<vmem>>, vector<16xf32>,
        %add3A_756 = arith.addf %get3A_755, %get3A_314 : vector<16xf32>
        %get3A_757 = arith.constant 0 : i32
        %get3A_758 = arith.index_cast %get3A_757 : i32 to index
        %get3A_759 = arith.index_cast %add3A_750 : i32 to index
        %get3A_760 = arith.constant 16 : index
        %get3A_761 = tpu.vector_load %arg7[%get3A_758, %get3A_759, %get3A_760] {strides = array<i32>} : memref<4x128x64xf32, #tpu.memory_space<vmem>>, vector<16xf32>,
        %add3A_762 = arith.addf %get3A_761, %get3A_317 : vector<16xf32>
        %get3A_763 = arith.constant 0 : i32
        %get3A_764 = arith.index_cast %get3A_763 : i32 to index
        %get3A_765 = arith.index_cast %add3A_750 : i32 to index
        %get3A_766 = arith.constant 32 : index
        %get3A_767 = tpu.vector_load %arg7[%get3A_764, %get3A_765, %get3A_766] {strides = array<i32>} : memref<4x128x64xf32, #tpu.memory_space<vmem>>, vector<16xf32>,
        %add3A_768 = arith.addf %get3A_767, %get3A_320 : vector<16xf32>
        %get3A_769 = arith.constant 0 : i32
        %get3A_770 = arith.index_cast %get3A_769 : i32 to index
        %get3A_771 = arith.index_cast %add3A_750 : i32 to index
        %get3A_772 = arith.constant 48 : index
        %get3A_773 = tpu.vector_load %arg7[%get3A_770, %get3A_771, %get3A_772] {strides = array<i32>} : memref<4x128x64xf32, #tpu.memory_space<vmem>>, vector<16xf32>,
        %add3A_774 = arith.addf %get3A_773, %get3A_323 : vector<16xf32>
        %mul3A_775 = arith.constant 8 : i32
        %mul3A_776 = arith.muli %scan3A_717, %mul3A_775 : i32
        %add3A_777 = arith.constant 2 : i32
        %add3A_778 = arith.addi %mul3A_776, %add3A_777 : i32
        %get3A_779 = arith.constant 0 : i32
        %get3A_780 = arith.index_cast %get3A_779 : i32 to index
        %get3A_781 = arith.index_cast %add3A_778 : i32 to index
        %get3A_782 = arith.constant 0 : index
        %get3A_783 = tpu.vector_load %arg7[%get3A_780, %get3A_781, %get3A_782] {strides = array<i32>} : memref<4x128x64xf32, #tpu.memory_space<vmem>>, vector<16xf32>,
        %add3A_784 = arith.addf %get3A_783, %get3A_314 : vector<16xf32>
        %get3A_785 = arith.constant 0 : i32
        %get3A_786 = arith.index_cast %get3A_785 : i32 to index
        %get3A_787 = arith.index_cast %add3A_778 : i32 to index
        %get3A_788 = arith.constant 16 : index
        %get3A_789 = tpu.vector_load %arg7[%get3A_786, %get3A_787, %get3A_788] {strides = array<i32>} : memref<4x128x64xf32, #tpu.memory_space<vmem>>, vector<16xf32>,
        %add3A_790 = arith.addf %get3A_789, %get3A_317 : vector<16xf32>
        %get3A_791 = arith.constant 0 : i32
        %get3A_792 = arith.index_cast %get3A_791 : i32 to index
        %get3A_793 = arith.index_cast %add3A_778 : i32 to index
        %get3A_794 = arith.constant 32 : index
        %get3A_795 = tpu.vector_load %arg7[%get3A_792, %get3A_793, %get3A_794] {strides = array<i32>} : memref<4x128x64xf32, #tpu.memory_space<vmem>>, vector<16xf32>,
        %add3A_796 = arith.addf %get3A_795, %get3A_320 : vector<16xf32>
        %get3A_797 = arith.constant 0 : i32
        %get3A_798 = arith.index_cast %get3A_797 : i32 to index
        %get3A_799 = arith.index_cast %add3A_778 : i32 to index
        %get3A_800 = arith.constant 48 : index
        %get3A_801 = tpu.vector_load %arg7[%get3A_798, %get3A_799, %get3A_800] {strides = array<i32>} : memref<4x128x64xf32, #tpu.memory_space<vmem>>, vector<16xf32>,
        %add3A_802 = arith.addf %get3A_801, %get3A_323 : vector<16xf32>
        %mul3A_803 = arith.constant 8 : i32
        %mul3A_804 = arith.muli %scan3A_717, %mul3A_803 : i32
        %add3A_805 = arith.constant 3 : i32
        %add3A_806 = arith.addi %mul3A_804, %add3A_805 : i32
        %get3A_807 = arith.constant 0 : i32
        %get3A_808 = arith.index_cast %get3A_807 : i32 to index
        %get3A_809 = arith.index_cast %add3A_806 : i32 to index
        %get3A_810 = arith.constant 0 : index
        %get3A_811 = tpu.vector_load %arg7[%get3A_808, %get3A_809, %get3A_810] {strides = array<i32>} : memref<4x128x64xf32, #tpu.memory_space<vmem>>, vector<16xf32>,
        %add3A_812 = arith.addf %get3A_811, %get3A_314 : vector<16xf32>
        %get3A_813 = arith.constant 0 : i32
        %get3A_814 = arith.index_cast %get3A_813 : i32 to index
        %get3A_815 = arith.index_cast %add3A_806 : i32 to index
        %get3A_816 = arith.constant 16 : index
        %get3A_817 = tpu.vector_load %arg7[%get3A_814, %get3A_815, %get3A_816] {strides = array<i32>} : memref<4x128x64xf32, #tpu.memory_space<vmem>>, vector<16xf32>,
        %add3A_818 = arith.addf %get3A_817, %get3A_317 : vector<16xf32>
        %get3A_819 = arith.constant 0 : i32
        %get3A_820 = arith.index_cast %get3A_819 : i32 to index
        %get3A_821 = arith.index_cast %add3A_806 : i32 to index
        %get3A_822 = arith.constant 32 : index
        %get3A_823 = tpu.vector_load %arg7[%get3A_820, %get3A_821, %get3A_822] {strides = array<i32>} : memref<4x128x64xf32, #tpu.memory_space<vmem>>, vector<16xf32>,
        %add3A_824 = arith.addf %get3A_823, %get3A_320 : vector<16xf32>
        %get3A_825 = arith.constant 0 : i32
        %get3A_826 = arith.index_cast %get3A_825 : i32 to index
        %get3A_827 = arith.index_cast %add3A_806 : i32 to index
        %get3A_828 = arith.constant 48 : index
        %get3A_829 = tpu.vector_load %arg7[%get3A_826, %get3A_827, %get3A_828] {strides = array<i32>} : memref<4x128x64xf32, #tpu.memory_space<vmem>>, vector<16xf32>,
        %add3A_830 = arith.addf %get3A_829, %get3A_323 : vector<16xf32>
        %mul3A_831 = arith.constant 8 : i32
        %mul3A_832 = arith.muli %scan3A_717, %mul3A_831 : i32
        %add3A_833 = arith.constant 4 : i32
        %add3A_834 = arith.addi %mul3A_832, %add3A_833 : i32
        %get3A_835 = arith.constant 0 : i32
        %get3A_836 = arith.index_cast %get3A_835 : i32 to index
        %get3A_837 = arith.index_cast %add3A_834 : i32 to index
        %get3A_838 = arith.constant 0 : index
        %get3A_839 = tpu.vector_load %arg7[%get3A_836, %get3A_837, %get3A_838] {strides = array<i32>} : memref<4x128x64xf32, #tpu.memory_space<vmem>>, vector<16xf32>,
        %add3A_840 = arith.addf %get3A_839, %get3A_314 : vector<16xf32>
        %get3A_841 = arith.constant 0 : i32
        %get3A_842 = arith.index_cast %get3A_841 : i32 to index
        %get3A_843 = arith.index_cast %add3A_834 : i32 to index
        %get3A_844 = arith.constant 16 : index
        %get3A_845 = tpu.vector_load %arg7[%get3A_842, %get3A_843, %get3A_844] {strides = array<i32>} : memref<4x128x64xf32, #tpu.memory_space<vmem>>, vector<16xf32>,
        %add3A_846 = arith.addf %get3A_845, %get3A_317 : vector<16xf32>
        %get3A_847 = arith.constant 0 : i32
        %get3A_848 = arith.index_cast %get3A_847 : i32 to index
        %get3A_849 = arith.index_cast %add3A_834 : i32 to index
        %get3A_850 = arith.constant 32 : index
        %get3A_851 = tpu.vector_load %arg7[%get3A_848, %get3A_849, %get3A_850] {strides = array<i32>} : memref<4x128x64xf32, #tpu.memory_space<vmem>>, vector<16xf32>,
        %add3A_852 = arith.addf %get3A_851, %get3A_320 : vector<16xf32>
        %get3A_853 = arith.constant 0 : i32
        %get3A_854 = arith.index_cast %get3A_853 : i32 to index
        %get3A_855 = arith.index_cast %add3A_834 : i32 to index
        %get3A_856 = arith.constant 48 : index
        %get3A_857 = tpu.vector_load %arg7[%get3A_854, %get3A_855, %get3A_856] {strides = array<i32>} : memref<4x128x64xf32, #tpu.memory_space<vmem>>, vector<16xf32>,
        %add3A_858 = arith.addf %get3A_857, %get3A_323 : vector<16xf32>
        %mul3A_859 = arith.constant 8 : i32
        %mul3A_860 = arith.muli %scan3A_717, %mul3A_859 : i32
        %add3A_861 = arith.constant 5 : i32
        %add3A_862 = arith.addi %mul3A_860, %add3A_861 : i32
        %get3A_863 = arith.constant 0 : i32
        %get3A_864 = arith.index_cast %get3A_863 : i32 to index
        %get3A_865 = arith.index_cast %add3A_862 : i32 to index
        %get3A_866 = arith.constant 0 : index
        %get3A_867 = tpu.vector_load %arg7[%get3A_864, %get3A_865, %get3A_866] {strides = array<i32>} : memref<4x128x64xf32, #tpu.memory_space<vmem>>, vector<16xf32>,
        %add3A_868 = arith.addf %get3A_867, %get3A_314 : vector<16xf32>
        %get3A_869 = arith.constant 0 : i32
        %get3A_870 = arith.index_cast %get3A_869 : i32 to index
        %get3A_871 = arith.index_cast %add3A_862 : i32 to index
        %get3A_872 = arith.constant 16 : index
        %get3A_873 = tpu.vector_load %arg7[%get3A_870, %get3A_871, %get3A_872] {strides = array<i32>} : memref<4x128x64xf32, #tpu.memory_space<vmem>>, vector<16xf32>,
        %add3A_874 = arith.addf %get3A_873, %get3A_317 : vector<16xf32>
        %get3A_875 = arith.constant 0 : i32
        %get3A_876 = arith.index_cast %get3A_875 : i32 to index
        %get3A_877 = arith.index_cast %add3A_862 : i32 to index
        %get3A_878 = arith.constant 32 : index
        %get3A_879 = tpu.vector_load %arg7[%get3A_876, %get3A_877, %get3A_878] {strides = array<i32>} : memref<4x128x64xf32, #tpu.memory_space<vmem>>, vector<16xf32>,
        %add3A_880 = arith.addf %get3A_879, %get3A_320 : vector<16xf32>
        %get3A_881 = arith.constant 0 : i32
        %get3A_882 = arith.index_cast %get3A_881 : i32 to index
        %get3A_883 = arith.index_cast %add3A_862 : i32 to index
        %get3A_884 = arith.constant 48 : index
        %get3A_885 = tpu.vector_load %arg7[%get3A_882, %get3A_883, %get3A_884] {strides = array<i32>} : memref<4x128x64xf32, #tpu.memory_space<vmem>>, vector<16xf32>,
        %add3A_886 = arith.addf %get3A_885, %get3A_323 : vector<16xf32>
        %mul3A_887 = arith.constant 8 : i32
        %mul3A_888 = arith.muli %scan3A_717, %mul3A_887 : i32
        %add3A_889 = arith.constant 6 : i32
        %add3A_890 = arith.addi %mul3A_888, %add3A_889 : i32
        %get3A_891 = arith.constant 0 : i32
        %get3A_892 = arith.index_cast %get3A_891 : i32 to index
        %get3A_893 = arith.index_cast %add3A_890 : i32 to index
        %get3A_894 = arith.constant 0 : index
        %get3A_895 = tpu.vector_load %arg7[%get3A_892, %get3A_893, %get3A_894] {strides = array<i32>} : memref<4x128x64xf32, #tpu.memory_space<vmem>>, vector<16xf32>,
        %add3A_896 = arith.addf %get3A_895, %get3A_314 : vector<16xf32>
        %get3A_897 = arith.constant 0 : i32
        %get3A_898 = arith.index_cast %get3A_897 : i32 to index
        %get3A_899 = arith.index_cast %add3A_890 : i32 to index
        %get3A_900 = arith.constant 16 : index
        %get3A_901 = tpu.vector_load %arg7[%get3A_898, %get3A_899, %get3A_900] {strides = array<i32>} : memref<4x128x64xf32, #tpu.memory_space<vmem>>, vector<16xf32>,
        %add3A_902 = arith.addf %get3A_901, %get3A_317 : vector<16xf32>
        %get3A_903 = arith.constant 0 : i32
        %get3A_904 = arith.index_cast %get3A_903 : i32 to index
        %get3A_905 = arith.index_cast %add3A_890 : i32 to index
        %get3A_906 = arith.constant 32 : index
        %get3A_907 = tpu.vector_load %arg7[%get3A_904, %get3A_905, %get3A_906] {strides = array<i32>} : memref<4x128x64xf32, #tpu.memory_space<vmem>>, vector<16xf32>,
        %add3A_908 = arith.addf %get3A_907, %get3A_320 : vector<16xf32>
        %get3A_909 = arith.constant 0 : i32
        %get3A_910 = arith.index_cast %get3A_909 : i32 to index
        %get3A_911 = arith.index_cast %add3A_890 : i32 to index
        %get3A_912 = arith.constant 48 : index
        %get3A_913 = tpu.vector_load %arg7[%get3A_910, %get3A_911, %get3A_912] {strides = array<i32>} : memref<4x128x64xf32, #tpu.memory_space<vmem>>, vector<16xf32>,
        %add3A_914 = arith.addf %get3A_913, %get3A_323 : vector<16xf32>
        %mul3A_915 = arith.constant 8 : i32
        %mul3A_916 = arith.muli %scan3A_717, %mul3A_915 : i32
        %add3A_917 = arith.constant 7 : i32
        %add3A_918 = arith.addi %mul3A_916, %add3A_917 : i32
        %get3A_919 = arith.constant 0 : i32
        %get3A_920 = arith.index_cast %get3A_919 : i32 to index
        %get3A_921 = arith.index_cast %add3A_918 : i32 to index
        %get3A_922 = arith.constant 0 : index
        %get3A_923 = tpu.vector_load %arg7[%get3A_920, %get3A_921, %get3A_922] {strides = array<i32>} : memref<4x128x64xf32, #tpu.memory_space<vmem>>, vector<16xf32>,
        %add3A_924 = arith.addf %get3A_923, %get3A_314 : vector<16xf32>
        %get3A_925 = arith.constant 0 : i32
        %get3A_926 = arith.index_cast %get3A_925 : i32 to index
        %get3A_927 = arith.index_cast %add3A_918 : i32 to index
        %get3A_928 = arith.constant 16 : index
        %get3A_929 = tpu.vector_load %arg7[%get3A_926, %get3A_927, %get3A_928] {strides = array<i32>} : memref<4x128x64xf32, #tpu.memory_space<vmem>>, vector<16xf32>,
        %add3A_930 = arith.addf %get3A_929, %get3A_317 : vector<16xf32>
        %get3A_931 = arith.constant 0 : i32
        %get3A_932 = arith.index_cast %get3A_931 : i32 to index
        %get3A_933 = arith.index_cast %add3A_918 : i32 to index
        %get3A_934 = arith.constant 32 : index
        %get3A_935 = tpu.vector_load %arg7[%get3A_932, %get3A_933, %get3A_934] {strides = array<i32>} : memref<4x128x64xf32, #tpu.memory_space<vmem>>, vector<16xf32>,
        %add3A_936 = arith.addf %get3A_935, %get3A_320 : vector<16xf32>
        %get3A_937 = arith.constant 0 : i32
        %get3A_938 = arith.index_cast %get3A_937 : i32 to index
        %get3A_939 = arith.index_cast %add3A_918 : i32 to index
        %get3A_940 = arith.constant 48 : index
        %get3A_941 = tpu.vector_load %arg7[%get3A_938, %get3A_939, %get3A_940] {strides = array<i32>} : memref<4x128x64xf32, #tpu.memory_space<vmem>>, vector<16xf32>,
        %add3A_942 = arith.addf %get3A_941, %get3A_323 : vector<16xf32>
        %add3A_943 = arith.constant 0 : i32
        %add3A_944 = vector.broadcast %add3A_943 : i32 to vector<16xi32>
        %add3A_945 = arith.addi %scan3A_718, %add3A_944 : vector<16xi32>
        %scatter3A = arith.constant 0 : i32
        %scatter3A_946 = arith.constant 0 : i32
        %scatter3A_947 = arith.constant 0 : i32
        %scatter3A_948 = arith.constant 0 : i32
        %scatter3A_949 = tpu.memref_slice %arg8[%scatter3A, %scatter3A_946, %scatter3A_947, %scatter3A_948] : memref<2x8x8x129xf32, #tpu.memory_space<vmem>> -> memref<1x8x8x129xf32, #tpu.memory_space<vmem>>
        %scatter3A_950 = tpu.memref_squeeze %scatter3A_949 : memref<1x8x8x129xf32, #tpu.memory_space<vmem>> -> memref<8x8x129xf32, #tpu.memory_space<vmem>>
        tpu.vector_store_idx %scatter3A_950[%add3A_7, %and3A_4, %add3A_945], %add3A_728 : memref<8x8x129xf32, #tpu.memory_space<vmem>>[vector<16xi32>, vector<16xi32>, vector<16xi32>], vector<16xf32>,
        %add3A_951 = arith.constant 0 : i32
        %add3A_952 = vector.broadcast %add3A_951 : i32 to vector<16xi32>
        %add3A_953 = arith.addi %scan3A_718, %add3A_952 : vector<16xi32>
        %scatter3A_954 = arith.constant 0 : i32
        %scatter3A_955 = arith.constant 0 : i32
        %scatter3A_956 = arith.constant 0 : i32
        %scatter3A_957 = arith.constant 0 : i32
        %scatter3A_958 = tpu.memref_slice %arg8[%scatter3A_954, %scatter3A_955, %scatter3A_956, %scatter3A_957] : memref<2x8x8x129xf32, #tpu.memory_space<vmem>> -> memref<1x8x8x129xf32, #tpu.memory_space<vmem>>
        %scatter3A_959 = tpu.memref_squeeze %scatter3A_958 : memref<1x8x8x129xf32, #tpu.memory_space<vmem>> -> memref<8x8x129xf32, #tpu.memory_space<vmem>>
        tpu.vector_store_idx %scatter3A_959[%add3A_10, %and3A_4, %add3A_953], %add3A_734 : memref<8x8x129xf32, #tpu.memory_space<vmem>>[vector<16xi32>, vector<16xi32>, vector<16xi32>], vector<16xf32>,
        %add3A_960 = arith.constant 0 : i32
        %add3A_961 = vector.broadcast %add3A_960 : i32 to vector<16xi32>
        %add3A_962 = arith.addi %scan3A_718, %add3A_961 : vector<16xi32>
        %scatter3A_963 = arith.constant 0 : i32
        %scatter3A_964 = arith.constant 0 : i32
        %scatter3A_965 = arith.constant 0 : i32
        %scatter3A_966 = arith.constant 0 : i32
        %scatter3A_967 = tpu.memref_slice %arg8[%scatter3A_963, %scatter3A_964, %scatter3A_965, %scatter3A_966] : memref<2x8x8x129xf32, #tpu.memory_space<vmem>> -> memref<1x8x8x129xf32, #tpu.memory_space<vmem>>
        %scatter3A_968 = tpu.memref_squeeze %scatter3A_967 : memref<1x8x8x129xf32, #tpu.memory_space<vmem>> -> memref<8x8x129xf32, #tpu.memory_space<vmem>>
        tpu.vector_store_idx %scatter3A_968[%add3A_13, %and3A_4, %add3A_962], %add3A_740 : memref<8x8x129xf32, #tpu.memory_space<vmem>>[vector<16xi32>, vector<16xi32>, vector<16xi32>], vector<16xf32>,
        %add3A_969 = arith.constant 0 : i32
        %add3A_970 = vector.broadcast %add3A_969 : i32 to vector<16xi32>
        %add3A_971 = arith.addi %scan3A_718, %add3A_970 : vector<16xi32>
        %scatter3A_972 = arith.constant 0 : i32
        %scatter3A_973 = arith.constant 0 : i32
        %scatter3A_974 = arith.constant 0 : i32
        %scatter3A_975 = arith.constant 0 : i32
        %scatter3A_976 = tpu.memref_slice %arg8[%scatter3A_972, %scatter3A_973, %scatter3A_974, %scatter3A_975] : memref<2x8x8x129xf32, #tpu.memory_space<vmem>> -> memref<1x8x8x129xf32, #tpu.memory_space<vmem>>
        %scatter3A_977 = tpu.memref_squeeze %scatter3A_976 : memref<1x8x8x129xf32, #tpu.memory_space<vmem>> -> memref<8x8x129xf32, #tpu.memory_space<vmem>>
        tpu.vector_store_idx %scatter3A_977[%add3A_16, %and3A_4, %add3A_971], %add3A_746 : memref<8x8x129xf32, #tpu.memory_space<vmem>>[vector<16xi32>, vector<16xi32>, vector<16xi32>], vector<16xf32>,
        %add3A_978 = arith.constant 1 : i32
        %add3A_979 = vector.broadcast %add3A_978 : i32 to vector<16xi32>
        %add3A_980 = arith.addi %scan3A_718, %add3A_979 : vector<16xi32>
        %scatter3A_981 = arith.constant 0 : i32
        %scatter3A_982 = arith.constant 0 : i32
        %scatter3A_983 = arith.constant 0 : i32
        %scatter3A_984 = arith.constant 0 : i32
        %scatter3A_985 = tpu.memref_slice %arg8[%scatter3A_981, %scatter3A_982, %scatter3A_983, %scatter3A_984] : memref<2x8x8x129xf32, #tpu.memory_space<vmem>> -> memref<1x8x8x129xf32, #tpu.memory_space<vmem>>
        %scatter3A_986 = tpu.memref_squeeze %scatter3A_985 : memref<1x8x8x129xf32, #tpu.memory_space<vmem>> -> memref<8x8x129xf32, #tpu.memory_space<vmem>>
        tpu.vector_store_idx %scatter3A_986[%add3A_7, %and3A_4, %add3A_980], %add3A_756 : memref<8x8x129xf32, #tpu.memory_space<vmem>>[vector<16xi32>, vector<16xi32>, vector<16xi32>], vector<16xf32>,
        %add3A_987 = arith.constant 1 : i32
        %add3A_988 = vector.broadcast %add3A_987 : i32 to vector<16xi32>
        %add3A_989 = arith.addi %scan3A_718, %add3A_988 : vector<16xi32>
        %scatter3A_990 = arith.constant 0 : i32
        %scatter3A_991 = arith.constant 0 : i32
        %scatter3A_992 = arith.constant 0 : i32
        %scatter3A_993 = arith.constant 0 : i32
        %scatter3A_994 = tpu.memref_slice %arg8[%scatter3A_990, %scatter3A_991, %scatter3A_992, %scatter3A_993] : memref<2x8x8x129xf32, #tpu.memory_space<vmem>> -> memref<1x8x8x129xf32, #tpu.memory_space<vmem>>
        %scatter3A_995 = tpu.memref_squeeze %scatter3A_994 : memref<1x8x8x129xf32, #tpu.memory_space<vmem>> -> memref<8x8x129xf32, #tpu.memory_space<vmem>>
        tpu.vector_store_idx %scatter3A_995[%add3A_10, %and3A_4, %add3A_989], %add3A_762 : memref<8x8x129xf32, #tpu.memory_space<vmem>>[vector<16xi32>, vector<16xi32>, vector<16xi32>], vector<16xf32>,
        %add3A_996 = arith.constant 1 : i32
        %add3A_997 = vector.broadcast %add3A_996 : i32 to vector<16xi32>
        %add3A_998 = arith.addi %scan3A_718, %add3A_997 : vector<16xi32>
        %scatter3A_999 = arith.constant 0 : i32
        %scatter3A_1000 = arith.constant 0 : i32
        %scatter3A_1001 = arith.constant 0 : i32
        %scatter3A_1002 = arith.constant 0 : i32
        %scatter3A_1003 = tpu.memref_slice %arg8[%scatter3A_999, %scatter3A_1000, %scatter3A_1001, %scatter3A_1002] : memref<2x8x8x129xf32, #tpu.memory_space<vmem>> -> memref<1x8x8x129xf32, #tpu.memory_space<vmem>>
        %scatter3A_1004 = tpu.memref_squeeze %scatter3A_1003 : memref<1x8x8x129xf32, #tpu.memory_space<vmem>> -> memref<8x8x129xf32, #tpu.memory_space<vmem>>
        tpu.vector_store_idx %scatter3A_1004[%add3A_13, %and3A_4, %add3A_998], %add3A_768 : memref<8x8x129xf32, #tpu.memory_space<vmem>>[vector<16xi32>, vector<16xi32>, vector<16xi32>], vector<16xf32>,
        %add3A_1005 = arith.constant 1 : i32
        %add3A_1006 = vector.broadcast %add3A_1005 : i32 to vector<16xi32>
        %add3A_1007 = arith.addi %scan3A_718, %add3A_1006 : vector<16xi32>
        %scatter3A_1008 = arith.constant 0 : i32
        %scatter3A_1009 = arith.constant 0 : i32
        %scatter3A_1010 = arith.constant 0 : i32
        %scatter3A_1011 = arith.constant 0 : i32
        %scatter3A_1012 = tpu.memref_slice %arg8[%scatter3A_1008, %scatter3A_1009, %scatter3A_1010, %scatter3A_1011] : memref<2x8x8x129xf32, #tpu.memory_space<vmem>> -> memref<1x8x8x129xf32, #tpu.memory_space<vmem>>
        %scatter3A_1013 = tpu.memref_squeeze %scatter3A_1012 : memref<1x8x8x129xf32, #tpu.memory_space<vmem>> -> memref<8x8x129xf32, #tpu.memory_space<vmem>>
        tpu.vector_store_idx %scatter3A_1013[%add3A_16, %and3A_4, %add3A_1007], %add3A_774 : memref<8x8x129xf32, #tpu.memory_space<vmem>>[vector<16xi32>, vector<16xi32>, vector<16xi32>], vector<16xf32>,
        %add3A_1014 = arith.constant 2 : i32
        %add3A_1015 = vector.broadcast %add3A_1014 : i32 to vector<16xi32>
        %add3A_1016 = arith.addi %scan3A_718, %add3A_1015 : vector<16xi32>
        %scatter3A_1017 = arith.constant 0 : i32
        %scatter3A_1018 = arith.constant 0 : i32
        %scatter3A_1019 = arith.constant 0 : i32
        %scatter3A_1020 = arith.constant 0 : i32
        %scatter3A_1021 = tpu.memref_slice %arg8[%scatter3A_1017, %scatter3A_1018, %scatter3A_1019, %scatter3A_1020] : memref<2x8x8x129xf32, #tpu.memory_space<vmem>> -> memref<1x8x8x129xf32, #tpu.memory_space<vmem>>
        %scatter3A_1022 = tpu.memref_squeeze %scatter3A_1021 : memref<1x8x8x129xf32, #tpu.memory_space<vmem>> -> memref<8x8x129xf32, #tpu.memory_space<vmem>>
        tpu.vector_store_idx %scatter3A_1022[%add3A_7, %and3A_4, %add3A_1016], %add3A_784 : memref<8x8x129xf32, #tpu.memory_space<vmem>>[vector<16xi32>, vector<16xi32>, vector<16xi32>], vector<16xf32>,
        %add3A_1023 = arith.constant 2 : i32
        %add3A_1024 = vector.broadcast %add3A_1023 : i32 to vector<16xi32>
        %add3A_1025 = arith.addi %scan3A_718, %add3A_1024 : vector<16xi32>
        %scatter3A_1026 = arith.constant 0 : i32
        %scatter3A_1027 = arith.constant 0 : i32
        %scatter3A_1028 = arith.constant 0 : i32
        %scatter3A_1029 = arith.constant 0 : i32
        %scatter3A_1030 = tpu.memref_slice %arg8[%scatter3A_1026, %scatter3A_1027, %scatter3A_1028, %scatter3A_1029] : memref<2x8x8x129xf32, #tpu.memory_space<vmem>> -> memref<1x8x8x129xf32, #tpu.memory_space<vmem>>
        %scatter3A_1031 = tpu.memref_squeeze %scatter3A_1030 : memref<1x8x8x129xf32, #tpu.memory_space<vmem>> -> memref<8x8x129xf32, #tpu.memory_space<vmem>>
        tpu.vector_store_idx %scatter3A_1031[%add3A_10, %and3A_4, %add3A_1025], %add3A_790 : memref<8x8x129xf32, #tpu.memory_space<vmem>>[vector<16xi32>, vector<16xi32>, vector<16xi32>], vector<16xf32>,
        %add3A_1032 = arith.constant 2 : i32
        %add3A_1033 = vector.broadcast %add3A_1032 : i32 to vector<16xi32>
        %add3A_1034 = arith.addi %scan3A_718, %add3A_1033 : vector<16xi32>
        %scatter3A_1035 = arith.constant 0 : i32
        %scatter3A_1036 = arith.constant 0 : i32
        %scatter3A_1037 = arith.constant 0 : i32
        %scatter3A_1038 = arith.constant 0 : i32
        %scatter3A_1039 = tpu.memref_slice %arg8[%scatter3A_1035, %scatter3A_1036, %scatter3A_1037, %scatter3A_1038] : memref<2x8x8x129xf32, #tpu.memory_space<vmem>> -> memref<1x8x8x129xf32, #tpu.memory_space<vmem>>
        %scatter3A_1040 = tpu.memref_squeeze %scatter3A_1039 : memref<1x8x8x129xf32, #tpu.memory_space<vmem>> -> memref<8x8x129xf32, #tpu.memory_space<vmem>>
        tpu.vector_store_idx %scatter3A_1040[%add3A_13, %and3A_4, %add3A_1034], %add3A_796 : memref<8x8x129xf32, #tpu.memory_space<vmem>>[vector<16xi32>, vector<16xi32>, vector<16xi32>], vector<16xf32>,
        %add3A_1041 = arith.constant 2 : i32
        %add3A_1042 = vector.broadcast %add3A_1041 : i32 to vector<16xi32>
        %add3A_1043 = arith.addi %scan3A_718, %add3A_1042 : vector<16xi32>
        %scatter3A_1044 = arith.constant 0 : i32
        %scatter3A_1045 = arith.constant 0 : i32
        %scatter3A_1046 = arith.constant 0 : i32
        %scatter3A_1047 = arith.constant 0 : i32
        %scatter3A_1048 = tpu.memref_slice %arg8[%scatter3A_1044, %scatter3A_1045, %scatter3A_1046, %scatter3A_1047] : memref<2x8x8x129xf32, #tpu.memory_space<vmem>> -> memref<1x8x8x129xf32, #tpu.memory_space<vmem>>
        %scatter3A_1049 = tpu.memref_squeeze %scatter3A_1048 : memref<1x8x8x129xf32, #tpu.memory_space<vmem>> -> memref<8x8x129xf32, #tpu.memory_space<vmem>>
        tpu.vector_store_idx %scatter3A_1049[%add3A_16, %and3A_4, %add3A_1043], %add3A_802 : memref<8x8x129xf32, #tpu.memory_space<vmem>>[vector<16xi32>, vector<16xi32>, vector<16xi32>], vector<16xf32>,
        %add3A_1050 = arith.constant 3 : i32
        %add3A_1051 = vector.broadcast %add3A_1050 : i32 to vector<16xi32>
        %add3A_1052 = arith.addi %scan3A_718, %add3A_1051 : vector<16xi32>
        %scatter3A_1053 = arith.constant 0 : i32
        %scatter3A_1054 = arith.constant 0 : i32
        %scatter3A_1055 = arith.constant 0 : i32
        %scatter3A_1056 = arith.constant 0 : i32
        %scatter3A_1057 = tpu.memref_slice %arg8[%scatter3A_1053, %scatter3A_1054, %scatter3A_1055, %scatter3A_1056] : memref<2x8x8x129xf32, #tpu.memory_space<vmem>> -> memref<1x8x8x129xf32, #tpu.memory_space<vmem>>
        %scatter3A_1058 = tpu.memref_squeeze %scatter3A_1057 : memref<1x8x8x129xf32, #tpu.memory_space<vmem>> -> memref<8x8x129xf32, #tpu.memory_space<vmem>>
        tpu.vector_store_idx %scatter3A_1058[%add3A_7, %and3A_4, %add3A_1052], %add3A_812 : memref<8x8x129xf32, #tpu.memory_space<vmem>>[vector<16xi32>, vector<16xi32>, vector<16xi32>], vector<16xf32>,
        %add3A_1059 = arith.constant 3 : i32
        %add3A_1060 = vector.broadcast %add3A_1059 : i32 to vector<16xi32>
        %add3A_1061 = arith.addi %scan3A_718, %add3A_1060 : vector<16xi32>
        %scatter3A_1062 = arith.constant 0 : i32
        %scatter3A_1063 = arith.constant 0 : i32
        %scatter3A_1064 = arith.constant 0 : i32
        %scatter3A_1065 = arith.constant 0 : i32
        %scatter3A_1066 = tpu.memref_slice %arg8[%scatter3A_1062, %scatter3A_1063, %scatter3A_1064, %scatter3A_1065] : memref<2x8x8x129xf32, #tpu.memory_space<vmem>> -> memref<1x8x8x129xf32, #tpu.memory_space<vmem>>
        %scatter3A_1067 = tpu.memref_squeeze %scatter3A_1066 : memref<1x8x8x129xf32, #tpu.memory_space<vmem>> -> memref<8x8x129xf32, #tpu.memory_space<vmem>>
        tpu.vector_store_idx %scatter3A_1067[%add3A_10, %and3A_4, %add3A_1061], %add3A_818 : memref<8x8x129xf32, #tpu.memory_space<vmem>>[vector<16xi32>, vector<16xi32>, vector<16xi32>], vector<16xf32>,
        %add3A_1068 = arith.constant 3 : i32
        %add3A_1069 = vector.broadcast %add3A_1068 : i32 to vector<16xi32>
        %add3A_1070 = arith.addi %scan3A_718, %add3A_1069 : vector<16xi32>
        %scatter3A_1071 = arith.constant 0 : i32
        %scatter3A_1072 = arith.constant 0 : i32
        %scatter3A_1073 = arith.constant 0 : i32
        %scatter3A_1074 = arith.constant 0 : i32
        %scatter3A_1075 = tpu.memref_slice %arg8[%scatter3A_1071, %scatter3A_1072, %scatter3A_1073, %scatter3A_1074] : memref<2x8x8x129xf32, #tpu.memory_space<vmem>> -> memref<1x8x8x129xf32, #tpu.memory_space<vmem>>
        %scatter3A_1076 = tpu.memref_squeeze %scatter3A_1075 : memref<1x8x8x129xf32, #tpu.memory_space<vmem>> -> memref<8x8x129xf32, #tpu.memory_space<vmem>>
        tpu.vector_store_idx %scatter3A_1076[%add3A_13, %and3A_4, %add3A_1070], %add3A_824 : memref<8x8x129xf32, #tpu.memory_space<vmem>>[vector<16xi32>, vector<16xi32>, vector<16xi32>], vector<16xf32>,
        %add3A_1077 = arith.constant 3 : i32
        %add3A_1078 = vector.broadcast %add3A_1077 : i32 to vector<16xi32>
        %add3A_1079 = arith.addi %scan3A_718, %add3A_1078 : vector<16xi32>
        %scatter3A_1080 = arith.constant 0 : i32
        %scatter3A_1081 = arith.constant 0 : i32
        %scatter3A_1082 = arith.constant 0 : i32
        %scatter3A_1083 = arith.constant 0 : i32
        %scatter3A_1084 = tpu.memref_slice %arg8[%scatter3A_1080, %scatter3A_1081, %scatter3A_1082, %scatter3A_1083] : memref<2x8x8x129xf32, #tpu.memory_space<vmem>> -> memref<1x8x8x129xf32, #tpu.memory_space<vmem>>
        %scatter3A_1085 = tpu.memref_squeeze %scatter3A_1084 : memref<1x8x8x129xf32, #tpu.memory_space<vmem>> -> memref<8x8x129xf32, #tpu.memory_space<vmem>>
        tpu.vector_store_idx %scatter3A_1085[%add3A_16, %and3A_4, %add3A_1079], %add3A_830 : memref<8x8x129xf32, #tpu.memory_space<vmem>>[vector<16xi32>, vector<16xi32>, vector<16xi32>], vector<16xf32>,
        %add3A_1086 = arith.constant 4 : i32
        %add3A_1087 = vector.broadcast %add3A_1086 : i32 to vector<16xi32>
        %add3A_1088 = arith.addi %scan3A_718, %add3A_1087 : vector<16xi32>
        %scatter3A_1089 = arith.constant 0 : i32
        %scatter3A_1090 = arith.constant 0 : i32
        %scatter3A_1091 = arith.constant 0 : i32
        %scatter3A_1092 = arith.constant 0 : i32
        %scatter3A_1093 = tpu.memref_slice %arg8[%scatter3A_1089, %scatter3A_1090, %scatter3A_1091, %scatter3A_1092] : memref<2x8x8x129xf32, #tpu.memory_space<vmem>> -> memref<1x8x8x129xf32, #tpu.memory_space<vmem>>
        %scatter3A_1094 = tpu.memref_squeeze %scatter3A_1093 : memref<1x8x8x129xf32, #tpu.memory_space<vmem>> -> memref<8x8x129xf32, #tpu.memory_space<vmem>>
        tpu.vector_store_idx %scatter3A_1094[%add3A_7, %and3A_4, %add3A_1088], %add3A_840 : memref<8x8x129xf32, #tpu.memory_space<vmem>>[vector<16xi32>, vector<16xi32>, vector<16xi32>], vector<16xf32>,
        %add3A_1095 = arith.constant 4 : i32
        %add3A_1096 = vector.broadcast %add3A_1095 : i32 to vector<16xi32>
        %add3A_1097 = arith.addi %scan3A_718, %add3A_1096 : vector<16xi32>
        %scatter3A_1098 = arith.constant 0 : i32
        %scatter3A_1099 = arith.constant 0 : i32
        %scatter3A_1100 = arith.constant 0 : i32
        %scatter3A_1101 = arith.constant 0 : i32
        %scatter3A_1102 = tpu.memref_slice %arg8[%scatter3A_1098, %scatter3A_1099, %scatter3A_1100, %scatter3A_1101] : memref<2x8x8x129xf32, #tpu.memory_space<vmem>> -> memref<1x8x8x129xf32, #tpu.memory_space<vmem>>
        %scatter3A_1103 = tpu.memref_squeeze %scatter3A_1102 : memref<1x8x8x129xf32, #tpu.memory_space<vmem>> -> memref<8x8x129xf32, #tpu.memory_space<vmem>>
        tpu.vector_store_idx %scatter3A_1103[%add3A_10, %and3A_4, %add3A_1097], %add3A_846 : memref<8x8x129xf32, #tpu.memory_space<vmem>>[vector<16xi32>, vector<16xi32>, vector<16xi32>], vector<16xf32>,
        %add3A_1104 = arith.constant 4 : i32
        %add3A_1105 = vector.broadcast %add3A_1104 : i32 to vector<16xi32>
        %add3A_1106 = arith.addi %scan3A_718, %add3A_1105 : vector<16xi32>
        %scatter3A_1107 = arith.constant 0 : i32
        %scatter3A_1108 = arith.constant 0 : i32
        %scatter3A_1109 = arith.constant 0 : i32
        %scatter3A_1110 = arith.constant 0 : i32
        %scatter3A_1111 = tpu.memref_slice %arg8[%scatter3A_1107, %scatter3A_1108, %scatter3A_1109, %scatter3A_1110] : memref<2x8x8x129xf32, #tpu.memory_space<vmem>> -> memref<1x8x8x129xf32, #tpu.memory_space<vmem>>
        %scatter3A_1112 = tpu.memref_squeeze %scatter3A_1111 : memref<1x8x8x129xf32, #tpu.memory_space<vmem>> -> memref<8x8x129xf32, #tpu.memory_space<vmem>>
        tpu.vector_store_idx %scatter3A_1112[%add3A_13, %and3A_4, %add3A_1106], %add3A_852 : memref<8x8x129xf32, #tpu.memory_space<vmem>>[vector<16xi32>, vector<16xi32>, vector<16xi32>], vector<16xf32>,
        %add3A_1113 = arith.constant 4 : i32
        %add3A_1114 = vector.broadcast %add3A_1113 : i32 to vector<16xi32>
        %add3A_1115 = arith.addi %scan3A_718, %add3A_1114 : vector<16xi32>
        %scatter3A_1116 = arith.constant 0 : i32
        %scatter3A_1117 = arith.constant 0 : i32
        %scatter3A_1118 = arith.constant 0 : i32
        %scatter3A_1119 = arith.constant 0 : i32
        %scatter3A_1120 = tpu.memref_slice %arg8[%scatter3A_1116, %scatter3A_1117, %scatter3A_1118, %scatter3A_1119] : memref<2x8x8x129xf32, #tpu.memory_space<vmem>> -> memref<1x8x8x129xf32, #tpu.memory_space<vmem>>
        %scatter3A_1121 = tpu.memref_squeeze %scatter3A_1120 : memref<1x8x8x129xf32, #tpu.memory_space<vmem>> -> memref<8x8x129xf32, #tpu.memory_space<vmem>>
        tpu.vector_store_idx %scatter3A_1121[%add3A_16, %and3A_4, %add3A_1115], %add3A_858 : memref<8x8x129xf32, #tpu.memory_space<vmem>>[vector<16xi32>, vector<16xi32>, vector<16xi32>], vector<16xf32>,
        %add3A_1122 = arith.constant 5 : i32
        %add3A_1123 = vector.broadcast %add3A_1122 : i32 to vector<16xi32>
        %add3A_1124 = arith.addi %scan3A_718, %add3A_1123 : vector<16xi32>
        %scatter3A_1125 = arith.constant 0 : i32
        %scatter3A_1126 = arith.constant 0 : i32
        %scatter3A_1127 = arith.constant 0 : i32
        %scatter3A_1128 = arith.constant 0 : i32
        %scatter3A_1129 = tpu.memref_slice %arg8[%scatter3A_1125, %scatter3A_1126, %scatter3A_1127, %scatter3A_1128] : memref<2x8x8x129xf32, #tpu.memory_space<vmem>> -> memref<1x8x8x129xf32, #tpu.memory_space<vmem>>
        %scatter3A_1130 = tpu.memref_squeeze %scatter3A_1129 : memref<1x8x8x129xf32, #tpu.memory_space<vmem>> -> memref<8x8x129xf32, #tpu.memory_space<vmem>>
        tpu.vector_store_idx %scatter3A_1130[%add3A_7, %and3A_4, %add3A_1124], %add3A_868 : memref<8x8x129xf32, #tpu.memory_space<vmem>>[vector<16xi32>, vector<16xi32>, vector<16xi32>], vector<16xf32>,
        %add3A_1131 = arith.constant 5 : i32
        %add3A_1132 = vector.broadcast %add3A_1131 : i32 to vector<16xi32>
        %add3A_1133 = arith.addi %scan3A_718, %add3A_1132 : vector<16xi32>
        %scatter3A_1134 = arith.constant 0 : i32
        %scatter3A_1135 = arith.constant 0 : i32
        %scatter3A_1136 = arith.constant 0 : i32
        %scatter3A_1137 = arith.constant 0 : i32
        %scatter3A_1138 = tpu.memref_slice %arg8[%scatter3A_1134, %scatter3A_1135, %scatter3A_1136, %scatter3A_1137] : memref<2x8x8x129xf32, #tpu.memory_space<vmem>> -> memref<1x8x8x129xf32, #tpu.memory_space<vmem>>
        %scatter3A_1139 = tpu.memref_squeeze %scatter3A_1138 : memref<1x8x8x129xf32, #tpu.memory_space<vmem>> -> memref<8x8x129xf32, #tpu.memory_space<vmem>>
        tpu.vector_store_idx %scatter3A_1139[%add3A_10, %and3A_4, %add3A_1133], %add3A_874 : memref<8x8x129xf32, #tpu.memory_space<vmem>>[vector<16xi32>, vector<16xi32>, vector<16xi32>], vector<16xf32>,
        %add3A_1140 = arith.constant 5 : i32
        %add3A_1141 = vector.broadcast %add3A_1140 : i32 to vector<16xi32>
        %add3A_1142 = arith.addi %scan3A_718, %add3A_1141 : vector<16xi32>
        %scatter3A_1143 = arith.constant 0 : i32
        %scatter3A_1144 = arith.constant 0 : i32
        %scatter3A_1145 = arith.constant 0 : i32
        %scatter3A_1146 = arith.constant 0 : i32
        %scatter3A_1147 = tpu.memref_slice %arg8[%scatter3A_1143, %scatter3A_1144, %scatter3A_1145, %scatter3A_1146] : memref<2x8x8x129xf32, #tpu.memory_space<vmem>> -> memref<1x8x8x129xf32, #tpu.memory_space<vmem>>
        %scatter3A_1148 = tpu.memref_squeeze %scatter3A_1147 : memref<1x8x8x129xf32, #tpu.memory_space<vmem>> -> memref<8x8x129xf32, #tpu.memory_space<vmem>>
        tpu.vector_store_idx %scatter3A_1148[%add3A_13, %and3A_4, %add3A_1142], %add3A_880 : memref<8x8x129xf32, #tpu.memory_space<vmem>>[vector<16xi32>, vector<16xi32>, vector<16xi32>], vector<16xf32>,
        %add3A_1149 = arith.constant 5 : i32
        %add3A_1150 = vector.broadcast %add3A_1149 : i32 to vector<16xi32>
        %add3A_1151 = arith.addi %scan3A_718, %add3A_1150 : vector<16xi32>
        %scatter3A_1152 = arith.constant 0 : i32
        %scatter3A_1153 = arith.constant 0 : i32
        %scatter3A_1154 = arith.constant 0 : i32
        %scatter3A_1155 = arith.constant 0 : i32
        %scatter3A_1156 = tpu.memref_slice %arg8[%scatter3A_1152, %scatter3A_1153, %scatter3A_1154, %scatter3A_1155] : memref<2x8x8x129xf32, #tpu.memory_space<vmem>> -> memref<1x8x8x129xf32, #tpu.memory_space<vmem>>
        %scatter3A_1157 = tpu.memref_squeeze %scatter3A_1156 : memref<1x8x8x129xf32, #tpu.memory_space<vmem>> -> memref<8x8x129xf32, #tpu.memory_space<vmem>>
        tpu.vector_store_idx %scatter3A_1157[%add3A_16, %and3A_4, %add3A_1151], %add3A_886 : memref<8x8x129xf32, #tpu.memory_space<vmem>>[vector<16xi32>, vector<16xi32>, vector<16xi32>], vector<16xf32>,
        %add3A_1158 = arith.constant 6 : i32
        %add3A_1159 = vector.broadcast %add3A_1158 : i32 to vector<16xi32>
        %add3A_1160 = arith.addi %scan3A_718, %add3A_1159 : vector<16xi32>
        %scatter3A_1161 = arith.constant 0 : i32
        %scatter3A_1162 = arith.constant 0 : i32
        %scatter3A_1163 = arith.constant 0 : i32
        %scatter3A_1164 = arith.constant 0 : i32
        %scatter3A_1165 = tpu.memref_slice %arg8[%scatter3A_1161, %scatter3A_1162, %scatter3A_1163, %scatter3A_1164] : memref<2x8x8x129xf32, #tpu.memory_space<vmem>> -> memref<1x8x8x129xf32, #tpu.memory_space<vmem>>
        %scatter3A_1166 = tpu.memref_squeeze %scatter3A_1165 : memref<1x8x8x129xf32, #tpu.memory_space<vmem>> -> memref<8x8x129xf32, #tpu.memory_space<vmem>>
        tpu.vector_store_idx %scatter3A_1166[%add3A_7, %and3A_4, %add3A_1160], %add3A_896 : memref<8x8x129xf32, #tpu.memory_space<vmem>>[vector<16xi32>, vector<16xi32>, vector<16xi32>], vector<16xf32>,
        %add3A_1167 = arith.constant 6 : i32
        %add3A_1168 = vector.broadcast %add3A_1167 : i32 to vector<16xi32>
        %add3A_1169 = arith.addi %scan3A_718, %add3A_1168 : vector<16xi32>
        %scatter3A_1170 = arith.constant 0 : i32
        %scatter3A_1171 = arith.constant 0 : i32
        %scatter3A_1172 = arith.constant 0 : i32
        %scatter3A_1173 = arith.constant 0 : i32
        %scatter3A_1174 = tpu.memref_slice %arg8[%scatter3A_1170, %scatter3A_1171, %scatter3A_1172, %scatter3A_1173] : memref<2x8x8x129xf32, #tpu.memory_space<vmem>> -> memref<1x8x8x129xf32, #tpu.memory_space<vmem>>
        %scatter3A_1175 = tpu.memref_squeeze %scatter3A_1174 : memref<1x8x8x129xf32, #tpu.memory_space<vmem>> -> memref<8x8x129xf32, #tpu.memory_space<vmem>>
        tpu.vector_store_idx %scatter3A_1175[%add3A_10, %and3A_4, %add3A_1169], %add3A_902 : memref<8x8x129xf32, #tpu.memory_space<vmem>>[vector<16xi32>, vector<16xi32>, vector<16xi32>], vector<16xf32>,
        %add3A_1176 = arith.constant 6 : i32
        %add3A_1177 = vector.broadcast %add3A_1176 : i32 to vector<16xi32>
        %add3A_1178 = arith.addi %scan3A_718, %add3A_1177 : vector<16xi32>
        %scatter3A_1179 = arith.constant 0 : i32
        %scatter3A_1180 = arith.constant 0 : i32
        %scatter3A_1181 = arith.constant 0 : i32
        %scatter3A_1182 = arith.constant 0 : i32
        %scatter3A_1183 = tpu.memref_slice %arg8[%scatter3A_1179, %scatter3A_1180, %scatter3A_1181, %scatter3A_1182] : memref<2x8x8x129xf32, #tpu.memory_space<vmem>> -> memref<1x8x8x129xf32, #tpu.memory_space<vmem>>
        %scatter3A_1184 = tpu.memref_squeeze %scatter3A_1183 : memref<1x8x8x129xf32, #tpu.memory_space<vmem>> -> memref<8x8x129xf32, #tpu.memory_space<vmem>>
        tpu.vector_store_idx %scatter3A_1184[%add3A_13, %and3A_4, %add3A_1178], %add3A_908 : memref<8x8x129xf32, #tpu.memory_space<vmem>>[vector<16xi32>, vector<16xi32>, vector<16xi32>], vector<16xf32>,
        %add3A_1185 = arith.constant 6 : i32
        %add3A_1186 = vector.broadcast %add3A_1185 : i32 to vector<16xi32>
        %add3A_1187 = arith.addi %scan3A_718, %add3A_1186 : vector<16xi32>
        %scatter3A_1188 = arith.constant 0 : i32
        %scatter3A_1189 = arith.constant 0 : i32
        %scatter3A_1190 = arith.constant 0 : i32
        %scatter3A_1191 = arith.constant 0 : i32
        %scatter3A_1192 = tpu.memref_slice %arg8[%scatter3A_1188, %scatter3A_1189, %scatter3A_1190, %scatter3A_1191] : memref<2x8x8x129xf32, #tpu.memory_space<vmem>> -> memref<1x8x8x129xf32, #tpu.memory_space<vmem>>
        %scatter3A_1193 = tpu.memref_squeeze %scatter3A_1192 : memref<1x8x8x129xf32, #tpu.memory_space<vmem>> -> memref<8x8x129xf32, #tpu.memory_space<vmem>>
        tpu.vector_store_idx %scatter3A_1193[%add3A_16, %and3A_4, %add3A_1187], %add3A_914 : memref<8x8x129xf32, #tpu.memory_space<vmem>>[vector<16xi32>, vector<16xi32>, vector<16xi32>], vector<16xf32>,
        %add3A_1194 = arith.constant 7 : i32
        %add3A_1195 = vector.broadcast %add3A_1194 : i32 to vector<16xi32>
        %add3A_1196 = arith.addi %scan3A_718, %add3A_1195 : vector<16xi32>
        %scatter3A_1197 = arith.constant 0 : i32
        %scatter3A_1198 = arith.constant 0 : i32
        %scatter3A_1199 = arith.constant 0 : i32
        %scatter3A_1200 = arith.constant 0 : i32
        %scatter3A_1201 = tpu.memref_slice %arg8[%scatter3A_1197, %scatter3A_1198, %scatter3A_1199, %scatter3A_1200] : memref<2x8x8x129xf32, #tpu.memory_space<vmem>> -> memref<1x8x8x129xf32, #tpu.memory_space<vmem>>
        %scatter3A_1202 = tpu.memref_squeeze %scatter3A_1201 : memref<1x8x8x129xf32, #tpu.memory_space<vmem>> -> memref<8x8x129xf32, #tpu.memory_space<vmem>>
        tpu.vector_store_idx %scatter3A_1202[%add3A_7, %and3A_4, %add3A_1196], %add3A_924 : memref<8x8x129xf32, #tpu.memory_space<vmem>>[vector<16xi32>, vector<16xi32>, vector<16xi32>], vector<16xf32>,
        %add3A_1203 = arith.constant 7 : i32
        %add3A_1204 = vector.broadcast %add3A_1203 : i32 to vector<16xi32>
        %add3A_1205 = arith.addi %scan3A_718, %add3A_1204 : vector<16xi32>
        %scatter3A_1206 = arith.constant 0 : i32
        %scatter3A_1207 = arith.constant 0 : i32
        %scatter3A_1208 = arith.constant 0 : i32
        %scatter3A_1209 = arith.constant 0 : i32
        %scatter3A_1210 = tpu.memref_slice %arg8[%scatter3A_1206, %scatter3A_1207, %scatter3A_1208, %scatter3A_1209] : memref<2x8x8x129xf32, #tpu.memory_space<vmem>> -> memref<1x8x8x129xf32, #tpu.memory_space<vmem>>
        %scatter3A_1211 = tpu.memref_squeeze %scatter3A_1210 : memref<1x8x8x129xf32, #tpu.memory_space<vmem>> -> memref<8x8x129xf32, #tpu.memory_space<vmem>>
        tpu.vector_store_idx %scatter3A_1211[%add3A_10, %and3A_4, %add3A_1205], %add3A_930 : memref<8x8x129xf32, #tpu.memory_space<vmem>>[vector<16xi32>, vector<16xi32>, vector<16xi32>], vector<16xf32>,
        %add3A_1212 = arith.constant 7 : i32
        %add3A_1213 = vector.broadcast %add3A_1212 : i32 to vector<16xi32>
        %add3A_1214 = arith.addi %scan3A_718, %add3A_1213 : vector<16xi32>
        %scatter3A_1215 = arith.constant 0 : i32
        %scatter3A_1216 = arith.constant 0 : i32
        %scatter3A_1217 = arith.constant 0 : i32
        %scatter3A_1218 = arith.constant 0 : i32
        %scatter3A_1219 = tpu.memref_slice %arg8[%scatter3A_1215, %scatter3A_1216, %scatter3A_1217, %scatter3A_1218] : memref<2x8x8x129xf32, #tpu.memory_space<vmem>> -> memref<1x8x8x129xf32, #tpu.memory_space<vmem>>
        %scatter3A_1220 = tpu.memref_squeeze %scatter3A_1219 : memref<1x8x8x129xf32, #tpu.memory_space<vmem>> -> memref<8x8x129xf32, #tpu.memory_space<vmem>>
        tpu.vector_store_idx %scatter3A_1220[%add3A_13, %and3A_4, %add3A_1214], %add3A_936 : memref<8x8x129xf32, #tpu.memory_space<vmem>>[vector<16xi32>, vector<16xi32>, vector<16xi32>], vector<16xf32>,
        %add3A_1221 = arith.constant 7 : i32
        %add3A_1222 = vector.broadcast %add3A_1221 : i32 to vector<16xi32>
        %add3A_1223 = arith.addi %scan3A_718, %add3A_1222 : vector<16xi32>
        %scatter3A_1224 = arith.constant 0 : i32
        %scatter3A_1225 = arith.constant 0 : i32
        %scatter3A_1226 = arith.constant 0 : i32
        %scatter3A_1227 = arith.constant 0 : i32
        %scatter3A_1228 = tpu.memref_slice %arg8[%scatter3A_1224, %scatter3A_1225, %scatter3A_1226, %scatter3A_1227] : memref<2x8x8x129xf32, #tpu.memory_space<vmem>> -> memref<1x8x8x129xf32, #tpu.memory_space<vmem>>
        %scatter3A_1229 = tpu.memref_squeeze %scatter3A_1228 : memref<1x8x8x129xf32, #tpu.memory_space<vmem>> -> memref<8x8x129xf32, #tpu.memory_space<vmem>>
        tpu.vector_store_idx %scatter3A_1229[%add3A_16, %and3A_4, %add3A_1223], %add3A_942 : memref<8x8x129xf32, #tpu.memory_space<vmem>>[vector<16xi32>, vector<16xi32>, vector<16xi32>], vector<16xf32>,
        %add3A_1230 = arith.constant 8 : i32
        %add3A_1231 = vector.broadcast %add3A_1230 : i32 to vector<16xi32>
        %add3A_1232 = arith.addi %scan3A_718, %add3A_1231 : vector<16xi32>
        scf.yield %add3A_1232 : vector<16xi32>
      }
      %scan3A_332 = arith.constant 16 : i32
      %dma_start3A_333 = arith.constant 0 : i32
      %dma_start3A_334 = arith.constant 0 : i32
      %dma_start3A_335 = arith.constant 0 : i32
      %dma_start3A_336 = arith.constant 0 : i32
      %dma_start3A_337 = tpu.memref_slice %arg8[%dma_start3A_333, %dma_start3A_334, %dma_start3A_335, %dma_start3A_336] : memref<2x8x8x129xf32, #tpu.memory_space<vmem>> -> memref<1x8x8x128xf32, #tpu.memory_space<vmem>>
      %dma_start3A_338 = tpu.memref_squeeze %dma_start3A_337 : memref<1x8x8x128xf32, #tpu.memory_space<vmem>> -> memref<8x8x128xf32, #tpu.memory_space<vmem>>
      %dma_start3A_339 = arith.constant 0 : i32
      %dma_start3A_340 = arith.constant 0 : i32
      %dma_start3A_341 = arith.constant 0 : i32
      %dma_start3A_342 = tpu.memref_slice %arg5[%add3A_241, %dma_start3A_339, %add3A, %dma_start3A_340, %dma_start3A_341] : memref<200x8x32x8x128xf32, #tpu.memory_space<hbm>> -> memref<1x8x1x8x128xf32, #tpu.memory_space<hbm>>
      %dma_start3A_343 = tpu.memref_squeeze %dma_start3A_342 : memref<1x8x1x8x128xf32, #tpu.memory_space<hbm>> -> memref<8x8x128xf32, #tpu.memory_space<hbm>>
      %dma_start3A_344 = arith.constant 0 : i32
      %dma_start3A_345 = arith.constant 0 : i32
      %dma_start3A_346 = arith.constant 0 : i32
      %dma_start3A_347 = tpu.memref_slice %arg5[%add3A_241, %dma_start3A_344, %add3A, %dma_start3A_345, %dma_start3A_346] : memref<200x8x32x8x128xf32, #tpu.memory_space<hbm>> -> memref<1x8x1x8x128xf32, #tpu.memory_space<hbm>>
      %dma_start3A_348 = tpu.memref_squeeze %dma_start3A_347 : memref<1x8x1x8x128xf32, #tpu.memory_space<hbm>> -> memref<8x8x128xf32, #tpu.memory_space<hbm>>
      %dma_start3A_349 = arith.constant 0 : i32
      %dma_start3A_350 = arith.constant 0 : i32
      %dma_start3A_351 = arith.constant 0 : i32
      %dma_start3A_352 = tpu.memref_slice %arg8[%dma_start3A_333, %dma_start3A_349, %dma_start3A_350, %dma_start3A_351] : memref<2x8x8x129xf32, #tpu.memory_space<vmem>> -> memref<1x8x8x128xf32, #tpu.memory_space<vmem>>
      %dma_start3A_353 = tpu.memref_squeeze %dma_start3A_352 : memref<1x8x8x128xf32, #tpu.memory_space<vmem>> -> memref<8x8x128xf32, #tpu.memory_space<vmem>>
      tpu.enqueue_dma source(%dma_start3A_353 : memref<8x8x128xf32, #tpu.memory_space<vmem>>) target(%dma_start3A_348 : memref<8x8x128xf32, #tpu.memory_space<hbm>>) target_semaphore(%arg18 : memref<!tpu.dma_semaphore, #tpu.memory_space<semaphore_mem>>)
      %mul3A_354 = arith.constant 4 : i32
      %mul3A_355 = arith.muli %scan3A_237, %mul3A_354 : i32
      %add3A_356 = arith.constant 1 : i32
      %add3A_357 = arith.addi %mul3A_355, %add3A_356 : i32
      %dma_wait3A_358 = arith.constant 1 : i32
      %dma_wait3A_359 = arith.constant 1 : i32
      %dma_wait3A_360 = arith.constant 0 : i32
      %dma_wait3A_361 = arith.constant 0 : i32
      %dma_wait3A_362 = tpu.memref_slice %arg7[%dma_wait3A_359, %dma_wait3A_360, %dma_wait3A_361] : memref<4x128x64xf32, #tpu.memory_space<vmem>> -> memref<1x32x64xf32, #tpu.memory_space<vmem>>
      %dma_wait3A_363 = tpu.memref_squeeze %dma_wait3A_362 : memref<1x32x64xf32, #tpu.memory_space<vmem>> -> memref<32x64xf32, #tpu.memory_space<vmem>>
      %dma_wait3A_364 = arith.constant 0 : i32
      %dma_wait3A_365 = tpu.memref_slice %arg6[%dma_wait3A_358, %dma_wait3A_364] : memref<4x128xi32, #tpu.memory_space<vmem>> -> memref<1x128xi32, #tpu.memory_space<vmem>>
      %dma_wait3A_366 = tpu.memref_squeeze %dma_wait3A_365 : memref<1x128xi32, #tpu.memory_space<vmem>> -> memref<128xi32, #tpu.memory_space<vmem>>
      %dma_wait3A_367 = arith.constant 0 : i32
      %dma_wait3A_368 = tpu.memref_slice %dma_wait3A_366[%dma_wait3A_367] : memref<128xi32, #tpu.memory_space<vmem>> -> memref<32xi32, #tpu.memory_space<vmem>>
      %dma_wait3A_369 = arith.constant 0 : i32
      %dma_wait3A_370 = arith.constant 0 : i32
      %dma_wait3A_371 = tpu.memref_slice %arg3[%dma_wait3A_369, %dma_wait3A_370] : memref<1000000x64xf32, #tpu.memory_space<hbm>> -> memref<1000000x64xf32, #tpu.memory_space<hbm>>
      tpu.wait_indirect_dma semaphore(%arg15 : memref<!tpu.dma_semaphore, #tpu.memory_space<semaphore_mem>>) src(%dma_wait3A_371 : memref<1000000x64xf32, #tpu.memory_space<hbm>>) dst(%dma_wait3A_363 : memref<32x64xf32, #tpu.memory_space<vmem>>)
      %dma_wait3A_372 = arith.constant 1 : i32
      %dma_wait3A_373 = arith.constant 1 : i32
      %dma_wait3A_374 = arith.constant 32 : i32
      %dma_wait3A_375 = arith.constant 0 : i32
      %dma_wait3A_376 = tpu.memref_slice %arg7[%dma_wait3A_373, %dma_wait3A_374, %dma_wait3A_375] : memref<4x128x64xf32, #tpu.memory_space<vmem>> -> memref<1x32x64xf32, #tpu.memory_space<vmem>>
      %dma_wait3A_377 = tpu.memref_squeeze %dma_wait3A_376 : memref<1x32x64xf32, #tpu.memory_space<vmem>> -> memref<32x64xf32, #tpu.memory_space<vmem>>
      %dma_wait3A_378 = arith.constant 0 : i32
      %dma_wait3A_379 = tpu.memref_slice %arg6[%dma_wait3A_372, %dma_wait3A_378] : memref<4x128xi32, #tpu.memory_space<vmem>> -> memref<1x128xi32, #tpu.memory_space<vmem>>
      %dma_wait3A_380 = tpu.memref_squeeze %dma_wait3A_379 : memref<1x128xi32, #tpu.memory_space<vmem>> -> memref<128xi32, #tpu.memory_space<vmem>>
      %dma_wait3A_381 = arith.constant 32 : i32
      %dma_wait3A_382 = tpu.memref_slice %dma_wait3A_380[%dma_wait3A_381] : memref<128xi32, #tpu.memory_space<vmem>> -> memref<32xi32, #tpu.memory_space<vmem>>
      %dma_wait3A_383 = arith.constant 0 : i32
      %dma_wait3A_384 = arith.constant 0 : i32
      %dma_wait3A_385 = tpu.memref_slice %arg3[%dma_wait3A_383, %dma_wait3A_384] : memref<1000000x64xf32, #tpu.memory_space<hbm>> -> memref<1000000x64xf32, #tpu.memory_space<hbm>>
      tpu.wait_indirect_dma semaphore(%arg15 : memref<!tpu.dma_semaphore, #tpu.memory_space<semaphore_mem>>) src(%dma_wait3A_385 : memref<1000000x64xf32, #tpu.memory_space<hbm>>) dst(%dma_wait3A_377 : memref<32x64xf32, #tpu.memory_space<vmem>>)
      %dma_wait3A_386 = arith.constant 1 : i32
      %dma_wait3A_387 = arith.constant 1 : i32
      %dma_wait3A_388 = arith.constant 64 : i32
      %dma_wait3A_389 = arith.constant 0 : i32
      %dma_wait3A_390 = tpu.memref_slice %arg7[%dma_wait3A_387, %dma_wait3A_388, %dma_wait3A_389] : memref<4x128x64xf32, #tpu.memory_space<vmem>> -> memref<1x32x64xf32, #tpu.memory_space<vmem>>
      %dma_wait3A_391 = tpu.memref_squeeze %dma_wait3A_390 : memref<1x32x64xf32, #tpu.memory_space<vmem>> -> memref<32x64xf32, #tpu.memory_space<vmem>>
      %dma_wait3A_392 = arith.constant 0 : i32
      %dma_wait3A_393 = tpu.memref_slice %arg6[%dma_wait3A_386, %dma_wait3A_392] : memref<4x128xi32, #tpu.memory_space<vmem>> -> memref<1x128xi32, #tpu.memory_space<vmem>>
      %dma_wait3A_394 = tpu.memref_squeeze %dma_wait3A_393 : memref<1x128xi32, #tpu.memory_space<vmem>> -> memref<128xi32, #tpu.memory_space<vmem>>
      %dma_wait3A_395 = arith.constant 64 : i32
      %dma_wait3A_396 = tpu.memref_slice %dma_wait3A_394[%dma_wait3A_395] : memref<128xi32, #tpu.memory_space<vmem>> -> memref<32xi32, #tpu.memory_space<vmem>>
      %dma_wait3A_397 = arith.constant 0 : i32
      %dma_wait3A_398 = arith.constant 0 : i32
      %dma_wait3A_399 = tpu.memref_slice %arg3[%dma_wait3A_397, %dma_wait3A_398] : memref<1000000x64xf32, #tpu.memory_space<hbm>> -> memref<1000000x64xf32, #tpu.memory_space<hbm>>
      tpu.wait_indirect_dma semaphore(%arg15 : memref<!tpu.dma_semaphore, #tpu.memory_space<semaphore_mem>>) src(%dma_wait3A_399 : memref<1000000x64xf32, #tpu.memory_space<hbm>>) dst(%dma_wait3A_391 : memref<32x64xf32, #tpu.memory_space<vmem>>)
      %dma_wait3A_400 = arith.constant 1 : i32
      %dma_wait3A_401 = arith.constant 1 : i32
      %dma_wait3A_402 = arith.constant 96 : i32
      %dma_wait3A_403 = arith.constant 0 : i32
      %dma_wait3A_404 = tpu.memref_slice %arg7[%dma_wait3A_401, %dma_wait3A_402, %dma_wait3A_403] : memref<4x128x64xf32, #tpu.memory_space<vmem>> -> memref<1x32x64xf32, #tpu.memory_space<vmem>>
      %dma_wait3A_405 = tpu.memref_squeeze %dma_wait3A_404 : memref<1x32x64xf32, #tpu.memory_space<vmem>> -> memref<32x64xf32, #tpu.memory_space<vmem>>
      %dma_wait3A_406 = arith.constant 0 : i32
      %dma_wait3A_407 = tpu.memref_slice %arg6[%dma_wait3A_400, %dma_wait3A_406] : memref<4x128xi32, #tpu.memory_space<vmem>> -> memref<1x128xi32, #tpu.memory_space<vmem>>
      %dma_wait3A_408 = tpu.memref_squeeze %dma_wait3A_407 : memref<1x128xi32, #tpu.memory_space<vmem>> -> memref<128xi32, #tpu.memory_space<vmem>>
      %dma_wait3A_409 = arith.constant 96 : i32
      %dma_wait3A_410 = tpu.memref_slice %dma_wait3A_408[%dma_wait3A_409] : memref<128xi32, #tpu.memory_space<vmem>> -> memref<32xi32, #tpu.memory_space<vmem>>
      %dma_wait3A_411 = arith.constant 0 : i32
      %dma_wait3A_412 = arith.constant 0 : i32
      %dma_wait3A_413 = tpu.memref_slice %arg3[%dma_wait3A_411, %dma_wait3A_412] : memref<1000000x64xf32, #tpu.memory_space<hbm>> -> memref<1000000x64xf32, #tpu.memory_space<hbm>>
      tpu.wait_indirect_dma semaphore(%arg15 : memref<!tpu.dma_semaphore, #tpu.memory_space<semaphore_mem>>) src(%dma_wait3A_413 : memref<1000000x64xf32, #tpu.memory_space<hbm>>) dst(%dma_wait3A_405 : memref<32x64xf32, #tpu.memory_space<vmem>>)
      %add3A_414 = arith.constant 4 : i32
      %add3A_415 = arith.addi %add3A_357, %add3A_414 : i32
      %lt3A_416 = arith.constant 200 : i32
      %lt3A_417 = arith.cmpi slt, %add3A_415, %lt3A_416 : i32
      %convert_element_type3A_418 = arith.extui %lt3A_417 : i1 to i32
      %cond3A_419 = arith.constant 0 : i32
      %cond3A_420 = arith.cmpi ne, %convert_element_type3A_418, %cond3A_419 : i32
      scf.if %cond3A_420 {
        %add3A_717 = arith.constant 4 : i32
        %add3A_718 = arith.addi %add3A_357, %add3A_717 : i32
        %mul3A_719 = arith.constant 4096 : i32
        %mul3A_720 = arith.muli %add3A_718, %mul3A_719 : i32
        %mul3A_721 = arith.constant 128 : i32
        %mul3A_722 = arith.muli %add3A, %mul3A_721 : i32
        %add3A_723 = arith.addi %mul3A_720, %mul3A_722 : i32
        %multiple_of3A_724 = tpu.assume_multiple %add3A_723, 128 : i32
        %dma_start3A_725 = arith.constant 1 : i32
        %dma_start3A_726 = arith.constant 0 : i32
        %dma_start3A_727 = tpu.memref_slice %arg6[%dma_start3A_725, %dma_start3A_726] : memref<4x128xi32, #tpu.memory_space<vmem>> -> memref<1x128xi32, #tpu.memory_space<vmem>>
        %dma_start3A_728 = tpu.memref_squeeze %dma_start3A_727 : memref<1x128xi32, #tpu.memory_space<vmem>> -> memref<128xi32, #tpu.memory_space<vmem>>
        %dma_start3A_729 = tpu.memref_slice %arg2[%multiple_of3A_724] : memref<819200xi32, #tpu.memory_space<hbm>> -> memref<128xi32, #tpu.memory_space<hbm>>
        %dma_start3A_730 = arith.constant 0 : i32
        %dma_start3A_731 = tpu.memref_slice %arg6[%dma_start3A_725, %dma_start3A_730] : memref<4x128xi32, #tpu.memory_space<vmem>> -> memref<1x128xi32, #tpu.memory_space<vmem>>
        %dma_start3A_732 = tpu.memref_squeeze %dma_start3A_731 : memref<1x128xi32, #tpu.memory_space<vmem>> -> memref<128xi32, #tpu.memory_space<vmem>>
        %dma_start3A_733 = tpu.memref_slice %arg2[%multiple_of3A_724] : memref<819200xi32, #tpu.memory_space<hbm>> -> memref<128xi32, #tpu.memory_space<hbm>>
        tpu.enqueue_dma source(%dma_start3A_733 : memref<128xi32, #tpu.memory_space<hbm>>) target(%dma_start3A_732 : memref<128xi32, #tpu.memory_space<vmem>>) target_semaphore(%arg11 : memref<!tpu.dma_semaphore, #tpu.memory_space<semaphore_mem>>)
      } else {
      }
      %ge3A_421 = arith.constant 1 : i32
      %ge3A_422 = arith.cmpi sge, %add3A_357, %ge3A_421 : i32
      %convert_element_type3A_423 = arith.extui %ge3A_422 : i1 to i32
      %cond3A_424 = arith.constant 0 : i32
      %cond3A_425 = arith.cmpi ne, %convert_element_type3A_423, %cond3A_424 : i32
      scf.if %cond3A_425 {
        %sub3A = arith.constant 1 : i32
        %sub3A_717 = arith.subi %add3A_357, %sub3A : i32
        %dma_wait3A_718 = arith.constant 0 : i32
        %dma_wait3A_719 = arith.constant 0 : i32
        %dma_wait3A_720 = arith.constant 0 : i32
        %dma_wait3A_721 = arith.constant 0 : i32
        %dma_wait3A_722 = tpu.memref_slice %arg8[%dma_wait3A_718, %dma_wait3A_719, %dma_wait3A_720, %dma_wait3A_721] : memref<2x8x8x129xf32, #tpu.memory_space<vmem>> -> memref<1x8x8x128xf32, #tpu.memory_space<vmem>>
        %dma_wait3A_723 = tpu.memref_squeeze %dma_wait3A_722 : memref<1x8x8x128xf32, #tpu.memory_space<vmem>> -> memref<8x8x128xf32, #tpu.memory_space<vmem>>
        %dma_wait3A_724 = arith.constant 0 : i32
        %dma_wait3A_725 = arith.constant 0 : i32
        %dma_wait3A_726 = arith.constant 0 : i32
        %dma_wait3A_727 = tpu.memref_slice %arg5[%sub3A_717, %dma_wait3A_724, %add3A, %dma_wait3A_725, %dma_wait3A_726] : memref<200x8x32x8x128xf32, #tpu.memory_space<hbm>> -> memref<1x8x1x8x128xf32, #tpu.memory_space<hbm>>
        %dma_wait3A_728 = tpu.memref_squeeze %dma_wait3A_727 : memref<1x8x1x8x128xf32, #tpu.memory_space<hbm>> -> memref<8x8x128xf32, #tpu.memory_space<hbm>>
        %dma_wait3A_729 = arith.constant 0 : i32
        %dma_wait3A_730 = arith.constant 0 : i32
        %dma_wait3A_731 = arith.constant 0 : i32
        %dma_wait3A_732 = tpu.memref_slice %arg5[%sub3A_717, %dma_wait3A_729, %add3A, %dma_wait3A_730, %dma_wait3A_731] : memref<200x8x32x8x128xf32, #tpu.memory_space<hbm>> -> memref<1x8x1x8x128xf32, #tpu.memory_space<hbm>>
        %dma_wait3A_733 = tpu.memref_squeeze %dma_wait3A_732 : memref<1x8x1x8x128xf32, #tpu.memory_space<hbm>> -> memref<8x8x128xf32, #tpu.memory_space<hbm>>
        %dma_wait3A_734 = arith.constant 0 : i32
        %dma_wait3A_735 = arith.constant 0 : i32
        %dma_wait3A_736 = arith.constant 0 : i32
        %dma_wait3A_737 = tpu.memref_slice %arg8[%dma_wait3A_718, %dma_wait3A_734, %dma_wait3A_735, %dma_wait3A_736] : memref<2x8x8x129xf32, #tpu.memory_space<vmem>> -> memref<1x8x8x128xf32, #tpu.memory_space<vmem>>
        %dma_wait3A_738 = tpu.memref_squeeze %dma_wait3A_737 : memref<1x8x8x128xf32, #tpu.memory_space<vmem>> -> memref<8x8x128xf32, #tpu.memory_space<vmem>>
        tpu.wait_dma2 semaphore(%arg18 : memref<!tpu.dma_semaphore, #tpu.memory_space<semaphore_mem>>) src(%dma_wait3A_738 : memref<8x8x128xf32, #tpu.memory_space<vmem>>) dst(%dma_wait3A_733 : memref<8x8x128xf32, #tpu.memory_space<hbm>>)
      } else {
      }
      %add3A_426 = arith.constant 2 : i32
      %add3A_427 = arith.addi %add3A_357, %add3A_426 : i32
      %lt3A_428 = arith.constant 200 : i32
      %lt3A_429 = arith.cmpi slt, %add3A_427, %lt3A_428 : i32
      %convert_element_type3A_430 = arith.extui %lt3A_429 : i1 to i32
      %cond3A_431 = arith.constant 0 : i32
      %cond3A_432 = arith.cmpi ne, %convert_element_type3A_430, %cond3A_431 : i32
      scf.if %cond3A_432 {
        %add3A_717 = arith.constant 2 : i32
        %add3A_718 = arith.addi %add3A_357, %add3A_717 : i32
        %mul3A_719 = arith.constant 4096 : i32
        %mul3A_720 = arith.muli %add3A_718, %mul3A_719 : i32
        %mul3A_721 = arith.constant 128 : i32
        %mul3A_722 = arith.muli %add3A, %mul3A_721 : i32
        %add3A_723 = arith.addi %mul3A_720, %mul3A_722 : i32
        %multiple_of3A_724 = tpu.assume_multiple %add3A_723, 128 : i32
        %dma_wait3A_725 = arith.constant 3 : i32
        %dma_wait3A_726 = arith.constant 0 : i32
        %dma_wait3A_727 = tpu.memref_slice %arg6[%dma_wait3A_725, %dma_wait3A_726] : memref<4x128xi32, #tpu.memory_space<vmem>> -> memref<1x128xi32, #tpu.memory_space<vmem>>
        %dma_wait3A_728 = tpu.memref_squeeze %dma_wait3A_727 : memref<1x128xi32, #tpu.memory_space<vmem>> -> memref<128xi32, #tpu.memory_space<vmem>>
        %dma_wait3A_729 = tpu.memref_slice %arg2[%multiple_of3A_724] : memref<819200xi32, #tpu.memory_space<hbm>> -> memref<128xi32, #tpu.memory_space<hbm>>
        %dma_wait3A_730 = arith.constant 0 : i32
        %dma_wait3A_731 = tpu.memref_slice %arg6[%dma_wait3A_725, %dma_wait3A_730] : memref<4x128xi32, #tpu.memory_space<vmem>> -> memref<1x128xi32, #tpu.memory_space<vmem>>
        %dma_wait3A_732 = tpu.memref_squeeze %dma_wait3A_731 : memref<1x128xi32, #tpu.memory_space<vmem>> -> memref<128xi32, #tpu.memory_space<vmem>>
        %dma_wait3A_733 = tpu.memref_slice %arg2[%multiple_of3A_724] : memref<819200xi32, #tpu.memory_space<hbm>> -> memref<128xi32, #tpu.memory_space<hbm>>
        tpu.wait_dma2 semaphore(%arg13 : memref<!tpu.dma_semaphore, #tpu.memory_space<semaphore_mem>>) src(%dma_wait3A_733 : memref<128xi32, #tpu.memory_space<hbm>>) dst(%dma_wait3A_732 : memref<128xi32, #tpu.memory_space<vmem>>)
        %dma_start3A_734 = arith.constant 3 : i32
        %dma_start3A_735 = arith.constant 3 : i32
        %dma_start3A_736 = arith.constant 0 : i32
        %dma_start3A_737 = arith.constant 0 : i32
        %dma_start3A_738 = tpu.memref_slice %arg7[%dma_start3A_735, %dma_start3A_736, %dma_start3A_737] : memref<4x128x64xf32, #tpu.memory_space<vmem>> -> memref<1x32x64xf32, #tpu.memory_space<vmem>>
        %dma_start3A_739 = tpu.memref_squeeze %dma_start3A_738 : memref<1x32x64xf32, #tpu.memory_space<vmem>> -> memref<32x64xf32, #tpu.memory_space<vmem>>
        %dma_start3A_740 = arith.constant 0 : i32
        %dma_start3A_741 = tpu.memref_slice %arg6[%dma_start3A_734, %dma_start3A_740] : memref<4x128xi32, #tpu.memory_space<vmem>> -> memref<1x128xi32, #tpu.memory_space<vmem>>
        %dma_start3A_742 = tpu.memref_squeeze %dma_start3A_741 : memref<1x128xi32, #tpu.memory_space<vmem>> -> memref<128xi32, #tpu.memory_space<vmem>>
        %dma_start3A_743 = arith.constant 0 : i32
        %dma_start3A_744 = tpu.memref_slice %dma_start3A_742[%dma_start3A_743] : memref<128xi32, #tpu.memory_space<vmem>> -> memref<32xi32, #tpu.memory_space<vmem>>
        %dma_start3A_745 = arith.constant 0 : i32
        %dma_start3A_746 = arith.constant 0 : i32
        %dma_start3A_747 = tpu.memref_slice %arg3[%dma_start3A_745, %dma_start3A_746] : memref<1000000x64xf32, #tpu.memory_space<hbm>> -> memref<1000000x64xf32, #tpu.memory_space<hbm>>
        tpu.enqueue_indirect_dma source(%dma_start3A_747 : memref<1000000x64xf32, #tpu.memory_space<hbm>>) target(%dma_start3A_739 : memref<32x64xf32, #tpu.memory_space<vmem>>) offsets(%dma_start3A_744 : memref<32xi32, #tpu.memory_space<vmem>>) semaphore(%arg17 : memref<!tpu.dma_semaphore, #tpu.memory_space<semaphore_mem>>)
        %dma_start3A_748 = arith.constant 3 : i32
        %dma_start3A_749 = arith.constant 3 : i32
        %dma_start3A_750 = arith.constant 32 : i32
        %dma_start3A_751 = arith.constant 0 : i32
        %dma_start3A_752 = tpu.memref_slice %arg7[%dma_start3A_749, %dma_start3A_750, %dma_start3A_751] : memref<4x128x64xf32, #tpu.memory_space<vmem>> -> memref<1x32x64xf32, #tpu.memory_space<vmem>>
        %dma_start3A_753 = tpu.memref_squeeze %dma_start3A_752 : memref<1x32x64xf32, #tpu.memory_space<vmem>> -> memref<32x64xf32, #tpu.memory_space<vmem>>
        %dma_start3A_754 = arith.constant 0 : i32
        %dma_start3A_755 = tpu.memref_slice %arg6[%dma_start3A_748, %dma_start3A_754] : memref<4x128xi32, #tpu.memory_space<vmem>> -> memref<1x128xi32, #tpu.memory_space<vmem>>
        %dma_start3A_756 = tpu.memref_squeeze %dma_start3A_755 : memref<1x128xi32, #tpu.memory_space<vmem>> -> memref<128xi32, #tpu.memory_space<vmem>>
        %dma_start3A_757 = arith.constant 32 : i32
        %dma_start3A_758 = tpu.memref_slice %dma_start3A_756[%dma_start3A_757] : memref<128xi32, #tpu.memory_space<vmem>> -> memref<32xi32, #tpu.memory_space<vmem>>
        %dma_start3A_759 = arith.constant 0 : i32
        %dma_start3A_760 = arith.constant 0 : i32
        %dma_start3A_761 = tpu.memref_slice %arg3[%dma_start3A_759, %dma_start3A_760] : memref<1000000x64xf32, #tpu.memory_space<hbm>> -> memref<1000000x64xf32, #tpu.memory_space<hbm>>
        tpu.enqueue_indirect_dma source(%dma_start3A_761 : memref<1000000x64xf32, #tpu.memory_space<hbm>>) target(%dma_start3A_753 : memref<32x64xf32, #tpu.memory_space<vmem>>) offsets(%dma_start3A_758 : memref<32xi32, #tpu.memory_space<vmem>>) semaphore(%arg17 : memref<!tpu.dma_semaphore, #tpu.memory_space<semaphore_mem>>)
        %dma_start3A_762 = arith.constant 3 : i32
        %dma_start3A_763 = arith.constant 3 : i32
        %dma_start3A_764 = arith.constant 64 : i32
        %dma_start3A_765 = arith.constant 0 : i32
        %dma_start3A_766 = tpu.memref_slice %arg7[%dma_start3A_763, %dma_start3A_764, %dma_start3A_765] : memref<4x128x64xf32, #tpu.memory_space<vmem>> -> memref<1x32x64xf32, #tpu.memory_space<vmem>>
        %dma_start3A_767 = tpu.memref_squeeze %dma_start3A_766 : memref<1x32x64xf32, #tpu.memory_space<vmem>> -> memref<32x64xf32, #tpu.memory_space<vmem>>
        %dma_start3A_768 = arith.constant 0 : i32
        %dma_start3A_769 = tpu.memref_slice %arg6[%dma_start3A_762, %dma_start3A_768] : memref<4x128xi32, #tpu.memory_space<vmem>> -> memref<1x128xi32, #tpu.memory_space<vmem>>
        %dma_start3A_770 = tpu.memref_squeeze %dma_start3A_769 : memref<1x128xi32, #tpu.memory_space<vmem>> -> memref<128xi32, #tpu.memory_space<vmem>>
        %dma_start3A_771 = arith.constant 64 : i32
        %dma_start3A_772 = tpu.memref_slice %dma_start3A_770[%dma_start3A_771] : memref<128xi32, #tpu.memory_space<vmem>> -> memref<32xi32, #tpu.memory_space<vmem>>
        %dma_start3A_773 = arith.constant 0 : i32
        %dma_start3A_774 = arith.constant 0 : i32
        %dma_start3A_775 = tpu.memref_slice %arg3[%dma_start3A_773, %dma_start3A_774] : memref<1000000x64xf32, #tpu.memory_space<hbm>> -> memref<1000000x64xf32, #tpu.memory_space<hbm>>
        tpu.enqueue_indirect_dma source(%dma_start3A_775 : memref<1000000x64xf32, #tpu.memory_space<hbm>>) target(%dma_start3A_767 : memref<32x64xf32, #tpu.memory_space<vmem>>) offsets(%dma_start3A_772 : memref<32xi32, #tpu.memory_space<vmem>>) semaphore(%arg17 : memref<!tpu.dma_semaphore, #tpu.memory_space<semaphore_mem>>)
        %dma_start3A_776 = arith.constant 3 : i32
        %dma_start3A_777 = arith.constant 3 : i32
        %dma_start3A_778 = arith.constant 96 : i32
        %dma_start3A_779 = arith.constant 0 : i32
        %dma_start3A_780 = tpu.memref_slice %arg7[%dma_start3A_777, %dma_start3A_778, %dma_start3A_779] : memref<4x128x64xf32, #tpu.memory_space<vmem>> -> memref<1x32x64xf32, #tpu.memory_space<vmem>>
        %dma_start3A_781 = tpu.memref_squeeze %dma_start3A_780 : memref<1x32x64xf32, #tpu.memory_space<vmem>> -> memref<32x64xf32, #tpu.memory_space<vmem>>
        %dma_start3A_782 = arith.constant 0 : i32
        %dma_start3A_783 = tpu.memref_slice %arg6[%dma_start3A_776, %dma_start3A_782] : memref<4x128xi32, #tpu.memory_space<vmem>> -> memref<1x128xi32, #tpu.memory_space<vmem>>
        %dma_start3A_784 = tpu.memref_squeeze %dma_start3A_783 : memref<1x128xi32, #tpu.memory_space<vmem>> -> memref<128xi32, #tpu.memory_space<vmem>>
        %dma_start3A_785 = arith.constant 96 : i32
        %dma_start3A_786 = tpu.memref_slice %dma_start3A_784[%dma_start3A_785] : memref<128xi32, #tpu.memory_space<vmem>> -> memref<32xi32, #tpu.memory_space<vmem>>
        %dma_start3A_787 = arith.constant 0 : i32
        %dma_start3A_788 = arith.constant 0 : i32
        %dma_start3A_789 = tpu.memref_slice %arg3[%dma_start3A_787, %dma_start3A_788] : memref<1000000x64xf32, #tpu.memory_space<hbm>> -> memref<1000000x64xf32, #tpu.memory_space<hbm>>
        tpu.enqueue_indirect_dma source(%dma_start3A_789 : memref<1000000x64xf32, #tpu.memory_space<hbm>>) target(%dma_start3A_781 : memref<32x64xf32, #tpu.memory_space<vmem>>) offsets(%dma_start3A_786 : memref<32xi32, #tpu.memory_space<vmem>>) semaphore(%arg17 : memref<!tpu.dma_semaphore, #tpu.memory_space<semaphore_mem>>)
      } else {
      }
      %get3A_433 = arith.index_cast %add3A_357 : i32 to index
      %get3A_434 = arith.constant 0 : index
      %get3A_435 = tpu.vector_load %arg9[%get3A_433, %get3A_434] {strides = array<i32>} : memref<200x64xf32, #tpu.memory_space<vmem>>, vector<16xf32>,
      %get3A_436 = arith.index_cast %add3A_357 : i32 to index
      %get3A_437 = arith.constant 16 : index
      %get3A_438 = tpu.vector_load %arg9[%get3A_436, %get3A_437] {strides = array<i32>} : memref<200x64xf32, #tpu.memory_space<vmem>>, vector<16xf32>,
      %get3A_439 = arith.index_cast %add3A_357 : i32 to index
      %get3A_440 = arith.constant 32 : index
      %get3A_441 = tpu.vector_load %arg9[%get3A_439, %get3A_440] {strides = array<i32>} : memref<200x64xf32, #tpu.memory_space<vmem>>, vector<16xf32>,
      %get3A_442 = arith.index_cast %add3A_357 : i32 to index
      %get3A_443 = arith.constant 48 : index
      %get3A_444 = tpu.vector_load %arg9[%get3A_442, %get3A_443] {strides = array<i32>} : memref<200x64xf32, #tpu.memory_space<vmem>>, vector<16xf32>,
      %mul3A_445 = arith.constant 0 : i32
      %mul3A_446 = vector.broadcast %mul3A_445 : i32 to vector<16xi32>
      %mul3A_447 = arith.muli %iota3A, %mul3A_446 : vector<16xi32>
      %scan3A_448 = arith.constant 0 : i32
      %scan3A_449 = arith.constant 16 : i32
      %scan3A_450 = arith.addi %scan3A_448, %scan3A_449 : i32
      %scan3A_451 = arith.constant 1 : i32
      %scan3A_452 = scf.for %scan3A_717 = %scan3A_448 to %scan3A_450 step %scan3A_451 iter_args(%scan3A_718 = %mul3A_447) -> (vector<16xi32>)  : i32 {
        %mul3A_719 = arith.constant 8 : i32
        %mul3A_720 = arith.muli %scan3A_717, %mul3A_719 : i32
        %add3A_721 = arith.constant 0 : i32
        %add3A_722 = arith.addi %mul3A_720, %add3A_721 : i32
        %get3A_723 = arith.constant 1 : i32
        %get3A_724 = arith.index_cast %get3A_723 : i32 to index
        %get3A_725 = arith.index_cast %add3A_722 : i32 to index
        %get3A_726 = arith.constant 0 : index
        %get3A_727 = tpu.vector_load %arg7[%get3A_724, %get3A_725, %get3A_726] {strides = array<i32>} : memref<4x128x64xf32, #tpu.memory_space<vmem>>, vector<16xf32>,
        %add3A_728 = arith.addf %get3A_727, %get3A_435 : vector<16xf32>
        %get3A_729 = arith.constant 1 : i32
        %get3A_730 = arith.index_cast %get3A_729 : i32 to index
        %get3A_731 = arith.index_cast %add3A_722 : i32 to index
        %get3A_732 = arith.constant 16 : index
        %get3A_733 = tpu.vector_load %arg7[%get3A_730, %get3A_731, %get3A_732] {strides = array<i32>} : memref<4x128x64xf32, #tpu.memory_space<vmem>>, vector<16xf32>,
        %add3A_734 = arith.addf %get3A_733, %get3A_438 : vector<16xf32>
        %get3A_735 = arith.constant 1 : i32
        %get3A_736 = arith.index_cast %get3A_735 : i32 to index
        %get3A_737 = arith.index_cast %add3A_722 : i32 to index
        %get3A_738 = arith.constant 32 : index
        %get3A_739 = tpu.vector_load %arg7[%get3A_736, %get3A_737, %get3A_738] {strides = array<i32>} : memref<4x128x64xf32, #tpu.memory_space<vmem>>, vector<16xf32>,
        %add3A_740 = arith.addf %get3A_739, %get3A_441 : vector<16xf32>
        %get3A_741 = arith.constant 1 : i32
        %get3A_742 = arith.index_cast %get3A_741 : i32 to index
        %get3A_743 = arith.index_cast %add3A_722 : i32 to index
        %get3A_744 = arith.constant 48 : index
        %get3A_745 = tpu.vector_load %arg7[%get3A_742, %get3A_743, %get3A_744] {strides = array<i32>} : memref<4x128x64xf32, #tpu.memory_space<vmem>>, vector<16xf32>,
        %add3A_746 = arith.addf %get3A_745, %get3A_444 : vector<16xf32>
        %mul3A_747 = arith.constant 8 : i32
        %mul3A_748 = arith.muli %scan3A_717, %mul3A_747 : i32
        %add3A_749 = arith.constant 1 : i32
        %add3A_750 = arith.addi %mul3A_748, %add3A_749 : i32
        %get3A_751 = arith.constant 1 : i32
        %get3A_752 = arith.index_cast %get3A_751 : i32 to index
        %get3A_753 = arith.index_cast %add3A_750 : i32 to index
        %get3A_754 = arith.constant 0 : index
        %get3A_755 = tpu.vector_load %arg7[%get3A_752, %get3A_753, %get3A_754] {strides = array<i32>} : memref<4x128x64xf32, #tpu.memory_space<vmem>>, vector<16xf32>,
        %add3A_756 = arith.addf %get3A_755, %get3A_435 : vector<16xf32>
        %get3A_757 = arith.constant 1 : i32
        %get3A_758 = arith.index_cast %get3A_757 : i32 to index
        %get3A_759 = arith.index_cast %add3A_750 : i32 to index
        %get3A_760 = arith.constant 16 : index
        %get3A_761 = tpu.vector_load %arg7[%get3A_758, %get3A_759, %get3A_760] {strides = array<i32>} : memref<4x128x64xf32, #tpu.memory_space<vmem>>, vector<16xf32>,
        %add3A_762 = arith.addf %get3A_761, %get3A_438 : vector<16xf32>
        %get3A_763 = arith.constant 1 : i32
        %get3A_764 = arith.index_cast %get3A_763 : i32 to index
        %get3A_765 = arith.index_cast %add3A_750 : i32 to index
        %get3A_766 = arith.constant 32 : index
        %get3A_767 = tpu.vector_load %arg7[%get3A_764, %get3A_765, %get3A_766] {strides = array<i32>} : memref<4x128x64xf32, #tpu.memory_space<vmem>>, vector<16xf32>,
        %add3A_768 = arith.addf %get3A_767, %get3A_441 : vector<16xf32>
        %get3A_769 = arith.constant 1 : i32
        %get3A_770 = arith.index_cast %get3A_769 : i32 to index
        %get3A_771 = arith.index_cast %add3A_750 : i32 to index
        %get3A_772 = arith.constant 48 : index
        %get3A_773 = tpu.vector_load %arg7[%get3A_770, %get3A_771, %get3A_772] {strides = array<i32>} : memref<4x128x64xf32, #tpu.memory_space<vmem>>, vector<16xf32>,
        %add3A_774 = arith.addf %get3A_773, %get3A_444 : vector<16xf32>
        %mul3A_775 = arith.constant 8 : i32
        %mul3A_776 = arith.muli %scan3A_717, %mul3A_775 : i32
        %add3A_777 = arith.constant 2 : i32
        %add3A_778 = arith.addi %mul3A_776, %add3A_777 : i32
        %get3A_779 = arith.constant 1 : i32
        %get3A_780 = arith.index_cast %get3A_779 : i32 to index
        %get3A_781 = arith.index_cast %add3A_778 : i32 to index
        %get3A_782 = arith.constant 0 : index
        %get3A_783 = tpu.vector_load %arg7[%get3A_780, %get3A_781, %get3A_782] {strides = array<i32>} : memref<4x128x64xf32, #tpu.memory_space<vmem>>, vector<16xf32>,
        %add3A_784 = arith.addf %get3A_783, %get3A_435 : vector<16xf32>
        %get3A_785 = arith.constant 1 : i32
        %get3A_786 = arith.index_cast %get3A_785 : i32 to index
        %get3A_787 = arith.index_cast %add3A_778 : i32 to index
        %get3A_788 = arith.constant 16 : index
        %get3A_789 = tpu.vector_load %arg7[%get3A_786, %get3A_787, %get3A_788] {strides = array<i32>} : memref<4x128x64xf32, #tpu.memory_space<vmem>>, vector<16xf32>,
        %add3A_790 = arith.addf %get3A_789, %get3A_438 : vector<16xf32>
        %get3A_791 = arith.constant 1 : i32
        %get3A_792 = arith.index_cast %get3A_791 : i32 to index
        %get3A_793 = arith.index_cast %add3A_778 : i32 to index
        %get3A_794 = arith.constant 32 : index
        %get3A_795 = tpu.vector_load %arg7[%get3A_792, %get3A_793, %get3A_794] {strides = array<i32>} : memref<4x128x64xf32, #tpu.memory_space<vmem>>, vector<16xf32>,
        %add3A_796 = arith.addf %get3A_795, %get3A_441 : vector<16xf32>
        %get3A_797 = arith.constant 1 : i32
        %get3A_798 = arith.index_cast %get3A_797 : i32 to index
        %get3A_799 = arith.index_cast %add3A_778 : i32 to index
        %get3A_800 = arith.constant 48 : index
        %get3A_801 = tpu.vector_load %arg7[%get3A_798, %get3A_799, %get3A_800] {strides = array<i32>} : memref<4x128x64xf32, #tpu.memory_space<vmem>>, vector<16xf32>,
        %add3A_802 = arith.addf %get3A_801, %get3A_444 : vector<16xf32>
        %mul3A_803 = arith.constant 8 : i32
        %mul3A_804 = arith.muli %scan3A_717, %mul3A_803 : i32
        %add3A_805 = arith.constant 3 : i32
        %add3A_806 = arith.addi %mul3A_804, %add3A_805 : i32
        %get3A_807 = arith.constant 1 : i32
        %get3A_808 = arith.index_cast %get3A_807 : i32 to index
        %get3A_809 = arith.index_cast %add3A_806 : i32 to index
        %get3A_810 = arith.constant 0 : index
        %get3A_811 = tpu.vector_load %arg7[%get3A_808, %get3A_809, %get3A_810] {strides = array<i32>} : memref<4x128x64xf32, #tpu.memory_space<vmem>>, vector<16xf32>,
        %add3A_812 = arith.addf %get3A_811, %get3A_435 : vector<16xf32>
        %get3A_813 = arith.constant 1 : i32
        %get3A_814 = arith.index_cast %get3A_813 : i32 to index
        %get3A_815 = arith.index_cast %add3A_806 : i32 to index
        %get3A_816 = arith.constant 16 : index
        %get3A_817 = tpu.vector_load %arg7[%get3A_814, %get3A_815, %get3A_816] {strides = array<i32>} : memref<4x128x64xf32, #tpu.memory_space<vmem>>, vector<16xf32>,
        %add3A_818 = arith.addf %get3A_817, %get3A_438 : vector<16xf32>
        %get3A_819 = arith.constant 1 : i32
        %get3A_820 = arith.index_cast %get3A_819 : i32 to index
        %get3A_821 = arith.index_cast %add3A_806 : i32 to index
        %get3A_822 = arith.constant 32 : index
        %get3A_823 = tpu.vector_load %arg7[%get3A_820, %get3A_821, %get3A_822] {strides = array<i32>} : memref<4x128x64xf32, #tpu.memory_space<vmem>>, vector<16xf32>,
        %add3A_824 = arith.addf %get3A_823, %get3A_441 : vector<16xf32>
        %get3A_825 = arith.constant 1 : i32
        %get3A_826 = arith.index_cast %get3A_825 : i32 to index
        %get3A_827 = arith.index_cast %add3A_806 : i32 to index
        %get3A_828 = arith.constant 48 : index
        %get3A_829 = tpu.vector_load %arg7[%get3A_826, %get3A_827, %get3A_828] {strides = array<i32>} : memref<4x128x64xf32, #tpu.memory_space<vmem>>, vector<16xf32>,
        %add3A_830 = arith.addf %get3A_829, %get3A_444 : vector<16xf32>
        %mul3A_831 = arith.constant 8 : i32
        %mul3A_832 = arith.muli %scan3A_717, %mul3A_831 : i32
        %add3A_833 = arith.constant 4 : i32
        %add3A_834 = arith.addi %mul3A_832, %add3A_833 : i32
        %get3A_835 = arith.constant 1 : i32
        %get3A_836 = arith.index_cast %get3A_835 : i32 to index
        %get3A_837 = arith.index_cast %add3A_834 : i32 to index
        %get3A_838 = arith.constant 0 : index
        %get3A_839 = tpu.vector_load %arg7[%get3A_836, %get3A_837, %get3A_838] {strides = array<i32>} : memref<4x128x64xf32, #tpu.memory_space<vmem>>, vector<16xf32>,
        %add3A_840 = arith.addf %get3A_839, %get3A_435 : vector<16xf32>
        %get3A_841 = arith.constant 1 : i32
        %get3A_842 = arith.index_cast %get3A_841 : i32 to index
        %get3A_843 = arith.index_cast %add3A_834 : i32 to index
        %get3A_844 = arith.constant 16 : index
        %get3A_845 = tpu.vector_load %arg7[%get3A_842, %get3A_843, %get3A_844] {strides = array<i32>} : memref<4x128x64xf32, #tpu.memory_space<vmem>>, vector<16xf32>,
        %add3A_846 = arith.addf %get3A_845, %get3A_438 : vector<16xf32>
        %get3A_847 = arith.constant 1 : i32
        %get3A_848 = arith.index_cast %get3A_847 : i32 to index
        %get3A_849 = arith.index_cast %add3A_834 : i32 to index
        %get3A_850 = arith.constant 32 : index
        %get3A_851 = tpu.vector_load %arg7[%get3A_848, %get3A_849, %get3A_850] {strides = array<i32>} : memref<4x128x64xf32, #tpu.memory_space<vmem>>, vector<16xf32>,
        %add3A_852 = arith.addf %get3A_851, %get3A_441 : vector<16xf32>
        %get3A_853 = arith.constant 1 : i32
        %get3A_854 = arith.index_cast %get3A_853 : i32 to index
        %get3A_855 = arith.index_cast %add3A_834 : i32 to index
        %get3A_856 = arith.constant 48 : index
        %get3A_857 = tpu.vector_load %arg7[%get3A_854, %get3A_855, %get3A_856] {strides = array<i32>} : memref<4x128x64xf32, #tpu.memory_space<vmem>>, vector<16xf32>,
        %add3A_858 = arith.addf %get3A_857, %get3A_444 : vector<16xf32>
        %mul3A_859 = arith.constant 8 : i32
        %mul3A_860 = arith.muli %scan3A_717, %mul3A_859 : i32
        %add3A_861 = arith.constant 5 : i32
        %add3A_862 = arith.addi %mul3A_860, %add3A_861 : i32
        %get3A_863 = arith.constant 1 : i32
        %get3A_864 = arith.index_cast %get3A_863 : i32 to index
        %get3A_865 = arith.index_cast %add3A_862 : i32 to index
        %get3A_866 = arith.constant 0 : index
        %get3A_867 = tpu.vector_load %arg7[%get3A_864, %get3A_865, %get3A_866] {strides = array<i32>} : memref<4x128x64xf32, #tpu.memory_space<vmem>>, vector<16xf32>,
        %add3A_868 = arith.addf %get3A_867, %get3A_435 : vector<16xf32>
        %get3A_869 = arith.constant 1 : i32
        %get3A_870 = arith.index_cast %get3A_869 : i32 to index
        %get3A_871 = arith.index_cast %add3A_862 : i32 to index
        %get3A_872 = arith.constant 16 : index
        %get3A_873 = tpu.vector_load %arg7[%get3A_870, %get3A_871, %get3A_872] {strides = array<i32>} : memref<4x128x64xf32, #tpu.memory_space<vmem>>, vector<16xf32>,
        %add3A_874 = arith.addf %get3A_873, %get3A_438 : vector<16xf32>
        %get3A_875 = arith.constant 1 : i32
        %get3A_876 = arith.index_cast %get3A_875 : i32 to index
        %get3A_877 = arith.index_cast %add3A_862 : i32 to index
        %get3A_878 = arith.constant 32 : index
        %get3A_879 = tpu.vector_load %arg7[%get3A_876, %get3A_877, %get3A_878] {strides = array<i32>} : memref<4x128x64xf32, #tpu.memory_space<vmem>>, vector<16xf32>,
        %add3A_880 = arith.addf %get3A_879, %get3A_441 : vector<16xf32>
        %get3A_881 = arith.constant 1 : i32
        %get3A_882 = arith.index_cast %get3A_881 : i32 to index
        %get3A_883 = arith.index_cast %add3A_862 : i32 to index
        %get3A_884 = arith.constant 48 : index
        %get3A_885 = tpu.vector_load %arg7[%get3A_882, %get3A_883, %get3A_884] {strides = array<i32>} : memref<4x128x64xf32, #tpu.memory_space<vmem>>, vector<16xf32>,
        %add3A_886 = arith.addf %get3A_885, %get3A_444 : vector<16xf32>
        %mul3A_887 = arith.constant 8 : i32
        %mul3A_888 = arith.muli %scan3A_717, %mul3A_887 : i32
        %add3A_889 = arith.constant 6 : i32
        %add3A_890 = arith.addi %mul3A_888, %add3A_889 : i32
        %get3A_891 = arith.constant 1 : i32
        %get3A_892 = arith.index_cast %get3A_891 : i32 to index
        %get3A_893 = arith.index_cast %add3A_890 : i32 to index
        %get3A_894 = arith.constant 0 : index
        %get3A_895 = tpu.vector_load %arg7[%get3A_892, %get3A_893, %get3A_894] {strides = array<i32>} : memref<4x128x64xf32, #tpu.memory_space<vmem>>, vector<16xf32>,
        %add3A_896 = arith.addf %get3A_895, %get3A_435 : vector<16xf32>
        %get3A_897 = arith.constant 1 : i32
        %get3A_898 = arith.index_cast %get3A_897 : i32 to index
        %get3A_899 = arith.index_cast %add3A_890 : i32 to index
        %get3A_900 = arith.constant 16 : index
        %get3A_901 = tpu.vector_load %arg7[%get3A_898, %get3A_899, %get3A_900] {strides = array<i32>} : memref<4x128x64xf32, #tpu.memory_space<vmem>>, vector<16xf32>,
        %add3A_902 = arith.addf %get3A_901, %get3A_438 : vector<16xf32>
        %get3A_903 = arith.constant 1 : i32
        %get3A_904 = arith.index_cast %get3A_903 : i32 to index
        %get3A_905 = arith.index_cast %add3A_890 : i32 to index
        %get3A_906 = arith.constant 32 : index
        %get3A_907 = tpu.vector_load %arg7[%get3A_904, %get3A_905, %get3A_906] {strides = array<i32>} : memref<4x128x64xf32, #tpu.memory_space<vmem>>, vector<16xf32>,
        %add3A_908 = arith.addf %get3A_907, %get3A_441 : vector<16xf32>
        %get3A_909 = arith.constant 1 : i32
        %get3A_910 = arith.index_cast %get3A_909 : i32 to index
        %get3A_911 = arith.index_cast %add3A_890 : i32 to index
        %get3A_912 = arith.constant 48 : index
        %get3A_913 = tpu.vector_load %arg7[%get3A_910, %get3A_911, %get3A_912] {strides = array<i32>} : memref<4x128x64xf32, #tpu.memory_space<vmem>>, vector<16xf32>,
        %add3A_914 = arith.addf %get3A_913, %get3A_444 : vector<16xf32>
        %mul3A_915 = arith.constant 8 : i32
        %mul3A_916 = arith.muli %scan3A_717, %mul3A_915 : i32
        %add3A_917 = arith.constant 7 : i32
        %add3A_918 = arith.addi %mul3A_916, %add3A_917 : i32
        %get3A_919 = arith.constant 1 : i32
        %get3A_920 = arith.index_cast %get3A_919 : i32 to index
        %get3A_921 = arith.index_cast %add3A_918 : i32 to index
        %get3A_922 = arith.constant 0 : index
        %get3A_923 = tpu.vector_load %arg7[%get3A_920, %get3A_921, %get3A_922] {strides = array<i32>} : memref<4x128x64xf32, #tpu.memory_space<vmem>>, vector<16xf32>,
        %add3A_924 = arith.addf %get3A_923, %get3A_435 : vector<16xf32>
        %get3A_925 = arith.constant 1 : i32
        %get3A_926 = arith.index_cast %get3A_925 : i32 to index
        %get3A_927 = arith.index_cast %add3A_918 : i32 to index
        %get3A_928 = arith.constant 16 : index
        %get3A_929 = tpu.vector_load %arg7[%get3A_926, %get3A_927, %get3A_928] {strides = array<i32>} : memref<4x128x64xf32, #tpu.memory_space<vmem>>, vector<16xf32>,
        %add3A_930 = arith.addf %get3A_929, %get3A_438 : vector<16xf32>
        %get3A_931 = arith.constant 1 : i32
        %get3A_932 = arith.index_cast %get3A_931 : i32 to index
        %get3A_933 = arith.index_cast %add3A_918 : i32 to index
        %get3A_934 = arith.constant 32 : index
        %get3A_935 = tpu.vector_load %arg7[%get3A_932, %get3A_933, %get3A_934] {strides = array<i32>} : memref<4x128x64xf32, #tpu.memory_space<vmem>>, vector<16xf32>,
        %add3A_936 = arith.addf %get3A_935, %get3A_441 : vector<16xf32>
        %get3A_937 = arith.constant 1 : i32
        %get3A_938 = arith.index_cast %get3A_937 : i32 to index
        %get3A_939 = arith.index_cast %add3A_918 : i32 to index
        %get3A_940 = arith.constant 48 : index
        %get3A_941 = tpu.vector_load %arg7[%get3A_938, %get3A_939, %get3A_940] {strides = array<i32>} : memref<4x128x64xf32, #tpu.memory_space<vmem>>, vector<16xf32>,
        %add3A_942 = arith.addf %get3A_941, %get3A_444 : vector<16xf32>
        %add3A_943 = arith.constant 0 : i32
        %add3A_944 = vector.broadcast %add3A_943 : i32 to vector<16xi32>
        %add3A_945 = arith.addi %scan3A_718, %add3A_944 : vector<16xi32>
        %scatter3A = arith.constant 1 : i32
        %scatter3A_946 = arith.constant 0 : i32
        %scatter3A_947 = arith.constant 0 : i32
        %scatter3A_948 = arith.constant 0 : i32
        %scatter3A_949 = tpu.memref_slice %arg8[%scatter3A, %scatter3A_946, %scatter3A_947, %scatter3A_948] : memref<2x8x8x129xf32, #tpu.memory_space<vmem>> -> memref<1x8x8x129xf32, #tpu.memory_space<vmem>>
        %scatter3A_950 = tpu.memref_squeeze %scatter3A_949 : memref<1x8x8x129xf32, #tpu.memory_space<vmem>> -> memref<8x8x129xf32, #tpu.memory_space<vmem>>
        tpu.vector_store_idx %scatter3A_950[%add3A_7, %and3A_4, %add3A_945], %add3A_728 : memref<8x8x129xf32, #tpu.memory_space<vmem>>[vector<16xi32>, vector<16xi32>, vector<16xi32>], vector<16xf32>,
        %add3A_951 = arith.constant 0 : i32
        %add3A_952 = vector.broadcast %add3A_951 : i32 to vector<16xi32>
        %add3A_953 = arith.addi %scan3A_718, %add3A_952 : vector<16xi32>
        %scatter3A_954 = arith.constant 1 : i32
        %scatter3A_955 = arith.constant 0 : i32
        %scatter3A_956 = arith.constant 0 : i32
        %scatter3A_957 = arith.constant 0 : i32
        %scatter3A_958 = tpu.memref_slice %arg8[%scatter3A_954, %scatter3A_955, %scatter3A_956, %scatter3A_957] : memref<2x8x8x129xf32, #tpu.memory_space<vmem>> -> memref<1x8x8x129xf32, #tpu.memory_space<vmem>>
        %scatter3A_959 = tpu.memref_squeeze %scatter3A_958 : memref<1x8x8x129xf32, #tpu.memory_space<vmem>> -> memref<8x8x129xf32, #tpu.memory_space<vmem>>
        tpu.vector_store_idx %scatter3A_959[%add3A_10, %and3A_4, %add3A_953], %add3A_734 : memref<8x8x129xf32, #tpu.memory_space<vmem>>[vector<16xi32>, vector<16xi32>, vector<16xi32>], vector<16xf32>,
        %add3A_960 = arith.constant 0 : i32
        %add3A_961 = vector.broadcast %add3A_960 : i32 to vector<16xi32>
        %add3A_962 = arith.addi %scan3A_718, %add3A_961 : vector<16xi32>
        %scatter3A_963 = arith.constant 1 : i32
        %scatter3A_964 = arith.constant 0 : i32
        %scatter3A_965 = arith.constant 0 : i32
        %scatter3A_966 = arith.constant 0 : i32
        %scatter3A_967 = tpu.memref_slice %arg8[%scatter3A_963, %scatter3A_964, %scatter3A_965, %scatter3A_966] : memref<2x8x8x129xf32, #tpu.memory_space<vmem>> -> memref<1x8x8x129xf32, #tpu.memory_space<vmem>>
        %scatter3A_968 = tpu.memref_squeeze %scatter3A_967 : memref<1x8x8x129xf32, #tpu.memory_space<vmem>> -> memref<8x8x129xf32, #tpu.memory_space<vmem>>
        tpu.vector_store_idx %scatter3A_968[%add3A_13, %and3A_4, %add3A_962], %add3A_740 : memref<8x8x129xf32, #tpu.memory_space<vmem>>[vector<16xi32>, vector<16xi32>, vector<16xi32>], vector<16xf32>,
        %add3A_969 = arith.constant 0 : i32
        %add3A_970 = vector.broadcast %add3A_969 : i32 to vector<16xi32>
        %add3A_971 = arith.addi %scan3A_718, %add3A_970 : vector<16xi32>
        %scatter3A_972 = arith.constant 1 : i32
        %scatter3A_973 = arith.constant 0 : i32
        %scatter3A_974 = arith.constant 0 : i32
        %scatter3A_975 = arith.constant 0 : i32
        %scatter3A_976 = tpu.memref_slice %arg8[%scatter3A_972, %scatter3A_973, %scatter3A_974, %scatter3A_975] : memref<2x8x8x129xf32, #tpu.memory_space<vmem>> -> memref<1x8x8x129xf32, #tpu.memory_space<vmem>>
        %scatter3A_977 = tpu.memref_squeeze %scatter3A_976 : memref<1x8x8x129xf32, #tpu.memory_space<vmem>> -> memref<8x8x129xf32, #tpu.memory_space<vmem>>
        tpu.vector_store_idx %scatter3A_977[%add3A_16, %and3A_4, %add3A_971], %add3A_746 : memref<8x8x129xf32, #tpu.memory_space<vmem>>[vector<16xi32>, vector<16xi32>, vector<16xi32>], vector<16xf32>,
        %add3A_978 = arith.constant 1 : i32
        %add3A_979 = vector.broadcast %add3A_978 : i32 to vector<16xi32>
        %add3A_980 = arith.addi %scan3A_718, %add3A_979 : vector<16xi32>
        %scatter3A_981 = arith.constant 1 : i32
        %scatter3A_982 = arith.constant 0 : i32
        %scatter3A_983 = arith.constant 0 : i32
        %scatter3A_984 = arith.constant 0 : i32
        %scatter3A_985 = tpu.memref_slice %arg8[%scatter3A_981, %scatter3A_982, %scatter3A_983, %scatter3A_984] : memref<2x8x8x129xf32, #tpu.memory_space<vmem>> -> memref<1x8x8x129xf32, #tpu.memory_space<vmem>>
        %scatter3A_986 = tpu.memref_squeeze %scatter3A_985 : memref<1x8x8x129xf32, #tpu.memory_space<vmem>> -> memref<8x8x129xf32, #tpu.memory_space<vmem>>
        tpu.vector_store_idx %scatter3A_986[%add3A_7, %and3A_4, %add3A_980], %add3A_756 : memref<8x8x129xf32, #tpu.memory_space<vmem>>[vector<16xi32>, vector<16xi32>, vector<16xi32>], vector<16xf32>,
        %add3A_987 = arith.constant 1 : i32
        %add3A_988 = vector.broadcast %add3A_987 : i32 to vector<16xi32>
        %add3A_989 = arith.addi %scan3A_718, %add3A_988 : vector<16xi32>
        %scatter3A_990 = arith.constant 1 : i32
        %scatter3A_991 = arith.constant 0 : i32
        %scatter3A_992 = arith.constant 0 : i32
        %scatter3A_993 = arith.constant 0 : i32
        %scatter3A_994 = tpu.memref_slice %arg8[%scatter3A_990, %scatter3A_991, %scatter3A_992, %scatter3A_993] : memref<2x8x8x129xf32, #tpu.memory_space<vmem>> -> memref<1x8x8x129xf32, #tpu.memory_space<vmem>>
        %scatter3A_995 = tpu.memref_squeeze %scatter3A_994 : memref<1x8x8x129xf32, #tpu.memory_space<vmem>> -> memref<8x8x129xf32, #tpu.memory_space<vmem>>
        tpu.vector_store_idx %scatter3A_995[%add3A_10, %and3A_4, %add3A_989], %add3A_762 : memref<8x8x129xf32, #tpu.memory_space<vmem>>[vector<16xi32>, vector<16xi32>, vector<16xi32>], vector<16xf32>,
        %add3A_996 = arith.constant 1 : i32
        %add3A_997 = vector.broadcast %add3A_996 : i32 to vector<16xi32>
        %add3A_998 = arith.addi %scan3A_718, %add3A_997 : vector<16xi32>
        %scatter3A_999 = arith.constant 1 : i32
        %scatter3A_1000 = arith.constant 0 : i32
        %scatter3A_1001 = arith.constant 0 : i32
        %scatter3A_1002 = arith.constant 0 : i32
        %scatter3A_1003 = tpu.memref_slice %arg8[%scatter3A_999, %scatter3A_1000, %scatter3A_1001, %scatter3A_1002] : memref<2x8x8x129xf32, #tpu.memory_space<vmem>> -> memref<1x8x8x129xf32, #tpu.memory_space<vmem>>
        %scatter3A_1004 = tpu.memref_squeeze %scatter3A_1003 : memref<1x8x8x129xf32, #tpu.memory_space<vmem>> -> memref<8x8x129xf32, #tpu.memory_space<vmem>>
        tpu.vector_store_idx %scatter3A_1004[%add3A_13, %and3A_4, %add3A_998], %add3A_768 : memref<8x8x129xf32, #tpu.memory_space<vmem>>[vector<16xi32>, vector<16xi32>, vector<16xi32>], vector<16xf32>,
        %add3A_1005 = arith.constant 1 : i32
        %add3A_1006 = vector.broadcast %add3A_1005 : i32 to vector<16xi32>
        %add3A_1007 = arith.addi %scan3A_718, %add3A_1006 : vector<16xi32>
        %scatter3A_1008 = arith.constant 1 : i32
        %scatter3A_1009 = arith.constant 0 : i32
        %scatter3A_1010 = arith.constant 0 : i32
        %scatter3A_1011 = arith.constant 0 : i32
        %scatter3A_1012 = tpu.memref_slice %arg8[%scatter3A_1008, %scatter3A_1009, %scatter3A_1010, %scatter3A_1011] : memref<2x8x8x129xf32, #tpu.memory_space<vmem>> -> memref<1x8x8x129xf32, #tpu.memory_space<vmem>>
        %scatter3A_1013 = tpu.memref_squeeze %scatter3A_1012 : memref<1x8x8x129xf32, #tpu.memory_space<vmem>> -> memref<8x8x129xf32, #tpu.memory_space<vmem>>
        tpu.vector_store_idx %scatter3A_1013[%add3A_16, %and3A_4, %add3A_1007], %add3A_774 : memref<8x8x129xf32, #tpu.memory_space<vmem>>[vector<16xi32>, vector<16xi32>, vector<16xi32>], vector<16xf32>,
        %add3A_1014 = arith.constant 2 : i32
        %add3A_1015 = vector.broadcast %add3A_1014 : i32 to vector<16xi32>
        %add3A_1016 = arith.addi %scan3A_718, %add3A_1015 : vector<16xi32>
        %scatter3A_1017 = arith.constant 1 : i32
        %scatter3A_1018 = arith.constant 0 : i32
        %scatter3A_1019 = arith.constant 0 : i32
        %scatter3A_1020 = arith.constant 0 : i32
        %scatter3A_1021 = tpu.memref_slice %arg8[%scatter3A_1017, %scatter3A_1018, %scatter3A_1019, %scatter3A_1020] : memref<2x8x8x129xf32, #tpu.memory_space<vmem>> -> memref<1x8x8x129xf32, #tpu.memory_space<vmem>>
        %scatter3A_1022 = tpu.memref_squeeze %scatter3A_1021 : memref<1x8x8x129xf32, #tpu.memory_space<vmem>> -> memref<8x8x129xf32, #tpu.memory_space<vmem>>
        tpu.vector_store_idx %scatter3A_1022[%add3A_7, %and3A_4, %add3A_1016], %add3A_784 : memref<8x8x129xf32, #tpu.memory_space<vmem>>[vector<16xi32>, vector<16xi32>, vector<16xi32>], vector<16xf32>,
        %add3A_1023 = arith.constant 2 : i32
        %add3A_1024 = vector.broadcast %add3A_1023 : i32 to vector<16xi32>
        %add3A_1025 = arith.addi %scan3A_718, %add3A_1024 : vector<16xi32>
        %scatter3A_1026 = arith.constant 1 : i32
        %scatter3A_1027 = arith.constant 0 : i32
        %scatter3A_1028 = arith.constant 0 : i32
        %scatter3A_1029 = arith.constant 0 : i32
        %scatter3A_1030 = tpu.memref_slice %arg8[%scatter3A_1026, %scatter3A_1027, %scatter3A_1028, %scatter3A_1029] : memref<2x8x8x129xf32, #tpu.memory_space<vmem>> -> memref<1x8x8x129xf32, #tpu.memory_space<vmem>>
        %scatter3A_1031 = tpu.memref_squeeze %scatter3A_1030 : memref<1x8x8x129xf32, #tpu.memory_space<vmem>> -> memref<8x8x129xf32, #tpu.memory_space<vmem>>
        tpu.vector_store_idx %scatter3A_1031[%add3A_10, %and3A_4, %add3A_1025], %add3A_790 : memref<8x8x129xf32, #tpu.memory_space<vmem>>[vector<16xi32>, vector<16xi32>, vector<16xi32>], vector<16xf32>,
        %add3A_1032 = arith.constant 2 : i32
        %add3A_1033 = vector.broadcast %add3A_1032 : i32 to vector<16xi32>
        %add3A_1034 = arith.addi %scan3A_718, %add3A_1033 : vector<16xi32>
        %scatter3A_1035 = arith.constant 1 : i32
        %scatter3A_1036 = arith.constant 0 : i32
        %scatter3A_1037 = arith.constant 0 : i32
        %scatter3A_1038 = arith.constant 0 : i32
        %scatter3A_1039 = tpu.memref_slice %arg8[%scatter3A_1035, %scatter3A_1036, %scatter3A_1037, %scatter3A_1038] : memref<2x8x8x129xf32, #tpu.memory_space<vmem>> -> memref<1x8x8x129xf32, #tpu.memory_space<vmem>>
        %scatter3A_1040 = tpu.memref_squeeze %scatter3A_1039 : memref<1x8x8x129xf32, #tpu.memory_space<vmem>> -> memref<8x8x129xf32, #tpu.memory_space<vmem>>
        tpu.vector_store_idx %scatter3A_1040[%add3A_13, %and3A_4, %add3A_1034], %add3A_796 : memref<8x8x129xf32, #tpu.memory_space<vmem>>[vector<16xi32>, vector<16xi32>, vector<16xi32>], vector<16xf32>,
        %add3A_1041 = arith.constant 2 : i32
        %add3A_1042 = vector.broadcast %add3A_1041 : i32 to vector<16xi32>
        %add3A_1043 = arith.addi %scan3A_718, %add3A_1042 : vector<16xi32>
        %scatter3A_1044 = arith.constant 1 : i32
        %scatter3A_1045 = arith.constant 0 : i32
        %scatter3A_1046 = arith.constant 0 : i32
        %scatter3A_1047 = arith.constant 0 : i32
        %scatter3A_1048 = tpu.memref_slice %arg8[%scatter3A_1044, %scatter3A_1045, %scatter3A_1046, %scatter3A_1047] : memref<2x8x8x129xf32, #tpu.memory_space<vmem>> -> memref<1x8x8x129xf32, #tpu.memory_space<vmem>>
        %scatter3A_1049 = tpu.memref_squeeze %scatter3A_1048 : memref<1x8x8x129xf32, #tpu.memory_space<vmem>> -> memref<8x8x129xf32, #tpu.memory_space<vmem>>
        tpu.vector_store_idx %scatter3A_1049[%add3A_16, %and3A_4, %add3A_1043], %add3A_802 : memref<8x8x129xf32, #tpu.memory_space<vmem>>[vector<16xi32>, vector<16xi32>, vector<16xi32>], vector<16xf32>,
        %add3A_1050 = arith.constant 3 : i32
        %add3A_1051 = vector.broadcast %add3A_1050 : i32 to vector<16xi32>
        %add3A_1052 = arith.addi %scan3A_718, %add3A_1051 : vector<16xi32>
        %scatter3A_1053 = arith.constant 1 : i32
        %scatter3A_1054 = arith.constant 0 : i32
        %scatter3A_1055 = arith.constant 0 : i32
        %scatter3A_1056 = arith.constant 0 : i32
        %scatter3A_1057 = tpu.memref_slice %arg8[%scatter3A_1053, %scatter3A_1054, %scatter3A_1055, %scatter3A_1056] : memref<2x8x8x129xf32, #tpu.memory_space<vmem>> -> memref<1x8x8x129xf32, #tpu.memory_space<vmem>>
        %scatter3A_1058 = tpu.memref_squeeze %scatter3A_1057 : memref<1x8x8x129xf32, #tpu.memory_space<vmem>> -> memref<8x8x129xf32, #tpu.memory_space<vmem>>
        tpu.vector_store_idx %scatter3A_1058[%add3A_7, %and3A_4, %add3A_1052], %add3A_812 : memref<8x8x129xf32, #tpu.memory_space<vmem>>[vector<16xi32>, vector<16xi32>, vector<16xi32>], vector<16xf32>,
        %add3A_1059 = arith.constant 3 : i32
        %add3A_1060 = vector.broadcast %add3A_1059 : i32 to vector<16xi32>
        %add3A_1061 = arith.addi %scan3A_718, %add3A_1060 : vector<16xi32>
        %scatter3A_1062 = arith.constant 1 : i32
        %scatter3A_1063 = arith.constant 0 : i32
        %scatter3A_1064 = arith.constant 0 : i32
        %scatter3A_1065 = arith.constant 0 : i32
        %scatter3A_1066 = tpu.memref_slice %arg8[%scatter3A_1062, %scatter3A_1063, %scatter3A_1064, %scatter3A_1065] : memref<2x8x8x129xf32, #tpu.memory_space<vmem>> -> memref<1x8x8x129xf32, #tpu.memory_space<vmem>>
        %scatter3A_1067 = tpu.memref_squeeze %scatter3A_1066 : memref<1x8x8x129xf32, #tpu.memory_space<vmem>> -> memref<8x8x129xf32, #tpu.memory_space<vmem>>
        tpu.vector_store_idx %scatter3A_1067[%add3A_10, %and3A_4, %add3A_1061], %add3A_818 : memref<8x8x129xf32, #tpu.memory_space<vmem>>[vector<16xi32>, vector<16xi32>, vector<16xi32>], vector<16xf32>,
        %add3A_1068 = arith.constant 3 : i32
        %add3A_1069 = vector.broadcast %add3A_1068 : i32 to vector<16xi32>
        %add3A_1070 = arith.addi %scan3A_718, %add3A_1069 : vector<16xi32>
        %scatter3A_1071 = arith.constant 1 : i32
        %scatter3A_1072 = arith.constant 0 : i32
        %scatter3A_1073 = arith.constant 0 : i32
        %scatter3A_1074 = arith.constant 0 : i32
        %scatter3A_1075 = tpu.memref_slice %arg8[%scatter3A_1071, %scatter3A_1072, %scatter3A_1073, %scatter3A_1074] : memref<2x8x8x129xf32, #tpu.memory_space<vmem>> -> memref<1x8x8x129xf32, #tpu.memory_space<vmem>>
        %scatter3A_1076 = tpu.memref_squeeze %scatter3A_1075 : memref<1x8x8x129xf32, #tpu.memory_space<vmem>> -> memref<8x8x129xf32, #tpu.memory_space<vmem>>
        tpu.vector_store_idx %scatter3A_1076[%add3A_13, %and3A_4, %add3A_1070], %add3A_824 : memref<8x8x129xf32, #tpu.memory_space<vmem>>[vector<16xi32>, vector<16xi32>, vector<16xi32>], vector<16xf32>,
        %add3A_1077 = arith.constant 3 : i32
        %add3A_1078 = vector.broadcast %add3A_1077 : i32 to vector<16xi32>
        %add3A_1079 = arith.addi %scan3A_718, %add3A_1078 : vector<16xi32>
        %scatter3A_1080 = arith.constant 1 : i32
        %scatter3A_1081 = arith.constant 0 : i32
        %scatter3A_1082 = arith.constant 0 : i32
        %scatter3A_1083 = arith.constant 0 : i32
        %scatter3A_1084 = tpu.memref_slice %arg8[%scatter3A_1080, %scatter3A_1081, %scatter3A_1082, %scatter3A_1083] : memref<2x8x8x129xf32, #tpu.memory_space<vmem>> -> memref<1x8x8x129xf32, #tpu.memory_space<vmem>>
        %scatter3A_1085 = tpu.memref_squeeze %scatter3A_1084 : memref<1x8x8x129xf32, #tpu.memory_space<vmem>> -> memref<8x8x129xf32, #tpu.memory_space<vmem>>
        tpu.vector_store_idx %scatter3A_1085[%add3A_16, %and3A_4, %add3A_1079], %add3A_830 : memref<8x8x129xf32, #tpu.memory_space<vmem>>[vector<16xi32>, vector<16xi32>, vector<16xi32>], vector<16xf32>,
        %add3A_1086 = arith.constant 4 : i32
        %add3A_1087 = vector.broadcast %add3A_1086 : i32 to vector<16xi32>
        %add3A_1088 = arith.addi %scan3A_718, %add3A_1087 : vector<16xi32>
        %scatter3A_1089 = arith.constant 1 : i32
        %scatter3A_1090 = arith.constant 0 : i32
        %scatter3A_1091 = arith.constant 0 : i32
        %scatter3A_1092 = arith.constant 0 : i32
        %scatter3A_1093 = tpu.memref_slice %arg8[%scatter3A_1089, %scatter3A_1090, %scatter3A_1091, %scatter3A_1092] : memref<2x8x8x129xf32, #tpu.memory_space<vmem>> -> memref<1x8x8x129xf32, #tpu.memory_space<vmem>>
        %scatter3A_1094 = tpu.memref_squeeze %scatter3A_1093 : memref<1x8x8x129xf32, #tpu.memory_space<vmem>> -> memref<8x8x129xf32, #tpu.memory_space<vmem>>
        tpu.vector_store_idx %scatter3A_1094[%add3A_7, %and3A_4, %add3A_1088], %add3A_840 : memref<8x8x129xf32, #tpu.memory_space<vmem>>[vector<16xi32>, vector<16xi32>, vector<16xi32>], vector<16xf32>,
        %add3A_1095 = arith.constant 4 : i32
        %add3A_1096 = vector.broadcast %add3A_1095 : i32 to vector<16xi32>
        %add3A_1097 = arith.addi %scan3A_718, %add3A_1096 : vector<16xi32>
        %scatter3A_1098 = arith.constant 1 : i32
        %scatter3A_1099 = arith.constant 0 : i32
        %scatter3A_1100 = arith.constant 0 : i32
        %scatter3A_1101 = arith.constant 0 : i32
        %scatter3A_1102 = tpu.memref_slice %arg8[%scatter3A_1098, %scatter3A_1099, %scatter3A_1100, %scatter3A_1101] : memref<2x8x8x129xf32, #tpu.memory_space<vmem>> -> memref<1x8x8x129xf32, #tpu.memory_space<vmem>>
        %scatter3A_1103 = tpu.memref_squeeze %scatter3A_1102 : memref<1x8x8x129xf32, #tpu.memory_space<vmem>> -> memref<8x8x129xf32, #tpu.memory_space<vmem>>
        tpu.vector_store_idx %scatter3A_1103[%add3A_10, %and3A_4, %add3A_1097], %add3A_846 : memref<8x8x129xf32, #tpu.memory_space<vmem>>[vector<16xi32>, vector<16xi32>, vector<16xi32>], vector<16xf32>,
        %add3A_1104 = arith.constant 4 : i32
        %add3A_1105 = vector.broadcast %add3A_1104 : i32 to vector<16xi32>
        %add3A_1106 = arith.addi %scan3A_718, %add3A_1105 : vector<16xi32>
        %scatter3A_1107 = arith.constant 1 : i32
        %scatter3A_1108 = arith.constant 0 : i32
        %scatter3A_1109 = arith.constant 0 : i32
        %scatter3A_1110 = arith.constant 0 : i32
        %scatter3A_1111 = tpu.memref_slice %arg8[%scatter3A_1107, %scatter3A_1108, %scatter3A_1109, %scatter3A_1110] : memref<2x8x8x129xf32, #tpu.memory_space<vmem>> -> memref<1x8x8x129xf32, #tpu.memory_space<vmem>>
        %scatter3A_1112 = tpu.memref_squeeze %scatter3A_1111 : memref<1x8x8x129xf32, #tpu.memory_space<vmem>> -> memref<8x8x129xf32, #tpu.memory_space<vmem>>
        tpu.vector_store_idx %scatter3A_1112[%add3A_13, %and3A_4, %add3A_1106], %add3A_852 : memref<8x8x129xf32, #tpu.memory_space<vmem>>[vector<16xi32>, vector<16xi32>, vector<16xi32>], vector<16xf32>,
        %add3A_1113 = arith.constant 4 : i32
        %add3A_1114 = vector.broadcast %add3A_1113 : i32 to vector<16xi32>
        %add3A_1115 = arith.addi %scan3A_718, %add3A_1114 : vector<16xi32>
        %scatter3A_1116 = arith.constant 1 : i32
        %scatter3A_1117 = arith.constant 0 : i32
        %scatter3A_1118 = arith.constant 0 : i32
        %scatter3A_1119 = arith.constant 0 : i32
        %scatter3A_1120 = tpu.memref_slice %arg8[%scatter3A_1116, %scatter3A_1117, %scatter3A_1118, %scatter3A_1119] : memref<2x8x8x129xf32, #tpu.memory_space<vmem>> -> memref<1x8x8x129xf32, #tpu.memory_space<vmem>>
        %scatter3A_1121 = tpu.memref_squeeze %scatter3A_1120 : memref<1x8x8x129xf32, #tpu.memory_space<vmem>> -> memref<8x8x129xf32, #tpu.memory_space<vmem>>
        tpu.vector_store_idx %scatter3A_1121[%add3A_16, %and3A_4, %add3A_1115], %add3A_858 : memref<8x8x129xf32, #tpu.memory_space<vmem>>[vector<16xi32>, vector<16xi32>, vector<16xi32>], vector<16xf32>,
        %add3A_1122 = arith.constant 5 : i32
        %add3A_1123 = vector.broadcast %add3A_1122 : i32 to vector<16xi32>
        %add3A_1124 = arith.addi %scan3A_718, %add3A_1123 : vector<16xi32>
        %scatter3A_1125 = arith.constant 1 : i32
        %scatter3A_1126 = arith.constant 0 : i32
        %scatter3A_1127 = arith.constant 0 : i32
        %scatter3A_1128 = arith.constant 0 : i32
        %scatter3A_1129 = tpu.memref_slice %arg8[%scatter3A_1125, %scatter3A_1126, %scatter3A_1127, %scatter3A_1128] : memref<2x8x8x129xf32, #tpu.memory_space<vmem>> -> memref<1x8x8x129xf32, #tpu.memory_space<vmem>>
        %scatter3A_1130 = tpu.memref_squeeze %scatter3A_1129 : memref<1x8x8x129xf32, #tpu.memory_space<vmem>> -> memref<8x8x129xf32, #tpu.memory_space<vmem>>
        tpu.vector_store_idx %scatter3A_1130[%add3A_7, %and3A_4, %add3A_1124], %add3A_868 : memref<8x8x129xf32, #tpu.memory_space<vmem>>[vector<16xi32>, vector<16xi32>, vector<16xi32>], vector<16xf32>,
        %add3A_1131 = arith.constant 5 : i32
        %add3A_1132 = vector.broadcast %add3A_1131 : i32 to vector<16xi32>
        %add3A_1133 = arith.addi %scan3A_718, %add3A_1132 : vector<16xi32>
        %scatter3A_1134 = arith.constant 1 : i32
        %scatter3A_1135 = arith.constant 0 : i32
        %scatter3A_1136 = arith.constant 0 : i32
        %scatter3A_1137 = arith.constant 0 : i32
        %scatter3A_1138 = tpu.memref_slice %arg8[%scatter3A_1134, %scatter3A_1135, %scatter3A_1136, %scatter3A_1137] : memref<2x8x8x129xf32, #tpu.memory_space<vmem>> -> memref<1x8x8x129xf32, #tpu.memory_space<vmem>>
        %scatter3A_1139 = tpu.memref_squeeze %scatter3A_1138 : memref<1x8x8x129xf32, #tpu.memory_space<vmem>> -> memref<8x8x129xf32, #tpu.memory_space<vmem>>
        tpu.vector_store_idx %scatter3A_1139[%add3A_10, %and3A_4, %add3A_1133], %add3A_874 : memref<8x8x129xf32, #tpu.memory_space<vmem>>[vector<16xi32>, vector<16xi32>, vector<16xi32>], vector<16xf32>,
        %add3A_1140 = arith.constant 5 : i32
        %add3A_1141 = vector.broadcast %add3A_1140 : i32 to vector<16xi32>
        %add3A_1142 = arith.addi %scan3A_718, %add3A_1141 : vector<16xi32>
        %scatter3A_1143 = arith.constant 1 : i32
        %scatter3A_1144 = arith.constant 0 : i32
        %scatter3A_1145 = arith.constant 0 : i32
        %scatter3A_1146 = arith.constant 0 : i32
        %scatter3A_1147 = tpu.memref_slice %arg8[%scatter3A_1143, %scatter3A_1144, %scatter3A_1145, %scatter3A_1146] : memref<2x8x8x129xf32, #tpu.memory_space<vmem>> -> memref<1x8x8x129xf32, #tpu.memory_space<vmem>>
        %scatter3A_1148 = tpu.memref_squeeze %scatter3A_1147 : memref<1x8x8x129xf32, #tpu.memory_space<vmem>> -> memref<8x8x129xf32, #tpu.memory_space<vmem>>
        tpu.vector_store_idx %scatter3A_1148[%add3A_13, %and3A_4, %add3A_1142], %add3A_880 : memref<8x8x129xf32, #tpu.memory_space<vmem>>[vector<16xi32>, vector<16xi32>, vector<16xi32>], vector<16xf32>,
        %add3A_1149 = arith.constant 5 : i32
        %add3A_1150 = vector.broadcast %add3A_1149 : i32 to vector<16xi32>
        %add3A_1151 = arith.addi %scan3A_718, %add3A_1150 : vector<16xi32>
        %scatter3A_1152 = arith.constant 1 : i32
        %scatter3A_1153 = arith.constant 0 : i32
        %scatter3A_1154 = arith.constant 0 : i32
        %scatter3A_1155 = arith.constant 0 : i32
        %scatter3A_1156 = tpu.memref_slice %arg8[%scatter3A_1152, %scatter3A_1153, %scatter3A_1154, %scatter3A_1155] : memref<2x8x8x129xf32, #tpu.memory_space<vmem>> -> memref<1x8x8x129xf32, #tpu.memory_space<vmem>>
        %scatter3A_1157 = tpu.memref_squeeze %scatter3A_1156 : memref<1x8x8x129xf32, #tpu.memory_space<vmem>> -> memref<8x8x129xf32, #tpu.memory_space<vmem>>
        tpu.vector_store_idx %scatter3A_1157[%add3A_16, %and3A_4, %add3A_1151], %add3A_886 : memref<8x8x129xf32, #tpu.memory_space<vmem>>[vector<16xi32>, vector<16xi32>, vector<16xi32>], vector<16xf32>,
        %add3A_1158 = arith.constant 6 : i32
        %add3A_1159 = vector.broadcast %add3A_1158 : i32 to vector<16xi32>
        %add3A_1160 = arith.addi %scan3A_718, %add3A_1159 : vector<16xi32>
        %scatter3A_1161 = arith.constant 1 : i32
        %scatter3A_1162 = arith.constant 0 : i32
        %scatter3A_1163 = arith.constant 0 : i32
        %scatter3A_1164 = arith.constant 0 : i32
        %scatter3A_1165 = tpu.memref_slice %arg8[%scatter3A_1161, %scatter3A_1162, %scatter3A_1163, %scatter3A_1164] : memref<2x8x8x129xf32, #tpu.memory_space<vmem>> -> memref<1x8x8x129xf32, #tpu.memory_space<vmem>>
        %scatter3A_1166 = tpu.memref_squeeze %scatter3A_1165 : memref<1x8x8x129xf32, #tpu.memory_space<vmem>> -> memref<8x8x129xf32, #tpu.memory_space<vmem>>
        tpu.vector_store_idx %scatter3A_1166[%add3A_7, %and3A_4, %add3A_1160], %add3A_896 : memref<8x8x129xf32, #tpu.memory_space<vmem>>[vector<16xi32>, vector<16xi32>, vector<16xi32>], vector<16xf32>,
        %add3A_1167 = arith.constant 6 : i32
        %add3A_1168 = vector.broadcast %add3A_1167 : i32 to vector<16xi32>
        %add3A_1169 = arith.addi %scan3A_718, %add3A_1168 : vector<16xi32>
        %scatter3A_1170 = arith.constant 1 : i32
        %scatter3A_1171 = arith.constant 0 : i32
        %scatter3A_1172 = arith.constant 0 : i32
        %scatter3A_1173 = arith.constant 0 : i32
        %scatter3A_1174 = tpu.memref_slice %arg8[%scatter3A_1170, %scatter3A_1171, %scatter3A_1172, %scatter3A_1173] : memref<2x8x8x129xf32, #tpu.memory_space<vmem>> -> memref<1x8x8x129xf32, #tpu.memory_space<vmem>>
        %scatter3A_1175 = tpu.memref_squeeze %scatter3A_1174 : memref<1x8x8x129xf32, #tpu.memory_space<vmem>> -> memref<8x8x129xf32, #tpu.memory_space<vmem>>
        tpu.vector_store_idx %scatter3A_1175[%add3A_10, %and3A_4, %add3A_1169], %add3A_902 : memref<8x8x129xf32, #tpu.memory_space<vmem>>[vector<16xi32>, vector<16xi32>, vector<16xi32>], vector<16xf32>,
        %add3A_1176 = arith.constant 6 : i32
        %add3A_1177 = vector.broadcast %add3A_1176 : i32 to vector<16xi32>
        %add3A_1178 = arith.addi %scan3A_718, %add3A_1177 : vector<16xi32>
        %scatter3A_1179 = arith.constant 1 : i32
        %scatter3A_1180 = arith.constant 0 : i32
        %scatter3A_1181 = arith.constant 0 : i32
        %scatter3A_1182 = arith.constant 0 : i32
        %scatter3A_1183 = tpu.memref_slice %arg8[%scatter3A_1179, %scatter3A_1180, %scatter3A_1181, %scatter3A_1182] : memref<2x8x8x129xf32, #tpu.memory_space<vmem>> -> memref<1x8x8x129xf32, #tpu.memory_space<vmem>>
        %scatter3A_1184 = tpu.memref_squeeze %scatter3A_1183 : memref<1x8x8x129xf32, #tpu.memory_space<vmem>> -> memref<8x8x129xf32, #tpu.memory_space<vmem>>
        tpu.vector_store_idx %scatter3A_1184[%add3A_13, %and3A_4, %add3A_1178], %add3A_908 : memref<8x8x129xf32, #tpu.memory_space<vmem>>[vector<16xi32>, vector<16xi32>, vector<16xi32>], vector<16xf32>,
        %add3A_1185 = arith.constant 6 : i32
        %add3A_1186 = vector.broadcast %add3A_1185 : i32 to vector<16xi32>
        %add3A_1187 = arith.addi %scan3A_718, %add3A_1186 : vector<16xi32>
        %scatter3A_1188 = arith.constant 1 : i32
        %scatter3A_1189 = arith.constant 0 : i32
        %scatter3A_1190 = arith.constant 0 : i32
        %scatter3A_1191 = arith.constant 0 : i32
        %scatter3A_1192 = tpu.memref_slice %arg8[%scatter3A_1188, %scatter3A_1189, %scatter3A_1190, %scatter3A_1191] : memref<2x8x8x129xf32, #tpu.memory_space<vmem>> -> memref<1x8x8x129xf32, #tpu.memory_space<vmem>>
        %scatter3A_1193 = tpu.memref_squeeze %scatter3A_1192 : memref<1x8x8x129xf32, #tpu.memory_space<vmem>> -> memref<8x8x129xf32, #tpu.memory_space<vmem>>
        tpu.vector_store_idx %scatter3A_1193[%add3A_16, %and3A_4, %add3A_1187], %add3A_914 : memref<8x8x129xf32, #tpu.memory_space<vmem>>[vector<16xi32>, vector<16xi32>, vector<16xi32>], vector<16xf32>,
        %add3A_1194 = arith.constant 7 : i32
        %add3A_1195 = vector.broadcast %add3A_1194 : i32 to vector<16xi32>
        %add3A_1196 = arith.addi %scan3A_718, %add3A_1195 : vector<16xi32>
        %scatter3A_1197 = arith.constant 1 : i32
        %scatter3A_1198 = arith.constant 0 : i32
        %scatter3A_1199 = arith.constant 0 : i32
        %scatter3A_1200 = arith.constant 0 : i32
        %scatter3A_1201 = tpu.memref_slice %arg8[%scatter3A_1197, %scatter3A_1198, %scatter3A_1199, %scatter3A_1200] : memref<2x8x8x129xf32, #tpu.memory_space<vmem>> -> memref<1x8x8x129xf32, #tpu.memory_space<vmem>>
        %scatter3A_1202 = tpu.memref_squeeze %scatter3A_1201 : memref<1x8x8x129xf32, #tpu.memory_space<vmem>> -> memref<8x8x129xf32, #tpu.memory_space<vmem>>
        tpu.vector_store_idx %scatter3A_1202[%add3A_7, %and3A_4, %add3A_1196], %add3A_924 : memref<8x8x129xf32, #tpu.memory_space<vmem>>[vector<16xi32>, vector<16xi32>, vector<16xi32>], vector<16xf32>,
        %add3A_1203 = arith.constant 7 : i32
        %add3A_1204 = vector.broadcast %add3A_1203 : i32 to vector<16xi32>
        %add3A_1205 = arith.addi %scan3A_718, %add3A_1204 : vector<16xi32>
        %scatter3A_1206 = arith.constant 1 : i32
        %scatter3A_1207 = arith.constant 0 : i32
        %scatter3A_1208 = arith.constant 0 : i32
        %scatter3A_1209 = arith.constant 0 : i32
        %scatter3A_1210 = tpu.memref_slice %arg8[%scatter3A_1206, %scatter3A_1207, %scatter3A_1208, %scatter3A_1209] : memref<2x8x8x129xf32, #tpu.memory_space<vmem>> -> memref<1x8x8x129xf32, #tpu.memory_space<vmem>>
        %scatter3A_1211 = tpu.memref_squeeze %scatter3A_1210 : memref<1x8x8x129xf32, #tpu.memory_space<vmem>> -> memref<8x8x129xf32, #tpu.memory_space<vmem>>
        tpu.vector_store_idx %scatter3A_1211[%add3A_10, %and3A_4, %add3A_1205], %add3A_930 : memref<8x8x129xf32, #tpu.memory_space<vmem>>[vector<16xi32>, vector<16xi32>, vector<16xi32>], vector<16xf32>,
        %add3A_1212 = arith.constant 7 : i32
        %add3A_1213 = vector.broadcast %add3A_1212 : i32 to vector<16xi32>
        %add3A_1214 = arith.addi %scan3A_718, %add3A_1213 : vector<16xi32>
        %scatter3A_1215 = arith.constant 1 : i32
        %scatter3A_1216 = arith.constant 0 : i32
        %scatter3A_1217 = arith.constant 0 : i32
        %scatter3A_1218 = arith.constant 0 : i32
        %scatter3A_1219 = tpu.memref_slice %arg8[%scatter3A_1215, %scatter3A_1216, %scatter3A_1217, %scatter3A_1218] : memref<2x8x8x129xf32, #tpu.memory_space<vmem>> -> memref<1x8x8x129xf32, #tpu.memory_space<vmem>>
        %scatter3A_1220 = tpu.memref_squeeze %scatter3A_1219 : memref<1x8x8x129xf32, #tpu.memory_space<vmem>> -> memref<8x8x129xf32, #tpu.memory_space<vmem>>
        tpu.vector_store_idx %scatter3A_1220[%add3A_13, %and3A_4, %add3A_1214], %add3A_936 : memref<8x8x129xf32, #tpu.memory_space<vmem>>[vector<16xi32>, vector<16xi32>, vector<16xi32>], vector<16xf32>,
        %add3A_1221 = arith.constant 7 : i32
        %add3A_1222 = vector.broadcast %add3A_1221 : i32 to vector<16xi32>
        %add3A_1223 = arith.addi %scan3A_718, %add3A_1222 : vector<16xi32>
        %scatter3A_1224 = arith.constant 1 : i32
        %scatter3A_1225 = arith.constant 0 : i32
        %scatter3A_1226 = arith.constant 0 : i32
        %scatter3A_1227 = arith.constant 0 : i32
        %scatter3A_1228 = tpu.memref_slice %arg8[%scatter3A_1224, %scatter3A_1225, %scatter3A_1226, %scatter3A_1227] : memref<2x8x8x129xf32, #tpu.memory_space<vmem>> -> memref<1x8x8x129xf32, #tpu.memory_space<vmem>>
        %scatter3A_1229 = tpu.memref_squeeze %scatter3A_1228 : memref<1x8x8x129xf32, #tpu.memory_space<vmem>> -> memref<8x8x129xf32, #tpu.memory_space<vmem>>
        tpu.vector_store_idx %scatter3A_1229[%add3A_16, %and3A_4, %add3A_1223], %add3A_942 : memref<8x8x129xf32, #tpu.memory_space<vmem>>[vector<16xi32>, vector<16xi32>, vector<16xi32>], vector<16xf32>,
        %add3A_1230 = arith.constant 8 : i32
        %add3A_1231 = vector.broadcast %add3A_1230 : i32 to vector<16xi32>
        %add3A_1232 = arith.addi %scan3A_718, %add3A_1231 : vector<16xi32>
        scf.yield %add3A_1232 : vector<16xi32>
      }
      %scan3A_453 = arith.constant 16 : i32
      %dma_start3A_454 = arith.constant 1 : i32
      %dma_start3A_455 = arith.constant 0 : i32
      %dma_start3A_456 = arith.constant 0 : i32
      %dma_start3A_457 = arith.constant 0 : i32
      %dma_start3A_458 = tpu.memref_slice %arg8[%dma_start3A_454, %dma_start3A_455, %dma_start3A_456, %dma_start3A_457] : memref<2x8x8x129xf32, #tpu.memory_space<vmem>> -> memref<1x8x8x128xf32, #tpu.memory_space<vmem>>
      %dma_start3A_459 = tpu.memref_squeeze %dma_start3A_458 : memref<1x8x8x128xf32, #tpu.memory_space<vmem>> -> memref<8x8x128xf32, #tpu.memory_space<vmem>>
      %dma_start3A_460 = arith.constant 0 : i32
      %dma_start3A_461 = arith.constant 0 : i32
      %dma_start3A_462 = arith.constant 0 : i32
      %dma_start3A_463 = tpu.memref_slice %arg5[%add3A_357, %dma_start3A_460, %add3A, %dma_start3A_461, %dma_start3A_462] : memref<200x8x32x8x128xf32, #tpu.memory_space<hbm>> -> memref<1x8x1x8x128xf32, #tpu.memory_space<hbm>>
      %dma_start3A_464 = tpu.memref_squeeze %dma_start3A_463 : memref<1x8x1x8x128xf32, #tpu.memory_space<hbm>> -> memref<8x8x128xf32, #tpu.memory_space<hbm>>
      %dma_start3A_465 = arith.constant 0 : i32
      %dma_start3A_466 = arith.constant 0 : i32
      %dma_start3A_467 = arith.constant 0 : i32
      %dma_start3A_468 = tpu.memref_slice %arg5[%add3A_357, %dma_start3A_465, %add3A, %dma_start3A_466, %dma_start3A_467] : memref<200x8x32x8x128xf32, #tpu.memory_space<hbm>> -> memref<1x8x1x8x128xf32, #tpu.memory_space<hbm>>
      %dma_start3A_469 = tpu.memref_squeeze %dma_start3A_468 : memref<1x8x1x8x128xf32, #tpu.memory_space<hbm>> -> memref<8x8x128xf32, #tpu.memory_space<hbm>>
      %dma_start3A_470 = arith.constant 0 : i32
      %dma_start3A_471 = arith.constant 0 : i32
      %dma_start3A_472 = arith.constant 0 : i32
      %dma_start3A_473 = tpu.memref_slice %arg8[%dma_start3A_454, %dma_start3A_470, %dma_start3A_471, %dma_start3A_472] : memref<2x8x8x129xf32, #tpu.memory_space<vmem>> -> memref<1x8x8x128xf32, #tpu.memory_space<vmem>>
      %dma_start3A_474 = tpu.memref_squeeze %dma_start3A_473 : memref<1x8x8x128xf32, #tpu.memory_space<vmem>> -> memref<8x8x128xf32, #tpu.memory_space<vmem>>
      tpu.enqueue_dma source(%dma_start3A_474 : memref<8x8x128xf32, #tpu.memory_space<vmem>>) target(%dma_start3A_469 : memref<8x8x128xf32, #tpu.memory_space<hbm>>) target_semaphore(%arg19 : memref<!tpu.dma_semaphore, #tpu.memory_space<semaphore_mem>>)
      %mul3A_475 = arith.constant 4 : i32
      %mul3A_476 = arith.muli %scan3A_237, %mul3A_475 : i32
      %add3A_477 = arith.constant 2 : i32
      %add3A_478 = arith.addi %mul3A_476, %add3A_477 : i32
      %dma_wait3A_479 = arith.constant 2 : i32
      %dma_wait3A_480 = arith.constant 2 : i32
      %dma_wait3A_481 = arith.constant 0 : i32
      %dma_wait3A_482 = arith.constant 0 : i32
      %dma_wait3A_483 = tpu.memref_slice %arg7[%dma_wait3A_480, %dma_wait3A_481, %dma_wait3A_482] : memref<4x128x64xf32, #tpu.memory_space<vmem>> -> memref<1x32x64xf32, #tpu.memory_space<vmem>>
      %dma_wait3A_484 = tpu.memref_squeeze %dma_wait3A_483 : memref<1x32x64xf32, #tpu.memory_space<vmem>> -> memref<32x64xf32, #tpu.memory_space<vmem>>
      %dma_wait3A_485 = arith.constant 0 : i32
      %dma_wait3A_486 = tpu.memref_slice %arg6[%dma_wait3A_479, %dma_wait3A_485] : memref<4x128xi32, #tpu.memory_space<vmem>> -> memref<1x128xi32, #tpu.memory_space<vmem>>
      %dma_wait3A_487 = tpu.memref_squeeze %dma_wait3A_486 : memref<1x128xi32, #tpu.memory_space<vmem>> -> memref<128xi32, #tpu.memory_space<vmem>>
      %dma_wait3A_488 = arith.constant 0 : i32
      %dma_wait3A_489 = tpu.memref_slice %dma_wait3A_487[%dma_wait3A_488] : memref<128xi32, #tpu.memory_space<vmem>> -> memref<32xi32, #tpu.memory_space<vmem>>
      %dma_wait3A_490 = arith.constant 0 : i32
      %dma_wait3A_491 = arith.constant 0 : i32
      %dma_wait3A_492 = tpu.memref_slice %arg3[%dma_wait3A_490, %dma_wait3A_491] : memref<1000000x64xf32, #tpu.memory_space<hbm>> -> memref<1000000x64xf32, #tpu.memory_space<hbm>>
      tpu.wait_indirect_dma semaphore(%arg16 : memref<!tpu.dma_semaphore, #tpu.memory_space<semaphore_mem>>) src(%dma_wait3A_492 : memref<1000000x64xf32, #tpu.memory_space<hbm>>) dst(%dma_wait3A_484 : memref<32x64xf32, #tpu.memory_space<vmem>>)
      %dma_wait3A_493 = arith.constant 2 : i32
      %dma_wait3A_494 = arith.constant 2 : i32
      %dma_wait3A_495 = arith.constant 32 : i32
      %dma_wait3A_496 = arith.constant 0 : i32
      %dma_wait3A_497 = tpu.memref_slice %arg7[%dma_wait3A_494, %dma_wait3A_495, %dma_wait3A_496] : memref<4x128x64xf32, #tpu.memory_space<vmem>> -> memref<1x32x64xf32, #tpu.memory_space<vmem>>
      %dma_wait3A_498 = tpu.memref_squeeze %dma_wait3A_497 : memref<1x32x64xf32, #tpu.memory_space<vmem>> -> memref<32x64xf32, #tpu.memory_space<vmem>>
      %dma_wait3A_499 = arith.constant 0 : i32
      %dma_wait3A_500 = tpu.memref_slice %arg6[%dma_wait3A_493, %dma_wait3A_499] : memref<4x128xi32, #tpu.memory_space<vmem>> -> memref<1x128xi32, #tpu.memory_space<vmem>>
      %dma_wait3A_501 = tpu.memref_squeeze %dma_wait3A_500 : memref<1x128xi32, #tpu.memory_space<vmem>> -> memref<128xi32, #tpu.memory_space<vmem>>
      %dma_wait3A_502 = arith.constant 32 : i32
      %dma_wait3A_503 = tpu.memref_slice %dma_wait3A_501[%dma_wait3A_502] : memref<128xi32, #tpu.memory_space<vmem>> -> memref<32xi32, #tpu.memory_space<vmem>>
      %dma_wait3A_504 = arith.constant 0 : i32
      %dma_wait3A_505 = arith.constant 0 : i32
      %dma_wait3A_506 = tpu.memref_slice %arg3[%dma_wait3A_504, %dma_wait3A_505] : memref<1000000x64xf32, #tpu.memory_space<hbm>> -> memref<1000000x64xf32, #tpu.memory_space<hbm>>
      tpu.wait_indirect_dma semaphore(%arg16 : memref<!tpu.dma_semaphore, #tpu.memory_space<semaphore_mem>>) src(%dma_wait3A_506 : memref<1000000x64xf32, #tpu.memory_space<hbm>>) dst(%dma_wait3A_498 : memref<32x64xf32, #tpu.memory_space<vmem>>)
      %dma_wait3A_507 = arith.constant 2 : i32
      %dma_wait3A_508 = arith.constant 2 : i32
      %dma_wait3A_509 = arith.constant 64 : i32
      %dma_wait3A_510 = arith.constant 0 : i32
      %dma_wait3A_511 = tpu.memref_slice %arg7[%dma_wait3A_508, %dma_wait3A_509, %dma_wait3A_510] : memref<4x128x64xf32, #tpu.memory_space<vmem>> -> memref<1x32x64xf32, #tpu.memory_space<vmem>>
      %dma_wait3A_512 = tpu.memref_squeeze %dma_wait3A_511 : memref<1x32x64xf32, #tpu.memory_space<vmem>> -> memref<32x64xf32, #tpu.memory_space<vmem>>
      %dma_wait3A_513 = arith.constant 0 : i32
      %dma_wait3A_514 = tpu.memref_slice %arg6[%dma_wait3A_507, %dma_wait3A_513] : memref<4x128xi32, #tpu.memory_space<vmem>> -> memref<1x128xi32, #tpu.memory_space<vmem>>
      %dma_wait3A_515 = tpu.memref_squeeze %dma_wait3A_514 : memref<1x128xi32, #tpu.memory_space<vmem>> -> memref<128xi32, #tpu.memory_space<vmem>>
      %dma_wait3A_516 = arith.constant 64 : i32
      %dma_wait3A_517 = tpu.memref_slice %dma_wait3A_515[%dma_wait3A_516] : memref<128xi32, #tpu.memory_space<vmem>> -> memref<32xi32, #tpu.memory_space<vmem>>
      %dma_wait3A_518 = arith.constant 0 : i32
      %dma_wait3A_519 = arith.constant 0 : i32
      %dma_wait3A_520 = tpu.memref_slice %arg3[%dma_wait3A_518, %dma_wait3A_519] : memref<1000000x64xf32, #tpu.memory_space<hbm>> -> memref<1000000x64xf32, #tpu.memory_space<hbm>>
      tpu.wait_indirect_dma semaphore(%arg16 : memref<!tpu.dma_semaphore, #tpu.memory_space<semaphore_mem>>) src(%dma_wait3A_520 : memref<1000000x64xf32, #tpu.memory_space<hbm>>) dst(%dma_wait3A_512 : memref<32x64xf32, #tpu.memory_space<vmem>>)
      %dma_wait3A_521 = arith.constant 2 : i32
      %dma_wait3A_522 = arith.constant 2 : i32
      %dma_wait3A_523 = arith.constant 96 : i32
      %dma_wait3A_524 = arith.constant 0 : i32
      %dma_wait3A_525 = tpu.memref_slice %arg7[%dma_wait3A_522, %dma_wait3A_523, %dma_wait3A_524] : memref<4x128x64xf32, #tpu.memory_space<vmem>> -> memref<1x32x64xf32, #tpu.memory_space<vmem>>
      %dma_wait3A_526 = tpu.memref_squeeze %dma_wait3A_525 : memref<1x32x64xf32, #tpu.memory_space<vmem>> -> memref<32x64xf32, #tpu.memory_space<vmem>>
      %dma_wait3A_527 = arith.constant 0 : i32
      %dma_wait3A_528 = tpu.memref_slice %arg6[%dma_wait3A_521, %dma_wait3A_527] : memref<4x128xi32, #tpu.memory_space<vmem>> -> memref<1x128xi32, #tpu.memory_space<vmem>>
      %dma_wait3A_529 = tpu.memref_squeeze %dma_wait3A_528 : memref<1x128xi32, #tpu.memory_space<vmem>> -> memref<128xi32, #tpu.memory_space<vmem>>
      %dma_wait3A_530 = arith.constant 96 : i32
      %dma_wait3A_531 = tpu.memref_slice %dma_wait3A_529[%dma_wait3A_530] : memref<128xi32, #tpu.memory_space<vmem>> -> memref<32xi32, #tpu.memory_space<vmem>>
      %dma_wait3A_532 = arith.constant 0 : i32
      %dma_wait3A_533 = arith.constant 0 : i32
      %dma_wait3A_534 = tpu.memref_slice %arg3[%dma_wait3A_532, %dma_wait3A_533] : memref<1000000x64xf32, #tpu.memory_space<hbm>> -> memref<1000000x64xf32, #tpu.memory_space<hbm>>
      tpu.wait_indirect_dma semaphore(%arg16 : memref<!tpu.dma_semaphore, #tpu.memory_space<semaphore_mem>>) src(%dma_wait3A_534 : memref<1000000x64xf32, #tpu.memory_space<hbm>>) dst(%dma_wait3A_526 : memref<32x64xf32, #tpu.memory_space<vmem>>)
      %add3A_535 = arith.constant 4 : i32
      %add3A_536 = arith.addi %add3A_478, %add3A_535 : i32
      %lt3A_537 = arith.constant 200 : i32
      %lt3A_538 = arith.cmpi slt, %add3A_536, %lt3A_537 : i32
      %convert_element_type3A_539 = arith.extui %lt3A_538 : i1 to i32
      %cond3A_540 = arith.constant 0 : i32
      %cond3A_541 = arith.cmpi ne, %convert_element_type3A_539, %cond3A_540 : i32
      scf.if %cond3A_541 {
        %add3A_717 = arith.constant 4 : i32
        %add3A_718 = arith.addi %add3A_478, %add3A_717 : i32
        %mul3A_719 = arith.constant 4096 : i32
        %mul3A_720 = arith.muli %add3A_718, %mul3A_719 : i32
        %mul3A_721 = arith.constant 128 : i32
        %mul3A_722 = arith.muli %add3A, %mul3A_721 : i32
        %add3A_723 = arith.addi %mul3A_720, %mul3A_722 : i32
        %multiple_of3A_724 = tpu.assume_multiple %add3A_723, 128 : i32
        %dma_start3A_725 = arith.constant 2 : i32
        %dma_start3A_726 = arith.constant 0 : i32
        %dma_start3A_727 = tpu.memref_slice %arg6[%dma_start3A_725, %dma_start3A_726] : memref<4x128xi32, #tpu.memory_space<vmem>> -> memref<1x128xi32, #tpu.memory_space<vmem>>
        %dma_start3A_728 = tpu.memref_squeeze %dma_start3A_727 : memref<1x128xi32, #tpu.memory_space<vmem>> -> memref<128xi32, #tpu.memory_space<vmem>>
        %dma_start3A_729 = tpu.memref_slice %arg2[%multiple_of3A_724] : memref<819200xi32, #tpu.memory_space<hbm>> -> memref<128xi32, #tpu.memory_space<hbm>>
        %dma_start3A_730 = arith.constant 0 : i32
        %dma_start3A_731 = tpu.memref_slice %arg6[%dma_start3A_725, %dma_start3A_730] : memref<4x128xi32, #tpu.memory_space<vmem>> -> memref<1x128xi32, #tpu.memory_space<vmem>>
        %dma_start3A_732 = tpu.memref_squeeze %dma_start3A_731 : memref<1x128xi32, #tpu.memory_space<vmem>> -> memref<128xi32, #tpu.memory_space<vmem>>
        %dma_start3A_733 = tpu.memref_slice %arg2[%multiple_of3A_724] : memref<819200xi32, #tpu.memory_space<hbm>> -> memref<128xi32, #tpu.memory_space<hbm>>
        tpu.enqueue_dma source(%dma_start3A_733 : memref<128xi32, #tpu.memory_space<hbm>>) target(%dma_start3A_732 : memref<128xi32, #tpu.memory_space<vmem>>) target_semaphore(%arg12 : memref<!tpu.dma_semaphore, #tpu.memory_space<semaphore_mem>>)
      } else {
      }
      %ge3A_542 = arith.constant 1 : i32
      %ge3A_543 = arith.cmpi sge, %add3A_478, %ge3A_542 : i32
      %convert_element_type3A_544 = arith.extui %ge3A_543 : i1 to i32
      %cond3A_545 = arith.constant 0 : i32
      %cond3A_546 = arith.cmpi ne, %convert_element_type3A_544, %cond3A_545 : i32
      scf.if %cond3A_546 {
        %sub3A = arith.constant 1 : i32
        %sub3A_717 = arith.subi %add3A_478, %sub3A : i32
        %dma_wait3A_718 = arith.constant 1 : i32
        %dma_wait3A_719 = arith.constant 0 : i32
        %dma_wait3A_720 = arith.constant 0 : i32
        %dma_wait3A_721 = arith.constant 0 : i32
        %dma_wait3A_722 = tpu.memref_slice %arg8[%dma_wait3A_718, %dma_wait3A_719, %dma_wait3A_720, %dma_wait3A_721] : memref<2x8x8x129xf32, #tpu.memory_space<vmem>> -> memref<1x8x8x128xf32, #tpu.memory_space<vmem>>
        %dma_wait3A_723 = tpu.memref_squeeze %dma_wait3A_722 : memref<1x8x8x128xf32, #tpu.memory_space<vmem>> -> memref<8x8x128xf32, #tpu.memory_space<vmem>>
        %dma_wait3A_724 = arith.constant 0 : i32
        %dma_wait3A_725 = arith.constant 0 : i32
        %dma_wait3A_726 = arith.constant 0 : i32
        %dma_wait3A_727 = tpu.memref_slice %arg5[%sub3A_717, %dma_wait3A_724, %add3A, %dma_wait3A_725, %dma_wait3A_726] : memref<200x8x32x8x128xf32, #tpu.memory_space<hbm>> -> memref<1x8x1x8x128xf32, #tpu.memory_space<hbm>>
        %dma_wait3A_728 = tpu.memref_squeeze %dma_wait3A_727 : memref<1x8x1x8x128xf32, #tpu.memory_space<hbm>> -> memref<8x8x128xf32, #tpu.memory_space<hbm>>
        %dma_wait3A_729 = arith.constant 0 : i32
        %dma_wait3A_730 = arith.constant 0 : i32
        %dma_wait3A_731 = arith.constant 0 : i32
        %dma_wait3A_732 = tpu.memref_slice %arg5[%sub3A_717, %dma_wait3A_729, %add3A, %dma_wait3A_730, %dma_wait3A_731] : memref<200x8x32x8x128xf32, #tpu.memory_space<hbm>> -> memref<1x8x1x8x128xf32, #tpu.memory_space<hbm>>
        %dma_wait3A_733 = tpu.memref_squeeze %dma_wait3A_732 : memref<1x8x1x8x128xf32, #tpu.memory_space<hbm>> -> memref<8x8x128xf32, #tpu.memory_space<hbm>>
        %dma_wait3A_734 = arith.constant 0 : i32
        %dma_wait3A_735 = arith.constant 0 : i32
        %dma_wait3A_736 = arith.constant 0 : i32
        %dma_wait3A_737 = tpu.memref_slice %arg8[%dma_wait3A_718, %dma_wait3A_734, %dma_wait3A_735, %dma_wait3A_736] : memref<2x8x8x129xf32, #tpu.memory_space<vmem>> -> memref<1x8x8x128xf32, #tpu.memory_space<vmem>>
        %dma_wait3A_738 = tpu.memref_squeeze %dma_wait3A_737 : memref<1x8x8x128xf32, #tpu.memory_space<vmem>> -> memref<8x8x128xf32, #tpu.memory_space<vmem>>
        tpu.wait_dma2 semaphore(%arg19 : memref<!tpu.dma_semaphore, #tpu.memory_space<semaphore_mem>>) src(%dma_wait3A_738 : memref<8x8x128xf32, #tpu.memory_space<vmem>>) dst(%dma_wait3A_733 : memref<8x8x128xf32, #tpu.memory_space<hbm>>)
      } else {
      }
      %add3A_547 = arith.constant 2 : i32
      %add3A_548 = arith.addi %add3A_478, %add3A_547 : i32
      %lt3A_549 = arith.constant 200 : i32
      %lt3A_550 = arith.cmpi slt, %add3A_548, %lt3A_549 : i32
      %convert_element_type3A_551 = arith.extui %lt3A_550 : i1 to i32
      %cond3A_552 = arith.constant 0 : i32
      %cond3A_553 = arith.cmpi ne, %convert_element_type3A_551, %cond3A_552 : i32
      scf.if %cond3A_553 {
        %add3A_717 = arith.constant 2 : i32
        %add3A_718 = arith.addi %add3A_478, %add3A_717 : i32
        %mul3A_719 = arith.constant 4096 : i32
        %mul3A_720 = arith.muli %add3A_718, %mul3A_719 : i32
        %mul3A_721 = arith.constant 128 : i32
        %mul3A_722 = arith.muli %add3A, %mul3A_721 : i32
        %add3A_723 = arith.addi %mul3A_720, %mul3A_722 : i32
        %multiple_of3A_724 = tpu.assume_multiple %add3A_723, 128 : i32
        %dma_wait3A_725 = arith.constant 0 : i32
        %dma_wait3A_726 = arith.constant 0 : i32
        %dma_wait3A_727 = tpu.memref_slice %arg6[%dma_wait3A_725, %dma_wait3A_726] : memref<4x128xi32, #tpu.memory_space<vmem>> -> memref<1x128xi32, #tpu.memory_space<vmem>>
        %dma_wait3A_728 = tpu.memref_squeeze %dma_wait3A_727 : memref<1x128xi32, #tpu.memory_space<vmem>> -> memref<128xi32, #tpu.memory_space<vmem>>
        %dma_wait3A_729 = tpu.memref_slice %arg2[%multiple_of3A_724] : memref<819200xi32, #tpu.memory_space<hbm>> -> memref<128xi32, #tpu.memory_space<hbm>>
        %dma_wait3A_730 = arith.constant 0 : i32
        %dma_wait3A_731 = tpu.memref_slice %arg6[%dma_wait3A_725, %dma_wait3A_730] : memref<4x128xi32, #tpu.memory_space<vmem>> -> memref<1x128xi32, #tpu.memory_space<vmem>>
        %dma_wait3A_732 = tpu.memref_squeeze %dma_wait3A_731 : memref<1x128xi32, #tpu.memory_space<vmem>> -> memref<128xi32, #tpu.memory_space<vmem>>
        %dma_wait3A_733 = tpu.memref_slice %arg2[%multiple_of3A_724] : memref<819200xi32, #tpu.memory_space<hbm>> -> memref<128xi32, #tpu.memory_space<hbm>>
        tpu.wait_dma2 semaphore(%arg10 : memref<!tpu.dma_semaphore, #tpu.memory_space<semaphore_mem>>) src(%dma_wait3A_733 : memref<128xi32, #tpu.memory_space<hbm>>) dst(%dma_wait3A_732 : memref<128xi32, #tpu.memory_space<vmem>>)
        %dma_start3A_734 = arith.constant 0 : i32
        %dma_start3A_735 = arith.constant 0 : i32
        %dma_start3A_736 = arith.constant 0 : i32
        %dma_start3A_737 = arith.constant 0 : i32
        %dma_start3A_738 = tpu.memref_slice %arg7[%dma_start3A_735, %dma_start3A_736, %dma_start3A_737] : memref<4x128x64xf32, #tpu.memory_space<vmem>> -> memref<1x32x64xf32, #tpu.memory_space<vmem>>
        %dma_start3A_739 = tpu.memref_squeeze %dma_start3A_738 : memref<1x32x64xf32, #tpu.memory_space<vmem>> -> memref<32x64xf32, #tpu.memory_space<vmem>>
        %dma_start3A_740 = arith.constant 0 : i32
        %dma_start3A_741 = tpu.memref_slice %arg6[%dma_start3A_734, %dma_start3A_740] : memref<4x128xi32, #tpu.memory_space<vmem>> -> memref<1x128xi32, #tpu.memory_space<vmem>>
        %dma_start3A_742 = tpu.memref_squeeze %dma_start3A_741 : memref<1x128xi32, #tpu.memory_space<vmem>> -> memref<128xi32, #tpu.memory_space<vmem>>
        %dma_start3A_743 = arith.constant 0 : i32
        %dma_start3A_744 = tpu.memref_slice %dma_start3A_742[%dma_start3A_743] : memref<128xi32, #tpu.memory_space<vmem>> -> memref<32xi32, #tpu.memory_space<vmem>>
        %dma_start3A_745 = arith.constant 0 : i32
        %dma_start3A_746 = arith.constant 0 : i32
        %dma_start3A_747 = tpu.memref_slice %arg3[%dma_start3A_745, %dma_start3A_746] : memref<1000000x64xf32, #tpu.memory_space<hbm>> -> memref<1000000x64xf32, #tpu.memory_space<hbm>>
        tpu.enqueue_indirect_dma source(%dma_start3A_747 : memref<1000000x64xf32, #tpu.memory_space<hbm>>) target(%dma_start3A_739 : memref<32x64xf32, #tpu.memory_space<vmem>>) offsets(%dma_start3A_744 : memref<32xi32, #tpu.memory_space<vmem>>) semaphore(%arg14 : memref<!tpu.dma_semaphore, #tpu.memory_space<semaphore_mem>>)
        %dma_start3A_748 = arith.constant 0 : i32
        %dma_start3A_749 = arith.constant 0 : i32
        %dma_start3A_750 = arith.constant 32 : i32
        %dma_start3A_751 = arith.constant 0 : i32
        %dma_start3A_752 = tpu.memref_slice %arg7[%dma_start3A_749, %dma_start3A_750, %dma_start3A_751] : memref<4x128x64xf32, #tpu.memory_space<vmem>> -> memref<1x32x64xf32, #tpu.memory_space<vmem>>
        %dma_start3A_753 = tpu.memref_squeeze %dma_start3A_752 : memref<1x32x64xf32, #tpu.memory_space<vmem>> -> memref<32x64xf32, #tpu.memory_space<vmem>>
        %dma_start3A_754 = arith.constant 0 : i32
        %dma_start3A_755 = tpu.memref_slice %arg6[%dma_start3A_748, %dma_start3A_754] : memref<4x128xi32, #tpu.memory_space<vmem>> -> memref<1x128xi32, #tpu.memory_space<vmem>>
        %dma_start3A_756 = tpu.memref_squeeze %dma_start3A_755 : memref<1x128xi32, #tpu.memory_space<vmem>> -> memref<128xi32, #tpu.memory_space<vmem>>
        %dma_start3A_757 = arith.constant 32 : i32
        %dma_start3A_758 = tpu.memref_slice %dma_start3A_756[%dma_start3A_757] : memref<128xi32, #tpu.memory_space<vmem>> -> memref<32xi32, #tpu.memory_space<vmem>>
        %dma_start3A_759 = arith.constant 0 : i32
        %dma_start3A_760 = arith.constant 0 : i32
        %dma_start3A_761 = tpu.memref_slice %arg3[%dma_start3A_759, %dma_start3A_760] : memref<1000000x64xf32, #tpu.memory_space<hbm>> -> memref<1000000x64xf32, #tpu.memory_space<hbm>>
        tpu.enqueue_indirect_dma source(%dma_start3A_761 : memref<1000000x64xf32, #tpu.memory_space<hbm>>) target(%dma_start3A_753 : memref<32x64xf32, #tpu.memory_space<vmem>>) offsets(%dma_start3A_758 : memref<32xi32, #tpu.memory_space<vmem>>) semaphore(%arg14 : memref<!tpu.dma_semaphore, #tpu.memory_space<semaphore_mem>>)
        %dma_start3A_762 = arith.constant 0 : i32
        %dma_start3A_763 = arith.constant 0 : i32
        %dma_start3A_764 = arith.constant 64 : i32
        %dma_start3A_765 = arith.constant 0 : i32
        %dma_start3A_766 = tpu.memref_slice %arg7[%dma_start3A_763, %dma_start3A_764, %dma_start3A_765] : memref<4x128x64xf32, #tpu.memory_space<vmem>> -> memref<1x32x64xf32, #tpu.memory_space<vmem>>
        %dma_start3A_767 = tpu.memref_squeeze %dma_start3A_766 : memref<1x32x64xf32, #tpu.memory_space<vmem>> -> memref<32x64xf32, #tpu.memory_space<vmem>>
        %dma_start3A_768 = arith.constant 0 : i32
        %dma_start3A_769 = tpu.memref_slice %arg6[%dma_start3A_762, %dma_start3A_768] : memref<4x128xi32, #tpu.memory_space<vmem>> -> memref<1x128xi32, #tpu.memory_space<vmem>>
        %dma_start3A_770 = tpu.memref_squeeze %dma_start3A_769 : memref<1x128xi32, #tpu.memory_space<vmem>> -> memref<128xi32, #tpu.memory_space<vmem>>
        %dma_start3A_771 = arith.constant 64 : i32
        %dma_start3A_772 = tpu.memref_slice %dma_start3A_770[%dma_start3A_771] : memref<128xi32, #tpu.memory_space<vmem>> -> memref<32xi32, #tpu.memory_space<vmem>>
        %dma_start3A_773 = arith.constant 0 : i32
        %dma_start3A_774 = arith.constant 0 : i32
        %dma_start3A_775 = tpu.memref_slice %arg3[%dma_start3A_773, %dma_start3A_774] : memref<1000000x64xf32, #tpu.memory_space<hbm>> -> memref<1000000x64xf32, #tpu.memory_space<hbm>>
        tpu.enqueue_indirect_dma source(%dma_start3A_775 : memref<1000000x64xf32, #tpu.memory_space<hbm>>) target(%dma_start3A_767 : memref<32x64xf32, #tpu.memory_space<vmem>>) offsets(%dma_start3A_772 : memref<32xi32, #tpu.memory_space<vmem>>) semaphore(%arg14 : memref<!tpu.dma_semaphore, #tpu.memory_space<semaphore_mem>>)
        %dma_start3A_776 = arith.constant 0 : i32
        %dma_start3A_777 = arith.constant 0 : i32
        %dma_start3A_778 = arith.constant 96 : i32
        %dma_start3A_779 = arith.constant 0 : i32
        %dma_start3A_780 = tpu.memref_slice %arg7[%dma_start3A_777, %dma_start3A_778, %dma_start3A_779] : memref<4x128x64xf32, #tpu.memory_space<vmem>> -> memref<1x32x64xf32, #tpu.memory_space<vmem>>
        %dma_start3A_781 = tpu.memref_squeeze %dma_start3A_780 : memref<1x32x64xf32, #tpu.memory_space<vmem>> -> memref<32x64xf32, #tpu.memory_space<vmem>>
        %dma_start3A_782 = arith.constant 0 : i32
        %dma_start3A_783 = tpu.memref_slice %arg6[%dma_start3A_776, %dma_start3A_782] : memref<4x128xi32, #tpu.memory_space<vmem>> -> memref<1x128xi32, #tpu.memory_space<vmem>>
        %dma_start3A_784 = tpu.memref_squeeze %dma_start3A_783 : memref<1x128xi32, #tpu.memory_space<vmem>> -> memref<128xi32, #tpu.memory_space<vmem>>
        %dma_start3A_785 = arith.constant 96 : i32
        %dma_start3A_786 = tpu.memref_slice %dma_start3A_784[%dma_start3A_785] : memref<128xi32, #tpu.memory_space<vmem>> -> memref<32xi32, #tpu.memory_space<vmem>>
        %dma_start3A_787 = arith.constant 0 : i32
        %dma_start3A_788 = arith.constant 0 : i32
        %dma_start3A_789 = tpu.memref_slice %arg3[%dma_start3A_787, %dma_start3A_788] : memref<1000000x64xf32, #tpu.memory_space<hbm>> -> memref<1000000x64xf32, #tpu.memory_space<hbm>>
        tpu.enqueue_indirect_dma source(%dma_start3A_789 : memref<1000000x64xf32, #tpu.memory_space<hbm>>) target(%dma_start3A_781 : memref<32x64xf32, #tpu.memory_space<vmem>>) offsets(%dma_start3A_786 : memref<32xi32, #tpu.memory_space<vmem>>) semaphore(%arg14 : memref<!tpu.dma_semaphore, #tpu.memory_space<semaphore_mem>>)
      } else {
      }
      %get3A_554 = arith.index_cast %add3A_478 : i32 to index
      %get3A_555 = arith.constant 0 : index
      %get3A_556 = tpu.vector_load %arg9[%get3A_554, %get3A_555] {strides = array<i32>} : memref<200x64xf32, #tpu.memory_space<vmem>>, vector<16xf32>,
      %get3A_557 = arith.index_cast %add3A_478 : i32 to index
      %get3A_558 = arith.constant 16 : index
      %get3A_559 = tpu.vector_load %arg9[%get3A_557, %get3A_558] {strides = array<i32>} : memref<200x64xf32, #tpu.memory_space<vmem>>, vector<16xf32>,
      %get3A_560 = arith.index_cast %add3A_478 : i32 to index
      %get3A_561 = arith.constant 32 : index
      %get3A_562 = tpu.vector_load %arg9[%get3A_560, %get3A_561] {strides = array<i32>} : memref<200x64xf32, #tpu.memory_space<vmem>>, vector<16xf32>,
      %get3A_563 = arith.index_cast %add3A_478 : i32 to index
      %get3A_564 = arith.constant 48 : index
      %get3A_565 = tpu.vector_load %arg9[%get3A_563, %get3A_564] {strides = array<i32>} : memref<200x64xf32, #tpu.memory_space<vmem>>, vector<16xf32>,
      %mul3A_566 = arith.constant 0 : i32
      %mul3A_567 = vector.broadcast %mul3A_566 : i32 to vector<16xi32>
      %mul3A_568 = arith.muli %iota3A, %mul3A_567 : vector<16xi32>
      %scan3A_569 = arith.constant 0 : i32
      %scan3A_570 = arith.constant 16 : i32
      %scan3A_571 = arith.addi %scan3A_569, %scan3A_570 : i32
      %scan3A_572 = arith.constant 1 : i32
      %scan3A_573 = scf.for %scan3A_717 = %scan3A_569 to %scan3A_571 step %scan3A_572 iter_args(%scan3A_718 = %mul3A_568) -> (vector<16xi32>)  : i32 {
        %mul3A_719 = arith.constant 8 : i32
        %mul3A_720 = arith.muli %scan3A_717, %mul3A_719 : i32
        %add3A_721 = arith.constant 0 : i32
        %add3A_722 = arith.addi %mul3A_720, %add3A_721 : i32
        %get3A_723 = arith.constant 2 : i32
        %get3A_724 = arith.index_cast %get3A_723 : i32 to index
        %get3A_725 = arith.index_cast %add3A_722 : i32 to index
        %get3A_726 = arith.constant 0 : index
        %get3A_727 = tpu.vector_load %arg7[%get3A_724, %get3A_725, %get3A_726] {strides = array<i32>} : memref<4x128x64xf32, #tpu.memory_space<vmem>>, vector<16xf32>,
        %add3A_728 = arith.addf %get3A_727, %get3A_556 : vector<16xf32>
        %get3A_729 = arith.constant 2 : i32
        %get3A_730 = arith.index_cast %get3A_729 : i32 to index
        %get3A_731 = arith.index_cast %add3A_722 : i32 to index
        %get3A_732 = arith.constant 16 : index
        %get3A_733 = tpu.vector_load %arg7[%get3A_730, %get3A_731, %get3A_732] {strides = array<i32>} : memref<4x128x64xf32, #tpu.memory_space<vmem>>, vector<16xf32>,
        %add3A_734 = arith.addf %get3A_733, %get3A_559 : vector<16xf32>
        %get3A_735 = arith.constant 2 : i32
        %get3A_736 = arith.index_cast %get3A_735 : i32 to index
        %get3A_737 = arith.index_cast %add3A_722 : i32 to index
        %get3A_738 = arith.constant 32 : index
        %get3A_739 = tpu.vector_load %arg7[%get3A_736, %get3A_737, %get3A_738] {strides = array<i32>} : memref<4x128x64xf32, #tpu.memory_space<vmem>>, vector<16xf32>,
        %add3A_740 = arith.addf %get3A_739, %get3A_562 : vector<16xf32>
        %get3A_741 = arith.constant 2 : i32
        %get3A_742 = arith.index_cast %get3A_741 : i32 to index
        %get3A_743 = arith.index_cast %add3A_722 : i32 to index
        %get3A_744 = arith.constant 48 : index
        %get3A_745 = tpu.vector_load %arg7[%get3A_742, %get3A_743, %get3A_744] {strides = array<i32>} : memref<4x128x64xf32, #tpu.memory_space<vmem>>, vector<16xf32>,
        %add3A_746 = arith.addf %get3A_745, %get3A_565 : vector<16xf32>
        %mul3A_747 = arith.constant 8 : i32
        %mul3A_748 = arith.muli %scan3A_717, %mul3A_747 : i32
        %add3A_749 = arith.constant 1 : i32
        %add3A_750 = arith.addi %mul3A_748, %add3A_749 : i32
        %get3A_751 = arith.constant 2 : i32
        %get3A_752 = arith.index_cast %get3A_751 : i32 to index
        %get3A_753 = arith.index_cast %add3A_750 : i32 to index
        %get3A_754 = arith.constant 0 : index
        %get3A_755 = tpu.vector_load %arg7[%get3A_752, %get3A_753, %get3A_754] {strides = array<i32>} : memref<4x128x64xf32, #tpu.memory_space<vmem>>, vector<16xf32>,
        %add3A_756 = arith.addf %get3A_755, %get3A_556 : vector<16xf32>
        %get3A_757 = arith.constant 2 : i32
        %get3A_758 = arith.index_cast %get3A_757 : i32 to index
        %get3A_759 = arith.index_cast %add3A_750 : i32 to index
        %get3A_760 = arith.constant 16 : index
        %get3A_761 = tpu.vector_load %arg7[%get3A_758, %get3A_759, %get3A_760] {strides = array<i32>} : memref<4x128x64xf32, #tpu.memory_space<vmem>>, vector<16xf32>,
        %add3A_762 = arith.addf %get3A_761, %get3A_559 : vector<16xf32>
        %get3A_763 = arith.constant 2 : i32
        %get3A_764 = arith.index_cast %get3A_763 : i32 to index
        %get3A_765 = arith.index_cast %add3A_750 : i32 to index
        %get3A_766 = arith.constant 32 : index
        %get3A_767 = tpu.vector_load %arg7[%get3A_764, %get3A_765, %get3A_766] {strides = array<i32>} : memref<4x128x64xf32, #tpu.memory_space<vmem>>, vector<16xf32>,
        %add3A_768 = arith.addf %get3A_767, %get3A_562 : vector<16xf32>
        %get3A_769 = arith.constant 2 : i32
        %get3A_770 = arith.index_cast %get3A_769 : i32 to index
        %get3A_771 = arith.index_cast %add3A_750 : i32 to index
        %get3A_772 = arith.constant 48 : index
        %get3A_773 = tpu.vector_load %arg7[%get3A_770, %get3A_771, %get3A_772] {strides = array<i32>} : memref<4x128x64xf32, #tpu.memory_space<vmem>>, vector<16xf32>,
        %add3A_774 = arith.addf %get3A_773, %get3A_565 : vector<16xf32>
        %mul3A_775 = arith.constant 8 : i32
        %mul3A_776 = arith.muli %scan3A_717, %mul3A_775 : i32
        %add3A_777 = arith.constant 2 : i32
        %add3A_778 = arith.addi %mul3A_776, %add3A_777 : i32
        %get3A_779 = arith.constant 2 : i32
        %get3A_780 = arith.index_cast %get3A_779 : i32 to index
        %get3A_781 = arith.index_cast %add3A_778 : i32 to index
        %get3A_782 = arith.constant 0 : index
        %get3A_783 = tpu.vector_load %arg7[%get3A_780, %get3A_781, %get3A_782] {strides = array<i32>} : memref<4x128x64xf32, #tpu.memory_space<vmem>>, vector<16xf32>,
        %add3A_784 = arith.addf %get3A_783, %get3A_556 : vector<16xf32>
        %get3A_785 = arith.constant 2 : i32
        %get3A_786 = arith.index_cast %get3A_785 : i32 to index
        %get3A_787 = arith.index_cast %add3A_778 : i32 to index
        %get3A_788 = arith.constant 16 : index
        %get3A_789 = tpu.vector_load %arg7[%get3A_786, %get3A_787, %get3A_788] {strides = array<i32>} : memref<4x128x64xf32, #tpu.memory_space<vmem>>, vector<16xf32>,
        %add3A_790 = arith.addf %get3A_789, %get3A_559 : vector<16xf32>
        %get3A_791 = arith.constant 2 : i32
        %get3A_792 = arith.index_cast %get3A_791 : i32 to index
        %get3A_793 = arith.index_cast %add3A_778 : i32 to index
        %get3A_794 = arith.constant 32 : index
        %get3A_795 = tpu.vector_load %arg7[%get3A_792, %get3A_793, %get3A_794] {strides = array<i32>} : memref<4x128x64xf32, #tpu.memory_space<vmem>>, vector<16xf32>,
        %add3A_796 = arith.addf %get3A_795, %get3A_562 : vector<16xf32>
        %get3A_797 = arith.constant 2 : i32
        %get3A_798 = arith.index_cast %get3A_797 : i32 to index
        %get3A_799 = arith.index_cast %add3A_778 : i32 to index
        %get3A_800 = arith.constant 48 : index
        %get3A_801 = tpu.vector_load %arg7[%get3A_798, %get3A_799, %get3A_800] {strides = array<i32>} : memref<4x128x64xf32, #tpu.memory_space<vmem>>, vector<16xf32>,
        %add3A_802 = arith.addf %get3A_801, %get3A_565 : vector<16xf32>
        %mul3A_803 = arith.constant 8 : i32
        %mul3A_804 = arith.muli %scan3A_717, %mul3A_803 : i32
        %add3A_805 = arith.constant 3 : i32
        %add3A_806 = arith.addi %mul3A_804, %add3A_805 : i32
        %get3A_807 = arith.constant 2 : i32
        %get3A_808 = arith.index_cast %get3A_807 : i32 to index
        %get3A_809 = arith.index_cast %add3A_806 : i32 to index
        %get3A_810 = arith.constant 0 : index
        %get3A_811 = tpu.vector_load %arg7[%get3A_808, %get3A_809, %get3A_810] {strides = array<i32>} : memref<4x128x64xf32, #tpu.memory_space<vmem>>, vector<16xf32>,
        %add3A_812 = arith.addf %get3A_811, %get3A_556 : vector<16xf32>
        %get3A_813 = arith.constant 2 : i32
        %get3A_814 = arith.index_cast %get3A_813 : i32 to index
        %get3A_815 = arith.index_cast %add3A_806 : i32 to index
        %get3A_816 = arith.constant 16 : index
        %get3A_817 = tpu.vector_load %arg7[%get3A_814, %get3A_815, %get3A_816] {strides = array<i32>} : memref<4x128x64xf32, #tpu.memory_space<vmem>>, vector<16xf32>,
        %add3A_818 = arith.addf %get3A_817, %get3A_559 : vector<16xf32>
        %get3A_819 = arith.constant 2 : i32
        %get3A_820 = arith.index_cast %get3A_819 : i32 to index
        %get3A_821 = arith.index_cast %add3A_806 : i32 to index
        %get3A_822 = arith.constant 32 : index
        %get3A_823 = tpu.vector_load %arg7[%get3A_820, %get3A_821, %get3A_822] {strides = array<i32>} : memref<4x128x64xf32, #tpu.memory_space<vmem>>, vector<16xf32>,
        %add3A_824 = arith.addf %get3A_823, %get3A_562 : vector<16xf32>
        %get3A_825 = arith.constant 2 : i32
        %get3A_826 = arith.index_cast %get3A_825 : i32 to index
        %get3A_827 = arith.index_cast %add3A_806 : i32 to index
        %get3A_828 = arith.constant 48 : index
        %get3A_829 = tpu.vector_load %arg7[%get3A_826, %get3A_827, %get3A_828] {strides = array<i32>} : memref<4x128x64xf32, #tpu.memory_space<vmem>>, vector<16xf32>,
        %add3A_830 = arith.addf %get3A_829, %get3A_565 : vector<16xf32>
        %mul3A_831 = arith.constant 8 : i32
        %mul3A_832 = arith.muli %scan3A_717, %mul3A_831 : i32
        %add3A_833 = arith.constant 4 : i32
        %add3A_834 = arith.addi %mul3A_832, %add3A_833 : i32
        %get3A_835 = arith.constant 2 : i32
        %get3A_836 = arith.index_cast %get3A_835 : i32 to index
        %get3A_837 = arith.index_cast %add3A_834 : i32 to index
        %get3A_838 = arith.constant 0 : index
        %get3A_839 = tpu.vector_load %arg7[%get3A_836, %get3A_837, %get3A_838] {strides = array<i32>} : memref<4x128x64xf32, #tpu.memory_space<vmem>>, vector<16xf32>,
        %add3A_840 = arith.addf %get3A_839, %get3A_556 : vector<16xf32>
        %get3A_841 = arith.constant 2 : i32
        %get3A_842 = arith.index_cast %get3A_841 : i32 to index
        %get3A_843 = arith.index_cast %add3A_834 : i32 to index
        %get3A_844 = arith.constant 16 : index
        %get3A_845 = tpu.vector_load %arg7[%get3A_842, %get3A_843, %get3A_844] {strides = array<i32>} : memref<4x128x64xf32, #tpu.memory_space<vmem>>, vector<16xf32>,
        %add3A_846 = arith.addf %get3A_845, %get3A_559 : vector<16xf32>
        %get3A_847 = arith.constant 2 : i32
        %get3A_848 = arith.index_cast %get3A_847 : i32 to index
        %get3A_849 = arith.index_cast %add3A_834 : i32 to index
        %get3A_850 = arith.constant 32 : index
        %get3A_851 = tpu.vector_load %arg7[%get3A_848, %get3A_849, %get3A_850] {strides = array<i32>} : memref<4x128x64xf32, #tpu.memory_space<vmem>>, vector<16xf32>,
        %add3A_852 = arith.addf %get3A_851, %get3A_562 : vector<16xf32>
        %get3A_853 = arith.constant 2 : i32
        %get3A_854 = arith.index_cast %get3A_853 : i32 to index
        %get3A_855 = arith.index_cast %add3A_834 : i32 to index
        %get3A_856 = arith.constant 48 : index
        %get3A_857 = tpu.vector_load %arg7[%get3A_854, %get3A_855, %get3A_856] {strides = array<i32>} : memref<4x128x64xf32, #tpu.memory_space<vmem>>, vector<16xf32>,
        %add3A_858 = arith.addf %get3A_857, %get3A_565 : vector<16xf32>
        %mul3A_859 = arith.constant 8 : i32
        %mul3A_860 = arith.muli %scan3A_717, %mul3A_859 : i32
        %add3A_861 = arith.constant 5 : i32
        %add3A_862 = arith.addi %mul3A_860, %add3A_861 : i32
        %get3A_863 = arith.constant 2 : i32
        %get3A_864 = arith.index_cast %get3A_863 : i32 to index
        %get3A_865 = arith.index_cast %add3A_862 : i32 to index
        %get3A_866 = arith.constant 0 : index
        %get3A_867 = tpu.vector_load %arg7[%get3A_864, %get3A_865, %get3A_866] {strides = array<i32>} : memref<4x128x64xf32, #tpu.memory_space<vmem>>, vector<16xf32>,
        %add3A_868 = arith.addf %get3A_867, %get3A_556 : vector<16xf32>
        %get3A_869 = arith.constant 2 : i32
        %get3A_870 = arith.index_cast %get3A_869 : i32 to index
        %get3A_871 = arith.index_cast %add3A_862 : i32 to index
        %get3A_872 = arith.constant 16 : index
        %get3A_873 = tpu.vector_load %arg7[%get3A_870, %get3A_871, %get3A_872] {strides = array<i32>} : memref<4x128x64xf32, #tpu.memory_space<vmem>>, vector<16xf32>,
        %add3A_874 = arith.addf %get3A_873, %get3A_559 : vector<16xf32>
        %get3A_875 = arith.constant 2 : i32
        %get3A_876 = arith.index_cast %get3A_875 : i32 to index
        %get3A_877 = arith.index_cast %add3A_862 : i32 to index
        %get3A_878 = arith.constant 32 : index
        %get3A_879 = tpu.vector_load %arg7[%get3A_876, %get3A_877, %get3A_878] {strides = array<i32>} : memref<4x128x64xf32, #tpu.memory_space<vmem>>, vector<16xf32>,
        %add3A_880 = arith.addf %get3A_879, %get3A_562 : vector<16xf32>
        %get3A_881 = arith.constant 2 : i32
        %get3A_882 = arith.index_cast %get3A_881 : i32 to index
        %get3A_883 = arith.index_cast %add3A_862 : i32 to index
        %get3A_884 = arith.constant 48 : index
        %get3A_885 = tpu.vector_load %arg7[%get3A_882, %get3A_883, %get3A_884] {strides = array<i32>} : memref<4x128x64xf32, #tpu.memory_space<vmem>>, vector<16xf32>,
        %add3A_886 = arith.addf %get3A_885, %get3A_565 : vector<16xf32>
        %mul3A_887 = arith.constant 8 : i32
        %mul3A_888 = arith.muli %scan3A_717, %mul3A_887 : i32
        %add3A_889 = arith.constant 6 : i32
        %add3A_890 = arith.addi %mul3A_888, %add3A_889 : i32
        %get3A_891 = arith.constant 2 : i32
        %get3A_892 = arith.index_cast %get3A_891 : i32 to index
        %get3A_893 = arith.index_cast %add3A_890 : i32 to index
        %get3A_894 = arith.constant 0 : index
        %get3A_895 = tpu.vector_load %arg7[%get3A_892, %get3A_893, %get3A_894] {strides = array<i32>} : memref<4x128x64xf32, #tpu.memory_space<vmem>>, vector<16xf32>,
        %add3A_896 = arith.addf %get3A_895, %get3A_556 : vector<16xf32>
        %get3A_897 = arith.constant 2 : i32
        %get3A_898 = arith.index_cast %get3A_897 : i32 to index
        %get3A_899 = arith.index_cast %add3A_890 : i32 to index
        %get3A_900 = arith.constant 16 : index
        %get3A_901 = tpu.vector_load %arg7[%get3A_898, %get3A_899, %get3A_900] {strides = array<i32>} : memref<4x128x64xf32, #tpu.memory_space<vmem>>, vector<16xf32>,
        %add3A_902 = arith.addf %get3A_901, %get3A_559 : vector<16xf32>
        %get3A_903 = arith.constant 2 : i32
        %get3A_904 = arith.index_cast %get3A_903 : i32 to index
        %get3A_905 = arith.index_cast %add3A_890 : i32 to index
        %get3A_906 = arith.constant 32 : index
        %get3A_907 = tpu.vector_load %arg7[%get3A_904, %get3A_905, %get3A_906] {strides = array<i32>} : memref<4x128x64xf32, #tpu.memory_space<vmem>>, vector<16xf32>,
        %add3A_908 = arith.addf %get3A_907, %get3A_562 : vector<16xf32>
        %get3A_909 = arith.constant 2 : i32
        %get3A_910 = arith.index_cast %get3A_909 : i32 to index
        %get3A_911 = arith.index_cast %add3A_890 : i32 to index
        %get3A_912 = arith.constant 48 : index
        %get3A_913 = tpu.vector_load %arg7[%get3A_910, %get3A_911, %get3A_912] {strides = array<i32>} : memref<4x128x64xf32, #tpu.memory_space<vmem>>, vector<16xf32>,
        %add3A_914 = arith.addf %get3A_913, %get3A_565 : vector<16xf32>
        %mul3A_915 = arith.constant 8 : i32
        %mul3A_916 = arith.muli %scan3A_717, %mul3A_915 : i32
        %add3A_917 = arith.constant 7 : i32
        %add3A_918 = arith.addi %mul3A_916, %add3A_917 : i32
        %get3A_919 = arith.constant 2 : i32
        %get3A_920 = arith.index_cast %get3A_919 : i32 to index
        %get3A_921 = arith.index_cast %add3A_918 : i32 to index
        %get3A_922 = arith.constant 0 : index
        %get3A_923 = tpu.vector_load %arg7[%get3A_920, %get3A_921, %get3A_922] {strides = array<i32>} : memref<4x128x64xf32, #tpu.memory_space<vmem>>, vector<16xf32>,
        %add3A_924 = arith.addf %get3A_923, %get3A_556 : vector<16xf32>
        %get3A_925 = arith.constant 2 : i32
        %get3A_926 = arith.index_cast %get3A_925 : i32 to index
        %get3A_927 = arith.index_cast %add3A_918 : i32 to index
        %get3A_928 = arith.constant 16 : index
        %get3A_929 = tpu.vector_load %arg7[%get3A_926, %get3A_927, %get3A_928] {strides = array<i32>} : memref<4x128x64xf32, #tpu.memory_space<vmem>>, vector<16xf32>,
        %add3A_930 = arith.addf %get3A_929, %get3A_559 : vector<16xf32>
        %get3A_931 = arith.constant 2 : i32
        %get3A_932 = arith.index_cast %get3A_931 : i32 to index
        %get3A_933 = arith.index_cast %add3A_918 : i32 to index
        %get3A_934 = arith.constant 32 : index
        %get3A_935 = tpu.vector_load %arg7[%get3A_932, %get3A_933, %get3A_934] {strides = array<i32>} : memref<4x128x64xf32, #tpu.memory_space<vmem>>, vector<16xf32>,
        %add3A_936 = arith.addf %get3A_935, %get3A_562 : vector<16xf32>
        %get3A_937 = arith.constant 2 : i32
        %get3A_938 = arith.index_cast %get3A_937 : i32 to index
        %get3A_939 = arith.index_cast %add3A_918 : i32 to index
        %get3A_940 = arith.constant 48 : index
        %get3A_941 = tpu.vector_load %arg7[%get3A_938, %get3A_939, %get3A_940] {strides = array<i32>} : memref<4x128x64xf32, #tpu.memory_space<vmem>>, vector<16xf32>,
        %add3A_942 = arith.addf %get3A_941, %get3A_565 : vector<16xf32>
        %add3A_943 = arith.constant 0 : i32
        %add3A_944 = vector.broadcast %add3A_943 : i32 to vector<16xi32>
        %add3A_945 = arith.addi %scan3A_718, %add3A_944 : vector<16xi32>
        %scatter3A = arith.constant 0 : i32
        %scatter3A_946 = arith.constant 0 : i32
        %scatter3A_947 = arith.constant 0 : i32
        %scatter3A_948 = arith.constant 0 : i32
        %scatter3A_949 = tpu.memref_slice %arg8[%scatter3A, %scatter3A_946, %scatter3A_947, %scatter3A_948] : memref<2x8x8x129xf32, #tpu.memory_space<vmem>> -> memref<1x8x8x129xf32, #tpu.memory_space<vmem>>
        %scatter3A_950 = tpu.memref_squeeze %scatter3A_949 : memref<1x8x8x129xf32, #tpu.memory_space<vmem>> -> memref<8x8x129xf32, #tpu.memory_space<vmem>>
        tpu.vector_store_idx %scatter3A_950[%add3A_7, %and3A_4, %add3A_945], %add3A_728 : memref<8x8x129xf32, #tpu.memory_space<vmem>>[vector<16xi32>, vector<16xi32>, vector<16xi32>], vector<16xf32>,
        %add3A_951 = arith.constant 0 : i32
        %add3A_952 = vector.broadcast %add3A_951 : i32 to vector<16xi32>
        %add3A_953 = arith.addi %scan3A_718, %add3A_952 : vector<16xi32>
        %scatter3A_954 = arith.constant 0 : i32
        %scatter3A_955 = arith.constant 0 : i32
        %scatter3A_956 = arith.constant 0 : i32
        %scatter3A_957 = arith.constant 0 : i32
        %scatter3A_958 = tpu.memref_slice %arg8[%scatter3A_954, %scatter3A_955, %scatter3A_956, %scatter3A_957] : memref<2x8x8x129xf32, #tpu.memory_space<vmem>> -> memref<1x8x8x129xf32, #tpu.memory_space<vmem>>
        %scatter3A_959 = tpu.memref_squeeze %scatter3A_958 : memref<1x8x8x129xf32, #tpu.memory_space<vmem>> -> memref<8x8x129xf32, #tpu.memory_space<vmem>>
        tpu.vector_store_idx %scatter3A_959[%add3A_10, %and3A_4, %add3A_953], %add3A_734 : memref<8x8x129xf32, #tpu.memory_space<vmem>>[vector<16xi32>, vector<16xi32>, vector<16xi32>], vector<16xf32>,
        %add3A_960 = arith.constant 0 : i32
        %add3A_961 = vector.broadcast %add3A_960 : i32 to vector<16xi32>
        %add3A_962 = arith.addi %scan3A_718, %add3A_961 : vector<16xi32>
        %scatter3A_963 = arith.constant 0 : i32
        %scatter3A_964 = arith.constant 0 : i32
        %scatter3A_965 = arith.constant 0 : i32
        %scatter3A_966 = arith.constant 0 : i32
        %scatter3A_967 = tpu.memref_slice %arg8[%scatter3A_963, %scatter3A_964, %scatter3A_965, %scatter3A_966] : memref<2x8x8x129xf32, #tpu.memory_space<vmem>> -> memref<1x8x8x129xf32, #tpu.memory_space<vmem>>
        %scatter3A_968 = tpu.memref_squeeze %scatter3A_967 : memref<1x8x8x129xf32, #tpu.memory_space<vmem>> -> memref<8x8x129xf32, #tpu.memory_space<vmem>>
        tpu.vector_store_idx %scatter3A_968[%add3A_13, %and3A_4, %add3A_962], %add3A_740 : memref<8x8x129xf32, #tpu.memory_space<vmem>>[vector<16xi32>, vector<16xi32>, vector<16xi32>], vector<16xf32>,
        %add3A_969 = arith.constant 0 : i32
        %add3A_970 = vector.broadcast %add3A_969 : i32 to vector<16xi32>
        %add3A_971 = arith.addi %scan3A_718, %add3A_970 : vector<16xi32>
        %scatter3A_972 = arith.constant 0 : i32
        %scatter3A_973 = arith.constant 0 : i32
        %scatter3A_974 = arith.constant 0 : i32
        %scatter3A_975 = arith.constant 0 : i32
        %scatter3A_976 = tpu.memref_slice %arg8[%scatter3A_972, %scatter3A_973, %scatter3A_974, %scatter3A_975] : memref<2x8x8x129xf32, #tpu.memory_space<vmem>> -> memref<1x8x8x129xf32, #tpu.memory_space<vmem>>
        %scatter3A_977 = tpu.memref_squeeze %scatter3A_976 : memref<1x8x8x129xf32, #tpu.memory_space<vmem>> -> memref<8x8x129xf32, #tpu.memory_space<vmem>>
        tpu.vector_store_idx %scatter3A_977[%add3A_16, %and3A_4, %add3A_971], %add3A_746 : memref<8x8x129xf32, #tpu.memory_space<vmem>>[vector<16xi32>, vector<16xi32>, vector<16xi32>], vector<16xf32>,
        %add3A_978 = arith.constant 1 : i32
        %add3A_979 = vector.broadcast %add3A_978 : i32 to vector<16xi32>
        %add3A_980 = arith.addi %scan3A_718, %add3A_979 : vector<16xi32>
        %scatter3A_981 = arith.constant 0 : i32
        %scatter3A_982 = arith.constant 0 : i32
        %scatter3A_983 = arith.constant 0 : i32
        %scatter3A_984 = arith.constant 0 : i32
        %scatter3A_985 = tpu.memref_slice %arg8[%scatter3A_981, %scatter3A_982, %scatter3A_983, %scatter3A_984] : memref<2x8x8x129xf32, #tpu.memory_space<vmem>> -> memref<1x8x8x129xf32, #tpu.memory_space<vmem>>
        %scatter3A_986 = tpu.memref_squeeze %scatter3A_985 : memref<1x8x8x129xf32, #tpu.memory_space<vmem>> -> memref<8x8x129xf32, #tpu.memory_space<vmem>>
        tpu.vector_store_idx %scatter3A_986[%add3A_7, %and3A_4, %add3A_980], %add3A_756 : memref<8x8x129xf32, #tpu.memory_space<vmem>>[vector<16xi32>, vector<16xi32>, vector<16xi32>], vector<16xf32>,
        %add3A_987 = arith.constant 1 : i32
        %add3A_988 = vector.broadcast %add3A_987 : i32 to vector<16xi32>
        %add3A_989 = arith.addi %scan3A_718, %add3A_988 : vector<16xi32>
        %scatter3A_990 = arith.constant 0 : i32
        %scatter3A_991 = arith.constant 0 : i32
        %scatter3A_992 = arith.constant 0 : i32
        %scatter3A_993 = arith.constant 0 : i32
        %scatter3A_994 = tpu.memref_slice %arg8[%scatter3A_990, %scatter3A_991, %scatter3A_992, %scatter3A_993] : memref<2x8x8x129xf32, #tpu.memory_space<vmem>> -> memref<1x8x8x129xf32, #tpu.memory_space<vmem>>
        %scatter3A_995 = tpu.memref_squeeze %scatter3A_994 : memref<1x8x8x129xf32, #tpu.memory_space<vmem>> -> memref<8x8x129xf32, #tpu.memory_space<vmem>>
        tpu.vector_store_idx %scatter3A_995[%add3A_10, %and3A_4, %add3A_989], %add3A_762 : memref<8x8x129xf32, #tpu.memory_space<vmem>>[vector<16xi32>, vector<16xi32>, vector<16xi32>], vector<16xf32>,
        %add3A_996 = arith.constant 1 : i32
        %add3A_997 = vector.broadcast %add3A_996 : i32 to vector<16xi32>
        %add3A_998 = arith.addi %scan3A_718, %add3A_997 : vector<16xi32>
        %scatter3A_999 = arith.constant 0 : i32
        %scatter3A_1000 = arith.constant 0 : i32
        %scatter3A_1001 = arith.constant 0 : i32
        %scatter3A_1002 = arith.constant 0 : i32
        %scatter3A_1003 = tpu.memref_slice %arg8[%scatter3A_999, %scatter3A_1000, %scatter3A_1001, %scatter3A_1002] : memref<2x8x8x129xf32, #tpu.memory_space<vmem>> -> memref<1x8x8x129xf32, #tpu.memory_space<vmem>>
        %scatter3A_1004 = tpu.memref_squeeze %scatter3A_1003 : memref<1x8x8x129xf32, #tpu.memory_space<vmem>> -> memref<8x8x129xf32, #tpu.memory_space<vmem>>
        tpu.vector_store_idx %scatter3A_1004[%add3A_13, %and3A_4, %add3A_998], %add3A_768 : memref<8x8x129xf32, #tpu.memory_space<vmem>>[vector<16xi32>, vector<16xi32>, vector<16xi32>], vector<16xf32>,
        %add3A_1005 = arith.constant 1 : i32
        %add3A_1006 = vector.broadcast %add3A_1005 : i32 to vector<16xi32>
        %add3A_1007 = arith.addi %scan3A_718, %add3A_1006 : vector<16xi32>
        %scatter3A_1008 = arith.constant 0 : i32
        %scatter3A_1009 = arith.constant 0 : i32
        %scatter3A_1010 = arith.constant 0 : i32
        %scatter3A_1011 = arith.constant 0 : i32
        %scatter3A_1012 = tpu.memref_slice %arg8[%scatter3A_1008, %scatter3A_1009, %scatter3A_1010, %scatter3A_1011] : memref<2x8x8x129xf32, #tpu.memory_space<vmem>> -> memref<1x8x8x129xf32, #tpu.memory_space<vmem>>
        %scatter3A_1013 = tpu.memref_squeeze %scatter3A_1012 : memref<1x8x8x129xf32, #tpu.memory_space<vmem>> -> memref<8x8x129xf32, #tpu.memory_space<vmem>>
        tpu.vector_store_idx %scatter3A_1013[%add3A_16, %and3A_4, %add3A_1007], %add3A_774 : memref<8x8x129xf32, #tpu.memory_space<vmem>>[vector<16xi32>, vector<16xi32>, vector<16xi32>], vector<16xf32>,
        %add3A_1014 = arith.constant 2 : i32
        %add3A_1015 = vector.broadcast %add3A_1014 : i32 to vector<16xi32>
        %add3A_1016 = arith.addi %scan3A_718, %add3A_1015 : vector<16xi32>
        %scatter3A_1017 = arith.constant 0 : i32
        %scatter3A_1018 = arith.constant 0 : i32
        %scatter3A_1019 = arith.constant 0 : i32
        %scatter3A_1020 = arith.constant 0 : i32
        %scatter3A_1021 = tpu.memref_slice %arg8[%scatter3A_1017, %scatter3A_1018, %scatter3A_1019, %scatter3A_1020] : memref<2x8x8x129xf32, #tpu.memory_space<vmem>> -> memref<1x8x8x129xf32, #tpu.memory_space<vmem>>
        %scatter3A_1022 = tpu.memref_squeeze %scatter3A_1021 : memref<1x8x8x129xf32, #tpu.memory_space<vmem>> -> memref<8x8x129xf32, #tpu.memory_space<vmem>>
        tpu.vector_store_idx %scatter3A_1022[%add3A_7, %and3A_4, %add3A_1016], %add3A_784 : memref<8x8x129xf32, #tpu.memory_space<vmem>>[vector<16xi32>, vector<16xi32>, vector<16xi32>], vector<16xf32>,
        %add3A_1023 = arith.constant 2 : i32
        %add3A_1024 = vector.broadcast %add3A_1023 : i32 to vector<16xi32>
        %add3A_1025 = arith.addi %scan3A_718, %add3A_1024 : vector<16xi32>
        %scatter3A_1026 = arith.constant 0 : i32
        %scatter3A_1027 = arith.constant 0 : i32
        %scatter3A_1028 = arith.constant 0 : i32
        %scatter3A_1029 = arith.constant 0 : i32
        %scatter3A_1030 = tpu.memref_slice %arg8[%scatter3A_1026, %scatter3A_1027, %scatter3A_1028, %scatter3A_1029] : memref<2x8x8x129xf32, #tpu.memory_space<vmem>> -> memref<1x8x8x129xf32, #tpu.memory_space<vmem>>
        %scatter3A_1031 = tpu.memref_squeeze %scatter3A_1030 : memref<1x8x8x129xf32, #tpu.memory_space<vmem>> -> memref<8x8x129xf32, #tpu.memory_space<vmem>>
        tpu.vector_store_idx %scatter3A_1031[%add3A_10, %and3A_4, %add3A_1025], %add3A_790 : memref<8x8x129xf32, #tpu.memory_space<vmem>>[vector<16xi32>, vector<16xi32>, vector<16xi32>], vector<16xf32>,
        %add3A_1032 = arith.constant 2 : i32
        %add3A_1033 = vector.broadcast %add3A_1032 : i32 to vector<16xi32>
        %add3A_1034 = arith.addi %scan3A_718, %add3A_1033 : vector<16xi32>
        %scatter3A_1035 = arith.constant 0 : i32
        %scatter3A_1036 = arith.constant 0 : i32
        %scatter3A_1037 = arith.constant 0 : i32
        %scatter3A_1038 = arith.constant 0 : i32
        %scatter3A_1039 = tpu.memref_slice %arg8[%scatter3A_1035, %scatter3A_1036, %scatter3A_1037, %scatter3A_1038] : memref<2x8x8x129xf32, #tpu.memory_space<vmem>> -> memref<1x8x8x129xf32, #tpu.memory_space<vmem>>
        %scatter3A_1040 = tpu.memref_squeeze %scatter3A_1039 : memref<1x8x8x129xf32, #tpu.memory_space<vmem>> -> memref<8x8x129xf32, #tpu.memory_space<vmem>>
        tpu.vector_store_idx %scatter3A_1040[%add3A_13, %and3A_4, %add3A_1034], %add3A_796 : memref<8x8x129xf32, #tpu.memory_space<vmem>>[vector<16xi32>, vector<16xi32>, vector<16xi32>], vector<16xf32>,
        %add3A_1041 = arith.constant 2 : i32
        %add3A_1042 = vector.broadcast %add3A_1041 : i32 to vector<16xi32>
        %add3A_1043 = arith.addi %scan3A_718, %add3A_1042 : vector<16xi32>
        %scatter3A_1044 = arith.constant 0 : i32
        %scatter3A_1045 = arith.constant 0 : i32
        %scatter3A_1046 = arith.constant 0 : i32
        %scatter3A_1047 = arith.constant 0 : i32
        %scatter3A_1048 = tpu.memref_slice %arg8[%scatter3A_1044, %scatter3A_1045, %scatter3A_1046, %scatter3A_1047] : memref<2x8x8x129xf32, #tpu.memory_space<vmem>> -> memref<1x8x8x129xf32, #tpu.memory_space<vmem>>
        %scatter3A_1049 = tpu.memref_squeeze %scatter3A_1048 : memref<1x8x8x129xf32, #tpu.memory_space<vmem>> -> memref<8x8x129xf32, #tpu.memory_space<vmem>>
        tpu.vector_store_idx %scatter3A_1049[%add3A_16, %and3A_4, %add3A_1043], %add3A_802 : memref<8x8x129xf32, #tpu.memory_space<vmem>>[vector<16xi32>, vector<16xi32>, vector<16xi32>], vector<16xf32>,
        %add3A_1050 = arith.constant 3 : i32
        %add3A_1051 = vector.broadcast %add3A_1050 : i32 to vector<16xi32>
        %add3A_1052 = arith.addi %scan3A_718, %add3A_1051 : vector<16xi32>
        %scatter3A_1053 = arith.constant 0 : i32
        %scatter3A_1054 = arith.constant 0 : i32
        %scatter3A_1055 = arith.constant 0 : i32
        %scatter3A_1056 = arith.constant 0 : i32
        %scatter3A_1057 = tpu.memref_slice %arg8[%scatter3A_1053, %scatter3A_1054, %scatter3A_1055, %scatter3A_1056] : memref<2x8x8x129xf32, #tpu.memory_space<vmem>> -> memref<1x8x8x129xf32, #tpu.memory_space<vmem>>
        %scatter3A_1058 = tpu.memref_squeeze %scatter3A_1057 : memref<1x8x8x129xf32, #tpu.memory_space<vmem>> -> memref<8x8x129xf32, #tpu.memory_space<vmem>>
        tpu.vector_store_idx %scatter3A_1058[%add3A_7, %and3A_4, %add3A_1052], %add3A_812 : memref<8x8x129xf32, #tpu.memory_space<vmem>>[vector<16xi32>, vector<16xi32>, vector<16xi32>], vector<16xf32>,
        %add3A_1059 = arith.constant 3 : i32
        %add3A_1060 = vector.broadcast %add3A_1059 : i32 to vector<16xi32>
        %add3A_1061 = arith.addi %scan3A_718, %add3A_1060 : vector<16xi32>
        %scatter3A_1062 = arith.constant 0 : i32
        %scatter3A_1063 = arith.constant 0 : i32
        %scatter3A_1064 = arith.constant 0 : i32
        %scatter3A_1065 = arith.constant 0 : i32
        %scatter3A_1066 = tpu.memref_slice %arg8[%scatter3A_1062, %scatter3A_1063, %scatter3A_1064, %scatter3A_1065] : memref<2x8x8x129xf32, #tpu.memory_space<vmem>> -> memref<1x8x8x129xf32, #tpu.memory_space<vmem>>
        %scatter3A_1067 = tpu.memref_squeeze %scatter3A_1066 : memref<1x8x8x129xf32, #tpu.memory_space<vmem>> -> memref<8x8x129xf32, #tpu.memory_space<vmem>>
        tpu.vector_store_idx %scatter3A_1067[%add3A_10, %and3A_4, %add3A_1061], %add3A_818 : memref<8x8x129xf32, #tpu.memory_space<vmem>>[vector<16xi32>, vector<16xi32>, vector<16xi32>], vector<16xf32>,
        %add3A_1068 = arith.constant 3 : i32
        %add3A_1069 = vector.broadcast %add3A_1068 : i32 to vector<16xi32>
        %add3A_1070 = arith.addi %scan3A_718, %add3A_1069 : vector<16xi32>
        %scatter3A_1071 = arith.constant 0 : i32
        %scatter3A_1072 = arith.constant 0 : i32
        %scatter3A_1073 = arith.constant 0 : i32
        %scatter3A_1074 = arith.constant 0 : i32
        %scatter3A_1075 = tpu.memref_slice %arg8[%scatter3A_1071, %scatter3A_1072, %scatter3A_1073, %scatter3A_1074] : memref<2x8x8x129xf32, #tpu.memory_space<vmem>> -> memref<1x8x8x129xf32, #tpu.memory_space<vmem>>
        %scatter3A_1076 = tpu.memref_squeeze %scatter3A_1075 : memref<1x8x8x129xf32, #tpu.memory_space<vmem>> -> memref<8x8x129xf32, #tpu.memory_space<vmem>>
        tpu.vector_store_idx %scatter3A_1076[%add3A_13, %and3A_4, %add3A_1070], %add3A_824 : memref<8x8x129xf32, #tpu.memory_space<vmem>>[vector<16xi32>, vector<16xi32>, vector<16xi32>], vector<16xf32>,
        %add3A_1077 = arith.constant 3 : i32
        %add3A_1078 = vector.broadcast %add3A_1077 : i32 to vector<16xi32>
        %add3A_1079 = arith.addi %scan3A_718, %add3A_1078 : vector<16xi32>
        %scatter3A_1080 = arith.constant 0 : i32
        %scatter3A_1081 = arith.constant 0 : i32
        %scatter3A_1082 = arith.constant 0 : i32
        %scatter3A_1083 = arith.constant 0 : i32
        %scatter3A_1084 = tpu.memref_slice %arg8[%scatter3A_1080, %scatter3A_1081, %scatter3A_1082, %scatter3A_1083] : memref<2x8x8x129xf32, #tpu.memory_space<vmem>> -> memref<1x8x8x129xf32, #tpu.memory_space<vmem>>
        %scatter3A_1085 = tpu.memref_squeeze %scatter3A_1084 : memref<1x8x8x129xf32, #tpu.memory_space<vmem>> -> memref<8x8x129xf32, #tpu.memory_space<vmem>>
        tpu.vector_store_idx %scatter3A_1085[%add3A_16, %and3A_4, %add3A_1079], %add3A_830 : memref<8x8x129xf32, #tpu.memory_space<vmem>>[vector<16xi32>, vector<16xi32>, vector<16xi32>], vector<16xf32>,
        %add3A_1086 = arith.constant 4 : i32
        %add3A_1087 = vector.broadcast %add3A_1086 : i32 to vector<16xi32>
        %add3A_1088 = arith.addi %scan3A_718, %add3A_1087 : vector<16xi32>
        %scatter3A_1089 = arith.constant 0 : i32
        %scatter3A_1090 = arith.constant 0 : i32
        %scatter3A_1091 = arith.constant 0 : i32
        %scatter3A_1092 = arith.constant 0 : i32
        %scatter3A_1093 = tpu.memref_slice %arg8[%scatter3A_1089, %scatter3A_1090, %scatter3A_1091, %scatter3A_1092] : memref<2x8x8x129xf32, #tpu.memory_space<vmem>> -> memref<1x8x8x129xf32, #tpu.memory_space<vmem>>
        %scatter3A_1094 = tpu.memref_squeeze %scatter3A_1093 : memref<1x8x8x129xf32, #tpu.memory_space<vmem>> -> memref<8x8x129xf32, #tpu.memory_space<vmem>>
        tpu.vector_store_idx %scatter3A_1094[%add3A_7, %and3A_4, %add3A_1088], %add3A_840 : memref<8x8x129xf32, #tpu.memory_space<vmem>>[vector<16xi32>, vector<16xi32>, vector<16xi32>], vector<16xf32>,
        %add3A_1095 = arith.constant 4 : i32
        %add3A_1096 = vector.broadcast %add3A_1095 : i32 to vector<16xi32>
        %add3A_1097 = arith.addi %scan3A_718, %add3A_1096 : vector<16xi32>
        %scatter3A_1098 = arith.constant 0 : i32
        %scatter3A_1099 = arith.constant 0 : i32
        %scatter3A_1100 = arith.constant 0 : i32
        %scatter3A_1101 = arith.constant 0 : i32
        %scatter3A_1102 = tpu.memref_slice %arg8[%scatter3A_1098, %scatter3A_1099, %scatter3A_1100, %scatter3A_1101] : memref<2x8x8x129xf32, #tpu.memory_space<vmem>> -> memref<1x8x8x129xf32, #tpu.memory_space<vmem>>
        %scatter3A_1103 = tpu.memref_squeeze %scatter3A_1102 : memref<1x8x8x129xf32, #tpu.memory_space<vmem>> -> memref<8x8x129xf32, #tpu.memory_space<vmem>>
        tpu.vector_store_idx %scatter3A_1103[%add3A_10, %and3A_4, %add3A_1097], %add3A_846 : memref<8x8x129xf32, #tpu.memory_space<vmem>>[vector<16xi32>, vector<16xi32>, vector<16xi32>], vector<16xf32>,
        %add3A_1104 = arith.constant 4 : i32
        %add3A_1105 = vector.broadcast %add3A_1104 : i32 to vector<16xi32>
        %add3A_1106 = arith.addi %scan3A_718, %add3A_1105 : vector<16xi32>
        %scatter3A_1107 = arith.constant 0 : i32
        %scatter3A_1108 = arith.constant 0 : i32
        %scatter3A_1109 = arith.constant 0 : i32
        %scatter3A_1110 = arith.constant 0 : i32
        %scatter3A_1111 = tpu.memref_slice %arg8[%scatter3A_1107, %scatter3A_1108, %scatter3A_1109, %scatter3A_1110] : memref<2x8x8x129xf32, #tpu.memory_space<vmem>> -> memref<1x8x8x129xf32, #tpu.memory_space<vmem>>
        %scatter3A_1112 = tpu.memref_squeeze %scatter3A_1111 : memref<1x8x8x129xf32, #tpu.memory_space<vmem>> -> memref<8x8x129xf32, #tpu.memory_space<vmem>>
        tpu.vector_store_idx %scatter3A_1112[%add3A_13, %and3A_4, %add3A_1106], %add3A_852 : memref<8x8x129xf32, #tpu.memory_space<vmem>>[vector<16xi32>, vector<16xi32>, vector<16xi32>], vector<16xf32>,
        %add3A_1113 = arith.constant 4 : i32
        %add3A_1114 = vector.broadcast %add3A_1113 : i32 to vector<16xi32>
        %add3A_1115 = arith.addi %scan3A_718, %add3A_1114 : vector<16xi32>
        %scatter3A_1116 = arith.constant 0 : i32
        %scatter3A_1117 = arith.constant 0 : i32
        %scatter3A_1118 = arith.constant 0 : i32
        %scatter3A_1119 = arith.constant 0 : i32
        %scatter3A_1120 = tpu.memref_slice %arg8[%scatter3A_1116, %scatter3A_1117, %scatter3A_1118, %scatter3A_1119] : memref<2x8x8x129xf32, #tpu.memory_space<vmem>> -> memref<1x8x8x129xf32, #tpu.memory_space<vmem>>
        %scatter3A_1121 = tpu.memref_squeeze %scatter3A_1120 : memref<1x8x8x129xf32, #tpu.memory_space<vmem>> -> memref<8x8x129xf32, #tpu.memory_space<vmem>>
        tpu.vector_store_idx %scatter3A_1121[%add3A_16, %and3A_4, %add3A_1115], %add3A_858 : memref<8x8x129xf32, #tpu.memory_space<vmem>>[vector<16xi32>, vector<16xi32>, vector<16xi32>], vector<16xf32>,
        %add3A_1122 = arith.constant 5 : i32
        %add3A_1123 = vector.broadcast %add3A_1122 : i32 to vector<16xi32>
        %add3A_1124 = arith.addi %scan3A_718, %add3A_1123 : vector<16xi32>
        %scatter3A_1125 = arith.constant 0 : i32
        %scatter3A_1126 = arith.constant 0 : i32
        %scatter3A_1127 = arith.constant 0 : i32
        %scatter3A_1128 = arith.constant 0 : i32
        %scatter3A_1129 = tpu.memref_slice %arg8[%scatter3A_1125, %scatter3A_1126, %scatter3A_1127, %scatter3A_1128] : memref<2x8x8x129xf32, #tpu.memory_space<vmem>> -> memref<1x8x8x129xf32, #tpu.memory_space<vmem>>
        %scatter3A_1130 = tpu.memref_squeeze %scatter3A_1129 : memref<1x8x8x129xf32, #tpu.memory_space<vmem>> -> memref<8x8x129xf32, #tpu.memory_space<vmem>>
        tpu.vector_store_idx %scatter3A_1130[%add3A_7, %and3A_4, %add3A_1124], %add3A_868 : memref<8x8x129xf32, #tpu.memory_space<vmem>>[vector<16xi32>, vector<16xi32>, vector<16xi32>], vector<16xf32>,
        %add3A_1131 = arith.constant 5 : i32
        %add3A_1132 = vector.broadcast %add3A_1131 : i32 to vector<16xi32>
        %add3A_1133 = arith.addi %scan3A_718, %add3A_1132 : vector<16xi32>
        %scatter3A_1134 = arith.constant 0 : i32
        %scatter3A_1135 = arith.constant 0 : i32
        %scatter3A_1136 = arith.constant 0 : i32
        %scatter3A_1137 = arith.constant 0 : i32
        %scatter3A_1138 = tpu.memref_slice %arg8[%scatter3A_1134, %scatter3A_1135, %scatter3A_1136, %scatter3A_1137] : memref<2x8x8x129xf32, #tpu.memory_space<vmem>> -> memref<1x8x8x129xf32, #tpu.memory_space<vmem>>
        %scatter3A_1139 = tpu.memref_squeeze %scatter3A_1138 : memref<1x8x8x129xf32, #tpu.memory_space<vmem>> -> memref<8x8x129xf32, #tpu.memory_space<vmem>>
        tpu.vector_store_idx %scatter3A_1139[%add3A_10, %and3A_4, %add3A_1133], %add3A_874 : memref<8x8x129xf32, #tpu.memory_space<vmem>>[vector<16xi32>, vector<16xi32>, vector<16xi32>], vector<16xf32>,
        %add3A_1140 = arith.constant 5 : i32
        %add3A_1141 = vector.broadcast %add3A_1140 : i32 to vector<16xi32>
        %add3A_1142 = arith.addi %scan3A_718, %add3A_1141 : vector<16xi32>
        %scatter3A_1143 = arith.constant 0 : i32
        %scatter3A_1144 = arith.constant 0 : i32
        %scatter3A_1145 = arith.constant 0 : i32
        %scatter3A_1146 = arith.constant 0 : i32
        %scatter3A_1147 = tpu.memref_slice %arg8[%scatter3A_1143, %scatter3A_1144, %scatter3A_1145, %scatter3A_1146] : memref<2x8x8x129xf32, #tpu.memory_space<vmem>> -> memref<1x8x8x129xf32, #tpu.memory_space<vmem>>
        %scatter3A_1148 = tpu.memref_squeeze %scatter3A_1147 : memref<1x8x8x129xf32, #tpu.memory_space<vmem>> -> memref<8x8x129xf32, #tpu.memory_space<vmem>>
        tpu.vector_store_idx %scatter3A_1148[%add3A_13, %and3A_4, %add3A_1142], %add3A_880 : memref<8x8x129xf32, #tpu.memory_space<vmem>>[vector<16xi32>, vector<16xi32>, vector<16xi32>], vector<16xf32>,
        %add3A_1149 = arith.constant 5 : i32
        %add3A_1150 = vector.broadcast %add3A_1149 : i32 to vector<16xi32>
        %add3A_1151 = arith.addi %scan3A_718, %add3A_1150 : vector<16xi32>
        %scatter3A_1152 = arith.constant 0 : i32
        %scatter3A_1153 = arith.constant 0 : i32
        %scatter3A_1154 = arith.constant 0 : i32
        %scatter3A_1155 = arith.constant 0 : i32
        %scatter3A_1156 = tpu.memref_slice %arg8[%scatter3A_1152, %scatter3A_1153, %scatter3A_1154, %scatter3A_1155] : memref<2x8x8x129xf32, #tpu.memory_space<vmem>> -> memref<1x8x8x129xf32, #tpu.memory_space<vmem>>
        %scatter3A_1157 = tpu.memref_squeeze %scatter3A_1156 : memref<1x8x8x129xf32, #tpu.memory_space<vmem>> -> memref<8x8x129xf32, #tpu.memory_space<vmem>>
        tpu.vector_store_idx %scatter3A_1157[%add3A_16, %and3A_4, %add3A_1151], %add3A_886 : memref<8x8x129xf32, #tpu.memory_space<vmem>>[vector<16xi32>, vector<16xi32>, vector<16xi32>], vector<16xf32>,
        %add3A_1158 = arith.constant 6 : i32
        %add3A_1159 = vector.broadcast %add3A_1158 : i32 to vector<16xi32>
        %add3A_1160 = arith.addi %scan3A_718, %add3A_1159 : vector<16xi32>
        %scatter3A_1161 = arith.constant 0 : i32
        %scatter3A_1162 = arith.constant 0 : i32
        %scatter3A_1163 = arith.constant 0 : i32
        %scatter3A_1164 = arith.constant 0 : i32
        %scatter3A_1165 = tpu.memref_slice %arg8[%scatter3A_1161, %scatter3A_1162, %scatter3A_1163, %scatter3A_1164] : memref<2x8x8x129xf32, #tpu.memory_space<vmem>> -> memref<1x8x8x129xf32, #tpu.memory_space<vmem>>
        %scatter3A_1166 = tpu.memref_squeeze %scatter3A_1165 : memref<1x8x8x129xf32, #tpu.memory_space<vmem>> -> memref<8x8x129xf32, #tpu.memory_space<vmem>>
        tpu.vector_store_idx %scatter3A_1166[%add3A_7, %and3A_4, %add3A_1160], %add3A_896 : memref<8x8x129xf32, #tpu.memory_space<vmem>>[vector<16xi32>, vector<16xi32>, vector<16xi32>], vector<16xf32>,
        %add3A_1167 = arith.constant 6 : i32
        %add3A_1168 = vector.broadcast %add3A_1167 : i32 to vector<16xi32>
        %add3A_1169 = arith.addi %scan3A_718, %add3A_1168 : vector<16xi32>
        %scatter3A_1170 = arith.constant 0 : i32
        %scatter3A_1171 = arith.constant 0 : i32
        %scatter3A_1172 = arith.constant 0 : i32
        %scatter3A_1173 = arith.constant 0 : i32
        %scatter3A_1174 = tpu.memref_slice %arg8[%scatter3A_1170, %scatter3A_1171, %scatter3A_1172, %scatter3A_1173] : memref<2x8x8x129xf32, #tpu.memory_space<vmem>> -> memref<1x8x8x129xf32, #tpu.memory_space<vmem>>
        %scatter3A_1175 = tpu.memref_squeeze %scatter3A_1174 : memref<1x8x8x129xf32, #tpu.memory_space<vmem>> -> memref<8x8x129xf32, #tpu.memory_space<vmem>>
        tpu.vector_store_idx %scatter3A_1175[%add3A_10, %and3A_4, %add3A_1169], %add3A_902 : memref<8x8x129xf32, #tpu.memory_space<vmem>>[vector<16xi32>, vector<16xi32>, vector<16xi32>], vector<16xf32>,
        %add3A_1176 = arith.constant 6 : i32
        %add3A_1177 = vector.broadcast %add3A_1176 : i32 to vector<16xi32>
        %add3A_1178 = arith.addi %scan3A_718, %add3A_1177 : vector<16xi32>
        %scatter3A_1179 = arith.constant 0 : i32
        %scatter3A_1180 = arith.constant 0 : i32
        %scatter3A_1181 = arith.constant 0 : i32
        %scatter3A_1182 = arith.constant 0 : i32
        %scatter3A_1183 = tpu.memref_slice %arg8[%scatter3A_1179, %scatter3A_1180, %scatter3A_1181, %scatter3A_1182] : memref<2x8x8x129xf32, #tpu.memory_space<vmem>> -> memref<1x8x8x129xf32, #tpu.memory_space<vmem>>
        %scatter3A_1184 = tpu.memref_squeeze %scatter3A_1183 : memref<1x8x8x129xf32, #tpu.memory_space<vmem>> -> memref<8x8x129xf32, #tpu.memory_space<vmem>>
        tpu.vector_store_idx %scatter3A_1184[%add3A_13, %and3A_4, %add3A_1178], %add3A_908 : memref<8x8x129xf32, #tpu.memory_space<vmem>>[vector<16xi32>, vector<16xi32>, vector<16xi32>], vector<16xf32>,
        %add3A_1185 = arith.constant 6 : i32
        %add3A_1186 = vector.broadcast %add3A_1185 : i32 to vector<16xi32>
        %add3A_1187 = arith.addi %scan3A_718, %add3A_1186 : vector<16xi32>
        %scatter3A_1188 = arith.constant 0 : i32
        %scatter3A_1189 = arith.constant 0 : i32
        %scatter3A_1190 = arith.constant 0 : i32
        %scatter3A_1191 = arith.constant 0 : i32
        %scatter3A_1192 = tpu.memref_slice %arg8[%scatter3A_1188, %scatter3A_1189, %scatter3A_1190, %scatter3A_1191] : memref<2x8x8x129xf32, #tpu.memory_space<vmem>> -> memref<1x8x8x129xf32, #tpu.memory_space<vmem>>
        %scatter3A_1193 = tpu.memref_squeeze %scatter3A_1192 : memref<1x8x8x129xf32, #tpu.memory_space<vmem>> -> memref<8x8x129xf32, #tpu.memory_space<vmem>>
        tpu.vector_store_idx %scatter3A_1193[%add3A_16, %and3A_4, %add3A_1187], %add3A_914 : memref<8x8x129xf32, #tpu.memory_space<vmem>>[vector<16xi32>, vector<16xi32>, vector<16xi32>], vector<16xf32>,
        %add3A_1194 = arith.constant 7 : i32
        %add3A_1195 = vector.broadcast %add3A_1194 : i32 to vector<16xi32>
        %add3A_1196 = arith.addi %scan3A_718, %add3A_1195 : vector<16xi32>
        %scatter3A_1197 = arith.constant 0 : i32
        %scatter3A_1198 = arith.constant 0 : i32
        %scatter3A_1199 = arith.constant 0 : i32
        %scatter3A_1200 = arith.constant 0 : i32
        %scatter3A_1201 = tpu.memref_slice %arg8[%scatter3A_1197, %scatter3A_1198, %scatter3A_1199, %scatter3A_1200] : memref<2x8x8x129xf32, #tpu.memory_space<vmem>> -> memref<1x8x8x129xf32, #tpu.memory_space<vmem>>
        %scatter3A_1202 = tpu.memref_squeeze %scatter3A_1201 : memref<1x8x8x129xf32, #tpu.memory_space<vmem>> -> memref<8x8x129xf32, #tpu.memory_space<vmem>>
        tpu.vector_store_idx %scatter3A_1202[%add3A_7, %and3A_4, %add3A_1196], %add3A_924 : memref<8x8x129xf32, #tpu.memory_space<vmem>>[vector<16xi32>, vector<16xi32>, vector<16xi32>], vector<16xf32>,
        %add3A_1203 = arith.constant 7 : i32
        %add3A_1204 = vector.broadcast %add3A_1203 : i32 to vector<16xi32>
        %add3A_1205 = arith.addi %scan3A_718, %add3A_1204 : vector<16xi32>
        %scatter3A_1206 = arith.constant 0 : i32
        %scatter3A_1207 = arith.constant 0 : i32
        %scatter3A_1208 = arith.constant 0 : i32
        %scatter3A_1209 = arith.constant 0 : i32
        %scatter3A_1210 = tpu.memref_slice %arg8[%scatter3A_1206, %scatter3A_1207, %scatter3A_1208, %scatter3A_1209] : memref<2x8x8x129xf32, #tpu.memory_space<vmem>> -> memref<1x8x8x129xf32, #tpu.memory_space<vmem>>
        %scatter3A_1211 = tpu.memref_squeeze %scatter3A_1210 : memref<1x8x8x129xf32, #tpu.memory_space<vmem>> -> memref<8x8x129xf32, #tpu.memory_space<vmem>>
        tpu.vector_store_idx %scatter3A_1211[%add3A_10, %and3A_4, %add3A_1205], %add3A_930 : memref<8x8x129xf32, #tpu.memory_space<vmem>>[vector<16xi32>, vector<16xi32>, vector<16xi32>], vector<16xf32>,
        %add3A_1212 = arith.constant 7 : i32
        %add3A_1213 = vector.broadcast %add3A_1212 : i32 to vector<16xi32>
        %add3A_1214 = arith.addi %scan3A_718, %add3A_1213 : vector<16xi32>
        %scatter3A_1215 = arith.constant 0 : i32
        %scatter3A_1216 = arith.constant 0 : i32
        %scatter3A_1217 = arith.constant 0 : i32
        %scatter3A_1218 = arith.constant 0 : i32
        %scatter3A_1219 = tpu.memref_slice %arg8[%scatter3A_1215, %scatter3A_1216, %scatter3A_1217, %scatter3A_1218] : memref<2x8x8x129xf32, #tpu.memory_space<vmem>> -> memref<1x8x8x129xf32, #tpu.memory_space<vmem>>
        %scatter3A_1220 = tpu.memref_squeeze %scatter3A_1219 : memref<1x8x8x129xf32, #tpu.memory_space<vmem>> -> memref<8x8x129xf32, #tpu.memory_space<vmem>>
        tpu.vector_store_idx %scatter3A_1220[%add3A_13, %and3A_4, %add3A_1214], %add3A_936 : memref<8x8x129xf32, #tpu.memory_space<vmem>>[vector<16xi32>, vector<16xi32>, vector<16xi32>], vector<16xf32>,
        %add3A_1221 = arith.constant 7 : i32
        %add3A_1222 = vector.broadcast %add3A_1221 : i32 to vector<16xi32>
        %add3A_1223 = arith.addi %scan3A_718, %add3A_1222 : vector<16xi32>
        %scatter3A_1224 = arith.constant 0 : i32
        %scatter3A_1225 = arith.constant 0 : i32
        %scatter3A_1226 = arith.constant 0 : i32
        %scatter3A_1227 = arith.constant 0 : i32
        %scatter3A_1228 = tpu.memref_slice %arg8[%scatter3A_1224, %scatter3A_1225, %scatter3A_1226, %scatter3A_1227] : memref<2x8x8x129xf32, #tpu.memory_space<vmem>> -> memref<1x8x8x129xf32, #tpu.memory_space<vmem>>
        %scatter3A_1229 = tpu.memref_squeeze %scatter3A_1228 : memref<1x8x8x129xf32, #tpu.memory_space<vmem>> -> memref<8x8x129xf32, #tpu.memory_space<vmem>>
        tpu.vector_store_idx %scatter3A_1229[%add3A_16, %and3A_4, %add3A_1223], %add3A_942 : memref<8x8x129xf32, #tpu.memory_space<vmem>>[vector<16xi32>, vector<16xi32>, vector<16xi32>], vector<16xf32>,
        %add3A_1230 = arith.constant 8 : i32
        %add3A_1231 = vector.broadcast %add3A_1230 : i32 to vector<16xi32>
        %add3A_1232 = arith.addi %scan3A_718, %add3A_1231 : vector<16xi32>
        scf.yield %add3A_1232 : vector<16xi32>
      }
      %scan3A_574 = arith.constant 16 : i32
      %dma_start3A_575 = arith.constant 0 : i32
      %dma_start3A_576 = arith.constant 0 : i32
      %dma_start3A_577 = arith.constant 0 : i32
      %dma_start3A_578 = arith.constant 0 : i32
      %dma_start3A_579 = tpu.memref_slice %arg8[%dma_start3A_575, %dma_start3A_576, %dma_start3A_577, %dma_start3A_578] : memref<2x8x8x129xf32, #tpu.memory_space<vmem>> -> memref<1x8x8x128xf32, #tpu.memory_space<vmem>>
      %dma_start3A_580 = tpu.memref_squeeze %dma_start3A_579 : memref<1x8x8x128xf32, #tpu.memory_space<vmem>> -> memref<8x8x128xf32, #tpu.memory_space<vmem>>
      %dma_start3A_581 = arith.constant 0 : i32
      %dma_start3A_582 = arith.constant 0 : i32
      %dma_start3A_583 = arith.constant 0 : i32
      %dma_start3A_584 = tpu.memref_slice %arg5[%add3A_478, %dma_start3A_581, %add3A, %dma_start3A_582, %dma_start3A_583] : memref<200x8x32x8x128xf32, #tpu.memory_space<hbm>> -> memref<1x8x1x8x128xf32, #tpu.memory_space<hbm>>
      %dma_start3A_585 = tpu.memref_squeeze %dma_start3A_584 : memref<1x8x1x8x128xf32, #tpu.memory_space<hbm>> -> memref<8x8x128xf32, #tpu.memory_space<hbm>>
      %dma_start3A_586 = arith.constant 0 : i32
      %dma_start3A_587 = arith.constant 0 : i32
      %dma_start3A_588 = arith.constant 0 : i32
      %dma_start3A_589 = tpu.memref_slice %arg5[%add3A_478, %dma_start3A_586, %add3A, %dma_start3A_587, %dma_start3A_588] : memref<200x8x32x8x128xf32, #tpu.memory_space<hbm>> -> memref<1x8x1x8x128xf32, #tpu.memory_space<hbm>>
      %dma_start3A_590 = tpu.memref_squeeze %dma_start3A_589 : memref<1x8x1x8x128xf32, #tpu.memory_space<hbm>> -> memref<8x8x128xf32, #tpu.memory_space<hbm>>
      %dma_start3A_591 = arith.constant 0 : i32
      %dma_start3A_592 = arith.constant 0 : i32
      %dma_start3A_593 = arith.constant 0 : i32
      %dma_start3A_594 = tpu.memref_slice %arg8[%dma_start3A_575, %dma_start3A_591, %dma_start3A_592, %dma_start3A_593] : memref<2x8x8x129xf32, #tpu.memory_space<vmem>> -> memref<1x8x8x128xf32, #tpu.memory_space<vmem>>
      %dma_start3A_595 = tpu.memref_squeeze %dma_start3A_594 : memref<1x8x8x128xf32, #tpu.memory_space<vmem>> -> memref<8x8x128xf32, #tpu.memory_space<vmem>>
      tpu.enqueue_dma source(%dma_start3A_595 : memref<8x8x128xf32, #tpu.memory_space<vmem>>) target(%dma_start3A_590 : memref<8x8x128xf32, #tpu.memory_space<hbm>>) target_semaphore(%arg18 : memref<!tpu.dma_semaphore, #tpu.memory_space<semaphore_mem>>)
      %mul3A_596 = arith.constant 4 : i32
      %mul3A_597 = arith.muli %scan3A_237, %mul3A_596 : i32
      %add3A_598 = arith.constant 3 : i32
      %add3A_599 = arith.addi %mul3A_597, %add3A_598 : i32
      %dma_wait3A_600 = arith.constant 3 : i32
      %dma_wait3A_601 = arith.constant 3 : i32
      %dma_wait3A_602 = arith.constant 0 : i32
      %dma_wait3A_603 = arith.constant 0 : i32
      %dma_wait3A_604 = tpu.memref_slice %arg7[%dma_wait3A_601, %dma_wait3A_602, %dma_wait3A_603] : memref<4x128x64xf32, #tpu.memory_space<vmem>> -> memref<1x32x64xf32, #tpu.memory_space<vmem>>
      %dma_wait3A_605 = tpu.memref_squeeze %dma_wait3A_604 : memref<1x32x64xf32, #tpu.memory_space<vmem>> -> memref<32x64xf32, #tpu.memory_space<vmem>>
      %dma_wait3A_606 = arith.constant 0 : i32
      %dma_wait3A_607 = tpu.memref_slice %arg6[%dma_wait3A_600, %dma_wait3A_606] : memref<4x128xi32, #tpu.memory_space<vmem>> -> memref<1x128xi32, #tpu.memory_space<vmem>>
      %dma_wait3A_608 = tpu.memref_squeeze %dma_wait3A_607 : memref<1x128xi32, #tpu.memory_space<vmem>> -> memref<128xi32, #tpu.memory_space<vmem>>
      %dma_wait3A_609 = arith.constant 0 : i32
      %dma_wait3A_610 = tpu.memref_slice %dma_wait3A_608[%dma_wait3A_609] : memref<128xi32, #tpu.memory_space<vmem>> -> memref<32xi32, #tpu.memory_space<vmem>>
      %dma_wait3A_611 = arith.constant 0 : i32
      %dma_wait3A_612 = arith.constant 0 : i32
      %dma_wait3A_613 = tpu.memref_slice %arg3[%dma_wait3A_611, %dma_wait3A_612] : memref<1000000x64xf32, #tpu.memory_space<hbm>> -> memref<1000000x64xf32, #tpu.memory_space<hbm>>
      tpu.wait_indirect_dma semaphore(%arg17 : memref<!tpu.dma_semaphore, #tpu.memory_space<semaphore_mem>>) src(%dma_wait3A_613 : memref<1000000x64xf32, #tpu.memory_space<hbm>>) dst(%dma_wait3A_605 : memref<32x64xf32, #tpu.memory_space<vmem>>)
      %dma_wait3A_614 = arith.constant 3 : i32
      %dma_wait3A_615 = arith.constant 3 : i32
      %dma_wait3A_616 = arith.constant 32 : i32
      %dma_wait3A_617 = arith.constant 0 : i32
      %dma_wait3A_618 = tpu.memref_slice %arg7[%dma_wait3A_615, %dma_wait3A_616, %dma_wait3A_617] : memref<4x128x64xf32, #tpu.memory_space<vmem>> -> memref<1x32x64xf32, #tpu.memory_space<vmem>>
      %dma_wait3A_619 = tpu.memref_squeeze %dma_wait3A_618 : memref<1x32x64xf32, #tpu.memory_space<vmem>> -> memref<32x64xf32, #tpu.memory_space<vmem>>
      %dma_wait3A_620 = arith.constant 0 : i32
      %dma_wait3A_621 = tpu.memref_slice %arg6[%dma_wait3A_614, %dma_wait3A_620] : memref<4x128xi32, #tpu.memory_space<vmem>> -> memref<1x128xi32, #tpu.memory_space<vmem>>
      %dma_wait3A_622 = tpu.memref_squeeze %dma_wait3A_621 : memref<1x128xi32, #tpu.memory_space<vmem>> -> memref<128xi32, #tpu.memory_space<vmem>>
      %dma_wait3A_623 = arith.constant 32 : i32
      %dma_wait3A_624 = tpu.memref_slice %dma_wait3A_622[%dma_wait3A_623] : memref<128xi32, #tpu.memory_space<vmem>> -> memref<32xi32, #tpu.memory_space<vmem>>
      %dma_wait3A_625 = arith.constant 0 : i32
      %dma_wait3A_626 = arith.constant 0 : i32
      %dma_wait3A_627 = tpu.memref_slice %arg3[%dma_wait3A_625, %dma_wait3A_626] : memref<1000000x64xf32, #tpu.memory_space<hbm>> -> memref<1000000x64xf32, #tpu.memory_space<hbm>>
      tpu.wait_indirect_dma semaphore(%arg17 : memref<!tpu.dma_semaphore, #tpu.memory_space<semaphore_mem>>) src(%dma_wait3A_627 : memref<1000000x64xf32, #tpu.memory_space<hbm>>) dst(%dma_wait3A_619 : memref<32x64xf32, #tpu.memory_space<vmem>>)
      %dma_wait3A_628 = arith.constant 3 : i32
      %dma_wait3A_629 = arith.constant 3 : i32
      %dma_wait3A_630 = arith.constant 64 : i32
      %dma_wait3A_631 = arith.constant 0 : i32
      %dma_wait3A_632 = tpu.memref_slice %arg7[%dma_wait3A_629, %dma_wait3A_630, %dma_wait3A_631] : memref<4x128x64xf32, #tpu.memory_space<vmem>> -> memref<1x32x64xf32, #tpu.memory_space<vmem>>
      %dma_wait3A_633 = tpu.memref_squeeze %dma_wait3A_632 : memref<1x32x64xf32, #tpu.memory_space<vmem>> -> memref<32x64xf32, #tpu.memory_space<vmem>>
      %dma_wait3A_634 = arith.constant 0 : i32
      %dma_wait3A_635 = tpu.memref_slice %arg6[%dma_wait3A_628, %dma_wait3A_634] : memref<4x128xi32, #tpu.memory_space<vmem>> -> memref<1x128xi32, #tpu.memory_space<vmem>>
      %dma_wait3A_636 = tpu.memref_squeeze %dma_wait3A_635 : memref<1x128xi32, #tpu.memory_space<vmem>> -> memref<128xi32, #tpu.memory_space<vmem>>
      %dma_wait3A_637 = arith.constant 64 : i32
      %dma_wait3A_638 = tpu.memref_slice %dma_wait3A_636[%dma_wait3A_637] : memref<128xi32, #tpu.memory_space<vmem>> -> memref<32xi32, #tpu.memory_space<vmem>>
      %dma_wait3A_639 = arith.constant 0 : i32
      %dma_wait3A_640 = arith.constant 0 : i32
      %dma_wait3A_641 = tpu.memref_slice %arg3[%dma_wait3A_639, %dma_wait3A_640] : memref<1000000x64xf32, #tpu.memory_space<hbm>> -> memref<1000000x64xf32, #tpu.memory_space<hbm>>
      tpu.wait_indirect_dma semaphore(%arg17 : memref<!tpu.dma_semaphore, #tpu.memory_space<semaphore_mem>>) src(%dma_wait3A_641 : memref<1000000x64xf32, #tpu.memory_space<hbm>>) dst(%dma_wait3A_633 : memref<32x64xf32, #tpu.memory_space<vmem>>)
      %dma_wait3A_642 = arith.constant 3 : i32
      %dma_wait3A_643 = arith.constant 3 : i32
      %dma_wait3A_644 = arith.constant 96 : i32
      %dma_wait3A_645 = arith.constant 0 : i32
      %dma_wait3A_646 = tpu.memref_slice %arg7[%dma_wait3A_643, %dma_wait3A_644, %dma_wait3A_645] : memref<4x128x64xf32, #tpu.memory_space<vmem>> -> memref<1x32x64xf32, #tpu.memory_space<vmem>>
      %dma_wait3A_647 = tpu.memref_squeeze %dma_wait3A_646 : memref<1x32x64xf32, #tpu.memory_space<vmem>> -> memref<32x64xf32, #tpu.memory_space<vmem>>
      %dma_wait3A_648 = arith.constant 0 : i32
      %dma_wait3A_649 = tpu.memref_slice %arg6[%dma_wait3A_642, %dma_wait3A_648] : memref<4x128xi32, #tpu.memory_space<vmem>> -> memref<1x128xi32, #tpu.memory_space<vmem>>
      %dma_wait3A_650 = tpu.memref_squeeze %dma_wait3A_649 : memref<1x128xi32, #tpu.memory_space<vmem>> -> memref<128xi32, #tpu.memory_space<vmem>>
      %dma_wait3A_651 = arith.constant 96 : i32
      %dma_wait3A_652 = tpu.memref_slice %dma_wait3A_650[%dma_wait3A_651] : memref<128xi32, #tpu.memory_space<vmem>> -> memref<32xi32, #tpu.memory_space<vmem>>
      %dma_wait3A_653 = arith.constant 0 : i32
      %dma_wait3A_654 = arith.constant 0 : i32
      %dma_wait3A_655 = tpu.memref_slice %arg3[%dma_wait3A_653, %dma_wait3A_654] : memref<1000000x64xf32, #tpu.memory_space<hbm>> -> memref<1000000x64xf32, #tpu.memory_space<hbm>>
      tpu.wait_indirect_dma semaphore(%arg17 : memref<!tpu.dma_semaphore, #tpu.memory_space<semaphore_mem>>) src(%dma_wait3A_655 : memref<1000000x64xf32, #tpu.memory_space<hbm>>) dst(%dma_wait3A_647 : memref<32x64xf32, #tpu.memory_space<vmem>>)
      %add3A_656 = arith.constant 4 : i32
      %add3A_657 = arith.addi %add3A_599, %add3A_656 : i32
      %lt3A_658 = arith.constant 200 : i32
      %lt3A_659 = arith.cmpi slt, %add3A_657, %lt3A_658 : i32
      %convert_element_type3A_660 = arith.extui %lt3A_659 : i1 to i32
      %cond3A_661 = arith.constant 0 : i32
      %cond3A_662 = arith.cmpi ne, %convert_element_type3A_660, %cond3A_661 : i32
      scf.if %cond3A_662 {
        %add3A_717 = arith.constant 4 : i32
        %add3A_718 = arith.addi %add3A_599, %add3A_717 : i32
        %mul3A_719 = arith.constant 4096 : i32
        %mul3A_720 = arith.muli %add3A_718, %mul3A_719 : i32
        %mul3A_721 = arith.constant 128 : i32
        %mul3A_722 = arith.muli %add3A, %mul3A_721 : i32
        %add3A_723 = arith.addi %mul3A_720, %mul3A_722 : i32
        %multiple_of3A_724 = tpu.assume_multiple %add3A_723, 128 : i32
        %dma_start3A_725 = arith.constant 3 : i32
        %dma_start3A_726 = arith.constant 0 : i32
        %dma_start3A_727 = tpu.memref_slice %arg6[%dma_start3A_725, %dma_start3A_726] : memref<4x128xi32, #tpu.memory_space<vmem>> -> memref<1x128xi32, #tpu.memory_space<vmem>>
        %dma_start3A_728 = tpu.memref_squeeze %dma_start3A_727 : memref<1x128xi32, #tpu.memory_space<vmem>> -> memref<128xi32, #tpu.memory_space<vmem>>
        %dma_start3A_729 = tpu.memref_slice %arg2[%multiple_of3A_724] : memref<819200xi32, #tpu.memory_space<hbm>> -> memref<128xi32, #tpu.memory_space<hbm>>
        %dma_start3A_730 = arith.constant 0 : i32
        %dma_start3A_731 = tpu.memref_slice %arg6[%dma_start3A_725, %dma_start3A_730] : memref<4x128xi32, #tpu.memory_space<vmem>> -> memref<1x128xi32, #tpu.memory_space<vmem>>
        %dma_start3A_732 = tpu.memref_squeeze %dma_start3A_731 : memref<1x128xi32, #tpu.memory_space<vmem>> -> memref<128xi32, #tpu.memory_space<vmem>>
        %dma_start3A_733 = tpu.memref_slice %arg2[%multiple_of3A_724] : memref<819200xi32, #tpu.memory_space<hbm>> -> memref<128xi32, #tpu.memory_space<hbm>>
        tpu.enqueue_dma source(%dma_start3A_733 : memref<128xi32, #tpu.memory_space<hbm>>) target(%dma_start3A_732 : memref<128xi32, #tpu.memory_space<vmem>>) target_semaphore(%arg13 : memref<!tpu.dma_semaphore, #tpu.memory_space<semaphore_mem>>)
      } else {
      }
      %ge3A_663 = arith.constant 1 : i32
      %ge3A_664 = arith.cmpi sge, %add3A_599, %ge3A_663 : i32
      %convert_element_type3A_665 = arith.extui %ge3A_664 : i1 to i32
      %cond3A_666 = arith.constant 0 : i32
      %cond3A_667 = arith.cmpi ne, %convert_element_type3A_665, %cond3A_666 : i32
      scf.if %cond3A_667 {
        %sub3A = arith.constant 1 : i32
        %sub3A_717 = arith.subi %add3A_599, %sub3A : i32
        %dma_wait3A_718 = arith.constant 0 : i32
        %dma_wait3A_719 = arith.constant 0 : i32
        %dma_wait3A_720 = arith.constant 0 : i32
        %dma_wait3A_721 = arith.constant 0 : i32
        %dma_wait3A_722 = tpu.memref_slice %arg8[%dma_wait3A_718, %dma_wait3A_719, %dma_wait3A_720, %dma_wait3A_721] : memref<2x8x8x129xf32, #tpu.memory_space<vmem>> -> memref<1x8x8x128xf32, #tpu.memory_space<vmem>>
        %dma_wait3A_723 = tpu.memref_squeeze %dma_wait3A_722 : memref<1x8x8x128xf32, #tpu.memory_space<vmem>> -> memref<8x8x128xf32, #tpu.memory_space<vmem>>
        %dma_wait3A_724 = arith.constant 0 : i32
        %dma_wait3A_725 = arith.constant 0 : i32
        %dma_wait3A_726 = arith.constant 0 : i32
        %dma_wait3A_727 = tpu.memref_slice %arg5[%sub3A_717, %dma_wait3A_724, %add3A, %dma_wait3A_725, %dma_wait3A_726] : memref<200x8x32x8x128xf32, #tpu.memory_space<hbm>> -> memref<1x8x1x8x128xf32, #tpu.memory_space<hbm>>
        %dma_wait3A_728 = tpu.memref_squeeze %dma_wait3A_727 : memref<1x8x1x8x128xf32, #tpu.memory_space<hbm>> -> memref<8x8x128xf32, #tpu.memory_space<hbm>>
        %dma_wait3A_729 = arith.constant 0 : i32
        %dma_wait3A_730 = arith.constant 0 : i32
        %dma_wait3A_731 = arith.constant 0 : i32
        %dma_wait3A_732 = tpu.memref_slice %arg5[%sub3A_717, %dma_wait3A_729, %add3A, %dma_wait3A_730, %dma_wait3A_731] : memref<200x8x32x8x128xf32, #tpu.memory_space<hbm>> -> memref<1x8x1x8x128xf32, #tpu.memory_space<hbm>>
        %dma_wait3A_733 = tpu.memref_squeeze %dma_wait3A_732 : memref<1x8x1x8x128xf32, #tpu.memory_space<hbm>> -> memref<8x8x128xf32, #tpu.memory_space<hbm>>
        %dma_wait3A_734 = arith.constant 0 : i32
        %dma_wait3A_735 = arith.constant 0 : i32
        %dma_wait3A_736 = arith.constant 0 : i32
        %dma_wait3A_737 = tpu.memref_slice %arg8[%dma_wait3A_718, %dma_wait3A_734, %dma_wait3A_735, %dma_wait3A_736] : memref<2x8x8x129xf32, #tpu.memory_space<vmem>> -> memref<1x8x8x128xf32, #tpu.memory_space<vmem>>
        %dma_wait3A_738 = tpu.memref_squeeze %dma_wait3A_737 : memref<1x8x8x128xf32, #tpu.memory_space<vmem>> -> memref<8x8x128xf32, #tpu.memory_space<vmem>>
        tpu.wait_dma2 semaphore(%arg18 : memref<!tpu.dma_semaphore, #tpu.memory_space<semaphore_mem>>) src(%dma_wait3A_738 : memref<8x8x128xf32, #tpu.memory_space<vmem>>) dst(%dma_wait3A_733 : memref<8x8x128xf32, #tpu.memory_space<hbm>>)
      } else {
      }
      %add3A_668 = arith.constant 2 : i32
      %add3A_669 = arith.addi %add3A_599, %add3A_668 : i32
      %lt3A_670 = arith.constant 200 : i32
      %lt3A_671 = arith.cmpi slt, %add3A_669, %lt3A_670 : i32
      %convert_element_type3A_672 = arith.extui %lt3A_671 : i1 to i32
      %cond3A_673 = arith.constant 0 : i32
      %cond3A_674 = arith.cmpi ne, %convert_element_type3A_672, %cond3A_673 : i32
      scf.if %cond3A_674 {
        %add3A_717 = arith.constant 2 : i32
        %add3A_718 = arith.addi %add3A_599, %add3A_717 : i32
        %mul3A_719 = arith.constant 4096 : i32
        %mul3A_720 = arith.muli %add3A_718, %mul3A_719 : i32
        %mul3A_721 = arith.constant 128 : i32
        %mul3A_722 = arith.muli %add3A, %mul3A_721 : i32
        %add3A_723 = arith.addi %mul3A_720, %mul3A_722 : i32
        %multiple_of3A_724 = tpu.assume_multiple %add3A_723, 128 : i32
        %dma_wait3A_725 = arith.constant 1 : i32
        %dma_wait3A_726 = arith.constant 0 : i32
        %dma_wait3A_727 = tpu.memref_slice %arg6[%dma_wait3A_725, %dma_wait3A_726] : memref<4x128xi32, #tpu.memory_space<vmem>> -> memref<1x128xi32, #tpu.memory_space<vmem>>
        %dma_wait3A_728 = tpu.memref_squeeze %dma_wait3A_727 : memref<1x128xi32, #tpu.memory_space<vmem>> -> memref<128xi32, #tpu.memory_space<vmem>>
        %dma_wait3A_729 = tpu.memref_slice %arg2[%multiple_of3A_724] : memref<819200xi32, #tpu.memory_space<hbm>> -> memref<128xi32, #tpu.memory_space<hbm>>
        %dma_wait3A_730 = arith.constant 0 : i32
        %dma_wait3A_731 = tpu.memref_slice %arg6[%dma_wait3A_725, %dma_wait3A_730] : memref<4x128xi32, #tpu.memory_space<vmem>> -> memref<1x128xi32, #tpu.memory_space<vmem>>
        %dma_wait3A_732 = tpu.memref_squeeze %dma_wait3A_731 : memref<1x128xi32, #tpu.memory_space<vmem>> -> memref<128xi32, #tpu.memory_space<vmem>>
        %dma_wait3A_733 = tpu.memref_slice %arg2[%multiple_of3A_724] : memref<819200xi32, #tpu.memory_space<hbm>> -> memref<128xi32, #tpu.memory_space<hbm>>
        tpu.wait_dma2 semaphore(%arg11 : memref<!tpu.dma_semaphore, #tpu.memory_space<semaphore_mem>>) src(%dma_wait3A_733 : memref<128xi32, #tpu.memory_space<hbm>>) dst(%dma_wait3A_732 : memref<128xi32, #tpu.memory_space<vmem>>)
        %dma_start3A_734 = arith.constant 1 : i32
        %dma_start3A_735 = arith.constant 1 : i32
        %dma_start3A_736 = arith.constant 0 : i32
        %dma_start3A_737 = arith.constant 0 : i32
        %dma_start3A_738 = tpu.memref_slice %arg7[%dma_start3A_735, %dma_start3A_736, %dma_start3A_737] : memref<4x128x64xf32, #tpu.memory_space<vmem>> -> memref<1x32x64xf32, #tpu.memory_space<vmem>>
        %dma_start3A_739 = tpu.memref_squeeze %dma_start3A_738 : memref<1x32x64xf32, #tpu.memory_space<vmem>> -> memref<32x64xf32, #tpu.memory_space<vmem>>
        %dma_start3A_740 = arith.constant 0 : i32
        %dma_start3A_741 = tpu.memref_slice %arg6[%dma_start3A_734, %dma_start3A_740] : memref<4x128xi32, #tpu.memory_space<vmem>> -> memref<1x128xi32, #tpu.memory_space<vmem>>
        %dma_start3A_742 = tpu.memref_squeeze %dma_start3A_741 : memref<1x128xi32, #tpu.memory_space<vmem>> -> memref<128xi32, #tpu.memory_space<vmem>>
        %dma_start3A_743 = arith.constant 0 : i32
        %dma_start3A_744 = tpu.memref_slice %dma_start3A_742[%dma_start3A_743] : memref<128xi32, #tpu.memory_space<vmem>> -> memref<32xi32, #tpu.memory_space<vmem>>
        %dma_start3A_745 = arith.constant 0 : i32
        %dma_start3A_746 = arith.constant 0 : i32
        %dma_start3A_747 = tpu.memref_slice %arg3[%dma_start3A_745, %dma_start3A_746] : memref<1000000x64xf32, #tpu.memory_space<hbm>> -> memref<1000000x64xf32, #tpu.memory_space<hbm>>
        tpu.enqueue_indirect_dma source(%dma_start3A_747 : memref<1000000x64xf32, #tpu.memory_space<hbm>>) target(%dma_start3A_739 : memref<32x64xf32, #tpu.memory_space<vmem>>) offsets(%dma_start3A_744 : memref<32xi32, #tpu.memory_space<vmem>>) semaphore(%arg15 : memref<!tpu.dma_semaphore, #tpu.memory_space<semaphore_mem>>)
        %dma_start3A_748 = arith.constant 1 : i32
        %dma_start3A_749 = arith.constant 1 : i32
        %dma_start3A_750 = arith.constant 32 : i32
        %dma_start3A_751 = arith.constant 0 : i32
        %dma_start3A_752 = tpu.memref_slice %arg7[%dma_start3A_749, %dma_start3A_750, %dma_start3A_751] : memref<4x128x64xf32, #tpu.memory_space<vmem>> -> memref<1x32x64xf32, #tpu.memory_space<vmem>>
        %dma_start3A_753 = tpu.memref_squeeze %dma_start3A_752 : memref<1x32x64xf32, #tpu.memory_space<vmem>> -> memref<32x64xf32, #tpu.memory_space<vmem>>
        %dma_start3A_754 = arith.constant 0 : i32
        %dma_start3A_755 = tpu.memref_slice %arg6[%dma_start3A_748, %dma_start3A_754] : memref<4x128xi32, #tpu.memory_space<vmem>> -> memref<1x128xi32, #tpu.memory_space<vmem>>
        %dma_start3A_756 = tpu.memref_squeeze %dma_start3A_755 : memref<1x128xi32, #tpu.memory_space<vmem>> -> memref<128xi32, #tpu.memory_space<vmem>>
        %dma_start3A_757 = arith.constant 32 : i32
        %dma_start3A_758 = tpu.memref_slice %dma_start3A_756[%dma_start3A_757] : memref<128xi32, #tpu.memory_space<vmem>> -> memref<32xi32, #tpu.memory_space<vmem>>
        %dma_start3A_759 = arith.constant 0 : i32
        %dma_start3A_760 = arith.constant 0 : i32
        %dma_start3A_761 = tpu.memref_slice %arg3[%dma_start3A_759, %dma_start3A_760] : memref<1000000x64xf32, #tpu.memory_space<hbm>> -> memref<1000000x64xf32, #tpu.memory_space<hbm>>
        tpu.enqueue_indirect_dma source(%dma_start3A_761 : memref<1000000x64xf32, #tpu.memory_space<hbm>>) target(%dma_start3A_753 : memref<32x64xf32, #tpu.memory_space<vmem>>) offsets(%dma_start3A_758 : memref<32xi32, #tpu.memory_space<vmem>>) semaphore(%arg15 : memref<!tpu.dma_semaphore, #tpu.memory_space<semaphore_mem>>)
        %dma_start3A_762 = arith.constant 1 : i32
        %dma_start3A_763 = arith.constant 1 : i32
        %dma_start3A_764 = arith.constant 64 : i32
        %dma_start3A_765 = arith.constant 0 : i32
        %dma_start3A_766 = tpu.memref_slice %arg7[%dma_start3A_763, %dma_start3A_764, %dma_start3A_765] : memref<4x128x64xf32, #tpu.memory_space<vmem>> -> memref<1x32x64xf32, #tpu.memory_space<vmem>>
        %dma_start3A_767 = tpu.memref_squeeze %dma_start3A_766 : memref<1x32x64xf32, #tpu.memory_space<vmem>> -> memref<32x64xf32, #tpu.memory_space<vmem>>
        %dma_start3A_768 = arith.constant 0 : i32
        %dma_start3A_769 = tpu.memref_slice %arg6[%dma_start3A_762, %dma_start3A_768] : memref<4x128xi32, #tpu.memory_space<vmem>> -> memref<1x128xi32, #tpu.memory_space<vmem>>
        %dma_start3A_770 = tpu.memref_squeeze %dma_start3A_769 : memref<1x128xi32, #tpu.memory_space<vmem>> -> memref<128xi32, #tpu.memory_space<vmem>>
        %dma_start3A_771 = arith.constant 64 : i32
        %dma_start3A_772 = tpu.memref_slice %dma_start3A_770[%dma_start3A_771] : memref<128xi32, #tpu.memory_space<vmem>> -> memref<32xi32, #tpu.memory_space<vmem>>
        %dma_start3A_773 = arith.constant 0 : i32
        %dma_start3A_774 = arith.constant 0 : i32
        %dma_start3A_775 = tpu.memref_slice %arg3[%dma_start3A_773, %dma_start3A_774] : memref<1000000x64xf32, #tpu.memory_space<hbm>> -> memref<1000000x64xf32, #tpu.memory_space<hbm>>
        tpu.enqueue_indirect_dma source(%dma_start3A_775 : memref<1000000x64xf32, #tpu.memory_space<hbm>>) target(%dma_start3A_767 : memref<32x64xf32, #tpu.memory_space<vmem>>) offsets(%dma_start3A_772 : memref<32xi32, #tpu.memory_space<vmem>>) semaphore(%arg15 : memref<!tpu.dma_semaphore, #tpu.memory_space<semaphore_mem>>)
        %dma_start3A_776 = arith.constant 1 : i32
        %dma_start3A_777 = arith.constant 1 : i32
        %dma_start3A_778 = arith.constant 96 : i32
        %dma_start3A_779 = arith.constant 0 : i32
        %dma_start3A_780 = tpu.memref_slice %arg7[%dma_start3A_777, %dma_start3A_778, %dma_start3A_779] : memref<4x128x64xf32, #tpu.memory_space<vmem>> -> memref<1x32x64xf32, #tpu.memory_space<vmem>>
        %dma_start3A_781 = tpu.memref_squeeze %dma_start3A_780 : memref<1x32x64xf32, #tpu.memory_space<vmem>> -> memref<32x64xf32, #tpu.memory_space<vmem>>
        %dma_start3A_782 = arith.constant 0 : i32
        %dma_start3A_783 = tpu.memref_slice %arg6[%dma_start3A_776, %dma_start3A_782] : memref<4x128xi32, #tpu.memory_space<vmem>> -> memref<1x128xi32, #tpu.memory_space<vmem>>
        %dma_start3A_784 = tpu.memref_squeeze %dma_start3A_783 : memref<1x128xi32, #tpu.memory_space<vmem>> -> memref<128xi32, #tpu.memory_space<vmem>>
        %dma_start3A_785 = arith.constant 96 : i32
        %dma_start3A_786 = tpu.memref_slice %dma_start3A_784[%dma_start3A_785] : memref<128xi32, #tpu.memory_space<vmem>> -> memref<32xi32, #tpu.memory_space<vmem>>
        %dma_start3A_787 = arith.constant 0 : i32
        %dma_start3A_788 = arith.constant 0 : i32
        %dma_start3A_789 = tpu.memref_slice %arg3[%dma_start3A_787, %dma_start3A_788] : memref<1000000x64xf32, #tpu.memory_space<hbm>> -> memref<1000000x64xf32, #tpu.memory_space<hbm>>
        tpu.enqueue_indirect_dma source(%dma_start3A_789 : memref<1000000x64xf32, #tpu.memory_space<hbm>>) target(%dma_start3A_781 : memref<32x64xf32, #tpu.memory_space<vmem>>) offsets(%dma_start3A_786 : memref<32xi32, #tpu.memory_space<vmem>>) semaphore(%arg15 : memref<!tpu.dma_semaphore, #tpu.memory_space<semaphore_mem>>)
      } else {
      }
      %get3A_675 = arith.index_cast %add3A_599 : i32 to index
      %get3A_676 = arith.constant 0 : index
      %get3A_677 = tpu.vector_load %arg9[%get3A_675, %get3A_676] {strides = array<i32>} : memref<200x64xf32, #tpu.memory_space<vmem>>, vector<16xf32>,
      %get3A_678 = arith.index_cast %add3A_599 : i32 to index
      %get3A_679 = arith.constant 16 : index
      %get3A_680 = tpu.vector_load %arg9[%get3A_678, %get3A_679] {strides = array<i32>} : memref<200x64xf32, #tpu.memory_space<vmem>>, vector<16xf32>,
      %get3A_681 = arith.index_cast %add3A_599 : i32 to index
      %get3A_682 = arith.constant 32 : index
      %get3A_683 = tpu.vector_load %arg9[%get3A_681, %get3A_682] {strides = array<i32>} : memref<200x64xf32, #tpu.memory_space<vmem>>, vector<16xf32>,
      %get3A_684 = arith.index_cast %add3A_599 : i32 to index
      %get3A_685 = arith.constant 48 : index
      %get3A_686 = tpu.vector_load %arg9[%get3A_684, %get3A_685] {strides = array<i32>} : memref<200x64xf32, #tpu.memory_space<vmem>>, vector<16xf32>,
      %mul3A_687 = arith.constant 0 : i32
      %mul3A_688 = vector.broadcast %mul3A_687 : i32 to vector<16xi32>
      %mul3A_689 = arith.muli %iota3A, %mul3A_688 : vector<16xi32>
      %scan3A_690 = arith.constant 0 : i32
      %scan3A_691 = arith.constant 16 : i32
      %scan3A_692 = arith.addi %scan3A_690, %scan3A_691 : i32
      %scan3A_693 = arith.constant 1 : i32
      %scan3A_694 = scf.for %scan3A_717 = %scan3A_690 to %scan3A_692 step %scan3A_693 iter_args(%scan3A_718 = %mul3A_689) -> (vector<16xi32>)  : i32 {
        %mul3A_719 = arith.constant 8 : i32
        %mul3A_720 = arith.muli %scan3A_717, %mul3A_719 : i32
        %add3A_721 = arith.constant 0 : i32
        %add3A_722 = arith.addi %mul3A_720, %add3A_721 : i32
        %get3A_723 = arith.constant 3 : i32
        %get3A_724 = arith.index_cast %get3A_723 : i32 to index
        %get3A_725 = arith.index_cast %add3A_722 : i32 to index
        %get3A_726 = arith.constant 0 : index
        %get3A_727 = tpu.vector_load %arg7[%get3A_724, %get3A_725, %get3A_726] {strides = array<i32>} : memref<4x128x64xf32, #tpu.memory_space<vmem>>, vector<16xf32>,
        %add3A_728 = arith.addf %get3A_727, %get3A_677 : vector<16xf32>
        %get3A_729 = arith.constant 3 : i32
        %get3A_730 = arith.index_cast %get3A_729 : i32 to index
        %get3A_731 = arith.index_cast %add3A_722 : i32 to index
        %get3A_732 = arith.constant 16 : index
        %get3A_733 = tpu.vector_load %arg7[%get3A_730, %get3A_731, %get3A_732] {strides = array<i32>} : memref<4x128x64xf32, #tpu.memory_space<vmem>>, vector<16xf32>,
        %add3A_734 = arith.addf %get3A_733, %get3A_680 : vector<16xf32>
        %get3A_735 = arith.constant 3 : i32
        %get3A_736 = arith.index_cast %get3A_735 : i32 to index
        %get3A_737 = arith.index_cast %add3A_722 : i32 to index
        %get3A_738 = arith.constant 32 : index
        %get3A_739 = tpu.vector_load %arg7[%get3A_736, %get3A_737, %get3A_738] {strides = array<i32>} : memref<4x128x64xf32, #tpu.memory_space<vmem>>, vector<16xf32>,
        %add3A_740 = arith.addf %get3A_739, %get3A_683 : vector<16xf32>
        %get3A_741 = arith.constant 3 : i32
        %get3A_742 = arith.index_cast %get3A_741 : i32 to index
        %get3A_743 = arith.index_cast %add3A_722 : i32 to index
        %get3A_744 = arith.constant 48 : index
        %get3A_745 = tpu.vector_load %arg7[%get3A_742, %get3A_743, %get3A_744] {strides = array<i32>} : memref<4x128x64xf32, #tpu.memory_space<vmem>>, vector<16xf32>,
        %add3A_746 = arith.addf %get3A_745, %get3A_686 : vector<16xf32>
        %mul3A_747 = arith.constant 8 : i32
        %mul3A_748 = arith.muli %scan3A_717, %mul3A_747 : i32
        %add3A_749 = arith.constant 1 : i32
        %add3A_750 = arith.addi %mul3A_748, %add3A_749 : i32
        %get3A_751 = arith.constant 3 : i32
        %get3A_752 = arith.index_cast %get3A_751 : i32 to index
        %get3A_753 = arith.index_cast %add3A_750 : i32 to index
        %get3A_754 = arith.constant 0 : index
        %get3A_755 = tpu.vector_load %arg7[%get3A_752, %get3A_753, %get3A_754] {strides = array<i32>} : memref<4x128x64xf32, #tpu.memory_space<vmem>>, vector<16xf32>,
        %add3A_756 = arith.addf %get3A_755, %get3A_677 : vector<16xf32>
        %get3A_757 = arith.constant 3 : i32
        %get3A_758 = arith.index_cast %get3A_757 : i32 to index
        %get3A_759 = arith.index_cast %add3A_750 : i32 to index
        %get3A_760 = arith.constant 16 : index
        %get3A_761 = tpu.vector_load %arg7[%get3A_758, %get3A_759, %get3A_760] {strides = array<i32>} : memref<4x128x64xf32, #tpu.memory_space<vmem>>, vector<16xf32>,
        %add3A_762 = arith.addf %get3A_761, %get3A_680 : vector<16xf32>
        %get3A_763 = arith.constant 3 : i32
        %get3A_764 = arith.index_cast %get3A_763 : i32 to index
        %get3A_765 = arith.index_cast %add3A_750 : i32 to index
        %get3A_766 = arith.constant 32 : index
        %get3A_767 = tpu.vector_load %arg7[%get3A_764, %get3A_765, %get3A_766] {strides = array<i32>} : memref<4x128x64xf32, #tpu.memory_space<vmem>>, vector<16xf32>,
        %add3A_768 = arith.addf %get3A_767, %get3A_683 : vector<16xf32>
        %get3A_769 = arith.constant 3 : i32
        %get3A_770 = arith.index_cast %get3A_769 : i32 to index
        %get3A_771 = arith.index_cast %add3A_750 : i32 to index
        %get3A_772 = arith.constant 48 : index
        %get3A_773 = tpu.vector_load %arg7[%get3A_770, %get3A_771, %get3A_772] {strides = array<i32>} : memref<4x128x64xf32, #tpu.memory_space<vmem>>, vector<16xf32>,
        %add3A_774 = arith.addf %get3A_773, %get3A_686 : vector<16xf32>
        %mul3A_775 = arith.constant 8 : i32
        %mul3A_776 = arith.muli %scan3A_717, %mul3A_775 : i32
        %add3A_777 = arith.constant 2 : i32
        %add3A_778 = arith.addi %mul3A_776, %add3A_777 : i32
        %get3A_779 = arith.constant 3 : i32
        %get3A_780 = arith.index_cast %get3A_779 : i32 to index
        %get3A_781 = arith.index_cast %add3A_778 : i32 to index
        %get3A_782 = arith.constant 0 : index
        %get3A_783 = tpu.vector_load %arg7[%get3A_780, %get3A_781, %get3A_782] {strides = array<i32>} : memref<4x128x64xf32, #tpu.memory_space<vmem>>, vector<16xf32>,
        %add3A_784 = arith.addf %get3A_783, %get3A_677 : vector<16xf32>
        %get3A_785 = arith.constant 3 : i32
        %get3A_786 = arith.index_cast %get3A_785 : i32 to index
        %get3A_787 = arith.index_cast %add3A_778 : i32 to index
        %get3A_788 = arith.constant 16 : index
        %get3A_789 = tpu.vector_load %arg7[%get3A_786, %get3A_787, %get3A_788] {strides = array<i32>} : memref<4x128x64xf32, #tpu.memory_space<vmem>>, vector<16xf32>,
        %add3A_790 = arith.addf %get3A_789, %get3A_680 : vector<16xf32>
        %get3A_791 = arith.constant 3 : i32
        %get3A_792 = arith.index_cast %get3A_791 : i32 to index
        %get3A_793 = arith.index_cast %add3A_778 : i32 to index
        %get3A_794 = arith.constant 32 : index
        %get3A_795 = tpu.vector_load %arg7[%get3A_792, %get3A_793, %get3A_794] {strides = array<i32>} : memref<4x128x64xf32, #tpu.memory_space<vmem>>, vector<16xf32>,
        %add3A_796 = arith.addf %get3A_795, %get3A_683 : vector<16xf32>
        %get3A_797 = arith.constant 3 : i32
        %get3A_798 = arith.index_cast %get3A_797 : i32 to index
        %get3A_799 = arith.index_cast %add3A_778 : i32 to index
        %get3A_800 = arith.constant 48 : index
        %get3A_801 = tpu.vector_load %arg7[%get3A_798, %get3A_799, %get3A_800] {strides = array<i32>} : memref<4x128x64xf32, #tpu.memory_space<vmem>>, vector<16xf32>,
        %add3A_802 = arith.addf %get3A_801, %get3A_686 : vector<16xf32>
        %mul3A_803 = arith.constant 8 : i32
        %mul3A_804 = arith.muli %scan3A_717, %mul3A_803 : i32
        %add3A_805 = arith.constant 3 : i32
        %add3A_806 = arith.addi %mul3A_804, %add3A_805 : i32
        %get3A_807 = arith.constant 3 : i32
        %get3A_808 = arith.index_cast %get3A_807 : i32 to index
        %get3A_809 = arith.index_cast %add3A_806 : i32 to index
        %get3A_810 = arith.constant 0 : index
        %get3A_811 = tpu.vector_load %arg7[%get3A_808, %get3A_809, %get3A_810] {strides = array<i32>} : memref<4x128x64xf32, #tpu.memory_space<vmem>>, vector<16xf32>,
        %add3A_812 = arith.addf %get3A_811, %get3A_677 : vector<16xf32>
        %get3A_813 = arith.constant 3 : i32
        %get3A_814 = arith.index_cast %get3A_813 : i32 to index
        %get3A_815 = arith.index_cast %add3A_806 : i32 to index
        %get3A_816 = arith.constant 16 : index
        %get3A_817 = tpu.vector_load %arg7[%get3A_814, %get3A_815, %get3A_816] {strides = array<i32>} : memref<4x128x64xf32, #tpu.memory_space<vmem>>, vector<16xf32>,
        %add3A_818 = arith.addf %get3A_817, %get3A_680 : vector<16xf32>
        %get3A_819 = arith.constant 3 : i32
        %get3A_820 = arith.index_cast %get3A_819 : i32 to index
        %get3A_821 = arith.index_cast %add3A_806 : i32 to index
        %get3A_822 = arith.constant 32 : index
        %get3A_823 = tpu.vector_load %arg7[%get3A_820, %get3A_821, %get3A_822] {strides = array<i32>} : memref<4x128x64xf32, #tpu.memory_space<vmem>>, vector<16xf32>,
        %add3A_824 = arith.addf %get3A_823, %get3A_683 : vector<16xf32>
        %get3A_825 = arith.constant 3 : i32
        %get3A_826 = arith.index_cast %get3A_825 : i32 to index
        %get3A_827 = arith.index_cast %add3A_806 : i32 to index
        %get3A_828 = arith.constant 48 : index
        %get3A_829 = tpu.vector_load %arg7[%get3A_826, %get3A_827, %get3A_828] {strides = array<i32>} : memref<4x128x64xf32, #tpu.memory_space<vmem>>, vector<16xf32>,
        %add3A_830 = arith.addf %get3A_829, %get3A_686 : vector<16xf32>
        %mul3A_831 = arith.constant 8 : i32
        %mul3A_832 = arith.muli %scan3A_717, %mul3A_831 : i32
        %add3A_833 = arith.constant 4 : i32
        %add3A_834 = arith.addi %mul3A_832, %add3A_833 : i32
        %get3A_835 = arith.constant 3 : i32
        %get3A_836 = arith.index_cast %get3A_835 : i32 to index
        %get3A_837 = arith.index_cast %add3A_834 : i32 to index
        %get3A_838 = arith.constant 0 : index
        %get3A_839 = tpu.vector_load %arg7[%get3A_836, %get3A_837, %get3A_838] {strides = array<i32>} : memref<4x128x64xf32, #tpu.memory_space<vmem>>, vector<16xf32>,
        %add3A_840 = arith.addf %get3A_839, %get3A_677 : vector<16xf32>
        %get3A_841 = arith.constant 3 : i32
        %get3A_842 = arith.index_cast %get3A_841 : i32 to index
        %get3A_843 = arith.index_cast %add3A_834 : i32 to index
        %get3A_844 = arith.constant 16 : index
        %get3A_845 = tpu.vector_load %arg7[%get3A_842, %get3A_843, %get3A_844] {strides = array<i32>} : memref<4x128x64xf32, #tpu.memory_space<vmem>>, vector<16xf32>,
        %add3A_846 = arith.addf %get3A_845, %get3A_680 : vector<16xf32>
        %get3A_847 = arith.constant 3 : i32
        %get3A_848 = arith.index_cast %get3A_847 : i32 to index
        %get3A_849 = arith.index_cast %add3A_834 : i32 to index
        %get3A_850 = arith.constant 32 : index
        %get3A_851 = tpu.vector_load %arg7[%get3A_848, %get3A_849, %get3A_850] {strides = array<i32>} : memref<4x128x64xf32, #tpu.memory_space<vmem>>, vector<16xf32>,
        %add3A_852 = arith.addf %get3A_851, %get3A_683 : vector<16xf32>
        %get3A_853 = arith.constant 3 : i32
        %get3A_854 = arith.index_cast %get3A_853 : i32 to index
        %get3A_855 = arith.index_cast %add3A_834 : i32 to index
        %get3A_856 = arith.constant 48 : index
        %get3A_857 = tpu.vector_load %arg7[%get3A_854, %get3A_855, %get3A_856] {strides = array<i32>} : memref<4x128x64xf32, #tpu.memory_space<vmem>>, vector<16xf32>,
        %add3A_858 = arith.addf %get3A_857, %get3A_686 : vector<16xf32>
        %mul3A_859 = arith.constant 8 : i32
        %mul3A_860 = arith.muli %scan3A_717, %mul3A_859 : i32
        %add3A_861 = arith.constant 5 : i32
        %add3A_862 = arith.addi %mul3A_860, %add3A_861 : i32
        %get3A_863 = arith.constant 3 : i32
        %get3A_864 = arith.index_cast %get3A_863 : i32 to index
        %get3A_865 = arith.index_cast %add3A_862 : i32 to index
        %get3A_866 = arith.constant 0 : index
        %get3A_867 = tpu.vector_load %arg7[%get3A_864, %get3A_865, %get3A_866] {strides = array<i32>} : memref<4x128x64xf32, #tpu.memory_space<vmem>>, vector<16xf32>,
        %add3A_868 = arith.addf %get3A_867, %get3A_677 : vector<16xf32>
        %get3A_869 = arith.constant 3 : i32
        %get3A_870 = arith.index_cast %get3A_869 : i32 to index
        %get3A_871 = arith.index_cast %add3A_862 : i32 to index
        %get3A_872 = arith.constant 16 : index
        %get3A_873 = tpu.vector_load %arg7[%get3A_870, %get3A_871, %get3A_872] {strides = array<i32>} : memref<4x128x64xf32, #tpu.memory_space<vmem>>, vector<16xf32>,
        %add3A_874 = arith.addf %get3A_873, %get3A_680 : vector<16xf32>
        %get3A_875 = arith.constant 3 : i32
        %get3A_876 = arith.index_cast %get3A_875 : i32 to index
        %get3A_877 = arith.index_cast %add3A_862 : i32 to index
        %get3A_878 = arith.constant 32 : index
        %get3A_879 = tpu.vector_load %arg7[%get3A_876, %get3A_877, %get3A_878] {strides = array<i32>} : memref<4x128x64xf32, #tpu.memory_space<vmem>>, vector<16xf32>,
        %add3A_880 = arith.addf %get3A_879, %get3A_683 : vector<16xf32>
        %get3A_881 = arith.constant 3 : i32
        %get3A_882 = arith.index_cast %get3A_881 : i32 to index
        %get3A_883 = arith.index_cast %add3A_862 : i32 to index
        %get3A_884 = arith.constant 48 : index
        %get3A_885 = tpu.vector_load %arg7[%get3A_882, %get3A_883, %get3A_884] {strides = array<i32>} : memref<4x128x64xf32, #tpu.memory_space<vmem>>, vector<16xf32>,
        %add3A_886 = arith.addf %get3A_885, %get3A_686 : vector<16xf32>
        %mul3A_887 = arith.constant 8 : i32
        %mul3A_888 = arith.muli %scan3A_717, %mul3A_887 : i32
        %add3A_889 = arith.constant 6 : i32
        %add3A_890 = arith.addi %mul3A_888, %add3A_889 : i32
        %get3A_891 = arith.constant 3 : i32
        %get3A_892 = arith.index_cast %get3A_891 : i32 to index
        %get3A_893 = arith.index_cast %add3A_890 : i32 to index
        %get3A_894 = arith.constant 0 : index
        %get3A_895 = tpu.vector_load %arg7[%get3A_892, %get3A_893, %get3A_894] {strides = array<i32>} : memref<4x128x64xf32, #tpu.memory_space<vmem>>, vector<16xf32>,
        %add3A_896 = arith.addf %get3A_895, %get3A_677 : vector<16xf32>
        %get3A_897 = arith.constant 3 : i32
        %get3A_898 = arith.index_cast %get3A_897 : i32 to index
        %get3A_899 = arith.index_cast %add3A_890 : i32 to index
        %get3A_900 = arith.constant 16 : index
        %get3A_901 = tpu.vector_load %arg7[%get3A_898, %get3A_899, %get3A_900] {strides = array<i32>} : memref<4x128x64xf32, #tpu.memory_space<vmem>>, vector<16xf32>,
        %add3A_902 = arith.addf %get3A_901, %get3A_680 : vector<16xf32>
        %get3A_903 = arith.constant 3 : i32
        %get3A_904 = arith.index_cast %get3A_903 : i32 to index
        %get3A_905 = arith.index_cast %add3A_890 : i32 to index
        %get3A_906 = arith.constant 32 : index
        %get3A_907 = tpu.vector_load %arg7[%get3A_904, %get3A_905, %get3A_906] {strides = array<i32>} : memref<4x128x64xf32, #tpu.memory_space<vmem>>, vector<16xf32>,
        %add3A_908 = arith.addf %get3A_907, %get3A_683 : vector<16xf32>
        %get3A_909 = arith.constant 3 : i32
        %get3A_910 = arith.index_cast %get3A_909 : i32 to index
        %get3A_911 = arith.index_cast %add3A_890 : i32 to index
        %get3A_912 = arith.constant 48 : index
        %get3A_913 = tpu.vector_load %arg7[%get3A_910, %get3A_911, %get3A_912] {strides = array<i32>} : memref<4x128x64xf32, #tpu.memory_space<vmem>>, vector<16xf32>,
        %add3A_914 = arith.addf %get3A_913, %get3A_686 : vector<16xf32>
        %mul3A_915 = arith.constant 8 : i32
        %mul3A_916 = arith.muli %scan3A_717, %mul3A_915 : i32
        %add3A_917 = arith.constant 7 : i32
        %add3A_918 = arith.addi %mul3A_916, %add3A_917 : i32
        %get3A_919 = arith.constant 3 : i32
        %get3A_920 = arith.index_cast %get3A_919 : i32 to index
        %get3A_921 = arith.index_cast %add3A_918 : i32 to index
        %get3A_922 = arith.constant 0 : index
        %get3A_923 = tpu.vector_load %arg7[%get3A_920, %get3A_921, %get3A_922] {strides = array<i32>} : memref<4x128x64xf32, #tpu.memory_space<vmem>>, vector<16xf32>,
        %add3A_924 = arith.addf %get3A_923, %get3A_677 : vector<16xf32>
        %get3A_925 = arith.constant 3 : i32
        %get3A_926 = arith.index_cast %get3A_925 : i32 to index
        %get3A_927 = arith.index_cast %add3A_918 : i32 to index
        %get3A_928 = arith.constant 16 : index
        %get3A_929 = tpu.vector_load %arg7[%get3A_926, %get3A_927, %get3A_928] {strides = array<i32>} : memref<4x128x64xf32, #tpu.memory_space<vmem>>, vector<16xf32>,
        %add3A_930 = arith.addf %get3A_929, %get3A_680 : vector<16xf32>
        %get3A_931 = arith.constant 3 : i32
        %get3A_932 = arith.index_cast %get3A_931 : i32 to index
        %get3A_933 = arith.index_cast %add3A_918 : i32 to index
        %get3A_934 = arith.constant 32 : index
        %get3A_935 = tpu.vector_load %arg7[%get3A_932, %get3A_933, %get3A_934] {strides = array<i32>} : memref<4x128x64xf32, #tpu.memory_space<vmem>>, vector<16xf32>,
        %add3A_936 = arith.addf %get3A_935, %get3A_683 : vector<16xf32>
        %get3A_937 = arith.constant 3 : i32
        %get3A_938 = arith.index_cast %get3A_937 : i32 to index
        %get3A_939 = arith.index_cast %add3A_918 : i32 to index
        %get3A_940 = arith.constant 48 : index
        %get3A_941 = tpu.vector_load %arg7[%get3A_938, %get3A_939, %get3A_940] {strides = array<i32>} : memref<4x128x64xf32, #tpu.memory_space<vmem>>, vector<16xf32>,
        %add3A_942 = arith.addf %get3A_941, %get3A_686 : vector<16xf32>
        %add3A_943 = arith.constant 0 : i32
        %add3A_944 = vector.broadcast %add3A_943 : i32 to vector<16xi32>
        %add3A_945 = arith.addi %scan3A_718, %add3A_944 : vector<16xi32>
        %scatter3A = arith.constant 1 : i32
        %scatter3A_946 = arith.constant 0 : i32
        %scatter3A_947 = arith.constant 0 : i32
        %scatter3A_948 = arith.constant 0 : i32
        %scatter3A_949 = tpu.memref_slice %arg8[%scatter3A, %scatter3A_946, %scatter3A_947, %scatter3A_948] : memref<2x8x8x129xf32, #tpu.memory_space<vmem>> -> memref<1x8x8x129xf32, #tpu.memory_space<vmem>>
        %scatter3A_950 = tpu.memref_squeeze %scatter3A_949 : memref<1x8x8x129xf32, #tpu.memory_space<vmem>> -> memref<8x8x129xf32, #tpu.memory_space<vmem>>
        tpu.vector_store_idx %scatter3A_950[%add3A_7, %and3A_4, %add3A_945], %add3A_728 : memref<8x8x129xf32, #tpu.memory_space<vmem>>[vector<16xi32>, vector<16xi32>, vector<16xi32>], vector<16xf32>,
        %add3A_951 = arith.constant 0 : i32
        %add3A_952 = vector.broadcast %add3A_951 : i32 to vector<16xi32>
        %add3A_953 = arith.addi %scan3A_718, %add3A_952 : vector<16xi32>
        %scatter3A_954 = arith.constant 1 : i32
        %scatter3A_955 = arith.constant 0 : i32
        %scatter3A_956 = arith.constant 0 : i32
        %scatter3A_957 = arith.constant 0 : i32
        %scatter3A_958 = tpu.memref_slice %arg8[%scatter3A_954, %scatter3A_955, %scatter3A_956, %scatter3A_957] : memref<2x8x8x129xf32, #tpu.memory_space<vmem>> -> memref<1x8x8x129xf32, #tpu.memory_space<vmem>>
        %scatter3A_959 = tpu.memref_squeeze %scatter3A_958 : memref<1x8x8x129xf32, #tpu.memory_space<vmem>> -> memref<8x8x129xf32, #tpu.memory_space<vmem>>
        tpu.vector_store_idx %scatter3A_959[%add3A_10, %and3A_4, %add3A_953], %add3A_734 : memref<8x8x129xf32, #tpu.memory_space<vmem>>[vector<16xi32>, vector<16xi32>, vector<16xi32>], vector<16xf32>,
        %add3A_960 = arith.constant 0 : i32
        %add3A_961 = vector.broadcast %add3A_960 : i32 to vector<16xi32>
        %add3A_962 = arith.addi %scan3A_718, %add3A_961 : vector<16xi32>
        %scatter3A_963 = arith.constant 1 : i32
        %scatter3A_964 = arith.constant 0 : i32
        %scatter3A_965 = arith.constant 0 : i32
        %scatter3A_966 = arith.constant 0 : i32
        %scatter3A_967 = tpu.memref_slice %arg8[%scatter3A_963, %scatter3A_964, %scatter3A_965, %scatter3A_966] : memref<2x8x8x129xf32, #tpu.memory_space<vmem>> -> memref<1x8x8x129xf32, #tpu.memory_space<vmem>>
        %scatter3A_968 = tpu.memref_squeeze %scatter3A_967 : memref<1x8x8x129xf32, #tpu.memory_space<vmem>> -> memref<8x8x129xf32, #tpu.memory_space<vmem>>
        tpu.vector_store_idx %scatter3A_968[%add3A_13, %and3A_4, %add3A_962], %add3A_740 : memref<8x8x129xf32, #tpu.memory_space<vmem>>[vector<16xi32>, vector<16xi32>, vector<16xi32>], vector<16xf32>,
        %add3A_969 = arith.constant 0 : i32
        %add3A_970 = vector.broadcast %add3A_969 : i32 to vector<16xi32>
        %add3A_971 = arith.addi %scan3A_718, %add3A_970 : vector<16xi32>
        %scatter3A_972 = arith.constant 1 : i32
        %scatter3A_973 = arith.constant 0 : i32
        %scatter3A_974 = arith.constant 0 : i32
        %scatter3A_975 = arith.constant 0 : i32
        %scatter3A_976 = tpu.memref_slice %arg8[%scatter3A_972, %scatter3A_973, %scatter3A_974, %scatter3A_975] : memref<2x8x8x129xf32, #tpu.memory_space<vmem>> -> memref<1x8x8x129xf32, #tpu.memory_space<vmem>>
        %scatter3A_977 = tpu.memref_squeeze %scatter3A_976 : memref<1x8x8x129xf32, #tpu.memory_space<vmem>> -> memref<8x8x129xf32, #tpu.memory_space<vmem>>
        tpu.vector_store_idx %scatter3A_977[%add3A_16, %and3A_4, %add3A_971], %add3A_746 : memref<8x8x129xf32, #tpu.memory_space<vmem>>[vector<16xi32>, vector<16xi32>, vector<16xi32>], vector<16xf32>,
        %add3A_978 = arith.constant 1 : i32
        %add3A_979 = vector.broadcast %add3A_978 : i32 to vector<16xi32>
        %add3A_980 = arith.addi %scan3A_718, %add3A_979 : vector<16xi32>
        %scatter3A_981 = arith.constant 1 : i32
        %scatter3A_982 = arith.constant 0 : i32
        %scatter3A_983 = arith.constant 0 : i32
        %scatter3A_984 = arith.constant 0 : i32
        %scatter3A_985 = tpu.memref_slice %arg8[%scatter3A_981, %scatter3A_982, %scatter3A_983, %scatter3A_984] : memref<2x8x8x129xf32, #tpu.memory_space<vmem>> -> memref<1x8x8x129xf32, #tpu.memory_space<vmem>>
        %scatter3A_986 = tpu.memref_squeeze %scatter3A_985 : memref<1x8x8x129xf32, #tpu.memory_space<vmem>> -> memref<8x8x129xf32, #tpu.memory_space<vmem>>
        tpu.vector_store_idx %scatter3A_986[%add3A_7, %and3A_4, %add3A_980], %add3A_756 : memref<8x8x129xf32, #tpu.memory_space<vmem>>[vector<16xi32>, vector<16xi32>, vector<16xi32>], vector<16xf32>,
        %add3A_987 = arith.constant 1 : i32
        %add3A_988 = vector.broadcast %add3A_987 : i32 to vector<16xi32>
        %add3A_989 = arith.addi %scan3A_718, %add3A_988 : vector<16xi32>
        %scatter3A_990 = arith.constant 1 : i32
        %scatter3A_991 = arith.constant 0 : i32
        %scatter3A_992 = arith.constant 0 : i32
        %scatter3A_993 = arith.constant 0 : i32
        %scatter3A_994 = tpu.memref_slice %arg8[%scatter3A_990, %scatter3A_991, %scatter3A_992, %scatter3A_993] : memref<2x8x8x129xf32, #tpu.memory_space<vmem>> -> memref<1x8x8x129xf32, #tpu.memory_space<vmem>>
        %scatter3A_995 = tpu.memref_squeeze %scatter3A_994 : memref<1x8x8x129xf32, #tpu.memory_space<vmem>> -> memref<8x8x129xf32, #tpu.memory_space<vmem>>
        tpu.vector_store_idx %scatter3A_995[%add3A_10, %and3A_4, %add3A_989], %add3A_762 : memref<8x8x129xf32, #tpu.memory_space<vmem>>[vector<16xi32>, vector<16xi32>, vector<16xi32>], vector<16xf32>,
        %add3A_996 = arith.constant 1 : i32
        %add3A_997 = vector.broadcast %add3A_996 : i32 to vector<16xi32>
        %add3A_998 = arith.addi %scan3A_718, %add3A_997 : vector<16xi32>
        %scatter3A_999 = arith.constant 1 : i32
        %scatter3A_1000 = arith.constant 0 : i32
        %scatter3A_1001 = arith.constant 0 : i32
        %scatter3A_1002 = arith.constant 0 : i32
        %scatter3A_1003 = tpu.memref_slice %arg8[%scatter3A_999, %scatter3A_1000, %scatter3A_1001, %scatter3A_1002] : memref<2x8x8x129xf32, #tpu.memory_space<vmem>> -> memref<1x8x8x129xf32, #tpu.memory_space<vmem>>
        %scatter3A_1004 = tpu.memref_squeeze %scatter3A_1003 : memref<1x8x8x129xf32, #tpu.memory_space<vmem>> -> memref<8x8x129xf32, #tpu.memory_space<vmem>>
        tpu.vector_store_idx %scatter3A_1004[%add3A_13, %and3A_4, %add3A_998], %add3A_768 : memref<8x8x129xf32, #tpu.memory_space<vmem>>[vector<16xi32>, vector<16xi32>, vector<16xi32>], vector<16xf32>,
        %add3A_1005 = arith.constant 1 : i32
        %add3A_1006 = vector.broadcast %add3A_1005 : i32 to vector<16xi32>
        %add3A_1007 = arith.addi %scan3A_718, %add3A_1006 : vector<16xi32>
        %scatter3A_1008 = arith.constant 1 : i32
        %scatter3A_1009 = arith.constant 0 : i32
        %scatter3A_1010 = arith.constant 0 : i32
        %scatter3A_1011 = arith.constant 0 : i32
        %scatter3A_1012 = tpu.memref_slice %arg8[%scatter3A_1008, %scatter3A_1009, %scatter3A_1010, %scatter3A_1011] : memref<2x8x8x129xf32, #tpu.memory_space<vmem>> -> memref<1x8x8x129xf32, #tpu.memory_space<vmem>>
        %scatter3A_1013 = tpu.memref_squeeze %scatter3A_1012 : memref<1x8x8x129xf32, #tpu.memory_space<vmem>> -> memref<8x8x129xf32, #tpu.memory_space<vmem>>
        tpu.vector_store_idx %scatter3A_1013[%add3A_16, %and3A_4, %add3A_1007], %add3A_774 : memref<8x8x129xf32, #tpu.memory_space<vmem>>[vector<16xi32>, vector<16xi32>, vector<16xi32>], vector<16xf32>,
        %add3A_1014 = arith.constant 2 : i32
        %add3A_1015 = vector.broadcast %add3A_1014 : i32 to vector<16xi32>
        %add3A_1016 = arith.addi %scan3A_718, %add3A_1015 : vector<16xi32>
        %scatter3A_1017 = arith.constant 1 : i32
        %scatter3A_1018 = arith.constant 0 : i32
        %scatter3A_1019 = arith.constant 0 : i32
        %scatter3A_1020 = arith.constant 0 : i32
        %scatter3A_1021 = tpu.memref_slice %arg8[%scatter3A_1017, %scatter3A_1018, %scatter3A_1019, %scatter3A_1020] : memref<2x8x8x129xf32, #tpu.memory_space<vmem>> -> memref<1x8x8x129xf32, #tpu.memory_space<vmem>>
        %scatter3A_1022 = tpu.memref_squeeze %scatter3A_1021 : memref<1x8x8x129xf32, #tpu.memory_space<vmem>> -> memref<8x8x129xf32, #tpu.memory_space<vmem>>
        tpu.vector_store_idx %scatter3A_1022[%add3A_7, %and3A_4, %add3A_1016], %add3A_784 : memref<8x8x129xf32, #tpu.memory_space<vmem>>[vector<16xi32>, vector<16xi32>, vector<16xi32>], vector<16xf32>,
        %add3A_1023 = arith.constant 2 : i32
        %add3A_1024 = vector.broadcast %add3A_1023 : i32 to vector<16xi32>
        %add3A_1025 = arith.addi %scan3A_718, %add3A_1024 : vector<16xi32>
        %scatter3A_1026 = arith.constant 1 : i32
        %scatter3A_1027 = arith.constant 0 : i32
        %scatter3A_1028 = arith.constant 0 : i32
        %scatter3A_1029 = arith.constant 0 : i32
        %scatter3A_1030 = tpu.memref_slice %arg8[%scatter3A_1026, %scatter3A_1027, %scatter3A_1028, %scatter3A_1029] : memref<2x8x8x129xf32, #tpu.memory_space<vmem>> -> memref<1x8x8x129xf32, #tpu.memory_space<vmem>>
        %scatter3A_1031 = tpu.memref_squeeze %scatter3A_1030 : memref<1x8x8x129xf32, #tpu.memory_space<vmem>> -> memref<8x8x129xf32, #tpu.memory_space<vmem>>
        tpu.vector_store_idx %scatter3A_1031[%add3A_10, %and3A_4, %add3A_1025], %add3A_790 : memref<8x8x129xf32, #tpu.memory_space<vmem>>[vector<16xi32>, vector<16xi32>, vector<16xi32>], vector<16xf32>,
        %add3A_1032 = arith.constant 2 : i32
        %add3A_1033 = vector.broadcast %add3A_1032 : i32 to vector<16xi32>
        %add3A_1034 = arith.addi %scan3A_718, %add3A_1033 : vector<16xi32>
        %scatter3A_1035 = arith.constant 1 : i32
        %scatter3A_1036 = arith.constant 0 : i32
        %scatter3A_1037 = arith.constant 0 : i32
        %scatter3A_1038 = arith.constant 0 : i32
        %scatter3A_1039 = tpu.memref_slice %arg8[%scatter3A_1035, %scatter3A_1036, %scatter3A_1037, %scatter3A_1038] : memref<2x8x8x129xf32, #tpu.memory_space<vmem>> -> memref<1x8x8x129xf32, #tpu.memory_space<vmem>>
        %scatter3A_1040 = tpu.memref_squeeze %scatter3A_1039 : memref<1x8x8x129xf32, #tpu.memory_space<vmem>> -> memref<8x8x129xf32, #tpu.memory_space<vmem>>
        tpu.vector_store_idx %scatter3A_1040[%add3A_13, %and3A_4, %add3A_1034], %add3A_796 : memref<8x8x129xf32, #tpu.memory_space<vmem>>[vector<16xi32>, vector<16xi32>, vector<16xi32>], vector<16xf32>,
        %add3A_1041 = arith.constant 2 : i32
        %add3A_1042 = vector.broadcast %add3A_1041 : i32 to vector<16xi32>
        %add3A_1043 = arith.addi %scan3A_718, %add3A_1042 : vector<16xi32>
        %scatter3A_1044 = arith.constant 1 : i32
        %scatter3A_1045 = arith.constant 0 : i32
        %scatter3A_1046 = arith.constant 0 : i32
        %scatter3A_1047 = arith.constant 0 : i32
        %scatter3A_1048 = tpu.memref_slice %arg8[%scatter3A_1044, %scatter3A_1045, %scatter3A_1046, %scatter3A_1047] : memref<2x8x8x129xf32, #tpu.memory_space<vmem>> -> memref<1x8x8x129xf32, #tpu.memory_space<vmem>>
        %scatter3A_1049 = tpu.memref_squeeze %scatter3A_1048 : memref<1x8x8x129xf32, #tpu.memory_space<vmem>> -> memref<8x8x129xf32, #tpu.memory_space<vmem>>
        tpu.vector_store_idx %scatter3A_1049[%add3A_16, %and3A_4, %add3A_1043], %add3A_802 : memref<8x8x129xf32, #tpu.memory_space<vmem>>[vector<16xi32>, vector<16xi32>, vector<16xi32>], vector<16xf32>,
        %add3A_1050 = arith.constant 3 : i32
        %add3A_1051 = vector.broadcast %add3A_1050 : i32 to vector<16xi32>
        %add3A_1052 = arith.addi %scan3A_718, %add3A_1051 : vector<16xi32>
        %scatter3A_1053 = arith.constant 1 : i32
        %scatter3A_1054 = arith.constant 0 : i32
        %scatter3A_1055 = arith.constant 0 : i32
        %scatter3A_1056 = arith.constant 0 : i32
        %scatter3A_1057 = tpu.memref_slice %arg8[%scatter3A_1053, %scatter3A_1054, %scatter3A_1055, %scatter3A_1056] : memref<2x8x8x129xf32, #tpu.memory_space<vmem>> -> memref<1x8x8x129xf32, #tpu.memory_space<vmem>>
        %scatter3A_1058 = tpu.memref_squeeze %scatter3A_1057 : memref<1x8x8x129xf32, #tpu.memory_space<vmem>> -> memref<8x8x129xf32, #tpu.memory_space<vmem>>
        tpu.vector_store_idx %scatter3A_1058[%add3A_7, %and3A_4, %add3A_1052], %add3A_812 : memref<8x8x129xf32, #tpu.memory_space<vmem>>[vector<16xi32>, vector<16xi32>, vector<16xi32>], vector<16xf32>,
        %add3A_1059 = arith.constant 3 : i32
        %add3A_1060 = vector.broadcast %add3A_1059 : i32 to vector<16xi32>
        %add3A_1061 = arith.addi %scan3A_718, %add3A_1060 : vector<16xi32>
        %scatter3A_1062 = arith.constant 1 : i32
        %scatter3A_1063 = arith.constant 0 : i32
        %scatter3A_1064 = arith.constant 0 : i32
        %scatter3A_1065 = arith.constant 0 : i32
        %scatter3A_1066 = tpu.memref_slice %arg8[%scatter3A_1062, %scatter3A_1063, %scatter3A_1064, %scatter3A_1065] : memref<2x8x8x129xf32, #tpu.memory_space<vmem>> -> memref<1x8x8x129xf32, #tpu.memory_space<vmem>>
        %scatter3A_1067 = tpu.memref_squeeze %scatter3A_1066 : memref<1x8x8x129xf32, #tpu.memory_space<vmem>> -> memref<8x8x129xf32, #tpu.memory_space<vmem>>
        tpu.vector_store_idx %scatter3A_1067[%add3A_10, %and3A_4, %add3A_1061], %add3A_818 : memref<8x8x129xf32, #tpu.memory_space<vmem>>[vector<16xi32>, vector<16xi32>, vector<16xi32>], vector<16xf32>,
        %add3A_1068 = arith.constant 3 : i32
        %add3A_1069 = vector.broadcast %add3A_1068 : i32 to vector<16xi32>
        %add3A_1070 = arith.addi %scan3A_718, %add3A_1069 : vector<16xi32>
        %scatter3A_1071 = arith.constant 1 : i32
        %scatter3A_1072 = arith.constant 0 : i32
        %scatter3A_1073 = arith.constant 0 : i32
        %scatter3A_1074 = arith.constant 0 : i32
        %scatter3A_1075 = tpu.memref_slice %arg8[%scatter3A_1071, %scatter3A_1072, %scatter3A_1073, %scatter3A_1074] : memref<2x8x8x129xf32, #tpu.memory_space<vmem>> -> memref<1x8x8x129xf32, #tpu.memory_space<vmem>>
        %scatter3A_1076 = tpu.memref_squeeze %scatter3A_1075 : memref<1x8x8x129xf32, #tpu.memory_space<vmem>> -> memref<8x8x129xf32, #tpu.memory_space<vmem>>
        tpu.vector_store_idx %scatter3A_1076[%add3A_13, %and3A_4, %add3A_1070], %add3A_824 : memref<8x8x129xf32, #tpu.memory_space<vmem>>[vector<16xi32>, vector<16xi32>, vector<16xi32>], vector<16xf32>,
        %add3A_1077 = arith.constant 3 : i32
        %add3A_1078 = vector.broadcast %add3A_1077 : i32 to vector<16xi32>
        %add3A_1079 = arith.addi %scan3A_718, %add3A_1078 : vector<16xi32>
        %scatter3A_1080 = arith.constant 1 : i32
        %scatter3A_1081 = arith.constant 0 : i32
        %scatter3A_1082 = arith.constant 0 : i32
        %scatter3A_1083 = arith.constant 0 : i32
        %scatter3A_1084 = tpu.memref_slice %arg8[%scatter3A_1080, %scatter3A_1081, %scatter3A_1082, %scatter3A_1083] : memref<2x8x8x129xf32, #tpu.memory_space<vmem>> -> memref<1x8x8x129xf32, #tpu.memory_space<vmem>>
        %scatter3A_1085 = tpu.memref_squeeze %scatter3A_1084 : memref<1x8x8x129xf32, #tpu.memory_space<vmem>> -> memref<8x8x129xf32, #tpu.memory_space<vmem>>
        tpu.vector_store_idx %scatter3A_1085[%add3A_16, %and3A_4, %add3A_1079], %add3A_830 : memref<8x8x129xf32, #tpu.memory_space<vmem>>[vector<16xi32>, vector<16xi32>, vector<16xi32>], vector<16xf32>,
        %add3A_1086 = arith.constant 4 : i32
        %add3A_1087 = vector.broadcast %add3A_1086 : i32 to vector<16xi32>
        %add3A_1088 = arith.addi %scan3A_718, %add3A_1087 : vector<16xi32>
        %scatter3A_1089 = arith.constant 1 : i32
        %scatter3A_1090 = arith.constant 0 : i32
        %scatter3A_1091 = arith.constant 0 : i32
        %scatter3A_1092 = arith.constant 0 : i32
        %scatter3A_1093 = tpu.memref_slice %arg8[%scatter3A_1089, %scatter3A_1090, %scatter3A_1091, %scatter3A_1092] : memref<2x8x8x129xf32, #tpu.memory_space<vmem>> -> memref<1x8x8x129xf32, #tpu.memory_space<vmem>>
        %scatter3A_1094 = tpu.memref_squeeze %scatter3A_1093 : memref<1x8x8x129xf32, #tpu.memory_space<vmem>> -> memref<8x8x129xf32, #tpu.memory_space<vmem>>
        tpu.vector_store_idx %scatter3A_1094[%add3A_7, %and3A_4, %add3A_1088], %add3A_840 : memref<8x8x129xf32, #tpu.memory_space<vmem>>[vector<16xi32>, vector<16xi32>, vector<16xi32>], vector<16xf32>,
        %add3A_1095 = arith.constant 4 : i32
        %add3A_1096 = vector.broadcast %add3A_1095 : i32 to vector<16xi32>
        %add3A_1097 = arith.addi %scan3A_718, %add3A_1096 : vector<16xi32>
        %scatter3A_1098 = arith.constant 1 : i32
        %scatter3A_1099 = arith.constant 0 : i32
        %scatter3A_1100 = arith.constant 0 : i32
        %scatter3A_1101 = arith.constant 0 : i32
        %scatter3A_1102 = tpu.memref_slice %arg8[%scatter3A_1098, %scatter3A_1099, %scatter3A_1100, %scatter3A_1101] : memref<2x8x8x129xf32, #tpu.memory_space<vmem>> -> memref<1x8x8x129xf32, #tpu.memory_space<vmem>>
        %scatter3A_1103 = tpu.memref_squeeze %scatter3A_1102 : memref<1x8x8x129xf32, #tpu.memory_space<vmem>> -> memref<8x8x129xf32, #tpu.memory_space<vmem>>
        tpu.vector_store_idx %scatter3A_1103[%add3A_10, %and3A_4, %add3A_1097], %add3A_846 : memref<8x8x129xf32, #tpu.memory_space<vmem>>[vector<16xi32>, vector<16xi32>, vector<16xi32>], vector<16xf32>,
        %add3A_1104 = arith.constant 4 : i32
        %add3A_1105 = vector.broadcast %add3A_1104 : i32 to vector<16xi32>
        %add3A_1106 = arith.addi %scan3A_718, %add3A_1105 : vector<16xi32>
        %scatter3A_1107 = arith.constant 1 : i32
        %scatter3A_1108 = arith.constant 0 : i32
        %scatter3A_1109 = arith.constant 0 : i32
        %scatter3A_1110 = arith.constant 0 : i32
        %scatter3A_1111 = tpu.memref_slice %arg8[%scatter3A_1107, %scatter3A_1108, %scatter3A_1109, %scatter3A_1110] : memref<2x8x8x129xf32, #tpu.memory_space<vmem>> -> memref<1x8x8x129xf32, #tpu.memory_space<vmem>>
        %scatter3A_1112 = tpu.memref_squeeze %scatter3A_1111 : memref<1x8x8x129xf32, #tpu.memory_space<vmem>> -> memref<8x8x129xf32, #tpu.memory_space<vmem>>
        tpu.vector_store_idx %scatter3A_1112[%add3A_13, %and3A_4, %add3A_1106], %add3A_852 : memref<8x8x129xf32, #tpu.memory_space<vmem>>[vector<16xi32>, vector<16xi32>, vector<16xi32>], vector<16xf32>,
        %add3A_1113 = arith.constant 4 : i32
        %add3A_1114 = vector.broadcast %add3A_1113 : i32 to vector<16xi32>
        %add3A_1115 = arith.addi %scan3A_718, %add3A_1114 : vector<16xi32>
        %scatter3A_1116 = arith.constant 1 : i32
        %scatter3A_1117 = arith.constant 0 : i32
        %scatter3A_1118 = arith.constant 0 : i32
        %scatter3A_1119 = arith.constant 0 : i32
        %scatter3A_1120 = tpu.memref_slice %arg8[%scatter3A_1116, %scatter3A_1117, %scatter3A_1118, %scatter3A_1119] : memref<2x8x8x129xf32, #tpu.memory_space<vmem>> -> memref<1x8x8x129xf32, #tpu.memory_space<vmem>>
        %scatter3A_1121 = tpu.memref_squeeze %scatter3A_1120 : memref<1x8x8x129xf32, #tpu.memory_space<vmem>> -> memref<8x8x129xf32, #tpu.memory_space<vmem>>
        tpu.vector_store_idx %scatter3A_1121[%add3A_16, %and3A_4, %add3A_1115], %add3A_858 : memref<8x8x129xf32, #tpu.memory_space<vmem>>[vector<16xi32>, vector<16xi32>, vector<16xi32>], vector<16xf32>,
        %add3A_1122 = arith.constant 5 : i32
        %add3A_1123 = vector.broadcast %add3A_1122 : i32 to vector<16xi32>
        %add3A_1124 = arith.addi %scan3A_718, %add3A_1123 : vector<16xi32>
        %scatter3A_1125 = arith.constant 1 : i32
        %scatter3A_1126 = arith.constant 0 : i32
        %scatter3A_1127 = arith.constant 0 : i32
        %scatter3A_1128 = arith.constant 0 : i32
        %scatter3A_1129 = tpu.memref_slice %arg8[%scatter3A_1125, %scatter3A_1126, %scatter3A_1127, %scatter3A_1128] : memref<2x8x8x129xf32, #tpu.memory_space<vmem>> -> memref<1x8x8x129xf32, #tpu.memory_space<vmem>>
        %scatter3A_1130 = tpu.memref_squeeze %scatter3A_1129 : memref<1x8x8x129xf32, #tpu.memory_space<vmem>> -> memref<8x8x129xf32, #tpu.memory_space<vmem>>
        tpu.vector_store_idx %scatter3A_1130[%add3A_7, %and3A_4, %add3A_1124], %add3A_868 : memref<8x8x129xf32, #tpu.memory_space<vmem>>[vector<16xi32>, vector<16xi32>, vector<16xi32>], vector<16xf32>,
        %add3A_1131 = arith.constant 5 : i32
        %add3A_1132 = vector.broadcast %add3A_1131 : i32 to vector<16xi32>
        %add3A_1133 = arith.addi %scan3A_718, %add3A_1132 : vector<16xi32>
        %scatter3A_1134 = arith.constant 1 : i32
        %scatter3A_1135 = arith.constant 0 : i32
        %scatter3A_1136 = arith.constant 0 : i32
        %scatter3A_1137 = arith.constant 0 : i32
        %scatter3A_1138 = tpu.memref_slice %arg8[%scatter3A_1134, %scatter3A_1135, %scatter3A_1136, %scatter3A_1137] : memref<2x8x8x129xf32, #tpu.memory_space<vmem>> -> memref<1x8x8x129xf32, #tpu.memory_space<vmem>>
        %scatter3A_1139 = tpu.memref_squeeze %scatter3A_1138 : memref<1x8x8x129xf32, #tpu.memory_space<vmem>> -> memref<8x8x129xf32, #tpu.memory_space<vmem>>
        tpu.vector_store_idx %scatter3A_1139[%add3A_10, %and3A_4, %add3A_1133], %add3A_874 : memref<8x8x129xf32, #tpu.memory_space<vmem>>[vector<16xi32>, vector<16xi32>, vector<16xi32>], vector<16xf32>,
        %add3A_1140 = arith.constant 5 : i32
        %add3A_1141 = vector.broadcast %add3A_1140 : i32 to vector<16xi32>
        %add3A_1142 = arith.addi %scan3A_718, %add3A_1141 : vector<16xi32>
        %scatter3A_1143 = arith.constant 1 : i32
        %scatter3A_1144 = arith.constant 0 : i32
        %scatter3A_1145 = arith.constant 0 : i32
        %scatter3A_1146 = arith.constant 0 : i32
        %scatter3A_1147 = tpu.memref_slice %arg8[%scatter3A_1143, %scatter3A_1144, %scatter3A_1145, %scatter3A_1146] : memref<2x8x8x129xf32, #tpu.memory_space<vmem>> -> memref<1x8x8x129xf32, #tpu.memory_space<vmem>>
        %scatter3A_1148 = tpu.memref_squeeze %scatter3A_1147 : memref<1x8x8x129xf32, #tpu.memory_space<vmem>> -> memref<8x8x129xf32, #tpu.memory_space<vmem>>
        tpu.vector_store_idx %scatter3A_1148[%add3A_13, %and3A_4, %add3A_1142], %add3A_880 : memref<8x8x129xf32, #tpu.memory_space<vmem>>[vector<16xi32>, vector<16xi32>, vector<16xi32>], vector<16xf32>,
        %add3A_1149 = arith.constant 5 : i32
        %add3A_1150 = vector.broadcast %add3A_1149 : i32 to vector<16xi32>
        %add3A_1151 = arith.addi %scan3A_718, %add3A_1150 : vector<16xi32>
        %scatter3A_1152 = arith.constant 1 : i32
        %scatter3A_1153 = arith.constant 0 : i32
        %scatter3A_1154 = arith.constant 0 : i32
        %scatter3A_1155 = arith.constant 0 : i32
        %scatter3A_1156 = tpu.memref_slice %arg8[%scatter3A_1152, %scatter3A_1153, %scatter3A_1154, %scatter3A_1155] : memref<2x8x8x129xf32, #tpu.memory_space<vmem>> -> memref<1x8x8x129xf32, #tpu.memory_space<vmem>>
        %scatter3A_1157 = tpu.memref_squeeze %scatter3A_1156 : memref<1x8x8x129xf32, #tpu.memory_space<vmem>> -> memref<8x8x129xf32, #tpu.memory_space<vmem>>
        tpu.vector_store_idx %scatter3A_1157[%add3A_16, %and3A_4, %add3A_1151], %add3A_886 : memref<8x8x129xf32, #tpu.memory_space<vmem>>[vector<16xi32>, vector<16xi32>, vector<16xi32>], vector<16xf32>,
        %add3A_1158 = arith.constant 6 : i32
        %add3A_1159 = vector.broadcast %add3A_1158 : i32 to vector<16xi32>
        %add3A_1160 = arith.addi %scan3A_718, %add3A_1159 : vector<16xi32>
        %scatter3A_1161 = arith.constant 1 : i32
        %scatter3A_1162 = arith.constant 0 : i32
        %scatter3A_1163 = arith.constant 0 : i32
        %scatter3A_1164 = arith.constant 0 : i32
        %scatter3A_1165 = tpu.memref_slice %arg8[%scatter3A_1161, %scatter3A_1162, %scatter3A_1163, %scatter3A_1164] : memref<2x8x8x129xf32, #tpu.memory_space<vmem>> -> memref<1x8x8x129xf32, #tpu.memory_space<vmem>>
        %scatter3A_1166 = tpu.memref_squeeze %scatter3A_1165 : memref<1x8x8x129xf32, #tpu.memory_space<vmem>> -> memref<8x8x129xf32, #tpu.memory_space<vmem>>
        tpu.vector_store_idx %scatter3A_1166[%add3A_7, %and3A_4, %add3A_1160], %add3A_896 : memref<8x8x129xf32, #tpu.memory_space<vmem>>[vector<16xi32>, vector<16xi32>, vector<16xi32>], vector<16xf32>,
        %add3A_1167 = arith.constant 6 : i32
        %add3A_1168 = vector.broadcast %add3A_1167 : i32 to vector<16xi32>
        %add3A_1169 = arith.addi %scan3A_718, %add3A_1168 : vector<16xi32>
        %scatter3A_1170 = arith.constant 1 : i32
        %scatter3A_1171 = arith.constant 0 : i32
        %scatter3A_1172 = arith.constant 0 : i32
        %scatter3A_1173 = arith.constant 0 : i32
        %scatter3A_1174 = tpu.memref_slice %arg8[%scatter3A_1170, %scatter3A_1171, %scatter3A_1172, %scatter3A_1173] : memref<2x8x8x129xf32, #tpu.memory_space<vmem>> -> memref<1x8x8x129xf32, #tpu.memory_space<vmem>>
        %scatter3A_1175 = tpu.memref_squeeze %scatter3A_1174 : memref<1x8x8x129xf32, #tpu.memory_space<vmem>> -> memref<8x8x129xf32, #tpu.memory_space<vmem>>
        tpu.vector_store_idx %scatter3A_1175[%add3A_10, %and3A_4, %add3A_1169], %add3A_902 : memref<8x8x129xf32, #tpu.memory_space<vmem>>[vector<16xi32>, vector<16xi32>, vector<16xi32>], vector<16xf32>,
        %add3A_1176 = arith.constant 6 : i32
        %add3A_1177 = vector.broadcast %add3A_1176 : i32 to vector<16xi32>
        %add3A_1178 = arith.addi %scan3A_718, %add3A_1177 : vector<16xi32>
        %scatter3A_1179 = arith.constant 1 : i32
        %scatter3A_1180 = arith.constant 0 : i32
        %scatter3A_1181 = arith.constant 0 : i32
        %scatter3A_1182 = arith.constant 0 : i32
        %scatter3A_1183 = tpu.memref_slice %arg8[%scatter3A_1179, %scatter3A_1180, %scatter3A_1181, %scatter3A_1182] : memref<2x8x8x129xf32, #tpu.memory_space<vmem>> -> memref<1x8x8x129xf32, #tpu.memory_space<vmem>>
        %scatter3A_1184 = tpu.memref_squeeze %scatter3A_1183 : memref<1x8x8x129xf32, #tpu.memory_space<vmem>> -> memref<8x8x129xf32, #tpu.memory_space<vmem>>
        tpu.vector_store_idx %scatter3A_1184[%add3A_13, %and3A_4, %add3A_1178], %add3A_908 : memref<8x8x129xf32, #tpu.memory_space<vmem>>[vector<16xi32>, vector<16xi32>, vector<16xi32>], vector<16xf32>,
        %add3A_1185 = arith.constant 6 : i32
        %add3A_1186 = vector.broadcast %add3A_1185 : i32 to vector<16xi32>
        %add3A_1187 = arith.addi %scan3A_718, %add3A_1186 : vector<16xi32>
        %scatter3A_1188 = arith.constant 1 : i32
        %scatter3A_1189 = arith.constant 0 : i32
        %scatter3A_1190 = arith.constant 0 : i32
        %scatter3A_1191 = arith.constant 0 : i32
        %scatter3A_1192 = tpu.memref_slice %arg8[%scatter3A_1188, %scatter3A_1189, %scatter3A_1190, %scatter3A_1191] : memref<2x8x8x129xf32, #tpu.memory_space<vmem>> -> memref<1x8x8x129xf32, #tpu.memory_space<vmem>>
        %scatter3A_1193 = tpu.memref_squeeze %scatter3A_1192 : memref<1x8x8x129xf32, #tpu.memory_space<vmem>> -> memref<8x8x129xf32, #tpu.memory_space<vmem>>
        tpu.vector_store_idx %scatter3A_1193[%add3A_16, %and3A_4, %add3A_1187], %add3A_914 : memref<8x8x129xf32, #tpu.memory_space<vmem>>[vector<16xi32>, vector<16xi32>, vector<16xi32>], vector<16xf32>,
        %add3A_1194 = arith.constant 7 : i32
        %add3A_1195 = vector.broadcast %add3A_1194 : i32 to vector<16xi32>
        %add3A_1196 = arith.addi %scan3A_718, %add3A_1195 : vector<16xi32>
        %scatter3A_1197 = arith.constant 1 : i32
        %scatter3A_1198 = arith.constant 0 : i32
        %scatter3A_1199 = arith.constant 0 : i32
        %scatter3A_1200 = arith.constant 0 : i32
        %scatter3A_1201 = tpu.memref_slice %arg8[%scatter3A_1197, %scatter3A_1198, %scatter3A_1199, %scatter3A_1200] : memref<2x8x8x129xf32, #tpu.memory_space<vmem>> -> memref<1x8x8x129xf32, #tpu.memory_space<vmem>>
        %scatter3A_1202 = tpu.memref_squeeze %scatter3A_1201 : memref<1x8x8x129xf32, #tpu.memory_space<vmem>> -> memref<8x8x129xf32, #tpu.memory_space<vmem>>
        tpu.vector_store_idx %scatter3A_1202[%add3A_7, %and3A_4, %add3A_1196], %add3A_924 : memref<8x8x129xf32, #tpu.memory_space<vmem>>[vector<16xi32>, vector<16xi32>, vector<16xi32>], vector<16xf32>,
        %add3A_1203 = arith.constant 7 : i32
        %add3A_1204 = vector.broadcast %add3A_1203 : i32 to vector<16xi32>
        %add3A_1205 = arith.addi %scan3A_718, %add3A_1204 : vector<16xi32>
        %scatter3A_1206 = arith.constant 1 : i32
        %scatter3A_1207 = arith.constant 0 : i32
        %scatter3A_1208 = arith.constant 0 : i32
        %scatter3A_1209 = arith.constant 0 : i32
        %scatter3A_1210 = tpu.memref_slice %arg8[%scatter3A_1206, %scatter3A_1207, %scatter3A_1208, %scatter3A_1209] : memref<2x8x8x129xf32, #tpu.memory_space<vmem>> -> memref<1x8x8x129xf32, #tpu.memory_space<vmem>>
        %scatter3A_1211 = tpu.memref_squeeze %scatter3A_1210 : memref<1x8x8x129xf32, #tpu.memory_space<vmem>> -> memref<8x8x129xf32, #tpu.memory_space<vmem>>
        tpu.vector_store_idx %scatter3A_1211[%add3A_10, %and3A_4, %add3A_1205], %add3A_930 : memref<8x8x129xf32, #tpu.memory_space<vmem>>[vector<16xi32>, vector<16xi32>, vector<16xi32>], vector<16xf32>,
        %add3A_1212 = arith.constant 7 : i32
        %add3A_1213 = vector.broadcast %add3A_1212 : i32 to vector<16xi32>
        %add3A_1214 = arith.addi %scan3A_718, %add3A_1213 : vector<16xi32>
        %scatter3A_1215 = arith.constant 1 : i32
        %scatter3A_1216 = arith.constant 0 : i32
        %scatter3A_1217 = arith.constant 0 : i32
        %scatter3A_1218 = arith.constant 0 : i32
        %scatter3A_1219 = tpu.memref_slice %arg8[%scatter3A_1215, %scatter3A_1216, %scatter3A_1217, %scatter3A_1218] : memref<2x8x8x129xf32, #tpu.memory_space<vmem>> -> memref<1x8x8x129xf32, #tpu.memory_space<vmem>>
        %scatter3A_1220 = tpu.memref_squeeze %scatter3A_1219 : memref<1x8x8x129xf32, #tpu.memory_space<vmem>> -> memref<8x8x129xf32, #tpu.memory_space<vmem>>
        tpu.vector_store_idx %scatter3A_1220[%add3A_13, %and3A_4, %add3A_1214], %add3A_936 : memref<8x8x129xf32, #tpu.memory_space<vmem>>[vector<16xi32>, vector<16xi32>, vector<16xi32>], vector<16xf32>,
        %add3A_1221 = arith.constant 7 : i32
        %add3A_1222 = vector.broadcast %add3A_1221 : i32 to vector<16xi32>
        %add3A_1223 = arith.addi %scan3A_718, %add3A_1222 : vector<16xi32>
        %scatter3A_1224 = arith.constant 1 : i32
        %scatter3A_1225 = arith.constant 0 : i32
        %scatter3A_1226 = arith.constant 0 : i32
        %scatter3A_1227 = arith.constant 0 : i32
        %scatter3A_1228 = tpu.memref_slice %arg8[%scatter3A_1224, %scatter3A_1225, %scatter3A_1226, %scatter3A_1227] : memref<2x8x8x129xf32, #tpu.memory_space<vmem>> -> memref<1x8x8x129xf32, #tpu.memory_space<vmem>>
        %scatter3A_1229 = tpu.memref_squeeze %scatter3A_1228 : memref<1x8x8x129xf32, #tpu.memory_space<vmem>> -> memref<8x8x129xf32, #tpu.memory_space<vmem>>
        tpu.vector_store_idx %scatter3A_1229[%add3A_16, %and3A_4, %add3A_1223], %add3A_942 : memref<8x8x129xf32, #tpu.memory_space<vmem>>[vector<16xi32>, vector<16xi32>, vector<16xi32>], vector<16xf32>,
        %add3A_1230 = arith.constant 8 : i32
        %add3A_1231 = vector.broadcast %add3A_1230 : i32 to vector<16xi32>
        %add3A_1232 = arith.addi %scan3A_718, %add3A_1231 : vector<16xi32>
        scf.yield %add3A_1232 : vector<16xi32>
      }
      %scan3A_695 = arith.constant 16 : i32
      %dma_start3A_696 = arith.constant 1 : i32
      %dma_start3A_697 = arith.constant 0 : i32
      %dma_start3A_698 = arith.constant 0 : i32
      %dma_start3A_699 = arith.constant 0 : i32
      %dma_start3A_700 = tpu.memref_slice %arg8[%dma_start3A_696, %dma_start3A_697, %dma_start3A_698, %dma_start3A_699] : memref<2x8x8x129xf32, #tpu.memory_space<vmem>> -> memref<1x8x8x128xf32, #tpu.memory_space<vmem>>
      %dma_start3A_701 = tpu.memref_squeeze %dma_start3A_700 : memref<1x8x8x128xf32, #tpu.memory_space<vmem>> -> memref<8x8x128xf32, #tpu.memory_space<vmem>>
      %dma_start3A_702 = arith.constant 0 : i32
      %dma_start3A_703 = arith.constant 0 : i32
      %dma_start3A_704 = arith.constant 0 : i32
      %dma_start3A_705 = tpu.memref_slice %arg5[%add3A_599, %dma_start3A_702, %add3A, %dma_start3A_703, %dma_start3A_704] : memref<200x8x32x8x128xf32, #tpu.memory_space<hbm>> -> memref<1x8x1x8x128xf32, #tpu.memory_space<hbm>>
      %dma_start3A_706 = tpu.memref_squeeze %dma_start3A_705 : memref<1x8x1x8x128xf32, #tpu.memory_space<hbm>> -> memref<8x8x128xf32, #tpu.memory_space<hbm>>
      %dma_start3A_707 = arith.constant 0 : i32
      %dma_start3A_708 = arith.constant 0 : i32
      %dma_start3A_709 = arith.constant 0 : i32
      %dma_start3A_710 = tpu.memref_slice %arg5[%add3A_599, %dma_start3A_707, %add3A, %dma_start3A_708, %dma_start3A_709] : memref<200x8x32x8x128xf32, #tpu.memory_space<hbm>> -> memref<1x8x1x8x128xf32, #tpu.memory_space<hbm>>
      %dma_start3A_711 = tpu.memref_squeeze %dma_start3A_710 : memref<1x8x1x8x128xf32, #tpu.memory_space<hbm>> -> memref<8x8x128xf32, #tpu.memory_space<hbm>>
      %dma_start3A_712 = arith.constant 0 : i32
      %dma_start3A_713 = arith.constant 0 : i32
      %dma_start3A_714 = arith.constant 0 : i32
      %dma_start3A_715 = tpu.memref_slice %arg8[%dma_start3A_696, %dma_start3A_712, %dma_start3A_713, %dma_start3A_714] : memref<2x8x8x129xf32, #tpu.memory_space<vmem>> -> memref<1x8x8x128xf32, #tpu.memory_space<vmem>>
      %dma_start3A_716 = tpu.memref_squeeze %dma_start3A_715 : memref<1x8x8x128xf32, #tpu.memory_space<vmem>> -> memref<8x8x128xf32, #tpu.memory_space<vmem>>
      tpu.enqueue_dma source(%dma_start3A_716 : memref<8x8x128xf32, #tpu.memory_space<vmem>>) target(%dma_start3A_711 : memref<8x8x128xf32, #tpu.memory_space<hbm>>) target_semaphore(%arg19 : memref<!tpu.dma_semaphore, #tpu.memory_space<semaphore_mem>>)
    }
    %scan3A_214 = arith.constant 50 : i32
    %dma_wait3A_215 = arith.constant 1 : i32
    %dma_wait3A_216 = arith.constant 199 : i32
    %dma_wait3A_217 = arith.constant 0 : i32
    %dma_wait3A_218 = arith.constant 0 : i32
    %dma_wait3A_219 = arith.constant 0 : i32
    %dma_wait3A_220 = tpu.memref_slice %arg8[%dma_wait3A_215, %dma_wait3A_217, %dma_wait3A_218, %dma_wait3A_219] : memref<2x8x8x129xf32, #tpu.memory_space<vmem>> -> memref<1x8x8x128xf32, #tpu.memory_space<vmem>>
    %dma_wait3A_221 = tpu.memref_squeeze %dma_wait3A_220 : memref<1x8x8x128xf32, #tpu.memory_space<vmem>> -> memref<8x8x128xf32, #tpu.memory_space<vmem>>
    %dma_wait3A_222 = arith.constant 0 : i32
    %dma_wait3A_223 = arith.constant 0 : i32
    %dma_wait3A_224 = arith.constant 0 : i32
    %dma_wait3A_225 = tpu.memref_slice %arg5[%dma_wait3A_216, %dma_wait3A_222, %add3A, %dma_wait3A_223, %dma_wait3A_224] : memref<200x8x32x8x128xf32, #tpu.memory_space<hbm>> -> memref<1x8x1x8x128xf32, #tpu.memory_space<hbm>>
    %dma_wait3A_226 = tpu.memref_squeeze %dma_wait3A_225 : memref<1x8x1x8x128xf32, #tpu.memory_space<hbm>> -> memref<8x8x128xf32, #tpu.memory_space<hbm>>
    %dma_wait3A_227 = arith.constant 0 : i32
    %dma_wait3A_228 = arith.constant 0 : i32
    %dma_wait3A_229 = arith.constant 0 : i32
    %dma_wait3A_230 = tpu.memref_slice %arg5[%dma_wait3A_216, %dma_wait3A_227, %add3A, %dma_wait3A_228, %dma_wait3A_229] : memref<200x8x32x8x128xf32, #tpu.memory_space<hbm>> -> memref<1x8x1x8x128xf32, #tpu.memory_space<hbm>>
    %dma_wait3A_231 = tpu.memref_squeeze %dma_wait3A_230 : memref<1x8x1x8x128xf32, #tpu.memory_space<hbm>> -> memref<8x8x128xf32, #tpu.memory_space<hbm>>
    %dma_wait3A_232 = arith.constant 0 : i32
    %dma_wait3A_233 = arith.constant 0 : i32
    %dma_wait3A_234 = arith.constant 0 : i32
    %dma_wait3A_235 = tpu.memref_slice %arg8[%dma_wait3A_215, %dma_wait3A_232, %dma_wait3A_233, %dma_wait3A_234] : memref<2x8x8x129xf32, #tpu.memory_space<vmem>> -> memref<1x8x8x128xf32, #tpu.memory_space<vmem>>
    %dma_wait3A_236 = tpu.memref_squeeze %dma_wait3A_235 : memref<1x8x8x128xf32, #tpu.memory_space<vmem>> -> memref<8x8x128xf32, #tpu.memory_space<vmem>>
    tpu.wait_dma2 semaphore(%arg19 : memref<!tpu.dma_semaphore, #tpu.memory_space<semaphore_mem>>) src(%dma_wait3A_236 : memref<8x8x128xf32, #tpu.memory_space<vmem>>) dst(%dma_wait3A_231 : memref<8x8x128xf32, #tpu.memory_space<hbm>>)
    return
  }
}

</mosaic_0001>

<sc_bundles>
// kernel: kernel.3.cloned.1.call-start
scs
__scs_entry_jumppad:
0x0: {  	(pc) =	sbr.rel $0x88, $3  }
0x1: {  	(tag) =	ssettag $0x0;
	lr =	simm.s32 $0x1  }
0x2: {  	[smem:$0x3F9E] =	sst lr;
	_ =	strace $0xD0000000  }
0x3: {  	_ = 	snop  }
0x4: {  	_ = 	snop  }
0x5: {  	_ = 	snop  }
0x6: {  	_ = 	snop  }
0x7: {  	_ = 	snop  }
__scs_overlays_trampoline_lowered:
0x8: {  	[smem:$0x3FAD] =	sst s0  }
0x9: {  	[smem:$0x3FAE] =	sst s1  }
0xa: {  	[smem:$0x3FAF] =	sst s2  }
0xb: {  	[smem:$0x3FB0] =	sst s3  }
0xc: {  	[smem:$0x3FB1] =	sst s4  }
0xd: {  	[smem:$0x3FB2] =	sst s5  }
0xe: {  	[smem:$0x3FB3] =	sst s6  }
0xf: {  	[smem:$0x3FB4] =	sst s7  }
0x10: {  	[smem:$0x3FB5] =	sst s8  }
0x11: {  	[smem:$0x3FB6] =	sst s9;
	s0 =	simm.s32 @!p0 $0x0  }
0x12: {  	s1 =	sld [smem:$0x3F9C];
	s0 =	simm.s32 @p0 $0x1  }
0x13: {  	[smem:$0x3FB7] =	sst s0;
	s0 =	simm.s32 @!p1 $0x0  }
0x14: {  	s2 =	sld [smem:$0x3F9B];
	s0 =	simm.s32 @p1 $0x1  }
0x15: {  	[smem:$0x3FB8] =	sst s0;
	s0 =	simm.s32 @!p2 $0x0  }
0x16: {  	s3 =	sld [smem:$0x3FDB];
	s0 =	simm.s32 @p2 $0x1  }
0x17: {  	s4 =	simm.s32 $0x1BF5;
	[smem:$0x3FBA] =	sst s0  }
0x18: {  	s0 =	sld [smem:$0x3F9D];
	_ =	swait.ge [sflag:s4], $0x0  }
0x19: {  	s7 =	sld [smem:$0x3F9E]  }
0x1a: {  	s8 =	sadd.s32 $0xFFFFE003, lr  }
0x1b: {  	s9 =	sadd.s32 $0xFFFFFEF7, lr;
	s5 =	simm.s32 $0xFFFFFFFF;
	p2 =	slt.u32 s8, $0xFFFFF086  }
0x1c: {  	p1 =	slt.u32 s9, $0xF7A;
	s5 =	simm.s32 @!p2 $0x0  }
0x1d: {  	s5 =	simm.s32 @p1 $0x1;
	p0 =	seq.s32 s7, s2  }
0x1e: {  	s7 =	smul.u32 @!p0 $0xF7A, s2;
	p2 =	seq.s32 @!p0 s5, $0x0  }
0x1f: {  	s9 =	smul.u32 $0xF7A, s1;
	s8 =	simm.s32 @!p0 $0x1BF5;
	p2 =	por !p2, p0  }
0x20: {  	[sflag:s8] =	ssyncset.s32 @!p0 $0xFFFFF086;
	s6 =	sadd.s32 @!p0 s3, s7;
	s7 =	simm.s32 @!p0 $0x108  }
0x21: {  	s3 =	sadd.s32 s3, s9;
	s6 =	sadd.s32 @!p0 $0x88, s6;
	s7 =	simm.s32 @p2 $0x1082  }
0x22: {  	[simem:s7], [sflag:s8] =	dma.local @!p0 [hbm:s6], $0xF7A  }
0x23: {  	s9 =	sor.u32 $0xD0000000, s2;
	s6 =	simm.s32 $0x108;
	_ =	swait.ge @!p0 [sflag:s8], $0x0  }
0x24: {  	s3 =	sadd.s32 $0x88, s3;
	s6 =	simm.s32 @!p1 $0x1082;
	[sflag:s4] =	ssyncset.s32 $0xFFFFF086  }
0x25: {  	[simem:s6], [sflag:s4] =	dma.local [hbm:s3], $0xF7A  }
0x26: {  	[smem:$0x3F9E] =	sst s1;
	(tag) =	ssettag s2;
	_ =	strace s9  }
0x27: {  	s1 =	sld [smem:$0x3FAE]  }
0x28: {  	s2 =	sld [smem:$0x3FAF]  }
0x29: {  	s4 =	sld [smem:$0x3FB1]  }
0x2a: {  	p0 =	seq.s32 s5, $0x0;
	s5 =	sld [smem:$0x3FB2]  }
0x2b: {  	s6 =	sld [smem:$0x3FB3]  }
0x2c: {  	s7 =	sld [smem:$0x3FB4]  }
0x2d: {  	s3 =	simm.s32 $0x108;
	s8 =	sld [smem:$0x3FB5]  }
0x2e: {  	s3 =	simm.s32 @!p0 $0x1082;
	s9 =	sld [smem:$0x3FB6]  }
0x2f: {  	lr =	sadd.s32 s0, s3;
	s0 =	sld [smem:$0x3FAD]  }
0x30: {  	s3 =	sld [smem:$0x3FB0]  }
0x31: {  	[smem:$0x3FB9] =	sst s10  }
0x32: {  	s10 =	sld [smem:$0x3FB7];
	_ =	sdelay $0x3  }
0x33: {  	p0 =	seq.s32 s10, $0x1;
	s10 =	sld [smem:$0x3FB9];
	_ =	sdelay $0x3  }
0x34: {  	[smem:$0x3FB9] =	sst s10  }
0x35: {  	s10 =	sld [smem:$0x3FB8];
	_ =	sdelay $0x3  }
0x36: {  	p1 =	seq.s32 s10, $0x1;
	s10 =	sld [smem:$0x3FB9];
	_ =	sdelay $0x3  }
0x37: {  	[smem:$0x3FB9] =	sst s10  }
0x38: {  	s10 =	sld [smem:$0x3FBA]  }
0x39: {  	_ = 	snop;
	(pc) =	sbr.ind lr, $3  }
0x3a: {  	_ = 	snop  }
0x3b: {  	_ = 	snop  }
0x3c: {  	p2 =	seq.s32 s10, $0x1;
	s10 =	sld [smem:$0x3FB9]  }
0x3d: {  	_ =	shalt  }
0x3e: {  	_ =	shalt  }
0x3f: {  	_ =	shalt  }
0x40: {  	_ =	shalt  }
0x41: {  	_ =	shalt  }
0x42: {  	_ =	shalt  }
0x43: {  	_ =	shalt  }
0x44: {  	_ =	shalt  }
0x45: {  	_ =	shalt  }
0x46: {  	_ =	shalt  }
0x47: {  	_ =	shalt  }
0x48: {  	_ =	shalt  }
0x49: {  	_ =	shalt  }
0x4a: {  	_ =	shalt  }
0x4b: {  	_ =	shalt  }
0x4c: {  	_ =	shalt  }
0x4d: {  	_ =	shalt  }
0x4e: {  	_ =	shalt  }
0x4f: {  	_ =	shalt  }
0x50: {  	_ =	shalt  }
0x51: {  	_ =	shalt  }
0x52: {  	_ =	shalt  }
0x53: {  	_ =	shalt  }
0x54: {  	_ =	shalt  }
0x55: {  	_ =	shalt  }
0x56: {  	_ =	shalt  }
0x57: {  	_ =	shalt  }
0x58: {  	_ =	shalt  }
0x59: {  	_ =	shalt  }
0x5a: {  	_ =	shalt  }
0x5b: {  	_ =	shalt  }
0x5c: {  	_ =	shalt  }
0x5d: {  	_ =	shalt  }
0x5e: {  	_ =	shalt  }
0x5f: {  	_ =	shalt  }
0x60: {  	_ =	shalt  }
0x61: {  	_ =	shalt  }
0x62: {  	_ =	shalt  }
0x63: {  	_ =	shalt  }
0x64: {  	_ =	shalt  }
0x65: {  	_ =	shalt  }
0x66: {  	_ =	shalt  }
0x67: {  	_ =	shalt  }
0x68: {  	_ =	shalt  }
0x69: {  	_ =	shalt  }
0x6a: {  	_ =	shalt  }
0x6b: {  	_ =	shalt  }
0x6c: {  	_ =	shalt  }
0x6d: {  	_ =	shalt  }
0x6e: {  	_ =	shalt  }
0x6f: {  	_ =	shalt  }
0x70: {  	_ =	shalt  }
0x71: {  	_ =	shalt  }
0x72: {  	_ =	shalt  }
0x73: {  	_ =	shalt  }
0x74: {  	_ =	shalt  }
0x75: {  	_ =	shalt  }
0x76: {  	_ =	shalt  }
0x77: {  	_ =	shalt  }
0x78: {  	_ =	shalt  }
0x79: {  	_ =	shalt  }
0x7a: {  	_ =	shalt  }
0x7b: {  	_ =	shalt  }
0x7c: {  	_ =	shalt  }
0x7d: {  	_ =	shalt  }
0x7e: {  	_ =	shalt  }
0x7f: {  	_ =	shalt  }
0x80: {  	_ =	shalt  }
0x81: {  	_ =	shalt  }
0x82: {  	_ =	shalt  }
0x83: {  	_ =	shalt  }
0x84: {  	_ =	shalt  }
0x85: {  	_ =	shalt  }
0x86: {  	_ =	shalt  }
0x87: {  	_ =	shalt  }
.Lfunc_end0:
.L_simem_size_0:
called_computation_lowered:
.L_overlay_start_0:
0x88: {  	s2 =	sld [smem:$0x3FD9]  }
0x89: {  	s3 =	sld [smem:$0x3FFE];
	_ =	sdelay $0x1  }
0x8a: {  	s1 =	srdreg.scid  }
0x8b: {  	s0 =	sand.u32 $0x1, s1  }
0x8c: {  	s17 =	sshll.u32 s0, $0xA;
	s2 =	sadd.s32 s3, s2  }
0x8d: {  	s2 =	sadd.s32 s2, s17  }
0x8e: {  	[smem:$0x3FC5] =	sst s2  }
0x8f: {  	_ = 	snop  }
0x90: {  	s2 =	sld [smem:$0x3FD0];
	(tm) =	ssettm $0x1  }
0x91: {  	s18 =	sld [smem:$0x3FFB];
	_ =	sdelay $0x3  }
0x92: {  	_ =	strace s18  }
0x93: {  	s3 =	sld [smem:$0x3FFC];
	_ =	sdelay $0x3  }
0x94: {  	_ =	strace s3  }
0x95: {  	s3 =	sld [smem:$0x3FFD];
	_ =	sdelay $0x3  }
0x96: {  	_ =	strace s3  }
0x97: {  	_ =	strace $0x8FFFFFFF  }
0x98: {  	s19 =	sld [smem:$0x3FDB];
	_ =	sdelay $0x1  }
0x99: {  	s4 =	simm.s32 $_scs_section_size  }
0x9a: {  	s5 =	simm.s32 $_size__tile_overlayer_lowered;
	s6 =	simm.s32 $_tile_overlayer_lowered  }
0x9b: {  	s22 =	simm.s32 $0x1BFF;
	s21 =	sshll.u32 s6, $0x1;
	s3 =	sadd.s32 s4, s19  }
0x9c: {  	s7 =	simm.s32 $0x0;
	s20 =	sshll.u32 s5, $0x1;
	s5 =	sadd.s32 s21, s3  }
0x9d: {  	[timem:s7], [sflag:s22] =	dma.local [hbm:s5], s20  }
0x9e: {  	_ =	swait.ge [sflag:s22], s20  }
0x9f: {  	s4 =	ssub.s32 $0x0, s20;
	[sflag:s22] =	ssyncset.done $0x0  }
0xa0: {  	[sflag:s22] =	ssyncadd.s32 s4;
	_ =	sdelay $0x1  }
0xa1: {  	s23 =	simm.s32 $0x1B8B  }
0xa2: {  	_ =	swait.ge [sflag:s23], $0x1  }
0xa3: {  	[sflag:s23] =	ssyncset.done $0x0  }
0xa4: {  	s25 =	simm.s32 $0x1B8E;
	s24 =	sld [smem:$0x3FFE];
	[sflag:s23] =	ssyncadd.s32 $0xFFFFFFFF  }
0xa5: {  	s26 =	simm.s32 $execute0_lowered;
	[smem:$0x3FD2] =	sst s25  }
0xa6: {  	s5 =	sshll.u32 s26, $0x1;
	_ =	strace $0x80000046;
	[dreg:$0x1] =	wrdreg $0xFFFFFFFF  }
0xa7: {  	s28 =	simm.s32 $_size_execute0_lowered;
	s3 =	sadd.s32 s3, s5;
	[dreg:$0x0] =	wrdreg $0x0  }
0xa8: {  	s5 =	sshll.u32 s28, $0x1;
	[dreg:$0x2] =	wrdreg s3  }
0xa9: {  	[dreg:$0x3] =	wrdreg s5  }
0xaa: {  	[dreg:$0x4] =	wrdreg $0xC0  }
0xab: {  	_ =	task [dreg:s7], $0x5FFFF  }
0xac: {  	[dreg:$0x1] =	wrdreg $0xFFFFFFFF  }
0xad: {  	[dreg:$0x0] =	wrdreg $0x60  }
0xae: {  	[dreg:$0x2] =	wrdreg s24  }
0xaf: {  	[dreg:$0x3] =	wrdreg s2  }
0xb0: {  	[dreg:$0x4] =	wrdreg $0x9  }
0xb1: {  	_ =	task.clear_ibuf [dreg:s7], $0x5FFFF;
	_ =	strace $0x90000046  }
0xb2: {  	s29 =	simm.s32 $0x9;
	_ =	strace $0x80000048  }
0xb3: {  	_ =	swait.ge [sflag:s29], $0x1  }
0xb4: {  	[sflag:s29] =	ssyncadd.s32 $0xFFFFFFFF  }
0xb5: {  	_ =	strace $0x90000048  }
0xb6: {  	_ =	sfence  }
0xb7: {  	s30 =	sld [smem:$0x0];
	_ =	sdelay $0x2  }
0xb8: {  	s31 =	sshll.u32 s1, $0xD;
	s1 =	sshrl.u32 s1, $0x2  }
0xb9: {  	s3 =	sand.u32 $0x4000, s31;
	s1 =	sadd.s32 s1, s30  }
0xba: {  	s0 =	sor.u32 s3, s0;
	s1 =	sshll.u32 s1, $0x11  }
0xbb: {  	s0 =	sor.u32 s1, s0  }
0xbc: {  	s0 =	sadd.s32 $0x8F2B, s0  }
0xbd: {  	[sflag:s0] =	ssyncadd.remote.s32 $0x1  }
0xbe: {  	_ =	sfence.sel $0xFFFF  }
0xbf: {  	[dreg:$0x0] =	wrdreg $0xFFFFFFFF;
	(pc) =	sbr.abs _section_cstart, $3  }
0xc0: {  	[dreg:$0x1] =	wrdreg $0xFFFFFFFF  }
0xc1: {  	_ =	task.clear_ibuf [dreg:s7], $0x2FFFF;
	_ =	strace $0x9FFFFFFF  }
0xc2: {  	(tm) =	ssettm $0x7FFFFFFF  }
0xc3: {  	_ =	shalt  }
tec
execute0_lowered:
.L_overlay_start_1:
0x0: {  	(tag) =	ssettag $0x1  }
0x1: {  	v0 =	vlaneseq.u32  }
0x2: {  	s0 =	rddreg [dreg:$0x0];
	s3 =	simm.s32 $0x0;
	v17 =	vmul.u32 $0x88, v0  }
0x3: {  	[smem:$0x7FF] =	sst s3  }
0x4: {  	s2 =	rddreg [dreg:$0x1];
	_ =	strace $0x80000047;
	v15 =	vadd.s32 $0x880, v17;
	[tilespmem:$0x1FED0] =	vst v17  }
0x5: {  	v16 =	vadd.s32 $0x1100, v17;
	[tilespmem:$0x1FE00] =	vst v15  }
0x6: {  	v23 =	vadd.s32 $0x1980, v17;
	[tilespmem:$0x1FE10] =	vst v16  }
0x7: {  	v26 =	vor.u32 $0x1, v17;
	[tilespmem:$0x1FE20] =	vst v23  }
0x8: {  	v18 =	vadd.s32 $0x881, v17;
	[tilespmem:$0x1FE30] =	vst v26  }
0x9: {  	v21 =	vadd.s32 $0x1101, v17;
	[tilespmem:$0x1FE40] =	vst v18  }
0xa: {  	v24 =	vadd.s32 $0x1981, v17;
	[tilespmem:$0x1FE50] =	vst v21  }
0xb: {  	v25 =	vor.u32 $0x2, v17;
	[tilespmem:$0x1FE60] =	vst v24  }
0xc: {  	v30 =	vadd.s32 $0x882, v17;
	[tilespmem:$0x1FE70] =	vst v25  }
0xd: {  	v22 =	vadd.s32 $0x1102, v17;
	[tilespmem:$0x1FE80] =	vst v30  }
0xe: {  	v13 =	vadd.s32 $0x1982, v17;
	[tilespmem:$0x1FE90] =	vst v22  }
0xf: {  	v31 =	vor.u32 $0x3, v17;
	[tilespmem:$0x1FEA0] =	vst v13  }
0x10: {  	v8 =	vadd.s32 $0x883, v17;
	[tilespmem:$0x1FEB0] =	vst v31  }
0x11: {  	v12 =	vadd.s32 $0x1103, v17;
	[tilespmem:$0x1FEC0] =	vst v8  }
0x12: {  	v9 =	vadd.s32 $0x1983, v17;
	[tilespmem:$0x1FEE0] =	vst v12  }
0x13: {  	v29 =	vor.u32 $0x4, v17;
	[tilespmem:$0x1FEF0] =	vst v9  }
0x14: {  	v6 =	vadd.s32 $0x884, v17;
	[tilespmem:$0x1FF00] =	vst v29  }
0x15: {  	s1 =	srdreg.scid;
	v5 =	vadd.s32 $0x1104, v17;
	[tilespmem:$0x1FF10] =	vst v6  }
0x16: {  	s4 =	stileid.u32;
	s21 =	simm.s32 $0x20;
	s24 =	simm.s32 $0x100;
	v3 =	vadd.s32 $0x1984, v17;
	[tilespmem:$0x1FF20] =	vst v5  }
0x17: {  	s25 =	simm.s32 $0x180;
	s28 =	simm.s32 $0x3;
	s19 =	simm.s32 $0x8200;
	v28 =	vor.u32 $0x5, v17;
	[tilespmem:$0x1FF30] =	vst v3  }
0x18: {  	s9 =	simm.s32 $0x4;
	s31 =	simm.s32 $0xA400;
	s17 =	simm.s32 $0xA;
	v27 =	vadd.s32 $0x885, v17;
	[tilespmem:$0x1FF40] =	vst v28  }
0x19: {  	s10 =	simm.s32 $0x0;
	s1 =	sand.u32 $0x1, s1;
	s5 =	sshll.u32 s4, $0x1;
	v4 =	vadd.s32 $0x1105, v17;
	[tilespmem:$0x1FF50] =	vst v27  }
0x1a: {  	s4 =	sadd.s32 $0xA600, s0;
	s6 =	sor.u32 s1, s5;
	s5 =	sadd.s32 $0xF42C00, s0;
	v7 =	vadd.s32 $0x1985, v17;
	[tilespmem:$0x1FF60] =	vst v4  }
0x1b: {  	s1 =	ssub.s32 $0x2, s1;
	s0 =	sadd.s32 $0x800, s0;
	s7 =	sshll.u32 s6, $0x4;
	v2 =	vor.u32 $0x6, v17;
	[tilespmem:$0x1FF70] =	vst v7  }
0x1c: {  	[dreg:$0x3] =	wrdreg s0;
	s26 =	sshrl.u32 s1, $0x1;
	s29 =	sshll.u32 s6, $0x7;
	v0 =	vadd.s32 $0x886, v17;
	[tilespmem:$0x1FF80] =	vst v2  }
0x1d: {  	s15 =	sshll.u32 s6, $0xA;
	s6 =	simm.s32 $0x6;
	v1 =	vadd.s32 $0x1106, v17;
	s7 =	sadd.s32 s4, s7;
	[tilespmem:$0x1FF90] =	vst v0  }
0x1e: {  	v19 =	vadd.s32 $0x1986, v17;
	s0 =	ssub.s32 s1, s26;
	s11 =	sor.u32 $0x4000, s29;
	s12 =	sor.u32 $0x5000, s29;
	[tilespmem:$0x1FFA0] =	vst v1  }
0x1f: {  	v14 =	vor.u32 $0x7, v17;
	s13 =	sor.u32 $0x6000, s29;
	[tilespmem:$0x1FFB0] =	vst v19;
	s8 =	sadd.s32 $0x200, s7;
	[dreg:$0x4] =	wrdreg s7  }
0x20: {  	v20 =	vadd.s32 $0x887, v17;
	s14 =	sor.u32 $0x7000, s29;
	[tilespmem:$0x1FFC0] =	vst v14;
	s30 =	sadd.s32 $0x400, s7;
	[dreg:$0x5] =	wrdreg s8  }
0x21: {  	v10 =	vadd.s32 $0x1107, v17;
	s26 =	simm.s32 $0x5;
	[tilespmem:$0x1FFD0] =	vst v20;
	s7 =	sadd.s32 $0x600, s7;
	[dreg:$0x6] =	wrdreg s30  }
0x22: {  	v11 =	vadd.s32 $0x1987, v17;
	s1 =	simm.s32 $0x8;
	[tilespmem:$0x1FFE0] =	vst v10;
	s0 =	smax.u32 s0, $0x1;
	[dreg:$0x7] =	wrdreg s7  }
0x23: {  	[tilespmem:$0x1FFF0] =	vst v11;
	[dreg:$0x8] =	wrdreg s0;
	s8 =	simm.s32 $0x9;
	s0 =	simm.s32 $0x7  }
.LBB2_1:
0x24: {  	[dreg:$0x9] =	wrdreg s10  }
0x25: {  	s7 =	rddreg [dreg:$0x3];
	s20 =	simm.s32 $0xC600;
	s22 =	simm.s32 $0xB  }
0x26: {  	[tilespmem:s20], [sflag:$0xB] =	stream.linear.gather [hbm4b:s7+s3], $0x3200, $0x38;
	[tilespmem:$0xF800] =	vst v63  }
0x27: {  	_ =	swait.ge [sflag:s22], $0x3200  }
0x28: {  	[sflag:s22] =	ssyncset.done $0x0  }
0x29: {  	s23 =	rddreg [dreg:$0x4];
	[sflag:s22] =	ssyncadd.s32 $0xFFFFCE00  }
0x2a: {  	[tilespmem:s3], [sflag:$0x1] =	stream.linear.gather [hbm4b:s23+s3], $0x80, $0x38;
	[tilespmem:$0xF800] =	vst v63  }
0x2b: {  	s10 =	simm.s32 $0x80;
	s30 =	simm.s32 $0x1;
	s29 =	rddreg [dreg:$0x5]  }
0x2c: {  	[tilespmem:s10], [sflag:$0x2] =	stream.linear.gather [hbm4b:s29+s3], $0x80, $0x38;
	[tilespmem:$0xF800] =	vst v63  }
0x2d: {  	_ =	swait.ge [sflag:s30], $0x80  }
0x2e: {  	[sflag:s30] =	ssyncset.done $0x0  }
0x2f: {  	s16 =	simm.s32 $0x200;
	[sflag:s30] =	ssyncadd.s32 $0xFFFFFF80  }
0x30: {  	[tilespmem:s16], [sflag:$0x5] =	stream.indirect.gather [hbm4b:s5+s21], $0x40, s3, s21, $0xb8;
	[tilespmem:$0xF800] =	vst v63  }
0x31: {  	s18 =	simm.s32 $0xA00  }
0x32: {  	[tilespmem:s18], [sflag:$0x5] =	stream.indirect.gather [hbm4b:s5+s21], $0x40, s21, s21, $0xb8;
	[tilespmem:$0xF800] =	vst v63  }
0x33: {  	s20 =	simm.s32 $0x40;
	s16 =	simm.s32 $0x1200  }
0x34: {  	[tilespmem:s16], [sflag:$0x5] =	stream.indirect.gather [hbm4b:s5+s21], $0x40, s20, s21, $0xb8;
	[tilespmem:$0xF800] =	vst v63  }
0x35: {  	s22 =	simm.s32 $0x60;
	s23 =	simm.s32 $0x1A00;
	s29 =	simm.s32 $0x2  }
0x36: {  	[tilespmem:s23], [sflag:$0x5] =	stream.indirect.gather [hbm4b:s5+s21], $0x40, s22, s21, $0xb8;
	[tilespmem:$0xF800] =	vst v63  }
0x37: {  	_ =	swait.ge [sflag:s29], $0x80  }
0x38: {  	[sflag:s29] =	ssyncset.done $0x0  }
0x39: {  	s30 =	simm.s32 $0x2200;
	[sflag:s29] =	ssyncadd.s32 $0xFFFFFF80  }
0x3a: {  	[tilespmem:s30], [sflag:$0x6] =	stream.indirect.gather [hbm4b:s5+s21], $0x40, s10, s21, $0xb8;
	[tilespmem:$0xF800] =	vst v63  }
0x3b: {  	s16 =	simm.s32 $0x2A00;
	s10 =	simm.s32 $0xA0  }
0x3c: {  	[tilespmem:s16], [sflag:$0x6] =	stream.indirect.gather [hbm4b:s5+s21], $0x40, s10, s21, $0xb8;
	[tilespmem:$0xF800] =	vst v63  }
0x3d: {  	s18 =	simm.s32 $0xC0;
	s20 =	simm.s32 $0x3200  }
0x3e: {  	[tilespmem:s20], [sflag:$0x6] =	stream.indirect.gather [hbm4b:s5+s21], $0x40, s18, s21, $0xb8;
	[tilespmem:$0xF800] =	vst v63  }
0x3f: {  	s22 =	simm.s32 $0xE0;
	s23 =	simm.s32 $0x3A00  }
0x40: {  	[tilespmem:s23], [sflag:$0x6] =	stream.indirect.gather [hbm4b:s5+s21], $0x40, s22, s21, $0xb8;
	[tilespmem:$0xF800] =	vst v63  }
0x41: {  	s29 =	rddreg [dreg:$0x6]  }
0x42: {  	[tilespmem:s24], [sflag:$0x3] =	stream.linear.gather [hbm4b:s29+s3], $0x80, $0x38;
	[tilespmem:$0xF800] =	vst v63  }
0x43: {  	s30 =	rddreg [dreg:$0x7];
	s22 =	simm.s32 $0x0  }
0x44: {  	[tilespmem:s25], [sflag:$0x4] =	stream.linear.gather [hbm4b:s30+s3], $0x80, $0x38;
	[tilespmem:$0xF800] =	vst v63  }
.LBB2_2:
0x45: {  	_ =	swait.ge [sflag:s26], $0x800  }
0x46: {  	[sflag:s26] =	ssyncset.done $0x0  }
0x47: {  	[sflag:s26] =	ssyncadd.s32 $0xFFFFF800  }
0x48: {  	_ =	swait.ge [sflag:s26], $0x800  }
0x49: {  	[sflag:s26] =	ssyncset.done $0x0  }
0x4a: {  	[sflag:s26] =	ssyncadd.s32 $0xFFFFF800  }
0x4b: {  	_ =	swait.ge [sflag:s26], $0x800  }
0x4c: {  	p0 =	seq.s32 s22, $0x31;
	[sflag:s26] =	ssyncset.done $0x0  }
0x4d: {  	s10 =	sshll.u32 @!p0 s22, $0xE;
	[sflag:s26] =	ssyncadd.s32 $0xFFFFF800  }
0x4e: {  	s16 =	simm.s32 @!p0 $0x0;
	s7 =	sadd.s32 @!p0 s11, s10;
	_ =	swait.ge [sflag:s26], $0x800  }
0x4f: {  	p1 =	seq.s32 @!p0 s22, $0x0;
	s7 =	sshrl.u32 @!p0 s7, $0x3;
	[sflag:s26] =	ssyncset.done $0x0  }
0x50: {  	p1 =	por p0, !p1;
	s7 =	sadd.s32 @!p0 s4, s7;
	[sflag:s26] =	ssyncadd.s32 $0xFFFFF800  }
0x51: {  	[tilespmem:s16], [sflag:$0x1] =	stream.linear.gather @!p0 [hbm4b:s7+s16], $0x80, $0x38;
	[tilespmem:$0xF800] =	vst v63  }
0x52: {  	_ =	swait.ge @p1 [sflag:s17], $0x2000  }
0x53: {  	[sflag:s17] =	ssyncset.done @p1 $0x0  }
0x54: {  	[sflag:s17] =	ssyncadd.s32 @p1 $0xFFFFE000  }
0x55: {  	_ =	swait.ge [sflag:s28], $0x80  }
0x56: {  	[sflag:s28] =	ssyncset.done $0x0  }
0x57: {  	s23 =	simm.s32 $0x4200;
	[sflag:s28] =	ssyncadd.s32 $0xFFFFFF80  }
0x58: {  	[tilespmem:s23], [sflag:$0x7] =	stream.indirect.gather [hbm4b:s5+s21], $0x40, s24, s21, $0xb8;
	[tilespmem:$0xF800] =	vst v63  }
0x59: {  	s29 =	simm.s32 $0x120;
	s30 =	simm.s32 $0x4A00  }
0x5a: {  	[tilespmem:s30], [sflag:$0x7] =	stream.indirect.gather [hbm4b:s5+s21], $0x40, s29, s21, $0xb8;
	[tilespmem:$0xF800] =	vst v63  }
0x5b: {  	s18 =	simm.s32 $0x5200;
	s16 =	simm.s32 $0x140;
	s29 =	sshll.u32 s22, $0x8  }
0x5c: {  	[tilespmem:s18], [sflag:$0x7] =	stream.indirect.gather [hbm4b:s5+s21], $0x40, s16, s21, $0xb8;
	[tilespmem:$0xF800] =	vst v63  }
0x5d: {  	s20 =	simm.s32 $0x160;
	s23 =	simm.s32 $0x5A00;
	s7 =	sand.u32 $0x3FFFFF00, s29  }
0x5e: {  	[tilespmem:s23], [sflag:$0x7] =	stream.indirect.gather [hbm4b:s5+s21], $0x40, s20, s21, $0xb8;
	[tilespmem:$0xF800] =	vst v63  }
0x5f: {  	v35 =	vld [tilespmem:s7+$0xC600]  }
0x60: {  	v34 =	vld [tilespmem:s7+$0xC610]  }
0x61: {  	v33 =	vld [tilespmem:s7+$0xC620]  }
0x62: {  	s30 =	simm.s32 $0x0;
	v32 =	vld [tilespmem:s7+$0xC630]  }
0x63: {  	v0 =	vld [tilespmem:s30+$0x2E0]  }
0x64: {  	v57 =	vld [tilespmem:s30+$0x2F0]  }
0x65: {  	v2 =	vld [tilespmem:s30+$0x2D0]  }
0x66: {  	v3 =	vld [tilespmem:s30+$0x2C0]  }
0x67: {  	v36 =	vld [tilespmem:s30+$0x3F0]  }
0x68: {  	v4 =	vld [tilespmem:s30+$0x300]  }
0x69: {  	v38 =	vld [tilespmem:s30+$0x3E0]  }
0x6a: {  	v39 =	vld [tilespmem:s30+$0x3D0]  }
0x6b: {  	v1 =	vld [tilespmem:s30+$0x290]  }
0x6c: {  	v48 =	vld [tilespmem:s30+$0x330]  }
0x6d: {  	v47 =	vld [tilespmem:s30+$0x340]  }
0x6e: {  	v45 =	vld [tilespmem:s30+$0x350]  }
0x6f: {  	v40 =	vld [tilespmem:s30+$0x3B0]  }
0x70: {  	[tilespmem:$0x1FDB0] =	vst v1;
	v1 =	vld [tilespmem:s30+$0x250]  }
0x71: {  	v5 =	vld [tilespmem:s30+$0x2A0]  }
0x72: {  	v42 =	vld [tilespmem:s30+$0x390]  }
0x73: {  	v43 =	vld [tilespmem:s30+$0x370]  }
0x74: {  	v44 =	vld [tilespmem:s30+$0x360]  }
0x75: {  	[tilespmem:$0x1FD90] =	vst v1;
	v1 =	vld [tilespmem:s30+$0x240]  }
0x76: {  	v6 =	vld [tilespmem:s30+$0x2B0]  }
0x77: {  	v49 =	vld [tilespmem:s30+$0x260]  }
0x78: {  	v50 =	vld [tilespmem:s30+$0x270]  }
0x79: {  	v51 =	vld [tilespmem:s30+$0x220]  }
0x7a: {  	[tilespmem:$0x1FDA0] =	vst v1;
	v1 =	vld [tilespmem:s30+$0x210]  }
0x7b: {  	v54 =	vadd.f32 v0, v33;
	v0 =	vld [tilespmem:s30+$0x310]  }
0x7c: {  	v56 =	vadd.f32 v2, v34;
	v2 =	vld [tilespmem:s30+$0x320]  }
0x7d: {  	v52 =	vadd.f32 v5, v33;
	v5 =	vld [tilespmem:s30+$0x200]  }
0x7e: {  	v37 =	vimm.s32 $0x0;
	v46 =	vld [tilespmem:s30+$0x230]  }
0x7f: {  	v60 =	vld [tilespmem:s30+$0x280];
	[tilespmem:$0x1FD80] =	vst v1;
	v1 =	vadd.s32 v17, v37  }
0x80: {  	v59 =	vadd.f32 v50, v32;
	v50 =	vld [tilespmem:s30+$0x3A0];
	[tilespmem:$0x1FDD0] =	vst v0  }
0x81: {  	v0 =	vadd.f32 v51, v33;
	[tilespmem:$0x1FDE0] =	vst v2;
	v2 =	vld [tilespmem:$0x1FD80]  }
0x82: {  	v58 =	vadd.f32 v49, v33;
	v49 =	vld [tilespmem:s30+$0x3C0];
	v5 =	vadd.f32 v5, v35  }
0x83: {  	v61 =	vadd.s32 v15, v37;
	v51 =	vld [tilespmem:s30+$0x380];
	[tilespmem:$0x1FDC0] =	vst v0  }
0x84: {  	v55 =	vadd.f32 v3, v35;
	v3 =	vadd.s32 v16, v37;
	[tilespmem:v1+s19+$0x0] =	vst.idx.msk $0xffff, v5;
	v5 =	vld [tilespmem:$0x1FDC0]  }
0x85: {  	v63 =	vadd.s32 v23, v37  }
0x86: {  	v2 =	vadd.f32 v2, v34;
	_ =	sdelay $0x1  }
0x87: {  	v53 =	vadd.f32 v6, v32;
	v6 =	vadd.f32 v46, v32;
	[tilespmem:v61+s19+$0x0] =	vst.idx.msk $0xffff, v2  }
0x88: {  	[tilespmem:v3+s19+$0x0] =	vst.idx.msk $0xffff, v5  }
0x89: {  	[tilespmem:v63+s19+$0x0] =	vst.idx.msk $0xffff, v6;
	v6 =	vld [tilespmem:$0x1FDE0];
	_ =	sdelay $0x2  }
0x8a: {  	v29 =	vadd.s32 v18, v37;
	v2 =	vld [tilespmem:$0x1FDA0]  }
0x8b: {  	v41 =	vadd.s32 v31, v37;
	[tilespmem:$0x1FDF0] =	vst v29;
	v31 =	vld [tilespmem:$0x1FD90]  }
0x8c: {  	v63 =	vadd.f32 v6, v33;
	v6 =	vld [tilespmem:$0x1FDF0]  }
0x8d: {  	v5 =	vld [tilespmem:$0x1FDD0]  }
0x8e: {  	v46 =	vadd.s32 v26, v37;
	v1 =	vadd.f32 v60, v35  }
0x8f: {  	v60 =	vadd.f32 v4, v35;
	v4 =	vadd.f32 v2, v35;
	v2 =	vld [tilespmem:$0x1FDB0];
	_ =	sdelay $0x1  }
0x90: {  	v62 =	vadd.s32 v24, v37;
	v57 =	vadd.f32 v57, v32;
	v0 =	vadd.s32 v21, v37  }
0x91: {  	v24 =	vld [tilespmem:$0x1FF20];
	v31 =	vadd.f32 v31, v34;
	v3 =	vadd.s32 v25, v37;
	v61 =	vadd.f32 v5, v34  }
0x92: {  	v18 =	vld [tilespmem:$0x1FF10];
	v5 =	vadd.s32 v30, v37;
	[tilespmem:v46+s19+$0x0] =	vst.idx.msk $0xffff, v4;
	v4 =	vadd.s32 v22, v37  }
0x93: {  	s16 =	simm.s32 $0x800;
	s23 =	sshll.u32 s22, $0x2;
	v21 =	vld [tilespmem:$0x1FF00];
	v46 =	vadd.s32 $0x8, v37;
	v2 =	vadd.f32 v2, v34;
	[tilespmem:v6+s19+$0x0] =	vst.idx.msk $0xffff, v31;
	v6 =	vadd.s32 v13, v37  }
.LBB2_3:
0x94: {  	_ =	sdelay $0x1  }
0x95: {  	[tilespmem:v0+s19+$0x0] =	vst.idx.msk $0xffff, v58  }
0x96: {  	[tilespmem:v62+s19+$0x0] =	vst.idx.msk $0xffff, v59  }
0x97: {  	v0 =	vadd.s32 v8, v37;
	[tilespmem:v3+s19+$0x0] =	vst.idx.msk $0xffff, v1  }
0x98: {  	v1 =	vadd.s32 v12, v37;
	[tilespmem:v5+s19+$0x0] =	vst.idx.msk $0xffff, v2  }
0x99: {  	[tilespmem:v4+s19+$0x0] =	vst.idx.msk $0xffff, v52  }
0x9a: {  	[tilespmem:v6+s19+$0x0] =	vst.idx.msk $0xffff, v53  }
0x9b: {  	[tilespmem:v41+s19+$0x0] =	vst.idx.msk $0xffff, v55  }
0x9c: {  	[tilespmem:v0+s19+$0x0] =	vst.idx.msk $0xffff, v56;
	v0 =	vld [tilespmem:$0x1FF30]  }
0x9d: {  	v2 =	vadd.s32 v9, v37;
	[tilespmem:v1+s19+$0x0] =	vst.idx.msk $0xffff, v54;
	v1 =	vld [tilespmem:$0x1FF40]  }
0x9e: {  	v4 =	vadd.s32 v21, v37  }
0x9f: {  	v5 =	vadd.s32 v18, v37  }
0xa0: {  	v55 =	vadd.s32 v24, v37  }
0xa1: {  	v7 =	vld [tilespmem:$0x1FEB0];
	v0 =	vadd.s32 v0, v37  }
0xa2: {  	[tilespmem:v2+s19+$0x0] =	vst.idx.msk $0xffff, v57;
	v2 =	vld [tilespmem:$0x1FF50];
	v1 =	vadd.s32 v1, v37  }
0xa3: {  	[tilespmem:v4+s19+$0x0] =	vst.idx.msk $0xffff, v60;
	v4 =	vld [tilespmem:$0x1FF60]  }
0xa4: {  	v48 =	vadd.f32 v48, v32;
	[tilespmem:v5+s19+$0x0] =	vst.idx.msk $0xffff, v61;
	v5 =	vld [tilespmem:$0x1FF70]  }
0xa5: {  	v3 =	vadd.f32 v47, v35;
	v9 =	vld [tilespmem:$0x1FF80];
	[tilespmem:v55+s19+$0x0] =	vst.idx.msk $0xffff, v63  }
0xa6: {  	[tilespmem:v0+s19+$0x0] =	vst.idx.msk $0xffff, v48;
	v0 =	vld [tilespmem:$0x1FF90]  }
0xa7: {  	v2 =	vadd.s32 v2, v37;
	[tilespmem:v1+s19+$0x0] =	vst.idx.msk $0xffff, v3;
	v1 =	vld [tilespmem:$0x1FFA0]  }
0xa8: {  	v4 =	vadd.s32 v4, v37  }
0xa9: {  	v5 =	vadd.s32 v5, v37  }
0xaa: {  	v6 =	vadd.f32 v45, v34;
	v57 =	vadd.s32 v9, v37  }
0xab: {  	v44 =	vadd.f32 v44, v33;
	v43 =	vadd.f32 v43, v32;
	v0 =	vadd.s32 v0, v37  }
0xac: {  	v7 =	vadd.s32 v7, v46;
	[tilespmem:v2+s19+$0x0] =	vst.idx.msk $0xffff, v6;
	v1 =	vadd.s32 v1, v37  }
0xad: {  	v41 =	vmov v7;
	v7 =	vadd.f32 v51, v35;
	v2 =	vadd.s32 v19, v37;
	[tilespmem:v4+s19+$0x0] =	vst.idx.msk $0xffff, v44  }
0xae: {  	v6 =	vadd.f32 v42, v34;
	v4 =	vadd.s32 v14, v37;
	[tilespmem:v5+s19+$0x0] =	vst.idx.msk $0xffff, v43  }
0xaf: {  	v3 =	vadd.f32 v50, v33;
	v5 =	vadd.s32 v20, v37;
	[tilespmem:v57+s19+$0x0] =	vst.idx.msk $0xffff, v7  }
0xb0: {  	v40 =	vadd.f32 v40, v32;
	v7 =	vadd.s32 v10, v37;
	[tilespmem:v0+s19+$0x0] =	vst.idx.msk $0xffff, v6  }
0xb1: {  	v58 =	vadd.f32 v49, v35;
	v0 =	vadd.s32 v11, v37;
	[tilespmem:v1+s19+$0x0] =	vst.idx.msk $0xffff, v3  }
0xb2: {  	v6 =	vadd.f32 v39, v34;
	[tilespmem:v2+s19+$0x0] =	vst.idx.msk $0xffff, v40  }
0xb3: {  	v1 =	vadd.f32 v38, v33;
	[tilespmem:v4+s19+$0x0] =	vst.idx.msk $0xffff, v58  }
0xb4: {  	v2 =	vadd.f32 v36, v32;
	[tilespmem:v5+s19+$0x0] =	vst.idx.msk $0xffff, v6  }
0xb5: {  	s7 =	smov.u32 s16;
	[tilespmem:v7+s19+$0x0] =	vst.idx.msk $0xffff, v1  }
0xb6: {  	s7 =	sshra.s32 s7, $0x2;
	[tilespmem:v0+s19+$0x0] =	vst.idx.msk $0xffff, v2  }
0xb7: {  	v0 =	vld [tilespmem:s7+$0x2E0]  }
0xb8: {  	v1 =	vld [tilespmem:s7+$0x2F0]  }
0xb9: {  	v2 =	vld [tilespmem:s7+$0x2D0]  }
0xba: {  	v3 =	vld [tilespmem:s7+$0x2C0]  }
0xbb: {  	v36 =	vld [tilespmem:s7+$0x3F0]  }
0xbc: {  	v4 =	vld [tilespmem:s7+$0x300]  }
0xbd: {  	v38 =	vld [tilespmem:s7+$0x3E0]  }
0xbe: {  	v39 =	vld [tilespmem:s7+$0x3D0]  }
0xbf: {  	v48 =	vld [tilespmem:s7+$0x330]  }
0xc0: {  	v47 =	vld [tilespmem:s7+$0x340]  }
0xc1: {  	v45 =	vld [tilespmem:s7+$0x350]  }
0xc2: {  	v40 =	vld [tilespmem:s7+$0x3B0]  }
0xc3: {  	v5 =	vld [tilespmem:s7+$0x2A0]  }
0xc4: {  	v42 =	vld [tilespmem:s7+$0x390]  }
0xc5: {  	v43 =	vld [tilespmem:s7+$0x370]  }
0xc6: {  	v44 =	vld [tilespmem:s7+$0x360]  }
0xc7: {  	v6 =	vld [tilespmem:s7+$0x2B0]  }
0xc8: {  	v7 =	vld [tilespmem:s7+$0x290]  }
0xc9: {  	v59 =	vld [tilespmem:s7+$0x260]  }
0xca: {  	v60 =	vld [tilespmem:s7+$0x250]  }
0xcb: {  	v61 =	vld [tilespmem:s7+$0x240]  }
0xcc: {  	v50 =	vld [tilespmem:s7+$0x220]  }
0xcd: {  	v49 =	vld [tilespmem:s7+$0x210]  }
0xce: {  	v31 =	vmov v8;
	v8 =	vld [tilespmem:s7+$0x310]  }
0xcf: {  	v54 =	vadd.f32 v0, v33;
	v0 =	vld [tilespmem:$0x1FE60]  }
0xd0: {  	v51 =	vld [tilespmem:s7+$0x380]  }
0xd1: {  	v57 =	vadd.f32 v1, v32;
	v1 =	vld [tilespmem:$0x1FE30]  }
0xd2: {  	v52 =	vadd.f32 v5, v33;
	v5 =	vld [tilespmem:s7+$0x270]  }
0xd3: {  	v55 =	vadd.f32 v3, v35;
	v3 =	vld [tilespmem:s7+$0x200]  }
0xd4: {  	v62 =	vadd.s32 v0, v46;
	v0 =	vld [tilespmem:$0x1FE20]  }
0xd5: {  	v23 =	vmovc v13;
	v26 =	vmovc v19;
	v63 =	vadd.s32 v17, v46;
	v19 =	vmov v20;
	v53 =	vadd.f32 v6, v32;
	v6 =	vld [tilespmem:s7+$0x230]  }
0xd6: {  	v20 =	vmovc v14;
	v58 =	vadd.f32 v59, v33;
	v56 =	vadd.f32 v2, v34;
	v14 =	vadd.s32 v1, v46;
	v1 =	vld [tilespmem:$0x1FE40]  }
0xd7: {  	v28 =	vmovc v15;
	v9 =	vadd.s32 v15, v46;
	v13 =	vld [tilespmem:s7+$0x320];
	v10 =	vadd.f32 v50, v33;
	v15 =	vadd.f32 v60, v34  }
0xd8: {  	v11 =	vadd.s32 v16, v46;
	v60 =	vadd.f32 v4, v35;
	v59 =	vadd.f32 v5, v32;
	v5 =	vld [tilespmem:s7+$0x280]  }
0xd9: {  	v29 =	vmovc v12;
	v4 =	vadd.f32 v61, v35;
	v2 =	vadd.f32 v3, v35;
	v12 =	vadd.s32 v0, v46;
	v0 =	vld [tilespmem:$0x1FE50]  }
0xda: {  	v27 =	vmov v16;
	v50 =	vld [tilespmem:s7+$0x3A0];
	v61 =	vadd.f32 v8, v34;
	v3 =	vadd.f32 v49, v34  }
0xdb: {  	p1 =	sne.s32 s16, $0x7800;
	v37 =	vmov v46;
	v6 =	vadd.f32 v6, v32;
	v49 =	vld [tilespmem:s7+$0x3C0];
	[tilespmem:v63+s19+$0x0] =	vst.idx.msk $0xffff, v2;
	v16 =	vadd.s32 v1, v46  }
.Ltmp0:
0xdc: {  	v8 =	vmov v31;
	v2 =	vadd.f32 v7, v34;
	v63 =	vadd.f32 v13, v33;
	[tilespmem:v9+s19+$0x0] =	vst.idx.msk $0xffff, v3;
	(pc) =	sbr.rel @p1 .LBB2_3-.Ltmp0, $4  }
0xdd: {  	v13 =	vmov v23;
	v3 =	vadd.s32 v25, v46;
	[tilespmem:v11+s19+$0x0] =	vst.idx.msk $0xffff, v10;
	v1 =	vadd.f32 v5, v35  }
0xde: {  	v9 =	vld [tilespmem:$0x1FEF0];
	v5 =	vadd.s32 v30, v46;
	v0 =	vadd.s32 v0, v46;
	[tilespmem:v12+s19+$0x0] =	vst.idx.msk $0xffff, v6;
	v12 =	vmov v29  }
0xdf: {  	v11 =	vld [tilespmem:$0x1FFF0];
	v6 =	vadd.s32 v23, v37;
	[tilespmem:v14+s19+$0x0] =	vst.idx.msk $0xffff, v4;
	v14 =	vmovc v20;
	v20 =	vmov v19;
	v19 =	vmov v26  }
0xe0: {  	s16 =	sadd.s32 $0x800, s16;
	v10 =	vld [tilespmem:$0x1FFE0];
	v4 =	vadd.s32 v22, v46;
	v46 =	vadd.s32 $0x8, v46;
	[tilespmem:v16+s19+$0x0] =	vst.idx.msk $0xffff, v15;
	v16 =	vmovc v27;
	v15 =	vmov v28  }
0xe1: {  	_ =	sdelay $0x3  }
0xe2: {  	[tilespmem:v0+s19+$0x0] =	vst.idx.msk $0xffff, v58  }
0xe3: {  	[tilespmem:v62+s19+$0x0] =	vst.idx.msk $0xffff, v59  }
0xe4: {  	v59 =	vadd.s32 v8, v37;
	[tilespmem:v3+s19+$0x0] =	vst.idx.msk $0xffff, v1  }
0xe5: {  	v62 =	vadd.s32 v12, v37;
	[tilespmem:v5+s19+$0x0] =	vst.idx.msk $0xffff, v2  }
0xe6: {  	v8 =	vadd.s32 v9, v37;
	[tilespmem:v4+s19+$0x0] =	vst.idx.msk $0xffff, v52  }
0xe7: {  	v9 =	vadd.s32 v21, v37;
	[tilespmem:v6+s19+$0x0] =	vst.idx.msk $0xffff, v53  }
0xe8: {  	[tilespmem:v41+s19+$0x0] =	vst.idx.msk $0xffff, v55  }
0xe9: {  	v52 =	vadd.s32 v18, v37;
	v55 =	vld [tilespmem:$0x1FF30];
	[tilespmem:v59+s19+$0x0] =	vst.idx.msk $0xffff, v56  }
0xea: {  	v53 =	vadd.s32 v24, v37;
	v56 =	vld [tilespmem:$0x1FF40];
	[tilespmem:v62+s19+$0x0] =	vst.idx.msk $0xffff, v54  }
0xeb: {  	v58 =	vld [tilespmem:$0x1FF50];
	[tilespmem:v8+s19+$0x0] =	vst.idx.msk $0xffff, v57  }
0xec: {  	[tilespmem:v9+s19+$0x0] =	vst.idx.msk $0xffff, v60;
	v60 =	vld [tilespmem:$0x1FF60]  }
0xed: {  	v7 =	vld [tilespmem:$0x1FF70]  }
0xee: {  	v41 =	vld [tilespmem:$0x1FF80];
	v0 =	vadd.s32 v55, v37;
	[tilespmem:v52+s19+$0x0] =	vst.idx.msk $0xffff, v61  }
0xef: {  	v1 =	vadd.s32 v56, v37;
	[tilespmem:v53+s19+$0x0] =	vst.idx.msk $0xffff, v63;
	v63 =	vadd.f32 v45, v34;
	v45 =	vld [tilespmem:$0x1FF90]  }
0xf0: {  	v2 =	vadd.s32 v58, v37;
	v59 =	vadd.f32 v48, v32;
	v48 =	vld [tilespmem:$0x1FFA0]  }
0xf1: {  	v6 =	vadd.s32 v60, v37  }
0xf2: {  	v7 =	vadd.s32 v7, v37;
	v62 =	vadd.f32 v47, v35  }
0xf3: {  	v8 =	vadd.s32 v41, v37;
	[tilespmem:v0+s19+$0x0] =	vst.idx.msk $0xffff, v59  }
0xf4: {  	v44 =	vadd.f32 v44, v33;
	v3 =	vadd.s32 v45, v37;
	[tilespmem:v1+s19+$0x0] =	vst.idx.msk $0xffff, v62  }
0xf5: {  	v47 =	vadd.f32 v43, v32;
	v4 =	vadd.s32 v48, v37;
	[tilespmem:v2+s19+$0x0] =	vst.idx.msk $0xffff, v63  }
0xf6: {  	v51 =	vadd.f32 v51, v35;
	v52 =	vadd.s32 v19, v37;
	[tilespmem:v6+s19+$0x0] =	vst.idx.msk $0xffff, v44  }
0xf7: {  	v54 =	vadd.s32 v14, v37;
	v53 =	vadd.f32 v42, v34;
	[tilespmem:v7+s19+$0x0] =	vst.idx.msk $0xffff, v47  }
0xf8: {  	v55 =	vadd.f32 v50, v33;
	v56 =	vadd.s32 v20, v37;
	[tilespmem:v8+s19+$0x0] =	vst.idx.msk $0xffff, v51  }
0xf9: {  	v58 =	vadd.s32 v10, v37;
	v57 =	vadd.f32 v40, v32;
	[tilespmem:v3+s19+$0x0] =	vst.idx.msk $0xffff, v53  }
0xfa: {  	v60 =	vadd.s32 v11, v37;
	v59 =	vadd.f32 v49, v35;
	[tilespmem:v4+s19+$0x0] =	vst.idx.msk $0xffff, v55  }
0xfb: {  	v61 =	vadd.f32 v39, v34;
	[tilespmem:v52+s19+$0x0] =	vst.idx.msk $0xffff, v57  }
0xfc: {  	s7 =	sshll.u32 s22, $0x14;
	v62 =	vadd.f32 v38, v33;
	[tilespmem:v54+s19+$0x0] =	vst.idx.msk $0xffff, v59  }
0xfd: {  	s7 =	sor.u32 s15, s7;
	v63 =	vadd.f32 v36, v32;
	[tilespmem:v56+s19+$0x0] =	vst.idx.msk $0xffff, v61  }
0xfe: {  	s7 =	sshrl.u32 s7, $0x3;
	[tilespmem:v58+s19+$0x0] =	vst.idx.msk $0xffff, v62  }
0xff: {  	s20 =	simm.s32 $0x8200;
	s16 =	sadd.s32 s2, s7;
	[tilespmem:v60+s19+$0x0] =	vst.idx.msk $0xffff, v63  }
0x100: {  	[hbm4b:s16+s3] =	stream.linear.scatter [tilespmem:s20], [sflag:$0x9], $0x80, $0x38;
	[tilespmem:$0xF800] =	vst v63  }
0x101: {  	s30 =	simm.s32 $0x8288;
	s18 =	sadd.s32 $0x10, s16  }
0x102: {  	[hbm4b:s18+s3] =	stream.linear.scatter [tilespmem:s30], [sflag:$0x9], $0x80, $0x38;
	[tilespmem:$0xF800] =	vst v63  }
0x103: {  	s20 =	simm.s32 $0x8310;
	s30 =	sadd.s32 $0x20, s16  }
0x104: {  	[hbm4b:s30+s3] =	stream.linear.scatter [tilespmem:s20], [sflag:$0x9], $0x80, $0x38;
	[tilespmem:$0xF800] =	vst v63  }
0x105: {  	s20 =	simm.s32 $0x8398;
	s30 =	sadd.s32 $0x30, s16  }
0x106: {  	[hbm4b:s30+s3] =	stream.linear.scatter [tilespmem:s20], [sflag:$0x9], $0x80, $0x38;
	[tilespmem:$0xF800] =	vst v63  }
0x107: {  	s20 =	simm.s32 $0x8420;
	s30 =	sadd.s32 $0x40, s16  }
0x108: {  	[hbm4b:s30+s3] =	stream.linear.scatter [tilespmem:s20], [sflag:$0x9], $0x80, $0x38;
	[tilespmem:$0xF800] =	vst v63  }
0x109: {  	s7 =	simm.s32 $0x440;
	s20 =	simm.s32 $0x84A8;
	s30 =	sadd.s32 $0x50, s16  }
0x10a: {  	[hbm4b:s30+s3] =	stream.linear.scatter [tilespmem:s20], [sflag:$0x9], $0x80, $0x38;
	[tilespmem:$0xF800] =	vst v63  }
0x10b: {  	s29 =	sadd.s32 $0x70, s16;
	s20 =	simm.s32 $0x8530;
	s30 =	sadd.s32 $0x60, s16  }
0x10c: {  	[hbm4b:s30+s3] =	stream.linear.scatter [tilespmem:s20], [sflag:$0x9], $0x80, $0x38;
	[tilespmem:$0xF800] =	vst v63  }
0x10d: {  	v46 =	vld [tilespmem:$0x1FE40];
	s18 =	simm.s32 $0x2200;
	s16 =	sadd.s32 $0x1000, s16;
	s20 =	simm.s32 $0x85B8  }
.LBB2_5:
0x10e: {  	[hbm4b:s29+s3] =	stream.linear.scatter [tilespmem:s20], [sflag:$0x9], $0x80, $0x38;
	[tilespmem:$0xF800] =	vst v63  }
0x10f: {  	s20 =	smov.u32 s7;
	s7 =	smov.u32 s18  }
0x110: {  	s30 =	sadd.s32 $0x1100, s18;
	s7 =	sshra.s32 s7, $0x2;
	s29 =	sadd.s32 $0x8200, s20  }
0x111: {  	[hbm4b:s16+s3] =	stream.linear.scatter [tilespmem:s29], [sflag:$0x9], $0x80, $0x38;
	[tilespmem:$0xF800] =	vst v63  }
0x112: {  	p1 =	sne.s32 s18, $0x7700;
	s18 =	sadd.s32 $0x8288, s20;
	s29 =	sadd.s32 $0x10, s16  }
0x113: {  	[hbm4b:s29+s3] =	stream.linear.scatter [tilespmem:s18], [sflag:$0x9], $0x80, $0x38;
	[tilespmem:$0xF800] =	vst v63  }
0x114: {  	s18 =	sadd.s32 $0x8310, s20;
	s29 =	sadd.s32 $0x20, s16  }
0x115: {  	[hbm4b:s29+s3] =	stream.linear.scatter [tilespmem:s18], [sflag:$0x9], $0x80, $0x38;
	[tilespmem:$0xF800] =	vst v63  }
0x116: {  	s18 =	sadd.s32 $0x8398, s20;
	s29 =	sadd.s32 $0x30, s16  }
0x117: {  	[hbm4b:s29+s3] =	stream.linear.scatter [tilespmem:s18], [sflag:$0x9], $0x80, $0x38;
	[tilespmem:$0xF800] =	vst v63  }
0x118: {  	s18 =	sadd.s32 $0x8420, s20;
	s29 =	sadd.s32 $0x40, s16  }
0x119: {  	[hbm4b:s29+s3] =	stream.linear.scatter [tilespmem:s18], [sflag:$0x9], $0x80, $0x38;
	[tilespmem:$0xF800] =	vst v63  }
.Ltmp1:
0x11a: {  	s18 =	sadd.s32 $0x84A8, s20;
	s29 =	sadd.s32 $0x50, s16;
	(pc) =	sbr.rel @p1 .LBB2_5-.Ltmp1, $4  }
0x11b: {  	[hbm4b:s29+s3] =	stream.linear.scatter [tilespmem:s18], [sflag:$0x9], $0x80, $0x38;
	[tilespmem:$0xF800] =	vst v63  }
0x11c: {  	s18 =	sadd.s32 $0x8530, s20;
	s29 =	sadd.s32 $0x60, s16;
	s20 =	sadd.s32 $0x85B8, s20  }
0x11d: {  	[hbm4b:s29+s3] =	stream.linear.scatter [tilespmem:s18], [sflag:$0x9], $0x80, $0x38;
	[tilespmem:$0xF800] =	vst v63  }
0x11e: {  	s29 =	sadd.s32 $0x70, s16;
	s16 =	sadd.s32 $0x1000, s16;
	s18 =	smov.u32 s30  }
0x11f: {  	[hbm4b:s29+s3] =	stream.linear.scatter [tilespmem:s20], [sflag:$0x9], $0x80, $0x38;
	[tilespmem:$0xF800] =	vst v63  }
0x120: {  	s18 =	sadd.s32 $0x8200, s7  }
0x121: {  	[hbm4b:s16+s3] =	stream.linear.scatter [tilespmem:s18], [sflag:$0x9], $0x80, $0x38;
	[tilespmem:$0xF800] =	vst v63  }
0x122: {  	s29 =	sadd.s32 $0x8288, s7;
	s30 =	sadd.s32 $0x10, s16  }
0x123: {  	[hbm4b:s30+s3] =	stream.linear.scatter [tilespmem:s29], [sflag:$0x9], $0x80, $0x38;
	[tilespmem:$0xF800] =	vst v63  }
0x124: {  	s29 =	sadd.s32 $0x8310, s7;
	s30 =	sadd.s32 $0x20, s16  }
0x125: {  	[hbm4b:s30+s3] =	stream.linear.scatter [tilespmem:s29], [sflag:$0x9], $0x80, $0x38;
	[tilespmem:$0xF800] =	vst v63  }
0x126: {  	s29 =	sadd.s32 $0x8398, s7;
	s30 =	sadd.s32 $0x30, s16  }
0x127: {  	[hbm4b:s30+s3] =	stream.linear.scatter [tilespmem:s29], [sflag:$0x9], $0x80, $0x38;
	[tilespmem:$0xF800] =	vst v63  }
0x128: {  	s29 =	sadd.s32 $0x8420, s7;
	s30 =	sadd.s32 $0x40, s16  }
0x129: {  	[hbm4b:s30+s3] =	stream.linear.scatter [tilespmem:s29], [sflag:$0x9], $0x80, $0x38;
	[tilespmem:$0xF800] =	vst v63  }
0x12a: {  	s29 =	sadd.s32 $0x84A8, s7;
	s30 =	sadd.s32 $0x50, s16  }
0x12b: {  	[hbm4b:s30+s3] =	stream.linear.scatter [tilespmem:s29], [sflag:$0x9], $0x80, $0x38;
	[tilespmem:$0xF800] =	vst v63  }
0x12c: {  	s20 =	sadd.s32 $0x8530, s7;
	s29 =	sadd.s32 $0x60, s16  }
0x12d: {  	[hbm4b:s29+s3] =	stream.linear.scatter [tilespmem:s20], [sflag:$0x9], $0x80, $0x38;
	[tilespmem:$0xF800] =	vst v63  }
0x12e: {  	s18 =	sadd.s32 $0x70, s16;
	s30 =	sadd.s32 $0x85B8, s7  }
0x12f: {  	[hbm4b:s18+s3] =	stream.linear.scatter [tilespmem:s30], [sflag:$0x9], $0x80, $0x38;
	[tilespmem:$0xF800] =	vst v63  }
0x130: {  	_ =	swait.ge [sflag:s6], $0x800  }
0x131: {  	[sflag:s6] =	ssyncset.done $0x0  }
0x132: {  	[sflag:s6] =	ssyncadd.s32 $0xFFFFF800  }
0x133: {  	_ =	swait.ge [sflag:s6], $0x800  }
0x134: {  	[sflag:s6] =	ssyncset.done $0x0  }
0x135: {  	[sflag:s6] =	ssyncadd.s32 $0xFFFFF800  }
0x136: {  	_ =	swait.ge [sflag:s6], $0x800  }
0x137: {  	[sflag:s6] =	ssyncset.done $0x0  }
0x138: {  	[sflag:s6] =	ssyncadd.s32 $0xFFFFF800  }
0x139: {  	s7 =	sadd.s32 @!p0 s12, s10;
	_ =	swait.ge [sflag:s6], $0x800  }
0x13a: {  	s10 =	simm.s32 @!p0 $0x0;
	s7 =	sshrl.u32 @!p0 s7, $0x3;
	[sflag:s6] =	ssyncset.done $0x0  }
0x13b: {  	s16 =	simm.s32 @!p0 $0x80;
	s7 =	sadd.s32 @!p0 s4, s7;
	[sflag:s6] =	ssyncadd.s32 $0xFFFFF800  }
0x13c: {  	[tilespmem:s16], [sflag:$0x2] =	stream.linear.gather @!p0 [hbm4b:s7+s10], $0x80, $0x38;
	[tilespmem:$0xF800] =	vst v63  }
0x13d: {  	_ =	swait.ge [sflag:s8], $0x2000  }
0x13e: {  	[sflag:s8] =	ssyncset.done $0x0  }
0x13f: {  	[sflag:s8] =	ssyncadd.s32 $0xFFFFE000  }
0x140: {  	_ =	swait.ge [sflag:s9], $0x80  }
0x141: {  	[sflag:s9] =	ssyncset.done $0x0  }
0x142: {  	s20 =	simm.s32 $0x6200;
	[sflag:s9] =	ssyncadd.s32 $0xFFFFFF80  }
0x143: {  	[tilespmem:s20], [sflag:$0x8] =	stream.indirect.gather [hbm4b:s5+s21], $0x40, s25, s21, $0xb8;
	[tilespmem:$0xF800] =	vst v63  }
0x144: {  	s29 =	simm.s32 $0x1A0;
	s30 =	simm.s32 $0x6A00  }
0x145: {  	[tilespmem:s30], [sflag:$0x8] =	stream.indirect.gather [hbm4b:s5+s21], $0x40, s29, s21, $0xb8;
	[tilespmem:$0xF800] =	vst v63  }
0x146: {  	s10 =	simm.s32 $0x1C0;
	s16 =	simm.s32 $0x7200  }
0x147: {  	v63 =	vld [tilespmem:$0x1FE30];
	[tilespmem:s16], [sflag:$0x8] =	stream.indirect.gather [hbm4b:s5+s21], $0x40, s10, s21, $0xb8  }
0x148: {  	v19 =	vld [tilespmem:$0x1FEF0];
	s16 =	sor.u32 $0x1, s23  }
0x149: {  	s18 =	simm.s32 $0x1E0;
	v18 =	vld [tilespmem:$0x1FF00];
	s20 =	simm.s32 $0x7A00;
	s29 =	sshll.u32 s16, $0x6  }
0x14a: {  	v20 =	vld [tilespmem:$0x1FF10];
	[tilespmem:s20], [sflag:$0x8] =	stream.indirect.gather [hbm4b:s5+s21], $0x40, s18, s21, $0xb8  }
0x14b: {  	v21 =	vld [tilespmem:$0x1FF20];
	s7 =	sand.u32 $0x3FFFFFC0, s29  }
0x14c: {  	v35 =	vld [tilespmem:s7+$0xC600]  }
0x14d: {  	v34 =	vld [tilespmem:s7+$0xC610]  }
0x14e: {  	v33 =	vld [tilespmem:s7+$0xC620]  }
0x14f: {  	s30 =	simm.s32 $0x0;
	v32 =	vld [tilespmem:s7+$0xC630]  }
0x150: {  	v0 =	vld [tilespmem:s30+$0x22E0]  }
0x151: {  	v1 =	vld [tilespmem:s30+$0x22F0]  }
0x152: {  	v2 =	vld [tilespmem:s30+$0x22D0]  }
0x153: {  	v3 =	vld [tilespmem:s30+$0x22C0]  }
0x154: {  	v36 =	vld [tilespmem:s30+$0x23F0]  }
0x155: {  	v4 =	vld [tilespmem:s30+$0x2300]  }
0x156: {  	v38 =	vld [tilespmem:s30+$0x23E0]  }
0x157: {  	v39 =	vld [tilespmem:s30+$0x23D0]  }
0x158: {  	v48 =	vld [tilespmem:s30+$0x2330]  }
0x159: {  	v47 =	vld [tilespmem:s30+$0x2340]  }
0x15a: {  	v45 =	vld [tilespmem:s30+$0x2350]  }
0x15b: {  	v40 =	vld [tilespmem:s30+$0x23B0]  }
0x15c: {  	v5 =	vld [tilespmem:s30+$0x22A0]  }
0x15d: {  	v42 =	vld [tilespmem:s30+$0x2390]  }
0x15e: {  	v43 =	vld [tilespmem:s30+$0x2370]  }
0x15f: {  	v44 =	vld [tilespmem:s30+$0x2360]  }
0x160: {  	v6 =	vld [tilespmem:s30+$0x22B0]  }
0x161: {  	v7 =	vld [tilespmem:s30+$0x2290]  }
0x162: {  	v8 =	vld [tilespmem:s30+$0x2260]  }
0x163: {  	v9 =	vld [tilespmem:s30+$0x2250]  }
0x164: {  	v10 =	vld [tilespmem:s30+$0x2270]  }
0x165: {  	v11 =	vld [tilespmem:s30+$0x2240]  }
0x166: {  	v54 =	vadd.f32 v0, v33;
	v0 =	vld [tilespmem:$0x1FE60]  }
0x167: {  	v12 =	vld [tilespmem:s30+$0x2230]  }
0x168: {  	v53 =	vadd.f32 v6, v32;
	v6 =	vld [tilespmem:$0x1FEB0]  }
0x169: {  	v13 =	vld [tilespmem:s30+$0x2220]  }
0x16a: {  	v37 =	vimm.s32 $0x0;
	v52 =	vadd.f32 v5, v33;
	v5 =	vld [tilespmem:s30+$0x2200]  }
0x16b: {  	v62 =	vadd.s32 v0, v37;
	v0 =	vld [tilespmem:$0x1FE20]  }
0x16c: {  	v14 =	vld [tilespmem:s30+$0x2210]  }
0x16d: {  	v51 =	vld [tilespmem:s30+$0x2380];
	v58 =	vadd.f32 v8, v33;
	v41 =	vadd.s32 v6, v37;
	v6 =	vadd.s32 v17, v37  }
0x16e: {  	v50 =	vld [tilespmem:s30+$0x23A0];
	v55 =	vadd.f32 v3, v35;
	v56 =	vadd.f32 v2, v34;
	v2 =	vadd.s32 v15, v37  }
0x16f: {  	v3 =	vld [tilespmem:s30+$0x2280];
	v59 =	vadd.f32 v10, v32;
	v10 =	vadd.f32 v13, v33;
	v13 =	vadd.s32 v16, v37  }
0x170: {  	v49 =	vld [tilespmem:s30+$0x23C0];
	v57 =	vadd.f32 v1, v32;
	v1 =	vadd.f32 v5, v35;
	v15 =	vadd.s32 v0, v37  }
0x171: {  	v8 =	vld [tilespmem:s30+$0x2310];
	v14 =	vadd.f32 v14, v34;
	v5 =	vadd.f32 v12, v32;
	v12 =	vadd.s32 v63, v37  }
0x172: {  	v16 =	vld [tilespmem:s30+$0x2320];
	[tilespmem:v6+s31+$0x0] =	vst.idx.msk $0xffff, v1  }
0x173: {  	v60 =	vadd.f32 v4, v35;
	v0 =	vld [tilespmem:$0x1FE50];
	[tilespmem:v2+s31+$0x0] =	vst.idx.msk $0xffff, v14  }
0x174: {  	v4 =	vadd.f32 v11, v35;
	v1 =	vadd.f32 v3, v35;
	v3 =	vld [tilespmem:$0x1FE70];
	[tilespmem:v13+s31+$0x0] =	vst.idx.msk $0xffff, v10  }
0x175: {  	[tilespmem:v15+s31+$0x0] =	vst.idx.msk $0xffff, v5;
	v5 =	vld [tilespmem:$0x1FE80]  }
0x176: {  	v46 =	vadd.s32 v46, v37;
	[tilespmem:v12+s31+$0x0] =	vst.idx.msk $0xffff, v4;
	v4 =	vld [tilespmem:$0x1FE90]  }
0x177: {  	v22 =	vld [tilespmem:$0x1FF30]  }
0x178: {  	v30 =	vld [tilespmem:$0x1FF40];
	v9 =	vadd.f32 v9, v34  }
0x179: {  	v24 =	vld [tilespmem:$0x1FF50];
	v61 =	vadd.f32 v8, v34;
	v63 =	vadd.f32 v16, v33;
	v6 =	vadd.s32 v23, v37  }
0x17a: {  	v25 =	vld [tilespmem:$0x1FF60];
	v2 =	vadd.f32 v7, v34;
	v0 =	vadd.s32 v0, v37;
	v3 =	vadd.s32 v3, v37  }
0x17b: {  	v26 =	vld [tilespmem:$0x1FF70];
	s10 =	sor.u32 $0x2, s23;
	s7 =	simm.s32 $0x800;
	[tilespmem:v46+s31+$0x0] =	vst.idx.msk $0xffff, v9;
	v46 =	vadd.s32 $0x8, v37;
	v5 =	vadd.s32 v5, v37;
	v4 =	vadd.s32 v4, v37  }
.LBB2_7:
0x17c: {  	_ =	sdelay $0x2  }
0x17d: {  	[tilespmem:v0+s31+$0x0] =	vst.idx.msk $0xffff, v58  }
0x17e: {  	[tilespmem:v62+s31+$0x0] =	vst.idx.msk $0xffff, v59  }
0x17f: {  	v0 =	vadd.s32 v31, v37;
	[tilespmem:v3+s31+$0x0] =	vst.idx.msk $0xffff, v1  }
0x180: {  	v1 =	vadd.s32 v29, v37;
	[tilespmem:v5+s31+$0x0] =	vst.idx.msk $0xffff, v2  }
0x181: {  	v2 =	vadd.s32 v19, v37;
	[tilespmem:v4+s31+$0x0] =	vst.idx.msk $0xffff, v52  }
0x182: {  	v4 =	vadd.s32 v18, v37;
	[tilespmem:v6+s31+$0x0] =	vst.idx.msk $0xffff, v53  }
0x183: {  	v5 =	vadd.s32 v20, v37;
	[tilespmem:v41+s31+$0x0] =	vst.idx.msk $0xffff, v55  }
0x184: {  	v9 =	vadd.s32 v21, v37;
	[tilespmem:v0+s31+$0x0] =	vst.idx.msk $0xffff, v56  }
0x185: {  	v0 =	vadd.s32 v22, v37;
	[tilespmem:v1+s31+$0x0] =	vst.idx.msk $0xffff, v54  }
0x186: {  	[tilespmem:v2+s31+$0x0] =	vst.idx.msk $0xffff, v57  }
0x187: {  	[tilespmem:v4+s31+$0x0] =	vst.idx.msk $0xffff, v60  }
0x188: {  	v8 =	vadd.f32 v48, v32;
	[tilespmem:v5+s31+$0x0] =	vst.idx.msk $0xffff, v61  }
0x189: {  	[tilespmem:v9+s31+$0x0] =	vst.idx.msk $0xffff, v63;
	v63 =	vld [tilespmem:$0x1FF80]  }
0x18a: {  	v1 =	vadd.s32 v30, v37;
	[tilespmem:v0+s31+$0x0] =	vst.idx.msk $0xffff, v8;
	v0 =	vld [tilespmem:$0x1FF90]  }
0x18b: {  	v7 =	vld [tilespmem:$0x1FEB0];
	v2 =	vadd.s32 v24, v37  }
0x18c: {  	v4 =	vadd.s32 v25, v37  }
0x18d: {  	v3 =	vadd.f32 v47, v35;
	v5 =	vadd.s32 v26, v37  }
0x18e: {  	v6 =	vadd.f32 v45, v34;
	v9 =	vadd.s32 v63, v37  }
0x18f: {  	v10 =	vadd.f32 v44, v33;
	[tilespmem:v1+s31+$0x0] =	vst.idx.msk $0xffff, v3;
	v1 =	vld [tilespmem:$0x1FFA0];
	v0 =	vadd.s32 v0, v37  }
0x190: {  	v7 =	vadd.s32 v7, v46;
	v8 =	vadd.f32 v43, v32;
	[tilespmem:v2+s31+$0x0] =	vst.idx.msk $0xffff, v6;
	v2 =	vld [tilespmem:$0x1FFB0]  }
0x191: {  	v41 =	vmov v7;
	v7 =	vadd.f32 v51, v35;
	[tilespmem:v4+s31+$0x0] =	vst.idx.msk $0xffff, v10;
	v4 =	vld [tilespmem:$0x1FFC0]  }
0x192: {  	v6 =	vadd.f32 v42, v34;
	[tilespmem:v5+s31+$0x0] =	vst.idx.msk $0xffff, v8;
	v5 =	vld [tilespmem:$0x1FFD0]  }
0x193: {  	[tilespmem:v9+s31+$0x0] =	vst.idx.msk $0xffff, v7;
	v7 =	vld [tilespmem:$0x1FFE0]  }
0x194: {  	v1 =	vadd.s32 v1, v37;
	[tilespmem:v0+s31+$0x0] =	vst.idx.msk $0xffff, v6;
	v0 =	vld [tilespmem:$0x1FFF0]  }
0x195: {  	v2 =	vadd.s32 v2, v37  }
0x196: {  	v4 =	vadd.s32 v4, v37  }
0x197: {  	v3 =	vadd.f32 v50, v33;
	v5 =	vadd.s32 v5, v37  }
0x198: {  	v8 =	vadd.f32 v40, v32;
	v7 =	vadd.s32 v7, v37  }
0x199: {  	v12 =	vadd.f32 v49, v35;
	[tilespmem:v1+s31+$0x0] =	vst.idx.msk $0xffff, v3;
	v0 =	vadd.s32 v0, v37  }
0x19a: {  	v6 =	vadd.f32 v39, v34;
	[tilespmem:v2+s31+$0x0] =	vst.idx.msk $0xffff, v8  }
0x19b: {  	v1 =	vadd.f32 v38, v33;
	[tilespmem:v4+s31+$0x0] =	vst.idx.msk $0xffff, v12  }
0x19c: {  	v2 =	vadd.f32 v36, v32;
	[tilespmem:v5+s31+$0x0] =	vst.idx.msk $0xffff, v6  }
0x19d: {  	s18 =	smov.u32 s7;
	[tilespmem:v7+s31+$0x0] =	vst.idx.msk $0xffff, v1  }
0x19e: {  	s18 =	sshra.s32 s18, $0x2;
	[tilespmem:v0+s31+$0x0] =	vst.idx.msk $0xffff, v2  }
0x19f: {  	v0 =	vld [tilespmem:s18+$0x22E0]  }
0x1a0: {  	v1 =	vld [tilespmem:s18+$0x22F0]  }
0x1a1: {  	v2 =	vld [tilespmem:s18+$0x22D0]  }
0x1a2: {  	v3 =	vld [tilespmem:s18+$0x22C0]  }
0x1a3: {  	v36 =	vld [tilespmem:s18+$0x23F0]  }
0x1a4: {  	v4 =	vld [tilespmem:s18+$0x2300]  }
0x1a5: {  	v38 =	vld [tilespmem:s18+$0x23E0]  }
0x1a6: {  	v39 =	vld [tilespmem:s18+$0x23D0]  }
0x1a7: {  	v48 =	vld [tilespmem:s18+$0x2330]  }
0x1a8: {  	v47 =	vld [tilespmem:s18+$0x2340]  }
0x1a9: {  	v45 =	vld [tilespmem:s18+$0x2350]  }
0x1aa: {  	v40 =	vld [tilespmem:s18+$0x23B0]  }
0x1ab: {  	v5 =	vld [tilespmem:s18+$0x22A0]  }
0x1ac: {  	v42 =	vld [tilespmem:s18+$0x2390]  }
0x1ad: {  	v43 =	vld [tilespmem:s18+$0x2370]  }
0x1ae: {  	v44 =	vld [tilespmem:s18+$0x2360]  }
0x1af: {  	v6 =	vld [tilespmem:s18+$0x22B0]  }
0x1b0: {  	v7 =	vld [tilespmem:s18+$0x2290]  }
0x1b1: {  	v8 =	vld [tilespmem:s18+$0x2260]  }
0x1b2: {  	v54 =	vadd.f32 v0, v33;
	v0 =	vld [tilespmem:$0x1FE00]  }
0x1b3: {  	v9 =	vld [tilespmem:s18+$0x2250]  }
0x1b4: {  	v10 =	vld [tilespmem:s18+$0x2240]  }
0x1b5: {  	v11 =	vld [tilespmem:s18+$0x2220]  }
0x1b6: {  	v13 =	vld [tilespmem:s18+$0x2310]  }
0x1b7: {  	v14 =	vadd.s32 v0, v46;
	v0 =	vld [tilespmem:$0x1FE10]  }
0x1b8: {  	v51 =	vld [tilespmem:s18+$0x2380]  }
0x1b9: {  	v50 =	vld [tilespmem:s18+$0x23A0]  }
0x1ba: {  	v63 =	vld [tilespmem:s18+$0x2320]  }
0x1bb: {  	v52 =	vadd.f32 v5, v33;
	v5 =	vld [tilespmem:s18+$0x2270]  }
0x1bc: {  	v15 =	vadd.s32 v0, v46;
	v0 =	vld [tilespmem:$0x1FE60]  }
0x1bd: {  	v55 =	vadd.f32 v3, v35;
	v3 =	vld [tilespmem:s18+$0x2200]  }
0x1be: {  	v57 =	vadd.f32 v1, v32;
	v1 =	vld [tilespmem:$0x1FE30]  }
0x1bf: {  	v58 =	vadd.f32 v8, v33;
	v8 =	vld [tilespmem:s18+$0x2210]  }
0x1c0: {  	v12 =	vadd.s32 v17, v46;
	v49 =	vld [tilespmem:s18+$0x23C0]  }
0x1c1: {  	v62 =	vadd.s32 v0, v46;
	v0 =	vld [tilespmem:$0x1FE20]  }
0x1c2: {  	v53 =	vadd.f32 v6, v32;
	v6 =	vld [tilespmem:s18+$0x2230]  }
0x1c3: {  	v56 =	vadd.f32 v2, v34;
	v2 =	vadd.f32 v3, v35;
	v17 =	vadd.s32 v1, v46;
	v1 =	vld [tilespmem:$0x1FE40]  }
0x1c4: {  	v59 =	vadd.f32 v5, v32;
	v5 =	vld [tilespmem:s18+$0x2280];
	v3 =	vadd.f32 v8, v34  }
0x1c5: {  	[tilespmem:v12+s31+$0x0] =	vst.idx.msk $0xffff, v2;
	v2 =	vadd.f32 v7, v34;
	v7 =	vld [tilespmem:$0x1FE70]  }
0x1c6: {  	[tilespmem:v14+s31+$0x0] =	vst.idx.msk $0xffff, v3;
	v14 =	vld [tilespmem:$0x1FE80];
	v16 =	vadd.s32 v0, v46  }
0x1c7: {  	v11 =	vadd.f32 v11, v33;
	v0 =	vld [tilespmem:$0x1FE50]  }
0x1c8: {  	p0 =	sne.s32 s7, $0x7800;
	v61 =	vadd.f32 v13, v34;
	v13 =	vld [tilespmem:$0x1FE90];
	v8 =	vadd.f32 v9, v34;
	v9 =	vadd.s32 v1, v46  }
.Ltmp2:
0x1c9: {  	v60 =	vadd.f32 v4, v35;
	v6 =	vadd.f32 v6, v32;
	(pc) =	sbr.rel @p0 .LBB2_7-.Ltmp2, $4  }
0x1ca: {  	v4 =	vadd.f32 v10, v35;
	v63 =	vadd.f32 v63, v33;
	[tilespmem:v15+s31+$0x0] =	vst.idx.msk $0xffff, v11  }
0x1cb: {  	v1 =	vadd.f32 v5, v35;
	v3 =	vadd.s32 v7, v46;
	[tilespmem:v16+s31+$0x0] =	vst.idx.msk $0xffff, v6  }
0x1cc: {  	v37 =	vmov v46;
	v5 =	vadd.s32 v14, v46;
	v0 =	vadd.s32 v0, v46;
	[tilespmem:v17+s31+$0x0] =	vst.idx.msk $0xffff, v4  }
0x1cd: {  	s7 =	sadd.s32 $0x800, s7;
	v6 =	vadd.s32 v23, v37;
	v17 =	vld [tilespmem:$0x1FED0];
	v4 =	vadd.s32 v13, v46;
	v46 =	vadd.s32 $0x8, v46;
	[tilespmem:v9+s31+$0x0] =	vst.idx.msk $0xffff, v8  }
0x1ce: {  	_ =	sdelay $0x3  }
0x1cf: {  	[tilespmem:v0+s31+$0x0] =	vst.idx.msk $0xffff, v58  }
0x1d0: {  	[tilespmem:v62+s31+$0x0] =	vst.idx.msk $0xffff, v59  }
0x1d1: {  	v62 =	vadd.s32 v31, v37;
	[tilespmem:v3+s31+$0x0] =	vst.idx.msk $0xffff, v1  }
0x1d2: {  	v8 =	vadd.s32 v29, v37;
	[tilespmem:v5+s31+$0x0] =	vst.idx.msk $0xffff, v2  }
0x1d3: {  	v9 =	vadd.s32 v19, v37;
	[tilespmem:v4+s31+$0x0] =	vst.idx.msk $0xffff, v52  }
0x1d4: {  	v10 =	vadd.s32 v18, v37;
	[tilespmem:v6+s31+$0x0] =	vst.idx.msk $0xffff, v53  }
0x1d5: {  	v11 =	vadd.s32 v20, v37;
	[tilespmem:v41+s31+$0x0] =	vst.idx.msk $0xffff, v55  }
0x1d6: {  	v12 =	vadd.s32 v21, v37;
	[tilespmem:v62+s31+$0x0] =	vst.idx.msk $0xffff, v56  }
0x1d7: {  	v13 =	vadd.s32 v22, v37;
	[tilespmem:v8+s31+$0x0] =	vst.idx.msk $0xffff, v54;
	v8 =	vld [tilespmem:$0x1FF80]  }
0x1d8: {  	v14 =	vadd.s32 v30, v37;
	v46 =	vld [tilespmem:$0x1FF90];
	[tilespmem:v9+s31+$0x0] =	vst.idx.msk $0xffff, v57  }
0x1d9: {  	v20 =	vadd.s32 v24, v37;
	v21 =	vadd.f32 v48, v32;
	v48 =	vld [tilespmem:$0x1FFA0];
	[tilespmem:v10+s31+$0x0] =	vst.idx.msk $0xffff, v60  }
0x1da: {  	v22 =	vadd.s32 v25, v37;
	v52 =	vld [tilespmem:$0x1FFB0];
	[tilespmem:v11+s31+$0x0] =	vst.idx.msk $0xffff, v61  }
0x1db: {  	v23 =	vadd.f32 v47, v35;
	v7 =	vadd.s32 v26, v37;
	v54 =	vld [tilespmem:$0x1FFC0];
	[tilespmem:v12+s31+$0x0] =	vst.idx.msk $0xffff, v63  }
0x1dc: {  	v41 =	vadd.f32 v45, v34;
	v56 =	vld [tilespmem:$0x1FFD0];
	v8 =	vadd.s32 v8, v37;
	[tilespmem:v13+s31+$0x0] =	vst.idx.msk $0xffff, v21  }
0x1dd: {  	v58 =	vld [tilespmem:$0x1FFE0];
	v3 =	vadd.s32 v46, v37;
	v45 =	vadd.f32 v44, v33;
	[tilespmem:v14+s31+$0x0] =	vst.idx.msk $0xffff, v23  }
0x1de: {  	v47 =	vadd.f32 v43, v32;
	v4 =	vadd.s32 v48, v37;
	v60 =	vld [tilespmem:$0x1FFF0];
	[tilespmem:v20+s31+$0x0] =	vst.idx.msk $0xffff, v41  }
0x1df: {  	v51 =	vadd.f32 v51, v35;
	v5 =	vadd.s32 v52, v37;
	[tilespmem:v22+s31+$0x0] =	vst.idx.msk $0xffff, v45  }
0x1e0: {  	v53 =	vadd.f32 v42, v34;
	v6 =	vadd.s32 v54, v37;
	[tilespmem:v7+s31+$0x0] =	vst.idx.msk $0xffff, v47  }
0x1e1: {  	v55 =	vadd.f32 v50, v33;
	v7 =	vadd.s32 v56, v37;
	[tilespmem:v8+s31+$0x0] =	vst.idx.msk $0xffff, v51  }
0x1e2: {  	v57 =	vadd.f32 v40, v32;
	v8 =	vadd.s32 v58, v37;
	[tilespmem:v3+s31+$0x0] =	vst.idx.msk $0xffff, v53  }
0x1e3: {  	v59 =	vadd.f32 v49, v35;
	v3 =	vadd.s32 v60, v37;
	[tilespmem:v4+s31+$0x0] =	vst.idx.msk $0xffff, v55  }
0x1e4: {  	v61 =	vadd.f32 v39, v34;
	[tilespmem:v5+s31+$0x0] =	vst.idx.msk $0xffff, v57  }
0x1e5: {  	s7 =	sshll.u32 s16, $0x12;
	v62 =	vadd.f32 v38, v33;
	[tilespmem:v6+s31+$0x0] =	vst.idx.msk $0xffff, v59  }
0x1e6: {  	s7 =	sor.u32 s15, s7;
	v63 =	vadd.f32 v36, v32;
	[tilespmem:v7+s31+$0x0] =	vst.idx.msk $0xffff, v61  }
0x1e7: {  	s7 =	sshrl.u32 s7, $0x3;
	[tilespmem:v8+s31+$0x0] =	vst.idx.msk $0xffff, v62  }
0x1e8: {  	s20 =	simm.s32 $0xA400;
	s16 =	sadd.s32 s2, s7;
	[tilespmem:v3+s31+$0x0] =	vst.idx.msk $0xffff, v63  }
0x1e9: {  	[hbm4b:s16+s3] =	stream.linear.scatter [tilespmem:s20], [sflag:$0xA], $0x80, $0x38;
	[tilespmem:$0xF800] =	vst v63  }
0x1ea: {  	s30 =	simm.s32 $0xA488;
	s18 =	sadd.s32 $0x10, s16  }
0x1eb: {  	[hbm4b:s18+s3] =	stream.linear.scatter [tilespmem:s30], [sflag:$0xA], $0x80, $0x38;
	[tilespmem:$0xF800] =	vst v63  }
0x1ec: {  	s20 =	simm.s32 $0xA510;
	s30 =	sadd.s32 $0x20, s16  }
0x1ed: {  	[hbm4b:s30+s3] =	stream.linear.scatter [tilespmem:s20], [sflag:$0xA], $0x80, $0x38;
	[tilespmem:$0xF800] =	vst v63  }
0x1ee: {  	s20 =	simm.s32 $0xA598;
	s30 =	sadd.s32 $0x30, s16  }
0x1ef: {  	[hbm4b:s30+s3] =	stream.linear.scatter [tilespmem:s20], [sflag:$0xA], $0x80, $0x38;
	[tilespmem:$0xF800] =	vst v63  }
0x1f0: {  	s20 =	simm.s32 $0xA620;
	s30 =	sadd.s32 $0x40, s16  }
0x1f1: {  	[hbm4b:s30+s3] =	stream.linear.scatter [tilespmem:s20], [sflag:$0xA], $0x80, $0x38;
	[tilespmem:$0xF800] =	vst v63  }
0x1f2: {  	s7 =	simm.s32 $0x440;
	s20 =	simm.s32 $0xA6A8;
	s30 =	sadd.s32 $0x50, s16  }
0x1f3: {  	[hbm4b:s30+s3] =	stream.linear.scatter [tilespmem:s20], [sflag:$0xA], $0x80, $0x38;
	[tilespmem:$0xF800] =	vst v63  }
0x1f4: {  	s29 =	sadd.s32 $0x70, s16;
	s20 =	simm.s32 $0xA730;
	s30 =	sadd.s32 $0x60, s16  }
0x1f5: {  	[hbm4b:s30+s3] =	stream.linear.scatter [tilespmem:s20], [sflag:$0xA], $0x80, $0x38;
	[tilespmem:$0xF800] =	vst v63  }
0x1f6: {  	s18 =	simm.s32 $0x2200;
	s16 =	sadd.s32 $0x1000, s16;
	s20 =	simm.s32 $0xA7B8  }
.LBB2_9:
0x1f7: {  	[hbm4b:s29+s3] =	stream.linear.scatter [tilespmem:s20], [sflag:$0xA], $0x80, $0x38;
	[tilespmem:$0xF800] =	vst v63  }
0x1f8: {  	s20 =	smov.u32 s7;
	s7 =	smov.u32 s18  }
0x1f9: {  	s30 =	sadd.s32 $0x1100, s18;
	s7 =	sshra.s32 s7, $0x2;
	s29 =	sadd.s32 $0xA400, s20  }
0x1fa: {  	[hbm4b:s16+s3] =	stream.linear.scatter [tilespmem:s29], [sflag:$0xA], $0x80, $0x38;
	[tilespmem:$0xF800] =	vst v63  }
0x1fb: {  	p0 =	sne.s32 s18, $0x7700;
	s18 =	sadd.s32 $0xA488, s20;
	s29 =	sadd.s32 $0x10, s16  }
0x1fc: {  	[hbm4b:s29+s3] =	stream.linear.scatter [tilespmem:s18], [sflag:$0xA], $0x80, $0x38;
	[tilespmem:$0xF800] =	vst v63  }
0x1fd: {  	s18 =	sadd.s32 $0xA510, s20;
	s29 =	sadd.s32 $0x20, s16  }
0x1fe: {  	[hbm4b:s29+s3] =	stream.linear.scatter [tilespmem:s18], [sflag:$0xA], $0x80, $0x38;
	[tilespmem:$0xF800] =	vst v63  }
0x1ff: {  	s18 =	sadd.s32 $0xA598, s20;
	s29 =	sadd.s32 $0x30, s16  }
0x200: {  	[hbm4b:s29+s3] =	stream.linear.scatter [tilespmem:s18], [sflag:$0xA], $0x80, $0x38;
	[tilespmem:$0xF800] =	vst v63  }
0x201: {  	s18 =	sadd.s32 $0xA620, s20;
	s29 =	sadd.s32 $0x40, s16  }
0x202: {  	[hbm4b:s29+s3] =	stream.linear.scatter [tilespmem:s18], [sflag:$0xA], $0x80, $0x38;
	[tilespmem:$0xF800] =	vst v63  }
.Ltmp3:
0x203: {  	s18 =	sadd.s32 $0xA6A8, s20;
	s29 =	sadd.s32 $0x50, s16;
	(pc) =	sbr.rel @p0 .LBB2_9-.Ltmp3, $4  }
0x204: {  	[hbm4b:s29+s3] =	stream.linear.scatter [tilespmem:s18], [sflag:$0xA], $0x80, $0x38;
	[tilespmem:$0xF800] =	vst v63  }
0x205: {  	s18 =	sadd.s32 $0xA730, s20;
	s29 =	sadd.s32 $0x60, s16;
	s20 =	sadd.s32 $0xA7B8, s20  }
0x206: {  	[hbm4b:s29+s3] =	stream.linear.scatter [tilespmem:s18], [sflag:$0xA], $0x80, $0x38;
	[tilespmem:$0xF800] =	vst v63  }
0x207: {  	s29 =	sadd.s32 $0x70, s16;
	s16 =	sadd.s32 $0x1000, s16;
	s18 =	smov.u32 s30  }
0x208: {  	[hbm4b:s29+s3] =	stream.linear.scatter [tilespmem:s20], [sflag:$0xA], $0x80, $0x38;
	[tilespmem:$0xF800] =	vst v63  }
0x209: {  	s18 =	sadd.s32 $0xA400, s7  }
0x20a: {  	[hbm4b:s16+s3] =	stream.linear.scatter [tilespmem:s18], [sflag:$0xA], $0x80, $0x38;
	[tilespmem:$0xF800] =	vst v63  }
0x20b: {  	s29 =	sadd.s32 $0xA488, s7;
	s30 =	sadd.s32 $0x10, s16  }
0x20c: {  	[hbm4b:s30+s3] =	stream.linear.scatter [tilespmem:s29], [sflag:$0xA], $0x80, $0x38;
	[tilespmem:$0xF800] =	vst v63  }
0x20d: {  	s29 =	sadd.s32 $0xA510, s7;
	s30 =	sadd.s32 $0x20, s16  }
0x20e: {  	[hbm4b:s30+s3] =	stream.linear.scatter [tilespmem:s29], [sflag:$0xA], $0x80, $0x38;
	[tilespmem:$0xF800] =	vst v63  }
0x20f: {  	s29 =	sadd.s32 $0xA598, s7;
	s30 =	sadd.s32 $0x30, s16  }
0x210: {  	[hbm4b:s30+s3] =	stream.linear.scatter [tilespmem:s29], [sflag:$0xA], $0x80, $0x38;
	[tilespmem:$0xF800] =	vst v63  }
0x211: {  	s29 =	sadd.s32 $0xA620, s7;
	s30 =	sadd.s32 $0x40, s16  }
0x212: {  	[hbm4b:s30+s3] =	stream.linear.scatter [tilespmem:s29], [sflag:$0xA], $0x80, $0x38;
	[tilespmem:$0xF800] =	vst v63  }
0x213: {  	s29 =	sadd.s32 $0xA6A8, s7;
	s30 =	sadd.s32 $0x50, s16  }
0x214: {  	[hbm4b:s30+s3] =	stream.linear.scatter [tilespmem:s29], [sflag:$0xA], $0x80, $0x38;
	[tilespmem:$0xF800] =	vst v63  }
0x215: {  	s20 =	sadd.s32 $0xA730, s7;
	s29 =	sadd.s32 $0x60, s16  }
0x216: {  	[hbm4b:s29+s3] =	stream.linear.scatter [tilespmem:s20], [sflag:$0xA], $0x80, $0x38;
	[tilespmem:$0xF800] =	vst v63  }
0x217: {  	s18 =	sadd.s32 $0x70, s16;
	s30 =	sadd.s32 $0xA7B8, s7  }
0x218: {  	[hbm4b:s18+s3] =	stream.linear.scatter [tilespmem:s30], [sflag:$0xA], $0x80, $0x38;
	[tilespmem:$0xF800] =	vst v63  }
0x219: {  	_ =	swait.ge [sflag:s0], $0x800  }
0x21a: {  	[sflag:s0] =	ssyncset.done $0x0  }
0x21b: {  	[sflag:s0] =	ssyncadd.s32 $0xFFFFF800  }
0x21c: {  	_ =	swait.ge [sflag:s0], $0x800  }
0x21d: {  	[sflag:s0] =	ssyncset.done $0x0  }
0x21e: {  	[sflag:s0] =	ssyncadd.s32 $0xFFFFF800  }
0x21f: {  	_ =	swait.ge [sflag:s0], $0x800  }
0x220: {  	p0 =	sne.s32 s22, $0x31;
	[sflag:s0] =	ssyncset.done $0x0  }
0x221: {  	s16 =	sshll.u32 @p0 s22, $0xE;
	[sflag:s0] =	ssyncadd.s32 $0xFFFFF800  }
0x222: {  	s7 =	sadd.s32 @p0 s13, s16;
	_ =	swait.ge [sflag:s0], $0x800  }
0x223: {  	s7 =	sshrl.u32 @p0 s7, $0x3;
	s20 =	simm.s32 @p0 $0x100;
	[sflag:s0] =	ssyncset.done $0x0  }
0x224: {  	s7 =	sadd.s32 @p0 s4, s7;
	s18 =	simm.s32 @p0 $0x0;
	[sflag:s0] =	ssyncadd.s32 $0xFFFFF800  }
0x225: {  	[tilespmem:s20], [sflag:$0x3] =	stream.linear.gather @p0 [hbm4b:s7+s18], $0x80, $0x38;
	[tilespmem:$0xF800] =	vst v63  }
0x226: {  	s7 =	simm.s32 @p0 $0xA  }
0x227: {  	_ =	swait.ge @p0 [sflag:s7], $0x2000  }
0x228: {  	[sflag:s7] =	ssyncset.done @p0 $0x0  }
0x229: {  	[sflag:s7] =	ssyncadd.s32 @p0 $0xFFFFE000;
	s7 =	simm.s32 @p0 $0x1  }
0x22a: {  	_ =	swait.ge @p0 [sflag:s7], $0x80  }
0x22b: {  	[sflag:s7] =	ssyncset.done @p0 $0x0  }
0x22c: {  	s20 =	simm.s32 @p0 $0x200;
	[sflag:s7] =	ssyncadd.s32 @p0 $0xFFFFFF80;
	s7 =	simm.s32 @p0 $0x20  }
0x22d: {  	[tilespmem:s20], [sflag:$0x5] =	stream.indirect.gather @p0 [hbm4b:s5+s7], $0x40, s18, s7, $0xb8;
	[tilespmem:$0xF800] =	vst v63  }
0x22e: {  	s18 =	simm.s32 @p0 $0xA00  }
0x22f: {  	[tilespmem:s18], [sflag:$0x5] =	stream.indirect.gather @p0 [hbm4b:s5+s7], $0x40, s7, s7, $0xb8;
	[tilespmem:$0xF800] =	vst v63  }
0x230: {  	s20 =	simm.s32 @p0 $0x1200;
	s18 =	simm.s32 @p0 $0x40  }
0x231: {  	[tilespmem:s20], [sflag:$0x5] =	stream.indirect.gather @p0 [hbm4b:s5+s7], $0x40, s18, s7, $0xb8;
	[tilespmem:$0xF800] =	vst v63  }
0x232: {  	s18 =	simm.s32 @p0 $0x60;
	s20 =	simm.s32 @p0 $0x1A00  }
0x233: {  	[tilespmem:s20], [sflag:$0x5] =	stream.indirect.gather @p0 [hbm4b:s5+s7], $0x40, s18, s7, $0xb8;
	[tilespmem:$0xF800] =	vst v63  }
0x234: {  	s7 =	simm.s32 @!p0 $0xA  }
0x235: {  	_ =	swait.ge @!p0 [sflag:s7], $0x2000  }
0x236: {  	v31 =	vld [tilespmem:$0x1FEB0]  }
0x237: {  	v37 =	vimm.s32 $0x0;
	v63 =	vld [tilespmem:$0x1FE30]  }
0x238: {  	v46 =	vadd.s32 v27, v37;
	v27 =	vld [tilespmem:$0x1FE70]  }
0x239: {  	v29 =	vld [tilespmem:$0x1FE90]  }
0x23a: {  	v30 =	vld [tilespmem:$0x1FEA0]  }
0x23b: {  	v19 =	vld [tilespmem:$0x1FEC0]  }
0x23c: {  	v24 =	vld [tilespmem:$0x1FEE0]  }
0x23d: {  	s20 =	sshll.u32 s10, $0x6;
	[sflag:s7] =	ssyncset.done @!p0 $0x0;
	v20 =	vld [tilespmem:$0x1FEF0]  }
0x23e: {  	s29 =	sand.u32 $0x3FFFFFC0, s20;
	v21 =	vld [tilespmem:$0x1FF00];
	[sflag:s7] =	ssyncadd.s32 @!p0 $0xFFFFE000  }
0x23f: {  	v35 =	vld [tilespmem:s29+$0xC600]  }
0x240: {  	v34 =	vld [tilespmem:s29+$0xC610]  }
0x241: {  	v33 =	vld [tilespmem:s29+$0xC620]  }
0x242: {  	s30 =	simm.s32 $0x0;
	v32 =	vld [tilespmem:s29+$0xC630]  }
0x243: {  	v0 =	vld [tilespmem:s30+$0x42E0]  }
0x244: {  	v1 =	vld [tilespmem:s30+$0x42F0]  }
0x245: {  	v2 =	vld [tilespmem:s30+$0x42D0]  }
0x246: {  	v3 =	vld [tilespmem:s30+$0x42C0]  }
0x247: {  	v36 =	vld [tilespmem:s30+$0x43F0]  }
0x248: {  	v4 =	vld [tilespmem:s30+$0x4300]  }
0x249: {  	v38 =	vld [tilespmem:s30+$0x43E0]  }
0x24a: {  	v39 =	vld [tilespmem:s30+$0x43D0]  }
0x24b: {  	v48 =	vld [tilespmem:s30+$0x4330]  }
0x24c: {  	v47 =	vld [tilespmem:s30+$0x4340]  }
0x24d: {  	v45 =	vld [tilespmem:s30+$0x4350]  }
0x24e: {  	v40 =	vld [tilespmem:s30+$0x43B0]  }
0x24f: {  	v5 =	vld [tilespmem:s30+$0x42A0]  }
0x250: {  	v42 =	vld [tilespmem:s30+$0x4390]  }
0x251: {  	v43 =	vld [tilespmem:s30+$0x4370]  }
0x252: {  	v44 =	vld [tilespmem:s30+$0x4360]  }
0x253: {  	v6 =	vld [tilespmem:s30+$0x42B0]  }
0x254: {  	v7 =	vld [tilespmem:s30+$0x4290]  }
0x255: {  	v8 =	vld [tilespmem:s30+$0x4260]  }
0x256: {  	v9 =	vld [tilespmem:s30+$0x4250]  }
0x257: {  	v10 =	vld [tilespmem:s30+$0x4270]  }
0x258: {  	v11 =	vld [tilespmem:s30+$0x4240]  }
0x259: {  	v12 =	vld [tilespmem:s30+$0x4230]  }
0x25a: {  	v13 =	vld [tilespmem:s30+$0x4220]  }
0x25b: {  	v54 =	vadd.f32 v0, v33;
	v0 =	vld [tilespmem:$0x1FE60]  }
0x25c: {  	v14 =	vld [tilespmem:s30+$0x4210]  }
0x25d: {  	v51 =	vld [tilespmem:s30+$0x4380]  }
0x25e: {  	v50 =	vld [tilespmem:s30+$0x43A0]  }
0x25f: {  	v52 =	vadd.f32 v5, v33;
	v5 =	vld [tilespmem:s30+$0x4200]  }
0x260: {  	v62 =	vadd.s32 v0, v37;
	v0 =	vld [tilespmem:$0x1FE20]  }
0x261: {  	v16 =	vld [tilespmem:s30+$0x4320];
	v53 =	vadd.f32 v6, v32  }
0x262: {  	v58 =	vadd.f32 v8, v33;
	v55 =	vadd.f32 v3, v35;
	v6 =	vadd.s32 v17, v37;
	v17 =	vld [tilespmem:$0x1FE40]  }
0x263: {  	v59 =	vadd.f32 v10, v32;
	v8 =	vld [tilespmem:s30+$0x4310];
	v56 =	vadd.f32 v2, v34;
	v2 =	vadd.s32 v28, v37  }
0x264: {  	v41 =	vadd.s32 v31, v37;
	v3 =	vld [tilespmem:s30+$0x4280];
	v10 =	vadd.f32 v13, v33;
	v57 =	vadd.f32 v1, v32  }
0x265: {  	v49 =	vld [tilespmem:s30+$0x43C0];
	v14 =	vadd.f32 v14, v34;
	v1 =	vadd.f32 v5, v35;
	v15 =	vadd.s32 v0, v37  }
0x266: {  	v9 =	vadd.f32 v9, v34;
	v5 =	vadd.f32 v12, v32;
	v12 =	vadd.s32 v63, v37;
	v0 =	vld [tilespmem:$0x1FE50]  }
0x267: {  	v60 =	vadd.f32 v4, v35;
	v28 =	vld [tilespmem:$0x1FE80];
	v17 =	vadd.s32 v17, v37;
	[tilespmem:v6+s19+$0x0] =	vst.idx.msk $0xffff, v1  }
0x268: {  	v22 =	vld [tilespmem:$0x1FF10];
	v4 =	vadd.f32 v11, v35;
	v61 =	vadd.f32 v8, v34;
	[tilespmem:v2+s19+$0x0] =	vst.idx.msk $0xffff, v14  }
0x269: {  	v23 =	vld [tilespmem:$0x1FF20];
	v63 =	vadd.f32 v16, v33;
	v1 =	vadd.f32 v3, v35;
	[tilespmem:v46+s19+$0x0] =	vst.idx.msk $0xffff, v10  }
0x26a: {  	v18 =	vld [tilespmem:$0x1FF30];
	v3 =	vadd.s32 v27, v37;
	v6 =	vadd.s32 v30, v37;
	[tilespmem:v15+s19+$0x0] =	vst.idx.msk $0xffff, v5  }
0x26b: {  	v25 =	vld [tilespmem:$0x1FF40];
	v2 =	vadd.f32 v7, v34;
	v0 =	vadd.s32 v0, v37;
	[tilespmem:v12+s19+$0x0] =	vst.idx.msk $0xffff, v4  }
0x26c: {  	s23 =	sor.u32 $0x3, s23;
	v26 =	vld [tilespmem:$0x1FF50];
	s7 =	simm.s32 $0x800;
	v46 =	vadd.s32 $0x8, v37;
	v5 =	vadd.s32 v28, v37;
	v4 =	vadd.s32 v29, v37;
	[tilespmem:v17+s19+$0x0] =	vst.idx.msk $0xffff, v9  }
.LBB2_11:
0x26d: {  	_ =	sdelay $0x2  }
0x26e: {  	[tilespmem:v0+s19+$0x0] =	vst.idx.msk $0xffff, v58  }
0x26f: {  	[tilespmem:v62+s19+$0x0] =	vst.idx.msk $0xffff, v59  }
0x270: {  	v0 =	vadd.s32 v19, v37;
	[tilespmem:v3+s19+$0x0] =	vst.idx.msk $0xffff, v1  }
0x271: {  	v1 =	vadd.s32 v24, v37;
	[tilespmem:v5+s19+$0x0] =	vst.idx.msk $0xffff, v2  }
0x272: {  	v2 =	vadd.s32 v20, v37;
	[tilespmem:v4+s19+$0x0] =	vst.idx.msk $0xffff, v52  }
0x273: {  	v4 =	vadd.s32 v21, v37;
	[tilespmem:v6+s19+$0x0] =	vst.idx.msk $0xffff, v53  }
0x274: {  	v5 =	vadd.s32 v22, v37;
	[tilespmem:v41+s19+$0x0] =	vst.idx.msk $0xffff, v55  }
0x275: {  	v9 =	vadd.s32 v23, v37;
	[tilespmem:v0+s19+$0x0] =	vst.idx.msk $0xffff, v56  }
0x276: {  	v0 =	vadd.s32 v18, v37;
	[tilespmem:v1+s19+$0x0] =	vst.idx.msk $0xffff, v54  }
0x277: {  	[tilespmem:v2+s19+$0x0] =	vst.idx.msk $0xffff, v57  }
0x278: {  	[tilespmem:v4+s19+$0x0] =	vst.idx.msk $0xffff, v60;
	v4 =	vld [tilespmem:$0x1FF60]  }
0x279: {  	v8 =	vadd.f32 v48, v32;
	[tilespmem:v5+s19+$0x0] =	vst.idx.msk $0xffff, v61;
	v5 =	vld [tilespmem:$0x1FF70]  }
0x27a: {  	v62 =	vld [tilespmem:$0x1FF80];
	[tilespmem:v9+s19+$0x0] =	vst.idx.msk $0xffff, v63  }
0x27b: {  	v1 =	vadd.s32 v25, v37;
	[tilespmem:v0+s19+$0x0] =	vst.idx.msk $0xffff, v8;
	v0 =	vld [tilespmem:$0x1FF90]  }
0x27c: {  	v2 =	vadd.s32 v26, v37  }
0x27d: {  	v4 =	vadd.s32 v4, v37  }
0x27e: {  	v3 =	vadd.f32 v47, v35;
	v5 =	vadd.s32 v5, v37  }
0x27f: {  	v6 =	vadd.f32 v45, v34;
	v9 =	vadd.s32 v62, v37  }
0x280: {  	v10 =	vadd.f32 v44, v33;
	[tilespmem:v1+s19+$0x0] =	vst.idx.msk $0xffff, v3;
	v1 =	vld [tilespmem:$0x1FFA0];
	v0 =	vadd.s32 v0, v37  }
0x281: {  	v7 =	vadd.s32 v31, v46;
	v8 =	vadd.f32 v43, v32;
	[tilespmem:v2+s19+$0x0] =	vst.idx.msk $0xffff, v6;
	v2 =	vld [tilespmem:$0x1FFB0]  }
0x282: {  	v41 =	vmov v7;
	v7 =	vadd.f32 v51, v35;
	[tilespmem:v4+s19+$0x0] =	vst.idx.msk $0xffff, v10;
	v4 =	vld [tilespmem:$0x1FFC0]  }
0x283: {  	v6 =	vadd.f32 v42, v34;
	[tilespmem:v5+s19+$0x0] =	vst.idx.msk $0xffff, v8;
	v5 =	vld [tilespmem:$0x1FFD0]  }
0x284: {  	[tilespmem:v9+s19+$0x0] =	vst.idx.msk $0xffff, v7;
	v7 =	vld [tilespmem:$0x1FFE0]  }
0x285: {  	v1 =	vadd.s32 v1, v37;
	[tilespmem:v0+s19+$0x0] =	vst.idx.msk $0xffff, v6;
	v0 =	vld [tilespmem:$0x1FFF0]  }
0x286: {  	v2 =	vadd.s32 v2, v37  }
0x287: {  	v4 =	vadd.s32 v4, v37  }
0x288: {  	v3 =	vadd.f32 v50, v33;
	v5 =	vadd.s32 v5, v37  }
0x289: {  	v8 =	vadd.f32 v40, v32;
	v7 =	vadd.s32 v7, v37  }
0x28a: {  	v63 =	vadd.f32 v49, v35;
	[tilespmem:v1+s19+$0x0] =	vst.idx.msk $0xffff, v3;
	v0 =	vadd.s32 v0, v37  }
0x28b: {  	v6 =	vadd.f32 v39, v34;
	[tilespmem:v2+s19+$0x0] =	vst.idx.msk $0xffff, v8  }
0x28c: {  	v1 =	vadd.f32 v38, v33;
	[tilespmem:v4+s19+$0x0] =	vst.idx.msk $0xffff, v63  }
0x28d: {  	v2 =	vadd.f32 v36, v32;
	[tilespmem:v5+s19+$0x0] =	vst.idx.msk $0xffff, v6  }
0x28e: {  	s18 =	smov.u32 s7;
	[tilespmem:v7+s19+$0x0] =	vst.idx.msk $0xffff, v1  }
0x28f: {  	s18 =	sshra.s32 s18, $0x2;
	[tilespmem:v0+s19+$0x0] =	vst.idx.msk $0xffff, v2  }
0x290: {  	v0 =	vld [tilespmem:s18+$0x42E0]  }
0x291: {  	v1 =	vld [tilespmem:s18+$0x42F0]  }
0x292: {  	v2 =	vld [tilespmem:s18+$0x42D0]  }
0x293: {  	v3 =	vld [tilespmem:s18+$0x42C0]  }
0x294: {  	v36 =	vld [tilespmem:s18+$0x43F0]  }
0x295: {  	v4 =	vld [tilespmem:s18+$0x4300]  }
0x296: {  	v38 =	vld [tilespmem:s18+$0x43E0]  }
0x297: {  	v39 =	vld [tilespmem:s18+$0x43D0]  }
0x298: {  	v48 =	vld [tilespmem:s18+$0x4330]  }
0x299: {  	v47 =	vld [tilespmem:s18+$0x4340]  }
0x29a: {  	v45 =	vld [tilespmem:s18+$0x4350]  }
0x29b: {  	v40 =	vld [tilespmem:s18+$0x43B0]  }
0x29c: {  	v54 =	vadd.f32 v0, v33;
	v0 =	vld [tilespmem:$0x1FED0]  }
0x29d: {  	v5 =	vld [tilespmem:s18+$0x42A0]  }
0x29e: {  	v42 =	vld [tilespmem:s18+$0x4390]  }
0x29f: {  	v43 =	vld [tilespmem:s18+$0x4370]  }
0x2a0: {  	v44 =	vld [tilespmem:s18+$0x4360]  }
0x2a1: {  	v12 =	vadd.s32 v0, v46;
	v0 =	vld [tilespmem:$0x1FE00]  }
0x2a2: {  	v6 =	vld [tilespmem:s18+$0x42B0]  }
0x2a3: {  	v7 =	vld [tilespmem:s18+$0x4290]  }
0x2a4: {  	v8 =	vld [tilespmem:s18+$0x4260]  }
0x2a5: {  	v9 =	vld [tilespmem:s18+$0x4250]  }
0x2a6: {  	v14 =	vadd.s32 v0, v46;
	v0 =	vld [tilespmem:$0x1FE10]  }
0x2a7: {  	v10 =	vld [tilespmem:s18+$0x4240]  }
0x2a8: {  	v11 =	vld [tilespmem:s18+$0x4220]  }
0x2a9: {  	v13 =	vld [tilespmem:s18+$0x4310]  }
0x2aa: {  	v51 =	vld [tilespmem:s18+$0x4380]  }
0x2ab: {  	v15 =	vadd.s32 v0, v46;
	v0 =	vld [tilespmem:$0x1FE60]  }
0x2ac: {  	v50 =	vld [tilespmem:s18+$0x43A0]  }
0x2ad: {  	v57 =	vadd.f32 v1, v32;
	v1 =	vld [tilespmem:$0x1FE30]  }
0x2ae: {  	v52 =	vadd.f32 v5, v33;
	v5 =	vld [tilespmem:s18+$0x4270]  }
0x2af: {  	v55 =	vadd.f32 v3, v35;
	v3 =	vld [tilespmem:s18+$0x4200]  }
0x2b0: {  	v62 =	vadd.s32 v0, v46;
	v0 =	vld [tilespmem:$0x1FE20]  }
0x2b1: {  	v58 =	vadd.f32 v8, v33;
	v8 =	vld [tilespmem:s18+$0x4210]  }
0x2b2: {  	v63 =	vadd.s32 v1, v46;
	v1 =	vld [tilespmem:$0x1FE40]  }
0x2b3: {  	v53 =	vadd.f32 v6, v32;
	v6 =	vld [tilespmem:s18+$0x4230];
	v56 =	vadd.f32 v2, v34  }
0x2b4: {  	v11 =	vadd.f32 v11, v33;
	v59 =	vadd.f32 v5, v32;
	v5 =	vld [tilespmem:s18+$0x4280]  }
0x2b5: {  	v17 =	vld [tilespmem:s18+$0x4320];
	v60 =	vadd.f32 v4, v35;
	v2 =	vadd.f32 v3, v35;
	v16 =	vadd.s32 v0, v46  }
0x2b6: {  	v4 =	vadd.f32 v10, v35;
	v3 =	vadd.f32 v8, v34;
	v0 =	vld [tilespmem:$0x1FE50]  }
0x2b7: {  	p1 =	sne.s32 s7, $0x7800;
	v49 =	vld [tilespmem:s18+$0x43C0];
	v8 =	vadd.f32 v9, v34;
	v9 =	vadd.s32 v1, v46;
	[tilespmem:v12+s19+$0x0] =	vst.idx.msk $0xffff, v2  }
.Ltmp4:
0x2b8: {  	v61 =	vadd.f32 v13, v34;
	v6 =	vadd.f32 v6, v32;
	[tilespmem:v14+s19+$0x0] =	vst.idx.msk $0xffff, v3;
	(pc) =	sbr.rel @p1 .LBB2_11-.Ltmp4, $4  }
0x2b9: {  	v1 =	vadd.f32 v5, v35;
	v2 =	vadd.f32 v7, v34;
	[tilespmem:v15+s19+$0x0] =	vst.idx.msk $0xffff, v11  }
0x2ba: {  	v37 =	vmov v46;
	v5 =	vadd.s32 v28, v46;
	v3 =	vadd.s32 v27, v46;
	[tilespmem:v16+s19+$0x0] =	vst.idx.msk $0xffff, v6  }
0x2bb: {  	v0 =	vadd.s32 v0, v46;
	v6 =	vadd.s32 v30, v37;
	[tilespmem:v63+s19+$0x0] =	vst.idx.msk $0xffff, v4  }
0x2bc: {  	s7 =	sadd.s32 $0x800, s7;
	v4 =	vadd.s32 v29, v46;
	v63 =	vadd.f32 v17, v33;
	v46 =	vadd.s32 $0x8, v46;
	[tilespmem:v9+s19+$0x0] =	vst.idx.msk $0xffff, v8  }
0x2bd: {  	_ =	sdelay $0x3  }
0x2be: {  	[tilespmem:v0+s19+$0x0] =	vst.idx.msk $0xffff, v58  }
0x2bf: {  	[tilespmem:v62+s19+$0x0] =	vst.idx.msk $0xffff, v59  }
0x2c0: {  	v17 =	vadd.s32 v19, v37;
	[tilespmem:v3+s19+$0x0] =	vst.idx.msk $0xffff, v1  }
0x2c1: {  	v19 =	vadd.s32 v24, v37;
	[tilespmem:v5+s19+$0x0] =	vst.idx.msk $0xffff, v2  }
0x2c2: {  	v20 =	vadd.s32 v20, v37;
	[tilespmem:v4+s19+$0x0] =	vst.idx.msk $0xffff, v52  }
0x2c3: {  	v21 =	vadd.s32 v21, v37;
	[tilespmem:v6+s19+$0x0] =	vst.idx.msk $0xffff, v53  }
0x2c4: {  	v22 =	vadd.s32 v22, v37;
	v30 =	vld [tilespmem:$0x1FF60];
	[tilespmem:v41+s19+$0x0] =	vst.idx.msk $0xffff, v55  }
0x2c5: {  	v23 =	vadd.s32 v23, v37;
	v7 =	vld [tilespmem:$0x1FF70];
	[tilespmem:v17+s19+$0x0] =	vst.idx.msk $0xffff, v56  }
0x2c6: {  	v24 =	vadd.s32 v18, v37;
	v8 =	vld [tilespmem:$0x1FF80];
	[tilespmem:v19+s19+$0x0] =	vst.idx.msk $0xffff, v54  }
0x2c7: {  	v27 =	vadd.s32 v25, v37;
	v46 =	vld [tilespmem:$0x1FF90];
	[tilespmem:v20+s19+$0x0] =	vst.idx.msk $0xffff, v57  }
0x2c8: {  	v28 =	vadd.s32 v26, v37;
	v29 =	vadd.f32 v48, v32;
	v48 =	vld [tilespmem:$0x1FFA0];
	[tilespmem:v21+s19+$0x0] =	vst.idx.msk $0xffff, v60  }
0x2c9: {  	v52 =	vld [tilespmem:$0x1FFB0];
	v6 =	vadd.s32 v30, v37;
	[tilespmem:v22+s19+$0x0] =	vst.idx.msk $0xffff, v61  }
0x2ca: {  	v31 =	vadd.f32 v47, v35;
	v7 =	vadd.s32 v7, v37;
	v54 =	vld [tilespmem:$0x1FFC0];
	[tilespmem:v23+s19+$0x0] =	vst.idx.msk $0xffff, v63  }
0x2cb: {  	v8 =	vadd.s32 v8, v37;
	v41 =	vadd.f32 v45, v34;
	v56 =	vld [tilespmem:$0x1FFD0];
	[tilespmem:v24+s19+$0x0] =	vst.idx.msk $0xffff, v29  }
0x2cc: {  	v58 =	vld [tilespmem:$0x1FFE0];
	v3 =	vadd.s32 v46, v37;
	v45 =	vadd.f32 v44, v33;
	[tilespmem:v27+s19+$0x0] =	vst.idx.msk $0xffff, v31  }
0x2cd: {  	v47 =	vadd.f32 v43, v32;
	v4 =	vadd.s32 v48, v37;
	v60 =	vld [tilespmem:$0x1FFF0];
	[tilespmem:v28+s19+$0x0] =	vst.idx.msk $0xffff, v41  }
0x2ce: {  	v51 =	vadd.f32 v51, v35;
	v5 =	vadd.s32 v52, v37;
	[tilespmem:v6+s19+$0x0] =	vst.idx.msk $0xffff, v45  }
0x2cf: {  	v53 =	vadd.f32 v42, v34;
	v6 =	vadd.s32 v54, v37;
	[tilespmem:v7+s19+$0x0] =	vst.idx.msk $0xffff, v47  }
0x2d0: {  	v55 =	vadd.f32 v50, v33;
	v7 =	vadd.s32 v56, v37;
	[tilespmem:v8+s19+$0x0] =	vst.idx.msk $0xffff, v51  }
0x2d1: {  	v57 =	vadd.f32 v40, v32;
	v8 =	vadd.s32 v58, v37;
	[tilespmem:v3+s19+$0x0] =	vst.idx.msk $0xffff, v53  }
0x2d2: {  	v59 =	vadd.f32 v49, v35;
	v3 =	vadd.s32 v60, v37;
	[tilespmem:v4+s19+$0x0] =	vst.idx.msk $0xffff, v55  }
0x2d3: {  	v61 =	vadd.f32 v39, v34;
	[tilespmem:v5+s19+$0x0] =	vst.idx.msk $0xffff, v57  }
0x2d4: {  	s7 =	sshll.u32 s10, $0x12;
	v62 =	vadd.f32 v38, v33;
	[tilespmem:v6+s19+$0x0] =	vst.idx.msk $0xffff, v59  }
0x2d5: {  	s7 =	sor.u32 s15, s7;
	v63 =	vadd.f32 v36, v32;
	[tilespmem:v7+s19+$0x0] =	vst.idx.msk $0xffff, v61  }
0x2d6: {  	s7 =	sshrl.u32 s7, $0x3;
	[tilespmem:v8+s19+$0x0] =	vst.idx.msk $0xffff, v62  }
0x2d7: {  	s20 =	simm.s32 $0x8200;
	s10 =	sadd.s32 s2, s7;
	[tilespmem:v3+s19+$0x0] =	vst.idx.msk $0xffff, v63  }
0x2d8: {  	[hbm4b:s10+s3] =	stream.linear.scatter [tilespmem:s20], [sflag:$0x9], $0x80, $0x38;
	[tilespmem:$0xF800] =	vst v63  }
0x2d9: {  	s30 =	simm.s32 $0x8288;
	s18 =	sadd.s32 $0x10, s10  }
0x2da: {  	[hbm4b:s18+s3] =	stream.linear.scatter [tilespmem:s30], [sflag:$0x9], $0x80, $0x38;
	[tilespmem:$0xF800] =	vst v63  }
0x2db: {  	s20 =	simm.s32 $0x8310;
	s30 =	sadd.s32 $0x20, s10  }
0x2dc: {  	[hbm4b:s30+s3] =	stream.linear.scatter [tilespmem:s20], [sflag:$0x9], $0x80, $0x38;
	[tilespmem:$0xF800] =	vst v63  }
0x2dd: {  	s20 =	simm.s32 $0x8398;
	s30 =	sadd.s32 $0x30, s10  }
0x2de: {  	[hbm4b:s30+s3] =	stream.linear.scatter [tilespmem:s20], [sflag:$0x9], $0x80, $0x38;
	[tilespmem:$0xF800] =	vst v63  }
0x2df: {  	s20 =	simm.s32 $0x8420;
	s30 =	sadd.s32 $0x40, s10  }
0x2e0: {  	[hbm4b:s30+s3] =	stream.linear.scatter [tilespmem:s20], [sflag:$0x9], $0x80, $0x38;
	[tilespmem:$0xF800] =	vst v63  }
0x2e1: {  	s7 =	simm.s32 $0x440;
	s20 =	simm.s32 $0x84A8;
	s30 =	sadd.s32 $0x50, s10  }
0x2e2: {  	[hbm4b:s30+s3] =	stream.linear.scatter [tilespmem:s20], [sflag:$0x9], $0x80, $0x38;
	[tilespmem:$0xF800] =	vst v63  }
0x2e3: {  	s29 =	sadd.s32 $0x70, s10;
	s20 =	simm.s32 $0x8530;
	s30 =	sadd.s32 $0x60, s10  }
0x2e4: {  	[hbm4b:s30+s3] =	stream.linear.scatter [tilespmem:s20], [sflag:$0x9], $0x80, $0x38;
	[tilespmem:$0xF800] =	vst v63  }
0x2e5: {  	s18 =	simm.s32 $0x2200;
	s10 =	sadd.s32 $0x1000, s10;
	s20 =	simm.s32 $0x85B8  }
.LBB2_13:
0x2e6: {  	[hbm4b:s29+s3] =	stream.linear.scatter [tilespmem:s20], [sflag:$0x9], $0x80, $0x38;
	[tilespmem:$0xF800] =	vst v63  }
0x2e7: {  	s20 =	smov.u32 s7;
	s7 =	smov.u32 s18  }
0x2e8: {  	s30 =	sadd.s32 $0x1100, s18;
	s7 =	sshra.s32 s7, $0x2;
	s29 =	sadd.s32 $0x8200, s20  }
0x2e9: {  	[hbm4b:s10+s3] =	stream.linear.scatter [tilespmem:s29], [sflag:$0x9], $0x80, $0x38;
	[tilespmem:$0xF800] =	vst v63  }
0x2ea: {  	p1 =	sne.s32 s18, $0x7700;
	s18 =	sadd.s32 $0x8288, s20;
	s29 =	sadd.s32 $0x10, s10  }
0x2eb: {  	[hbm4b:s29+s3] =	stream.linear.scatter [tilespmem:s18], [sflag:$0x9], $0x80, $0x38;
	[tilespmem:$0xF800] =	vst v63  }
0x2ec: {  	s18 =	sadd.s32 $0x8310, s20;
	s29 =	sadd.s32 $0x20, s10  }
0x2ed: {  	[hbm4b:s29+s3] =	stream.linear.scatter [tilespmem:s18], [sflag:$0x9], $0x80, $0x38;
	[tilespmem:$0xF800] =	vst v63  }
0x2ee: {  	s18 =	sadd.s32 $0x8398, s20;
	s29 =	sadd.s32 $0x30, s10  }
0x2ef: {  	[hbm4b:s29+s3] =	stream.linear.scatter [tilespmem:s18], [sflag:$0x9], $0x80, $0x38;
	[tilespmem:$0xF800] =	vst v63  }
0x2f0: {  	s18 =	sadd.s32 $0x8420, s20;
	s29 =	sadd.s32 $0x40, s10  }
0x2f1: {  	[hbm4b:s29+s3] =	stream.linear.scatter [tilespmem:s18], [sflag:$0x9], $0x80, $0x38;
	[tilespmem:$0xF800] =	vst v63  }
.Ltmp5:
0x2f2: {  	s18 =	sadd.s32 $0x84A8, s20;
	s29 =	sadd.s32 $0x50, s10;
	(pc) =	sbr.rel @p1 .LBB2_13-.Ltmp5, $4  }
0x2f3: {  	[hbm4b:s29+s3] =	stream.linear.scatter [tilespmem:s18], [sflag:$0x9], $0x80, $0x38;
	[tilespmem:$0xF800] =	vst v63  }
0x2f4: {  	s18 =	sadd.s32 $0x8530, s20;
	s29 =	sadd.s32 $0x60, s10;
	s20 =	sadd.s32 $0x85B8, s20  }
0x2f5: {  	[hbm4b:s29+s3] =	stream.linear.scatter [tilespmem:s18], [sflag:$0x9], $0x80, $0x38;
	[tilespmem:$0xF800] =	vst v63  }
0x2f6: {  	s29 =	sadd.s32 $0x70, s10;
	s10 =	sadd.s32 $0x1000, s10;
	s18 =	smov.u32 s30  }
0x2f7: {  	[hbm4b:s29+s3] =	stream.linear.scatter [tilespmem:s20], [sflag:$0x9], $0x80, $0x38;
	[tilespmem:$0xF800] =	vst v63  }
0x2f8: {  	s18 =	sadd.s32 $0x8200, s7  }
0x2f9: {  	[hbm4b:s10+s3] =	stream.linear.scatter [tilespmem:s18], [sflag:$0x9], $0x80, $0x38;
	[tilespmem:$0xF800] =	vst v63  }
0x2fa: {  	s29 =	sadd.s32 $0x8288, s7;
	s30 =	sadd.s32 $0x10, s10  }
0x2fb: {  	[hbm4b:s30+s3] =	stream.linear.scatter [tilespmem:s29], [sflag:$0x9], $0x80, $0x38;
	[tilespmem:$0xF800] =	vst v63  }
0x2fc: {  	s29 =	sadd.s32 $0x8310, s7;
	s30 =	sadd.s32 $0x20, s10  }
0x2fd: {  	[hbm4b:s30+s3] =	stream.linear.scatter [tilespmem:s29], [sflag:$0x9], $0x80, $0x38;
	[tilespmem:$0xF800] =	vst v63  }
0x2fe: {  	s29 =	sadd.s32 $0x8398, s7;
	s30 =	sadd.s32 $0x30, s10  }
0x2ff: {  	[hbm4b:s30+s3] =	stream.linear.scatter [tilespmem:s29], [sflag:$0x9], $0x80, $0x38;
	[tilespmem:$0xF800] =	vst v63  }
0x300: {  	s29 =	sadd.s32 $0x8420, s7;
	s30 =	sadd.s32 $0x40, s10  }
0x301: {  	[hbm4b:s30+s3] =	stream.linear.scatter [tilespmem:s29], [sflag:$0x9], $0x80, $0x38;
	[tilespmem:$0xF800] =	vst v63  }
0x302: {  	s29 =	sadd.s32 $0x84A8, s7;
	s30 =	sadd.s32 $0x50, s10  }
0x303: {  	[hbm4b:s30+s3] =	stream.linear.scatter [tilespmem:s29], [sflag:$0x9], $0x80, $0x38;
	[tilespmem:$0xF800] =	vst v63  }
0x304: {  	s20 =	sadd.s32 $0x8530, s7;
	s29 =	sadd.s32 $0x60, s10  }
0x305: {  	[hbm4b:s29+s3] =	stream.linear.scatter [tilespmem:s20], [sflag:$0x9], $0x80, $0x38;
	[tilespmem:$0xF800] =	vst v63  }
0x306: {  	s18 =	sadd.s32 $0x70, s10;
	s30 =	sadd.s32 $0x85B8, s7  }
0x307: {  	[hbm4b:s18+s3] =	stream.linear.scatter [tilespmem:s30], [sflag:$0x9], $0x80, $0x38;
	[tilespmem:$0xF800] =	vst v63  }
0x308: {  	_ =	swait.ge [sflag:s1], $0x800  }
0x309: {  	[sflag:s1] =	ssyncset.done $0x0  }
0x30a: {  	[sflag:s1] =	ssyncadd.s32 $0xFFFFF800  }
0x30b: {  	_ =	swait.ge [sflag:s1], $0x800  }
0x30c: {  	[sflag:s1] =	ssyncset.done $0x0  }
0x30d: {  	[sflag:s1] =	ssyncadd.s32 $0xFFFFF800  }
0x30e: {  	_ =	swait.ge [sflag:s1], $0x800  }
0x30f: {  	[sflag:s1] =	ssyncset.done $0x0  }
0x310: {  	[sflag:s1] =	ssyncadd.s32 $0xFFFFF800  }
0x311: {  	s7 =	sadd.s32 @p0 s14, s16;
	_ =	swait.ge [sflag:s1], $0x800  }
0x312: {  	s10 =	simm.s32 @p0 $0x0;
	s7 =	sshrl.u32 @p0 s7, $0x3;
	[sflag:s1] =	ssyncset.done $0x0  }
0x313: {  	s16 =	simm.s32 @p0 $0x180;
	s7 =	sadd.s32 @p0 s4, s7;
	[sflag:s1] =	ssyncadd.s32 $0xFFFFF800  }
0x314: {  	[tilespmem:s16], [sflag:$0x4] =	stream.linear.gather @p0 [hbm4b:s7+s10], $0x80, $0x38;
	[tilespmem:$0xF800] =	vst v63  }
0x315: {  	s7 =	simm.s32 @p0 $0x9  }
0x316: {  	_ =	swait.ge @p0 [sflag:s7], $0x2000  }
0x317: {  	[sflag:s7] =	ssyncset.done @p0 $0x0  }
0x318: {  	[sflag:s7] =	ssyncadd.s32 @p0 $0xFFFFE000;
	s7 =	simm.s32 @p0 $0x2  }
0x319: {  	_ =	swait.ge @p0 [sflag:s7], $0x80  }
0x31a: {  	s10 =	simm.s32 @p0 $0x80;
	[sflag:s7] =	ssyncset.done @p0 $0x0  }
0x31b: {  	s16 =	simm.s32 @p0 $0x2200;
	[sflag:s7] =	ssyncadd.s32 @p0 $0xFFFFFF80;
	s7 =	simm.s32 @p0 $0x20  }
0x31c: {  	[tilespmem:s16], [sflag:$0x6] =	stream.indirect.gather @p0 [hbm4b:s5+s7], $0x40, s10, s7, $0xb8;
	[tilespmem:$0xF800] =	vst v63  }
0x31d: {  	s10 =	simm.s32 @p0 $0xA0;
	s16 =	simm.s32 @p0 $0x2A00  }
0x31e: {  	[tilespmem:s16], [sflag:$0x6] =	stream.indirect.gather @p0 [hbm4b:s5+s7], $0x40, s10, s7, $0xb8;
	[tilespmem:$0xF800] =	vst v63  }
0x31f: {  	s10 =	simm.s32 @p0 $0xC0;
	s16 =	simm.s32 @p0 $0x3200  }
0x320: {  	[tilespmem:s16], [sflag:$0x6] =	stream.indirect.gather @p0 [hbm4b:s5+s7], $0x40, s10, s7, $0xb8;
	[tilespmem:$0xF800] =	vst v63  }
0x321: {  	s10 =	simm.s32 @p0 $0xE0;
	s16 =	simm.s32 @p0 $0x3A00  }
0x322: {  	[tilespmem:s16], [sflag:$0x6] =	stream.indirect.gather @p0 [hbm4b:s5+s7], $0x40, s10, s7, $0xb8;
	[tilespmem:$0xF800] =	vst v63  }
0x323: {  	s7 =	simm.s32 @!p0 $0x9  }
0x324: {  	_ =	swait.ge @!p0 [sflag:s7], $0x2000  }
0x325: {  	v63 =	vld [tilespmem:$0x1FE30]  }
0x326: {  	v17 =	vld [tilespmem:$0x1FE40]  }
0x327: {  	v27 =	vld [tilespmem:$0x1FE70]  }
0x328: {  	v28 =	vld [tilespmem:$0x1FE80]  }
0x329: {  	v29 =	vld [tilespmem:$0x1FE90]  }
0x32a: {  	v30 =	vld [tilespmem:$0x1FEA0]  }
0x32b: {  	v31 =	vld [tilespmem:$0x1FEC0]  }
0x32c: {  	v18 =	vld [tilespmem:$0x1FEF0]  }
0x32d: {  	v19 =	vld [tilespmem:$0x1FF00]  }
0x32e: {  	s20 =	sshll.u32 s23, $0x6;
	[sflag:s7] =	ssyncset.done @!p0 $0x0;
	v20 =	vld [tilespmem:$0x1FF10]  }
0x32f: {  	s29 =	sand.u32 $0x3FFFFFC0, s20;
	v25 =	vld [tilespmem:$0x1FF20];
	[sflag:s7] =	ssyncadd.s32 @!p0 $0xFFFFE000  }
0x330: {  	v35 =	vld [tilespmem:s29+$0xC600]  }
0x331: {  	v34 =	vld [tilespmem:s29+$0xC610]  }
0x332: {  	v33 =	vld [tilespmem:s29+$0xC620]  }
0x333: {  	s30 =	simm.s32 $0x0;
	v32 =	vld [tilespmem:s29+$0xC630]  }
0x334: {  	v0 =	vld [tilespmem:s30+$0x62E0]  }
0x335: {  	v1 =	vld [tilespmem:s30+$0x62F0]  }
0x336: {  	v2 =	vld [tilespmem:s30+$0x62D0]  }
0x337: {  	v3 =	vld [tilespmem:s30+$0x62C0]  }
0x338: {  	v36 =	vld [tilespmem:s30+$0x63F0]  }
0x339: {  	v6 =	vld [tilespmem:s30+$0x62B0]  }
0x33a: {  	v4 =	vld [tilespmem:s30+$0x6300]  }
0x33b: {  	v38 =	vld [tilespmem:s30+$0x63E0]  }
0x33c: {  	v39 =	vld [tilespmem:s30+$0x63D0]  }
0x33d: {  	v48 =	vld [tilespmem:s30+$0x6330]  }
0x33e: {  	v53 =	vadd.f32 v6, v32;
	v6 =	vld [tilespmem:$0x1FEB0]  }
0x33f: {  	v54 =	vadd.f32 v0, v33;
	v0 =	vld [tilespmem:$0x1FED0]  }
0x340: {  	v47 =	vld [tilespmem:s30+$0x6340]  }
0x341: {  	v45 =	vld [tilespmem:s30+$0x6350]  }
0x342: {  	v40 =	vld [tilespmem:s30+$0x63B0]  }
0x343: {  	v37 =	vimm.s32 $0x0;
	v5 =	vld [tilespmem:s30+$0x62A0]  }
0x344: {  	v41 =	vadd.s32 v6, v37;
	v6 =	vadd.s32 v0, v37;
	v0 =	vld [tilespmem:$0x1FE00]  }
0x345: {  	v42 =	vld [tilespmem:s30+$0x6390]  }
0x346: {  	v43 =	vld [tilespmem:s30+$0x6370]  }
0x347: {  	v44 =	vld [tilespmem:s30+$0x6360]  }
0x348: {  	v7 =	vld [tilespmem:s30+$0x6290]  }
0x349: {  	v56 =	vadd.f32 v2, v34;
	v2 =	vadd.s32 v0, v37;
	v0 =	vld [tilespmem:$0x1FE10]  }
0x34a: {  	v8 =	vld [tilespmem:s30+$0x6260]  }
0x34b: {  	v9 =	vld [tilespmem:s30+$0x6250]  }
0x34c: {  	v10 =	vld [tilespmem:s30+$0x6270]  }
0x34d: {  	v11 =	vld [tilespmem:s30+$0x6240]  }
0x34e: {  	v46 =	vadd.s32 v0, v37;
	v0 =	vld [tilespmem:$0x1FE60]  }
0x34f: {  	v12 =	vld [tilespmem:s30+$0x6230]  }
0x350: {  	v13 =	vld [tilespmem:s30+$0x6220]  }
0x351: {  	v14 =	vld [tilespmem:s30+$0x6210]  }
0x352: {  	v52 =	vadd.f32 v5, v33;
	v5 =	vld [tilespmem:s30+$0x6200]  }
0x353: {  	v62 =	vadd.s32 v0, v37;
	v0 =	vld [tilespmem:$0x1FE20]  }
0x354: {  	v51 =	vld [tilespmem:s30+$0x6380]  }
0x355: {  	v16 =	vld [tilespmem:s30+$0x6320]  }
0x356: {  	v58 =	vadd.f32 v8, v33;
	v55 =	vadd.f32 v3, v35;
	v8 =	vld [tilespmem:s30+$0x6310]  }
0x357: {  	v17 =	vadd.s32 v17, v37;
	v3 =	vld [tilespmem:s30+$0x6280];
	v59 =	vadd.f32 v10, v32;
	v10 =	vadd.f32 v13, v33  }
0x358: {  	v50 =	vld [tilespmem:s30+$0x63A0];
	v57 =	vadd.f32 v1, v32;
	v1 =	vadd.f32 v5, v35;
	v15 =	vadd.s32 v0, v37  }
0x359: {  	v14 =	vadd.f32 v14, v34;
	v5 =	vadd.f32 v12, v32;
	v12 =	vadd.s32 v63, v37;
	v0 =	vld [tilespmem:$0x1FE50]  }
0x35a: {  	v49 =	vld [tilespmem:s30+$0x63C0];
	v9 =	vadd.f32 v9, v34;
	v60 =	vadd.f32 v4, v35;
	[tilespmem:v6+s31+$0x0] =	vst.idx.msk $0xffff, v1  }
0x35b: {  	v21 =	vld [tilespmem:$0x1FF30];
	v4 =	vadd.f32 v11, v35;
	v61 =	vadd.f32 v8, v34;
	[tilespmem:v2+s31+$0x0] =	vst.idx.msk $0xffff, v14  }
0x35c: {  	v23 =	vld [tilespmem:$0x1FF40];
	v63 =	vadd.f32 v16, v33;
	v1 =	vadd.f32 v3, v35;
	[tilespmem:v46+s31+$0x0] =	vst.idx.msk $0xffff, v10  }
0x35d: {  	v26 =	vld [tilespmem:$0x1FF50];
	v3 =	vadd.s32 v27, v37;
	v6 =	vadd.s32 v30, v37;
	[tilespmem:v15+s31+$0x0] =	vst.idx.msk $0xffff, v5  }
0x35e: {  	v22 =	vld [tilespmem:$0x1FF60];
	v2 =	vadd.f32 v7, v34;
	v0 =	vadd.s32 v0, v37;
	[tilespmem:v12+s31+$0x0] =	vst.idx.msk $0xffff, v4  }
0x35f: {  	v24 =	vld [tilespmem:$0x1FEE0];
	s7 =	simm.s32 $0x800;
	v46 =	vadd.s32 $0x8, v37;
	v5 =	vadd.s32 v28, v37;
	v4 =	vadd.s32 v29, v37;
	[tilespmem:v17+s31+$0x0] =	vst.idx.msk $0xffff, v9  }
.LBB2_15:
0x360: {  	_ =	sdelay $0x2  }
0x361: {  	[tilespmem:v0+s31+$0x0] =	vst.idx.msk $0xffff, v58  }
0x362: {  	[tilespmem:v62+s31+$0x0] =	vst.idx.msk $0xffff, v59  }
0x363: {  	v0 =	vadd.s32 v31, v37;
	[tilespmem:v3+s31+$0x0] =	vst.idx.msk $0xffff, v1  }
0x364: {  	v1 =	vadd.s32 v24, v37;
	[tilespmem:v5+s31+$0x0] =	vst.idx.msk $0xffff, v2  }
0x365: {  	v2 =	vadd.s32 v18, v37;
	[tilespmem:v4+s31+$0x0] =	vst.idx.msk $0xffff, v52  }
0x366: {  	v4 =	vadd.s32 v19, v37;
	[tilespmem:v6+s31+$0x0] =	vst.idx.msk $0xffff, v53  }
0x367: {  	v5 =	vadd.s32 v20, v37;
	[tilespmem:v41+s31+$0x0] =	vst.idx.msk $0xffff, v55  }
0x368: {  	v9 =	vadd.s32 v25, v37;
	[tilespmem:v0+s31+$0x0] =	vst.idx.msk $0xffff, v56  }
0x369: {  	v0 =	vadd.s32 v21, v37;
	[tilespmem:v1+s31+$0x0] =	vst.idx.msk $0xffff, v54  }
0x36a: {  	[tilespmem:v2+s31+$0x0] =	vst.idx.msk $0xffff, v57  }
0x36b: {  	[tilespmem:v4+s31+$0x0] =	vst.idx.msk $0xffff, v60  }
0x36c: {  	v8 =	vadd.f32 v48, v32;
	[tilespmem:v5+s31+$0x0] =	vst.idx.msk $0xffff, v61;
	v5 =	vld [tilespmem:$0x1FF70]  }
0x36d: {  	v62 =	vld [tilespmem:$0x1FF80];
	[tilespmem:v9+s31+$0x0] =	vst.idx.msk $0xffff, v63  }
0x36e: {  	v1 =	vadd.s32 v23, v37;
	[tilespmem:v0+s31+$0x0] =	vst.idx.msk $0xffff, v8;
	v0 =	vld [tilespmem:$0x1FF90]  }
0x36f: {  	v7 =	vld [tilespmem:$0x1FEB0];
	v2 =	vadd.s32 v26, v37  }
0x370: {  	v4 =	vadd.s32 v22, v37  }
0x371: {  	v3 =	vadd.f32 v47, v35;
	v5 =	vadd.s32 v5, v37  }
0x372: {  	v6 =	vadd.f32 v45, v34;
	v9 =	vadd.s32 v62, v37  }
0x373: {  	v10 =	vadd.f32 v44, v33;
	[tilespmem:v1+s31+$0x0] =	vst.idx.msk $0xffff, v3;
	v1 =	vld [tilespmem:$0x1FFA0];
	v0 =	vadd.s32 v0, v37  }
0x374: {  	v7 =	vadd.s32 v7, v46;
	v8 =	vadd.f32 v43, v32;
	[tilespmem:v2+s31+$0x0] =	vst.idx.msk $0xffff, v6;
	v2 =	vld [tilespmem:$0x1FFB0]  }
0x375: {  	v41 =	vmov v7;
	v7 =	vadd.f32 v51, v35;
	[tilespmem:v4+s31+$0x0] =	vst.idx.msk $0xffff, v10;
	v4 =	vld [tilespmem:$0x1FFC0]  }
0x376: {  	v6 =	vadd.f32 v42, v34;
	[tilespmem:v5+s31+$0x0] =	vst.idx.msk $0xffff, v8;
	v5 =	vld [tilespmem:$0x1FFD0]  }
0x377: {  	[tilespmem:v9+s31+$0x0] =	vst.idx.msk $0xffff, v7;
	v7 =	vld [tilespmem:$0x1FFE0]  }
0x378: {  	v1 =	vadd.s32 v1, v37;
	[tilespmem:v0+s31+$0x0] =	vst.idx.msk $0xffff, v6;
	v0 =	vld [tilespmem:$0x1FFF0]  }
0x379: {  	v2 =	vadd.s32 v2, v37  }
0x37a: {  	v4 =	vadd.s32 v4, v37  }
0x37b: {  	v3 =	vadd.f32 v50, v33;
	v5 =	vadd.s32 v5, v37  }
0x37c: {  	v8 =	vadd.f32 v40, v32;
	v7 =	vadd.s32 v7, v37  }
0x37d: {  	v63 =	vadd.f32 v49, v35;
	[tilespmem:v1+s31+$0x0] =	vst.idx.msk $0xffff, v3;
	v0 =	vadd.s32 v0, v37  }
0x37e: {  	v6 =	vadd.f32 v39, v34;
	[tilespmem:v2+s31+$0x0] =	vst.idx.msk $0xffff, v8  }
0x37f: {  	v1 =	vadd.f32 v38, v33;
	[tilespmem:v4+s31+$0x0] =	vst.idx.msk $0xffff, v63  }
0x380: {  	v2 =	vadd.f32 v36, v32;
	[tilespmem:v5+s31+$0x0] =	vst.idx.msk $0xffff, v6  }
0x381: {  	s10 =	smov.u32 s7;
	[tilespmem:v7+s31+$0x0] =	vst.idx.msk $0xffff, v1  }
0x382: {  	s10 =	sshra.s32 s10, $0x2;
	[tilespmem:v0+s31+$0x0] =	vst.idx.msk $0xffff, v2  }
0x383: {  	v0 =	vld [tilespmem:s10+$0x62E0]  }
0x384: {  	v1 =	vld [tilespmem:s10+$0x62F0]  }
0x385: {  	v2 =	vld [tilespmem:s10+$0x62D0]  }
0x386: {  	v3 =	vld [tilespmem:s10+$0x62C0]  }
0x387: {  	v36 =	vld [tilespmem:s10+$0x63F0]  }
0x388: {  	v4 =	vld [tilespmem:s10+$0x6300]  }
0x389: {  	v38 =	vld [tilespmem:s10+$0x63E0]  }
0x38a: {  	v39 =	vld [tilespmem:s10+$0x63D0]  }
0x38b: {  	v48 =	vld [tilespmem:s10+$0x6330]  }
0x38c: {  	v47 =	vld [tilespmem:s10+$0x6340]  }
0x38d: {  	v45 =	vld [tilespmem:s10+$0x6350]  }
0x38e: {  	v40 =	vld [tilespmem:s10+$0x63B0]  }
0x38f: {  	v54 =	vadd.f32 v0, v33;
	v0 =	vld [tilespmem:$0x1FED0]  }
0x390: {  	v5 =	vld [tilespmem:s10+$0x62A0]  }
0x391: {  	v42 =	vld [tilespmem:s10+$0x6390]  }
0x392: {  	v43 =	vld [tilespmem:s10+$0x6370]  }
0x393: {  	v44 =	vld [tilespmem:s10+$0x6360]  }
0x394: {  	v12 =	vadd.s32 v0, v46;
	v0 =	vld [tilespmem:$0x1FE00]  }
0x395: {  	v6 =	vld [tilespmem:s10+$0x62B0]  }
0x396: {  	v7 =	vld [tilespmem:s10+$0x6290]  }
0x397: {  	v8 =	vld [tilespmem:s10+$0x6260]  }
0x398: {  	v9 =	vld [tilespmem:s10+$0x6250]  }
0x399: {  	v14 =	vadd.s32 v0, v46;
	v0 =	vld [tilespmem:$0x1FE10]  }
0x39a: {  	v10 =	vld [tilespmem:s10+$0x6240]  }
0x39b: {  	v11 =	vld [tilespmem:s10+$0x6220]  }
0x39c: {  	v13 =	vld [tilespmem:s10+$0x6310]  }
0x39d: {  	v51 =	vld [tilespmem:s10+$0x6380]  }
0x39e: {  	v15 =	vadd.s32 v0, v46;
	v0 =	vld [tilespmem:$0x1FE60]  }
0x39f: {  	v50 =	vld [tilespmem:s10+$0x63A0]  }
0x3a0: {  	v57 =	vadd.f32 v1, v32;
	v1 =	vld [tilespmem:$0x1FE30]  }
0x3a1: {  	v52 =	vadd.f32 v5, v33;
	v5 =	vld [tilespmem:s10+$0x6270]  }
0x3a2: {  	v55 =	vadd.f32 v3, v35;
	v3 =	vld [tilespmem:s10+$0x6200]  }
0x3a3: {  	v62 =	vadd.s32 v0, v46;
	v0 =	vld [tilespmem:$0x1FE20]  }
0x3a4: {  	v58 =	vadd.f32 v8, v33;
	v8 =	vld [tilespmem:s10+$0x6210]  }
0x3a5: {  	v63 =	vadd.s32 v1, v46;
	v1 =	vld [tilespmem:$0x1FE40]  }
0x3a6: {  	v53 =	vadd.f32 v6, v32;
	v6 =	vld [tilespmem:s10+$0x6230];
	v56 =	vadd.f32 v2, v34  }
0x3a7: {  	v11 =	vadd.f32 v11, v33;
	v59 =	vadd.f32 v5, v32;
	v5 =	vld [tilespmem:s10+$0x6280]  }
0x3a8: {  	v17 =	vld [tilespmem:s10+$0x6320];
	v60 =	vadd.f32 v4, v35;
	v2 =	vadd.f32 v3, v35;
	v16 =	vadd.s32 v0, v46  }
0x3a9: {  	v4 =	vadd.f32 v10, v35;
	v3 =	vadd.f32 v8, v34;
	v0 =	vld [tilespmem:$0x1FE50]  }
0x3aa: {  	p0 =	sne.s32 s7, $0x7800;
	v49 =	vld [tilespmem:s10+$0x63C0];
	v8 =	vadd.f32 v9, v34;
	v9 =	vadd.s32 v1, v46;
	[tilespmem:v12+s31+$0x0] =	vst.idx.msk $0xffff, v2  }
.Ltmp6:
0x3ab: {  	v61 =	vadd.f32 v13, v34;
	v6 =	vadd.f32 v6, v32;
	[tilespmem:v14+s31+$0x0] =	vst.idx.msk $0xffff, v3;
	(pc) =	sbr.rel @p0 .LBB2_15-.Ltmp6, $4  }
0x3ac: {  	v1 =	vadd.f32 v5, v35;
	v2 =	vadd.f32 v7, v34;
	[tilespmem:v15+s31+$0x0] =	vst.idx.msk $0xffff, v11  }
0x3ad: {  	v37 =	vmov v46;
	v5 =	vadd.s32 v28, v46;
	v3 =	vadd.s32 v27, v46;
	[tilespmem:v16+s31+$0x0] =	vst.idx.msk $0xffff, v6  }
0x3ae: {  	v0 =	vadd.s32 v0, v46;
	v6 =	vadd.s32 v30, v37;
	[tilespmem:v63+s31+$0x0] =	vst.idx.msk $0xffff, v4  }
0x3af: {  	s7 =	sadd.s32 $0x800, s7;
	v4 =	vadd.s32 v29, v46;
	v63 =	vadd.f32 v17, v33;
	v46 =	vadd.s32 $0x8, v46;
	[tilespmem:v9+s31+$0x0] =	vst.idx.msk $0xffff, v8  }
0x3b0: {  	_ =	sdelay $0x3  }
0x3b1: {  	[tilespmem:v0+s31+$0x0] =	vst.idx.msk $0xffff, v58  }
0x3b2: {  	[tilespmem:v62+s31+$0x0] =	vst.idx.msk $0xffff, v59  }
0x3b3: {  	v30 =	vadd.s32 v31, v37;
	[tilespmem:v3+s31+$0x0] =	vst.idx.msk $0xffff, v1  }
0x3b4: {  	v46 =	vadd.s32 v24, v37;
	[tilespmem:v5+s31+$0x0] =	vst.idx.msk $0xffff, v2  }
0x3b5: {  	v58 =	vadd.s32 v18, v37;
	[tilespmem:v4+s31+$0x0] =	vst.idx.msk $0xffff, v52  }
0x3b6: {  	v59 =	vadd.s32 v19, v37;
	[tilespmem:v6+s31+$0x0] =	vst.idx.msk $0xffff, v53  }
0x3b7: {  	v13 =	vld [tilespmem:$0x1FF70];
	v62 =	vadd.s32 v20, v37;
	[tilespmem:v41+s31+$0x0] =	vst.idx.msk $0xffff, v55  }
0x3b8: {  	v25 =	vadd.s32 v25, v37;
	v14 =	vld [tilespmem:$0x1FF90];
	[tilespmem:v30+s31+$0x0] =	vst.idx.msk $0xffff, v56  }
0x3b9: {  	v10 =	vmov v18;
	v27 =	vadd.s32 v21, v37;
	v18 =	vld [tilespmem:$0x1FF80];
	[tilespmem:v46+s31+$0x0] =	vst.idx.msk $0xffff, v54  }
0x3ba: {  	v28 =	vadd.s32 v23, v37;
	[tilespmem:v58+s31+$0x0] =	vst.idx.msk $0xffff, v57  }
0x3bb: {  	v29 =	vadd.s32 v26, v37;
	v21 =	vld [tilespmem:$0x1FFA0];
	v6 =	vadd.s32 v22, v37;
	[tilespmem:v59+s31+$0x0] =	vst.idx.msk $0xffff, v60  }
0x3bc: {  	v19 =	vld [tilespmem:$0x1FFB0];
	v7 =	vadd.s32 v13, v37;
	v30 =	vadd.f32 v48, v32;
	[tilespmem:v62+s31+$0x0] =	vst.idx.msk $0xffff, v61  }
0x3bd: {  	v41 =	vadd.f32 v47, v35;
	v48 =	vadd.s32 v14, v37;
	v14 =	vld [tilespmem:$0x1FFC0];
	[tilespmem:v25+s31+$0x0] =	vst.idx.msk $0xffff, v63  }
0x3be: {  	v20 =	vld [tilespmem:$0x1FFD0];
	v8 =	vadd.s32 v18, v37;
	v46 =	vadd.f32 v45, v34;
	[tilespmem:v27+s31+$0x0] =	vst.idx.msk $0xffff, v30  }
0x3bf: {  	v23 =	vld [tilespmem:$0x1FFE0];
	v47 =	vadd.f32 v44, v33;
	[tilespmem:v28+s31+$0x0] =	vst.idx.msk $0xffff, v41  }
0x3c0: {  	v11 =	vld [tilespmem:$0x1FFF0];
	v52 =	vadd.f32 v43, v32;
	v53 =	vadd.s32 v21, v37;
	[tilespmem:v29+s31+$0x0] =	vst.idx.msk $0xffff, v46  }
0x3c1: {  	v55 =	vadd.s32 v19, v37;
	v54 =	vadd.f32 v51, v35;
	[tilespmem:v6+s31+$0x0] =	vst.idx.msk $0xffff, v47  }
0x3c2: {  	v56 =	vadd.f32 v42, v34;
	v6 =	vadd.s32 v14, v37;
	[tilespmem:v7+s31+$0x0] =	vst.idx.msk $0xffff, v52  }
0x3c3: {  	v57 =	vadd.f32 v50, v33;
	v7 =	vadd.s32 v20, v37;
	[tilespmem:v8+s31+$0x0] =	vst.idx.msk $0xffff, v54  }
0x3c4: {  	v58 =	vadd.f32 v40, v32;
	v8 =	vadd.s32 v23, v37;
	[tilespmem:v48+s31+$0x0] =	vst.idx.msk $0xffff, v56  }
0x3c5: {  	v59 =	vadd.f32 v49, v35;
	v60 =	vadd.s32 v11, v37;
	[tilespmem:v53+s31+$0x0] =	vst.idx.msk $0xffff, v57  }
0x3c6: {  	v61 =	vadd.f32 v39, v34;
	[tilespmem:v55+s31+$0x0] =	vst.idx.msk $0xffff, v58  }
0x3c7: {  	s7 =	sshll.u32 s23, $0x12;
	v62 =	vadd.f32 v38, v33;
	[tilespmem:v6+s31+$0x0] =	vst.idx.msk $0xffff, v59  }
0x3c8: {  	s7 =	sor.u32 s15, s7;
	v63 =	vadd.f32 v36, v32;
	[tilespmem:v7+s31+$0x0] =	vst.idx.msk $0xffff, v61  }
0x3c9: {  	s7 =	sshrl.u32 s7, $0x3;
	[tilespmem:v8+s31+$0x0] =	vst.idx.msk $0xffff, v62  }
0x3ca: {  	s16 =	simm.s32 $0xA400;
	s10 =	sadd.s32 s2, s7;
	[tilespmem:v60+s31+$0x0] =	vst.idx.msk $0xffff, v63  }
0x3cb: {  	[hbm4b:s10+s3] =	stream.linear.scatter [tilespmem:s16], [sflag:$0xA], $0x80, $0x38;
	[tilespmem:$0xF800] =	vst v63  }
0x3cc: {  	s18 =	simm.s32 $0xA488;
	s16 =	sadd.s32 $0x10, s10  }
0x3cd: {  	[hbm4b:s16+s3] =	stream.linear.scatter [tilespmem:s18], [sflag:$0xA], $0x80, $0x38;
	[tilespmem:$0xF800] =	vst v63  }
0x3ce: {  	s20 =	simm.s32 $0xA510;
	s29 =	simm.s32 $0xA598;
	s23 =	sadd.s32 $0x20, s10  }
0x3cf: {  	[hbm4b:s23+s3] =	stream.linear.scatter [tilespmem:s20], [sflag:$0xA], $0x80, $0x38;
	[tilespmem:$0xF800] =	vst v63  }
0x3d0: {  	s7 =	simm.s32 $0x440;
	s30 =	sadd.s32 $0x30, s10;
	s16 =	simm.s32 $0xA620  }
0x3d1: {  	[hbm4b:s30+s3] =	stream.linear.scatter [tilespmem:s29], [sflag:$0xA], $0x80, $0x38;
	[tilespmem:$0xF800] =	vst v63  }
0x3d2: {  	s18 =	sadd.s32 $0x40, s10;
	s20 =	simm.s32 $0xA6A8;
	s23 =	sadd.s32 $0x50, s10  }
0x3d3: {  	[hbm4b:s18+s3] =	stream.linear.scatter [tilespmem:s16], [sflag:$0xA], $0x80, $0x38;
	[tilespmem:$0xF800] =	vst v63  }
0x3d4: {  	s29 =	simm.s32 $0xA730;
	s30 =	sadd.s32 $0x60, s10;
	s16 =	simm.s32 $0x2200  }
0x3d5: {  	[hbm4b:s23+s3] =	stream.linear.scatter [tilespmem:s20], [sflag:$0xA], $0x80, $0x38;
	[tilespmem:$0xF800] =	vst v63  }
0x3d6: {  	s18 =	simm.s32 $0xA7B8;
	s20 =	sadd.s32 $0x70, s10;
	s10 =	sadd.s32 $0x1000, s10  }
0x3d7: {  	v12 =	vmovc v24;
	v9 =	vmov v10;
	v10 =	vmov v23;
	v8 =	vmov v31;
	[hbm4b:s30+s3] =	stream.linear.scatter [tilespmem:s29], [sflag:$0xA], $0x80, $0x38;
	[tilespmem:$0xF800] =	vst v63  }
.LBB2_17:
0x3d8: {  	[hbm4b:s20+s3] =	stream.linear.scatter [tilespmem:s18], [sflag:$0xA], $0x80, $0x38;
	[tilespmem:$0xF800] =	vst v63  }
0x3d9: {  	s18 =	smov.u32 s7;
	s7 =	smov.u32 s16  }
0x3da: {  	s23 =	sadd.s32 $0x1100, s16;
	s7 =	sshra.s32 s7, $0x2;
	s20 =	sadd.s32 $0xA400, s18  }
0x3db: {  	[hbm4b:s10+s3] =	stream.linear.scatter [tilespmem:s20], [sflag:$0xA], $0x80, $0x38;
	[tilespmem:$0xF800] =	vst v63  }
0x3dc: {  	p0 =	sne.s32 s16, $0x7700;
	s16 =	sadd.s32 $0xA488, s18;
	s20 =	sadd.s32 $0x10, s10  }
0x3dd: {  	[hbm4b:s20+s3] =	stream.linear.scatter [tilespmem:s16], [sflag:$0xA], $0x80, $0x38;
	[tilespmem:$0xF800] =	vst v63  }
0x3de: {  	s16 =	sadd.s32 $0xA510, s18;
	s20 =	sadd.s32 $0x20, s10  }
0x3df: {  	[hbm4b:s20+s3] =	stream.linear.scatter [tilespmem:s16], [sflag:$0xA], $0x80, $0x38;
	[tilespmem:$0xF800] =	vst v63  }
0x3e0: {  	s16 =	sadd.s32 $0xA598, s18;
	s20 =	sadd.s32 $0x30, s10  }
0x3e1: {  	[hbm4b:s20+s3] =	stream.linear.scatter [tilespmem:s16], [sflag:$0xA], $0x80, $0x38;
	[tilespmem:$0xF800] =	vst v63  }
0x3e2: {  	s16 =	sadd.s32 $0xA620, s18;
	s20 =	sadd.s32 $0x40, s10  }
0x3e3: {  	[hbm4b:s20+s3] =	stream.linear.scatter [tilespmem:s16], [sflag:$0xA], $0x80, $0x38;
	[tilespmem:$0xF800] =	vst v63  }
.Ltmp7:
0x3e4: {  	s16 =	sadd.s32 $0xA6A8, s18;
	s20 =	sadd.s32 $0x50, s10;
	(pc) =	sbr.rel @p0 .LBB2_17-.Ltmp7, $4  }
0x3e5: {  	[hbm4b:s20+s3] =	stream.linear.scatter [tilespmem:s16], [sflag:$0xA], $0x80, $0x38;
	[tilespmem:$0xF800] =	vst v63  }
0x3e6: {  	s16 =	sadd.s32 $0xA730, s18;
	s20 =	sadd.s32 $0x60, s10;
	s18 =	sadd.s32 $0xA7B8, s18  }
0x3e7: {  	[hbm4b:s20+s3] =	stream.linear.scatter [tilespmem:s16], [sflag:$0xA], $0x80, $0x38;
	[tilespmem:$0xF800] =	vst v63  }
0x3e8: {  	s20 =	sadd.s32 $0x70, s10;
	s10 =	sadd.s32 $0x1000, s10;
	s16 =	smov.u32 s23  }
0x3e9: {  	[hbm4b:s20+s3] =	stream.linear.scatter [tilespmem:s18], [sflag:$0xA], $0x80, $0x38;
	[tilespmem:$0xF800] =	vst v63  }
0x3ea: {  	s16 =	sadd.s32 $0xA400, s7  }
0x3eb: {  	[hbm4b:s10+s3] =	stream.linear.scatter [tilespmem:s16], [sflag:$0xA], $0x80, $0x38;
	[tilespmem:$0xF800] =	vst v63  }
0x3ec: {  	s29 =	sadd.s32 $0xA488, s7;
	s30 =	sadd.s32 $0x10, s10  }
0x3ed: {  	[hbm4b:s30+s3] =	stream.linear.scatter [tilespmem:s29], [sflag:$0xA], $0x80, $0x38;
	[tilespmem:$0xF800] =	vst v63  }
0x3ee: {  	s20 =	sadd.s32 $0xA510, s7;
	s23 =	sadd.s32 $0x20, s10;
	v17 =	vld [tilespmem:$0x1FED0]  }
0x3ef: {  	v15 =	vld [tilespmem:$0x1FE00];
	[hbm4b:s23+s3] =	stream.linear.scatter [tilespmem:s20], [sflag:$0xA], $0x80, $0x38  }
0x3f0: {  	v16 =	vld [tilespmem:$0x1FE10];
	s29 =	sadd.s32 $0xA598, s7;
	s30 =	sadd.s32 $0x30, s10  }
0x3f1: {  	v23 =	vld [tilespmem:$0x1FE20];
	[hbm4b:s30+s3] =	stream.linear.scatter [tilespmem:s29], [sflag:$0xA], $0x80, $0x38  }
0x3f2: {  	s22 =	sadd.s32 $0x1, s22;
	v26 =	vld [tilespmem:$0x1FE30];
	s20 =	sadd.s32 $0xA620, s7;
	s23 =	sadd.s32 $0x40, s10  }
0x3f3: {  	v18 =	vld [tilespmem:$0x1FE40];
	[hbm4b:s23+s3] =	stream.linear.scatter [tilespmem:s20], [sflag:$0xA], $0x80, $0x38  }
0x3f4: {  	v21 =	vld [tilespmem:$0x1FE50];
	p0 =	sne.s32 s22, $0x32;
	s29 =	sadd.s32 $0xA6A8, s7;
	s30 =	sadd.s32 $0x50, s10  }
0x3f5: {  	v24 =	vld [tilespmem:$0x1FE60];
	[hbm4b:s30+s3] =	stream.linear.scatter [tilespmem:s29], [sflag:$0xA], $0x80, $0x38  }
.Ltmp8:
0x3f6: {  	v25 =	vld [tilespmem:$0x1FE70];
	(pc) =	sbr.rel @p0 .LBB2_2-.Ltmp8, $4  }
0x3f7: {  	v30 =	vld [tilespmem:$0x1FE80];
	s20 =	sadd.s32 $0xA730, s7;
	s23 =	sadd.s32 $0x60, s10  }
0x3f8: {  	v22 =	vld [tilespmem:$0x1FE90];
	[hbm4b:s23+s3] =	stream.linear.scatter [tilespmem:s20], [sflag:$0xA], $0x80, $0x38  }
0x3f9: {  	v13 =	vld [tilespmem:$0x1FEA0];
	s29 =	sadd.s32 $0xA7B8, s7;
	s30 =	sadd.s32 $0x70, s10  }
0x3fa: {  	v31 =	vld [tilespmem:$0x1FEB0];
	[hbm4b:s30+s3] =	stream.linear.scatter [tilespmem:s29], [sflag:$0xA], $0x80, $0x38  }
0x3fb: {  	_ =	swait.ge [sflag:s17], $0x2000  }
0x3fc: {  	s10 =	rddreg [dreg:$0x9]  }
0x3fd: {  	s7 =	rddreg [dreg:$0x8];
	s10 =	sadd.s32 $0x1, s10  }
0x3fe: {  	p0 =	sne.s32 s10, s7  }
.Ltmp9:
0x3ff: {  	_ = 	snop;
	(pc) =	sbr.rel @p0 .LBB2_1-.Ltmp9, $3  }
0x400: {  	_ =	sdelay $0x1  }
0x401: {  	[sflag:s17] =	ssyncset.done $0x0  }
0x402: {  	[sflag:s17] =	ssyncadd.s32 $0xFFFFE000  }
0x403: {  	_ =	sfence.sel $0x180000  }
0x404: {  	[bflag:$0x0] =	sbarrier.arrive $0xFFFF  }
0x405: {  	_ =	strace $0x90000047  }
0x406: {  	s0 =	stileid.u32;
	[bflag:$0x2] =	sbarrier.arrive $0xFFFF  }
0x407: {  	p0 =	sne.s32 s0, $0x0;
	s0 =	rddreg [dreg:$0x2]  }
0x408: {  	s0 =	sadd.s32 @!p0 $0x100000, s0  }
0x409: {  	[sflag:s0] =	ssyncadd.tile.s32 @!p0 $0x1;
	_ =	shalt  }
.Lfunc_end2:
_tile_overlayer_lowered:
.L_overlay_start_2:
0x40a: {  	(tag) =	ssettag $0x2  }
0x40b: {  	s0 =	rddreg [dreg:$0x0];
	s2 =	stileid.u32  }
0x40c: {  	s1 =	rddreg [dreg:$0x1];
	p0 =	sne.s32 s2, $0x0  }
0x40d: {  	s3 =	rddreg [dreg:$0x2];
	[bflag:$0x3] =	sbarrier.arrive $0xFFFF;
	s2 =	simm.s32 @!p0 $0x1C0B  }
0x40e: {  	[timem:s3], [sflag:s2] =	dma.local @!p0 [hbm:s0], s1  }
0x40f: {  	s0 =	simm.s32 @!p0 $0xB  }
0x410: {  	_ =	swait.ge @!p0 [sflag:s0], s1  }
0x411: {  	s1 =	ssub.s32 @!p0 $0x0, s1;
	[sflag:s0] =	ssyncset.done @!p0 $0x0  }
0x412: {  	[sflag:s0] =	ssyncadd.s32 @!p0 s1  }
0x413: {  	[bflag:$0x3] =	sbarrier.arrive $0xFFFF  }
0x414: {  	_ =	shalt  }

</sc_bundles>
